<compile_context>
chip_gen: v7x
topology: tpu7x:2x2x1
jax: 0.10.2.dev20260603
libtpu: 0.0.44.dev20260713+nightly
codegen_flags: <defaults>
</compile_context>

<pallas_src>
import functools
import math

import jax
import jax.numpy as jnp
import numpy as np
from jax.experimental import pallas as pl
from jax.experimental.pallas import tpu as pltpu

_NUM_LEVELS = 3
_BASE_SCALE = 0.25
_RES = 3
_K = 128
_KNN = 32


def _corr_body(f1_ref, f2_ref, out_ref):
    f1 = f1_ref[0]
    f2 = f2_ref[0]
    acc = jax.lax.dot_general(
        f1, f2, (((0,), (0,)), ((), ())), preferred_element_type=jnp.float32
    )
    out_ref[...] = (acc * (1.0 / math.sqrt(f1.shape[0])))[None]


def _corr_pallas(fmap1, fmap2):
    b, d, n = fmap1.shape
    m = fmap2.shape[2]
    R = 512
    grid = (b, n // R)
    return pl.pallas_call(
        _corr_body,
        grid=grid,
        in_specs=[
            pl.BlockSpec((1, d, R), lambda bi, ri: (bi, 0, ri)),
            pl.BlockSpec((1, d, m), lambda bi, ri: (bi, 0, 0)),
        ],
        out_specs=pl.BlockSpec((1, R, m), lambda bi, ri: (bi, ri, 0)),
        out_shape=jax.ShapeDtypeStruct((b, n, m), jnp.float32),
    )(fmap1.reshape(b, d, n), fmap2.reshape(b, d, m))


def _gn(x, gamma, beta, groups, eps=1e-5):
    b = x.shape[0]
    C = x.shape[1]
    orig = x.shape
    xg = x.reshape((b, groups, C // groups) + orig[2:])
    axes = tuple(range(2, xg.ndim))
    mean = jnp.mean(xg, axis=axes, keepdims=True)
    var = jnp.var(xg, axis=axes, keepdims=True)
    xg = (xg - mean) / jnp.sqrt(var + eps)
    x = xg.reshape(orig)
    shp = (1, C) + (1,) * (len(orig) - 2)
    return x * gamma.reshape(shp) + beta.reshape(shp)


def _prelu(x, a):
    return jnp.where(x > 0, x, a * x)


def _scat(vals, idx, num_seg):
    b, n, k = vals.shape
    flat_idx = (
        jnp.arange(b * n, dtype=jnp.int32)[:, None] * num_seg
        + idx.reshape(b * n, k)
    ).reshape(-1)
    out = jax.ops.segment_sum(vals.reshape(-1), flat_idx, num_segments=b * n * num_seg)
    return out.reshape(b, n, num_seg)


def kernel(fmap1, fmap2, xyz2, coords, W1, b1, g1, be1, a1, W2, b2, Wk, bk, gk, bek, ak, Wo, bo):
    b, d, n = fmap1.shape
    corr = _corr_pallas(fmap1, fmap2)
    trunc_corr, idx = jax.lax.top_k(corr, _K)
    bidx = jnp.arange(b)[:, None, None]
    trunc_xyz2 = xyz2[bidx, idx]
    feats = []
    for i in range(_NUM_LEVELS):
        r = _BASE_SCALE * (2 ** i)
        dis = jnp.round((trunc_xyz2 - coords[:, :, None, :]) / r)
        valid = jnp.all(jnp.abs(dis) <= np.floor(_RES / 2), axis=-1)
        dis = dis + 1.0
        cube = (dis[..., 0] * (_RES ** 2) + dis[..., 1] * _RES + dis[..., 2]).astype(jnp.int32)
        cube = cube * valid.astype(jnp.int32)
        validf = valid.astype(jnp.float32)
        nseg = _RES ** 3
        corr_add = _scat(trunc_corr * validf, cube, nseg)
        corr_cnt = jnp.clip(_scat(validf, cube, nseg), 1.0, float(n))
        feats.append(jnp.transpose(corr_add / corr_cnt, (0, 2, 1)))
    vox = jnp.concatenate(feats, axis=1)
    h = jnp.einsum('oc,bcn->bon', W1, vox) + b1[None, :, None]
    h = _prelu(_gn(h, g1, be1, 8), a1)
    voxel_feat = jnp.einsum('oc,bcn->bon', W2, h) + b2[None, :, None]
    diff = trunc_xyz2 - coords[:, :, None, :]
    dist = jnp.sum(diff * diff, axis=-1)
    _, nb = jax.lax.top_k(-dist, _KNN)
    knn_corr = jnp.take_along_axis(trunc_corr, nb, axis=2)[:, None, :, :]
    knn_xyz = jnp.take_along_axis(trunc_xyz2, nb[..., None], axis=2)
    knn_xyz = jnp.transpose(knn_xyz, (0, 3, 1, 2)) - jnp.transpose(coords, (0, 2, 1))[:, :, :, None]
    kin = jnp.concatenate([knn_corr, knn_xyz], axis=1)
    h2 = jnp.einsum('oc,bcnk->bonk', Wk, kin) + bk[None, :, None, None]
    h2 = _prelu(_gn(h2, gk, bek, 8), ak)
    h2 = jnp.max(h2, axis=3)
    knn_feat = jnp.einsum('oc,bcn->bon', Wo, h2) + bo[None, :, None]
    return voxel_feat + knn_feat

# --- scband reference (transcript-rebuilt; emitter-appended) ---
"""Pipeline reference for scband-corr-block-33440615366821 (READ-ONLY COPY).

The authoritative reference and input builder live on the scoring server;
editing this copy changes nothing except your own understanding.
"""

import jax, jax.numpy as jnp
import numpy as np

NUM_LEVELS = 3
BASE_SCALE = 0.25
RES = 3
TRUNCATE_K = 128
KNN = 32


def group_norm(x, gamma, beta, groups, eps=1e-5):
    b = x.shape[0]
    C = x.shape[1]
    orig = x.shape
    xg = x.reshape((b, groups, C // groups) + orig[2:])
    axes = tuple(range(2, xg.ndim))
    mean = jnp.mean(xg, axis=axes, keepdims=True)
    var = jnp.var(xg, axis=axes, keepdims=True)
    xg = (xg - mean) / jnp.sqrt(var + eps)
    x = xg.reshape(orig)
    shp = (1, C) + (1,) * (len(orig) - 2)
    return x * gamma.reshape(shp) + beta.reshape(shp)


def prelu(x, a):
    return jnp.where(x > 0, x, a * x)


def scatter_add_last(vals, idx, num_seg):
    b, n, k = vals.shape
    flat_idx = (jnp.arange(b * n, dtype=jnp.int32)[:, None] * num_seg + idx.reshape(b * n, k)).reshape(-1)
    out = jax.ops.segment_sum(vals.reshape(-1), flat_idx, num_segments=b * n * num_seg)
    return out.reshape(b, n, num_seg)


def _forward(fmap1, fmap2, xyz2, coords, W1, b1, g1, be1, a1, W2, b2, Wk, bk, gk, bek, ak, Wo, bo):
    b, d, n = fmap1.shape
    # calculate_corr
    corr = jnp.einsum('bdn,bdm->bnm', fmap1, fmap2) / jnp.sqrt(jnp.float32(d))
    # init_module (both 'voxel' and 'point' modes use identical inputs here)
    trunc_corr, idx = jax.lax.top_k(corr, TRUNCATE_K)  # [b, n, K]
    bidx = jnp.arange(b)[:, None, None]
    trunc_xyz2 = xyz2[bidx, idx]  # [b, n, K, 3]
    # ---- get_voxel_feature ----
    feats = []
    for i in range(NUM_LEVELS):
        r = BASE_SCALE * (2 ** i)
        dis = jnp.round((trunc_xyz2 - coords[:, :, None, :]) / r)
        valid = jnp.all(jnp.abs(dis) <= np.floor(RES / 2), axis=-1)
        dis = dis + 1.0
        cube = (dis[..., 0] * (RES ** 2) + dis[..., 1] * RES + dis[..., 2]).astype(jnp.int32)
        cube = cube * valid.astype(jnp.int32)
        cube = jax.lax.stop_gradient(cube)
        validf = jax.lax.stop_gradient(valid.astype(jnp.float32))
        nseg = RES ** 3
        corr_add = scatter_add_last(trunc_corr * validf, cube, nseg)
        corr_cnt = jnp.clip(scatter_add_last(validf, cube, nseg), 1.0, float(n))
        feats.append(jnp.transpose(corr_add / corr_cnt, (0, 2, 1)))
    vox = jnp.concatenate(feats, axis=1)  # [b, 3*27, n]
    h = jnp.einsum('oc,bcn->bon', W1, vox) + b1[None, :, None]
    h = prelu(group_norm(h, g1, be1, 8), a1)
    voxel_feat = jnp.einsum('oc,bcn->bon', W2, h) + b2[None, :, None]
    # ---- get_knn_feature ----
    diff = trunc_xyz2 - coords[:, :, None, :]
    dist = jnp.sum(diff * diff, axis=-1)  # [b, n, K]
    _, nb = jax.lax.top_k(-dist, KNN)  # [b, n, knn]
    knn_corr = jnp.take_along_axis(trunc_corr, nb, axis=2)[:, None, :, :]  # [b,1,n,knn]
    knn_xyz = jnp.take_along_axis(trunc_xyz2, nb[..., None], axis=2)  # [b,n,knn,3]
    knn_xyz = jnp.transpose(knn_xyz, (0, 3, 1, 2)) - jnp.transpose(coords, (0, 2, 1))[:, :, :, None]
    kin = jnp.concatenate([knn_corr, knn_xyz], axis=1)  # [b,4,n,knn]
    h2 = jnp.einsum('oc,bcnk->bonk', Wk, kin) + bk[None, :, None, None]
    h2 = prelu(group_norm(h2, gk, bek, 8), ak)
    h2 = jnp.max(h2, axis=3)  # [b,64,n]
    knn_feat = jnp.einsum('oc,bcn->bon', Wo, h2) + bo[None, :, None]
    return voxel_feat + knn_feat


def setup_inputs(seed: int = 0):
    key = jax.random.key(seed)
    ks = jax.random.split(key, 10)
    b, d, n = 2, 128, 4096
    inp = {}
    inp['fmap1'] = jax.random.normal(ks[0], (b, d, n), jnp.float32)
    inp['fmap2'] = jax.random.normal(ks[1], (b, d, n), jnp.float32)
    inp['xyz2'] = jax.random.uniform(ks[2], (b, n, 3), jnp.float32) * 2.0
    inp['coords'] = jax.random.uniform(ks[3], (b, n, 3), jnp.float32) * 2.0
    c_in = (RES ** 3) * NUM_LEVELS
    inp['W1'] = jax.random.normal(ks[4], (128, c_in), jnp.float32) * 0.05
    inp['b1'] = jnp.zeros((128,), jnp.float32)
    inp['g1'] = jnp.ones((128,), jnp.float32)
    inp['be1'] = jnp.zeros((128,), jnp.float32)
    inp['a1'] = jnp.float32(0.25)
    inp['W2'] = jax.random.normal(ks[5], (64, 128), jnp.float32) * 0.05
    inp['b2'] = jnp.zeros((64,), jnp.float32)
    inp['Wk'] = jax.random.normal(ks[6], (64, 4), jnp.float32) * 0.05
    inp['bk'] = jnp.zeros((64,), jnp.float32)
    inp['gk'] = jnp.ones((64,), jnp.float32)
    inp['bek'] = jnp.zeros((64,), jnp.float32)
    inp['ak'] = jnp.float32(0.25)
    inp['Wo'] = jax.random.normal(ks[7], (64, 64), jnp.float32) * 0.05
    inp['bo'] = jnp.zeros((64,), jnp.float32)
    return inp


def reference(fmap1, fmap2, xyz2, coords, W1, b1, g1, be1, a1, W2, b2, Wk, bk, gk, bek, ak, Wo, bo):
    return _forward(fmap1, fmap2, xyz2, coords, W1, b1, g1, be1, a1, W2, b2, Wk, bk, gk, bek, ak, Wo, bo)

if __name__ == "__main__":
    import jax
    _d = setup_inputs()
    print(jax.jit(kernel)(*tuple(_d.values())))

</pallas_src>

<mosaic_0001>
module attributes {stable_mosaic.version = 14 : i64} {
  func.func @_corr_body(%arg0: i32, %arg1: i32, %arg2: memref<1x128x512xf32, #tpu.memory_space<vmem>>, %arg3: memref<1x128x4096xf32, #tpu.memory_space<vmem>>, %arg4: memref<1x512x4096xf32, #tpu.memory_space<vmem>>) attributes {dimension_semantics = [#tpu.dimension_semantics<arbitrary>, #tpu.dimension_semantics<arbitrary>], iteration_bounds = array<i64: 2, 8>, scalar_prefetch = 0 : i64, scratch_operands = 0 : i64, tpu.core_type = #tpu.core_type<tc>, window_params = [{transform_indices = @transform_0, window_bounds = array<i64: 1, 128, 512>}, {transform_indices = @transform_1, window_bounds = array<i64: 1, 128, 4096>}, {transform_indices = @transform_2, window_bounds = array<i64: 1, 512, 4096>}]} {
    %get3A = arith.constant 0 : index
    %get3A_0 = arith.constant 0 : index
    %get3A_1 = arith.constant 0 : index
    %get3A_2 = vector.load %arg2[%get3A, %get3A_0, %get3A_1] : memref<1x128x512xf32, #tpu.memory_space<vmem>>, vector<1x128x512xf32>
    %get3A_3 = vector.shape_cast %get3A_2 : vector<1x128x512xf32> to vector<128x512xf32>
    %get3A_4 = arith.constant 0 : index
    %get3A_5 = arith.constant 0 : index
    %get3A_6 = arith.constant 0 : index
    %get3A_7 = vector.load %arg3[%get3A_4, %get3A_5, %get3A_6] : memref<1x128x4096xf32, #tpu.memory_space<vmem>>, vector<1x128x4096xf32>
    %get3A_8 = vector.shape_cast %get3A_7 : vector<1x128x4096xf32> to vector<128x4096xf32>
    %dot_general3A = arith.constant dense<0.000000e+00> : vector<512x4096xf32>
    %dot_general3A_9 = tpu.matmul %get3A_3, %get3A_8, %dot_general3A {dimension_numbers = #tpu.dot_dimension_numbers<[0], [0], [1], [1], [0, 1, 1, 1], [], []>, transpose_lhs_hint = false} : vector<128x512xf32>, vector<128x4096xf32>, vector<512x4096xf32> -> vector<512x4096xf32>
    %mul3A = arith.constant 0.0883883461 : f32
    %mul3A_10 = vector.broadcast %mul3A : f32 to vector<512x4096xf32>
    %mul3A_11 = arith.mulf %dot_general3A_9, %mul3A_10 : vector<512x4096xf32>
    %broadcast_in_dim3A = vector.shape_cast %mul3A_11 : vector<512x4096xf32> to vector<1x512x4096xf32>
    %swap3A = arith.constant 0 : index
    %swap3A_12 = arith.constant 0 : index
    %swap3A_13 = arith.constant 0 : index
    %swap3A_14 = vector.load %arg4[%swap3A, %swap3A_12, %swap3A_13] : memref<1x512x4096xf32, #tpu.memory_space<vmem>>, vector<1x512x4096xf32>
    tpu.vector_store %arg4[%swap3A, %swap3A_12, %swap3A_13], %broadcast_in_dim3A {strides = array<i32>} : memref<1x512x4096xf32, #tpu.memory_space<vmem>>, vector<1x512x4096xf32>,
    return
  }
  func.func @transform_0(%arg0: i32, %arg1: i32) -> (i32, i32, i32) {
    %c0_i32 = arith.constant 0 : i32
    %c0_i32_0 = arith.constant 0 : i32
    return %arg0, %c0_i32, %arg1 : i32, i32, i32
  }
  func.func @transform_1(%arg0: i32, %arg1: i32) -> (i32, i32, i32) {
    %c0_i32 = arith.constant 0 : i32
    %c0_i32_0 = arith.constant 0 : i32
    %c0_i32_1 = arith.constant 0 : i32
    return %arg0, %c0_i32, %c0_i32_0 : i32, i32, i32
  }
  func.func @transform_2(%arg0: i32, %arg1: i32) -> (i32, i32, i32) {
    %c0_i32 = arith.constant 0 : i32
    %c0_i32_0 = arith.constant 0 : i32
    return %arg0, %arg1, %c0_i32 : i32, i32, i32
  }
}

</mosaic_0001>

<sc_bundles>
// kernel: gather_offload_async_start.1
scs
__scs_entry_jumppad:
0x0: {  	(pc) =	sbr.rel $0x88, $3  }
0x1: {  	(tag) =	ssettag $0x0;
	lr =	simm.s32 $0x1  }
0x2: {  	[smem:$0x3F8F] =	sst lr;
	_ =	strace $0xD0000000  }
0x3: {  	_ = 	snop  }
0x4: {  	_ = 	snop  }
0x5: {  	_ = 	snop  }
0x6: {  	_ = 	snop  }
0x7: {  	_ = 	snop  }
__scs_overlays_trampoline_lowered:
0x8: {  	[smem:$0x3F9E] =	sst s0  }
0x9: {  	[smem:$0x3F9F] =	sst s1  }
0xa: {  	[smem:$0x3FA0] =	sst s2  }
0xb: {  	[smem:$0x3FA1] =	sst s3  }
0xc: {  	[smem:$0x3FA2] =	sst s4  }
0xd: {  	[smem:$0x3FA3] =	sst s5  }
0xe: {  	[smem:$0x3FA4] =	sst s6  }
0xf: {  	[smem:$0x3FA5] =	sst s7  }
0x10: {  	[smem:$0x3FA6] =	sst s8  }
0x11: {  	[smem:$0x3FA7] =	sst s9;
	s0 =	simm.s32 @!p0 $0x0  }
0x12: {  	s1 =	sld [smem:$0x3F8D];
	s0 =	simm.s32 @p0 $0x1  }
0x13: {  	[smem:$0x3FA8] =	sst s0;
	s0 =	simm.s32 @!p1 $0x0  }
0x14: {  	s2 =	sld [smem:$0x3F8C];
	s0 =	simm.s32 @p1 $0x1  }
0x15: {  	[smem:$0x3FA9] =	sst s0;
	s0 =	simm.s32 @!p2 $0x0  }
0x16: {  	s3 =	sld [smem:$0x3FDB];
	s0 =	simm.s32 @p2 $0x1  }
0x17: {  	s4 =	simm.s32 $0x1BF5;
	[smem:$0x3FAB] =	sst s0  }
0x18: {  	s0 =	sld [smem:$0x3F8E];
	_ =	swait.ge [sflag:s4], $0x0  }
0x19: {  	s7 =	sld [smem:$0x3F8F]  }
0x1a: {  	s8 =	sadd.s32 $0xFFFFE003, lr  }
0x1b: {  	s9 =	sadd.s32 $0xFFFFFEF7, lr;
	s5 =	simm.s32 $0xFFFFFFFF;
	p2 =	slt.u32 s8, $0xFFFFF086  }
0x1c: {  	p1 =	slt.u32 s9, $0xF7A;
	s5 =	simm.s32 @!p2 $0x0  }
0x1d: {  	s5 =	simm.s32 @p1 $0x1;
	p0 =	seq.s32 s7, s2  }
0x1e: {  	s7 =	smul.u32 @!p0 $0xF7A, s2;
	p2 =	seq.s32 @!p0 s5, $0x0  }
0x1f: {  	s9 =	smul.u32 $0xF7A, s1;
	s8 =	simm.s32 @!p0 $0x1BF5;
	p2 =	por !p2, p0  }
0x20: {  	[sflag:s8] =	ssyncset.s32 @!p0 $0xFFFFF086;
	s6 =	sadd.s32 @!p0 s3, s7;
	s7 =	simm.s32 @!p0 $0x108  }
0x21: {  	s3 =	sadd.s32 s3, s9;
	s6 =	sadd.s32 @!p0 $0x88, s6;
	s7 =	simm.s32 @p2 $0x1082  }
0x22: {  	[simem:s7], [sflag:s8] =	dma.local @!p0 [hbm:s6], $0xF7A  }
0x23: {  	s9 =	sor.u32 $0xD0000000, s2;
	s6 =	simm.s32 $0x108;
	_ =	swait.ge @!p0 [sflag:s8], $0x0  }
0x24: {  	s3 =	sadd.s32 $0x88, s3;
	s6 =	simm.s32 @!p1 $0x1082;
	[sflag:s4] =	ssyncset.s32 $0xFFFFF086  }
0x25: {  	[simem:s6], [sflag:s4] =	dma.local [hbm:s3], $0xF7A  }
0x26: {  	[smem:$0x3F8F] =	sst s1;
	(tag) =	ssettag s2;
	_ =	strace s9  }
0x27: {  	s1 =	sld [smem:$0x3F9F]  }
0x28: {  	s2 =	sld [smem:$0x3FA0]  }
0x29: {  	s4 =	sld [smem:$0x3FA2]  }
0x2a: {  	p0 =	seq.s32 s5, $0x0;
	s5 =	sld [smem:$0x3FA3]  }
0x2b: {  	s6 =	sld [smem:$0x3FA4]  }
0x2c: {  	s7 =	sld [smem:$0x3FA5]  }
0x2d: {  	s3 =	simm.s32 $0x108;
	s8 =	sld [smem:$0x3FA6]  }
0x2e: {  	s3 =	simm.s32 @!p0 $0x1082;
	s9 =	sld [smem:$0x3FA7]  }
0x2f: {  	lr =	sadd.s32 s0, s3;
	s0 =	sld [smem:$0x3F9E]  }
0x30: {  	s3 =	sld [smem:$0x3FA1]  }
0x31: {  	[smem:$0x3FAA] =	sst s10  }
0x32: {  	s10 =	sld [smem:$0x3FA8];
	_ =	sdelay $0x3  }
0x33: {  	p0 =	seq.s32 s10, $0x1;
	s10 =	sld [smem:$0x3FAA];
	_ =	sdelay $0x3  }
0x34: {  	[smem:$0x3FAA] =	sst s10  }
0x35: {  	s10 =	sld [smem:$0x3FA9];
	_ =	sdelay $0x3  }
0x36: {  	p1 =	seq.s32 s10, $0x1;
	s10 =	sld [smem:$0x3FAA];
	_ =	sdelay $0x3  }
0x37: {  	[smem:$0x3FAA] =	sst s10  }
0x38: {  	s10 =	sld [smem:$0x3FAB]  }
0x39: {  	_ = 	snop;
	(pc) =	sbr.ind lr, $3  }
0x3a: {  	_ = 	snop  }
0x3b: {  	_ = 	snop  }
0x3c: {  	p2 =	seq.s32 s10, $0x1;
	s10 =	sld [smem:$0x3FAA]  }
0x3d: {  	_ =	shalt  }
0x3e: {  	_ =	shalt  }
0x3f: {  	_ =	shalt  }
0x40: {  	_ =	shalt  }
0x41: {  	_ =	shalt  }
0x42: {  	_ =	shalt  }
0x43: {  	_ =	shalt  }
0x44: {  	_ =	shalt  }
0x45: {  	_ =	shalt  }
0x46: {  	_ =	shalt  }
0x47: {  	_ =	shalt  }
0x48: {  	_ =	shalt  }
0x49: {  	_ =	shalt  }
0x4a: {  	_ =	shalt  }
0x4b: {  	_ =	shalt  }
0x4c: {  	_ =	shalt  }
0x4d: {  	_ =	shalt  }
0x4e: {  	_ =	shalt  }
0x4f: {  	_ =	shalt  }
0x50: {  	_ =	shalt  }
0x51: {  	_ =	shalt  }
0x52: {  	_ =	shalt  }
0x53: {  	_ =	shalt  }
0x54: {  	_ =	shalt  }
0x55: {  	_ =	shalt  }
0x56: {  	_ =	shalt  }
0x57: {  	_ =	shalt  }
0x58: {  	_ =	shalt  }
0x59: {  	_ =	shalt  }
0x5a: {  	_ =	shalt  }
0x5b: {  	_ =	shalt  }
0x5c: {  	_ =	shalt  }
0x5d: {  	_ =	shalt  }
0x5e: {  	_ =	shalt  }
0x5f: {  	_ =	shalt  }
0x60: {  	_ =	shalt  }
0x61: {  	_ =	shalt  }
0x62: {  	_ =	shalt  }
0x63: {  	_ =	shalt  }
0x64: {  	_ =	shalt  }
0x65: {  	_ =	shalt  }
0x66: {  	_ =	shalt  }
0x67: {  	_ =	shalt  }
0x68: {  	_ =	shalt  }
0x69: {  	_ =	shalt  }
0x6a: {  	_ =	shalt  }
0x6b: {  	_ =	shalt  }
0x6c: {  	_ =	shalt  }
0x6d: {  	_ =	shalt  }
0x6e: {  	_ =	shalt  }
0x6f: {  	_ =	shalt  }
0x70: {  	_ =	shalt  }
0x71: {  	_ =	shalt  }
0x72: {  	_ =	shalt  }
0x73: {  	_ =	shalt  }
0x74: {  	_ =	shalt  }
0x75: {  	_ =	shalt  }
0x76: {  	_ =	shalt  }
0x77: {  	_ =	shalt  }
0x78: {  	_ =	shalt  }
0x79: {  	_ =	shalt  }
0x7a: {  	_ =	shalt  }
0x7b: {  	_ =	shalt  }
0x7c: {  	_ =	shalt  }
0x7d: {  	_ =	shalt  }
0x7e: {  	_ =	shalt  }
0x7f: {  	_ =	shalt  }
0x80: {  	_ =	shalt  }
0x81: {  	_ =	shalt  }
0x82: {  	_ =	shalt  }
0x83: {  	_ =	shalt  }
0x84: {  	_ =	shalt  }
0x85: {  	_ =	shalt  }
0x86: {  	_ =	shalt  }
0x87: {  	_ =	shalt  }
.Lfunc_end0:
.L_simem_size_0:
called_computation.7_lowered:
.L_overlay_start_0:
0x88: {  	s2 =	sld [smem:$0x3FD9]  }
0x89: {  	s3 =	sld [smem:$0x3FFE];
	_ =	sdelay $0x1  }
0x8a: {  	s1 =	srdreg.scid  }
0x8b: {  	s0 =	sand.u32 $0x1, s1  }
0x8c: {  	s16 =	sshll.u32 s0, $0xA;
	s2 =	sadd.s32 s3, s2  }
0x8d: {  	s2 =	sadd.s32 s2, s16  }
0x8e: {  	[smem:$0x3FB6] =	sst s2  }
0x8f: {  	_ = 	snop  }
0x90: {  	(tm) =	ssettm $0x1  }
0x91: {  	s17 =	sld [smem:$0x3FFB];
	_ =	sdelay $0x3  }
0x92: {  	_ =	strace s17  }
0x93: {  	s2 =	sld [smem:$0x3FFC];
	_ =	sdelay $0x3  }
0x94: {  	_ =	strace s2  }
0x95: {  	s2 =	sld [smem:$0x3FFD];
	_ =	sdelay $0x3  }
0x96: {  	_ =	strace s2  }
0x97: {  	_ =	strace $0x8FFFFFFF  }
0x98: {  	s18 =	sld [smem:$0x3FDB];
	_ =	sdelay $0x1  }
0x99: {  	s19 =	simm.s32 $_scs_section_size  }
0x9a: {  	s4 =	simm.s32 $_size__tile_overlayer_lowered;
	s5 =	simm.s32 $_tile_overlayer_lowered  }
0x9b: {  	s22 =	simm.s32 $0x1BFF;
	s21 =	sshll.u32 s5, $0x1;
	s2 =	sadd.s32 s19, s18  }
0x9c: {  	s6 =	simm.s32 $0x0;
	s20 =	sshll.u32 s4, $0x1;
	s4 =	sadd.s32 s21, s2  }
0x9d: {  	[timem:s6], [sflag:s22] =	dma.local [hbm:s4], s20  }
0x9e: {  	_ =	swait.ge [sflag:s22], s20  }
0x9f: {  	s3 =	ssub.s32 $0x0, s20;
	[sflag:s22] =	ssyncset.done $0x0  }
0xa0: {  	[sflag:s22] =	ssyncadd.s32 s3;
	_ =	sdelay $0x1  }
0xa1: {  	s23 =	simm.s32 $0x1B8B  }
0xa2: {  	_ =	swait.ge [sflag:s23], $0x1  }
0xa3: {  	[sflag:s23] =	ssyncset.done $0x0  }
0xa4: {  	s25 =	simm.s32 $0x1B8E;
	s24 =	sld [smem:$0x3FFE];
	[sflag:s23] =	ssyncadd.s32 $0xFFFFFFFF  }
0xa5: {  	s26 =	simm.s32 $execute0_lowered;
	[smem:$0x3FD2] =	sst s25  }
0xa6: {  	s4 =	sshll.u32 s26, $0x1;
	_ =	strace $0x8000006D;
	[dreg:$0x1] =	wrdreg $0xFFFFFFFF  }
0xa7: {  	s28 =	simm.s32 $_size_execute0_lowered;
	s2 =	sadd.s32 s2, s4;
	[dreg:$0x0] =	wrdreg $0x0  }
0xa8: {  	s4 =	sshll.u32 s28, $0x1;
	[dreg:$0x2] =	wrdreg s2  }
0xa9: {  	[dreg:$0x3] =	wrdreg s4  }
0xaa: {  	[dreg:$0x4] =	wrdreg $0xC0  }
0xab: {  	_ =	task [dreg:s6], $0x5FFFF  }
0xac: {  	[dreg:$0x1] =	wrdreg $0xFFFFFFFF  }
0xad: {  	[dreg:$0x0] =	wrdreg $0x60  }
0xae: {  	[dreg:$0x2] =	wrdreg s24  }
0xaf: {  	[dreg:$0x3] =	wrdreg $0x9  }
0xb0: {  	_ =	task.clear_ibuf [dreg:s6], $0x4FFFF;
	_ =	strace $0x9000006D  }
0xb1: {  	s29 =	simm.s32 $0x9;
	_ =	strace $0x8000006F  }
0xb2: {  	_ =	swait.ge [sflag:s29], $0x1  }
0xb3: {  	[sflag:s29] =	ssyncadd.s32 $0xFFFFFFFF  }
0xb4: {  	_ =	strace $0x9000006F  }
0xb5: {  	_ =	sfence  }
0xb6: {  	s30 =	sld [smem:$0x0];
	_ =	sdelay $0x2  }
0xb7: {  	s31 =	sshll.u32 s1, $0xD;
	s1 =	sshrl.u32 s1, $0x2  }
0xb8: {  	s3 =	sand.u32 $0x4000, s31;
	s1 =	sadd.s32 s1, s30  }
0xb9: {  	s0 =	sor.u32 s3, s0;
	s1 =	sshll.u32 s1, $0x11  }
0xba: {  	s0 =	sor.u32 s1, s0  }
0xbb: {  	s0 =	sadd.s32 $0x8F2B, s0  }
0xbc: {  	[sflag:s0] =	ssyncadd.remote.s32 $0x1  }
0xbd: {  	_ =	sfence.sel $0xFFFF  }
0xbe: {  	[dreg:$0x0] =	wrdreg $0xFFFFFFFF;
	(pc) =	sbr.abs _section_cstart, $3  }
0xbf: {  	[dreg:$0x1] =	wrdreg $0xFFFFFFFF  }
0xc0: {  	_ =	task.clear_ibuf [dreg:s6], $0x2FFFF;
	_ =	strace $0x9FFFFFFF  }
0xc1: {  	(tm) =	ssettm $0x7FFFFFFF  }
tec
execute0_lowered:
.L_overlay_start_1:
0x0: {  	(tag) =	ssettag $0x1  }
0x1: {  	s0 =	srdreg.scid;
	s5 =	rddreg [dreg:$0x0]  }
0x2: {  	s1 =	stileid.u32;
	s6 =	simm.s32 $0x1;
	s9 =	simm.s32 $0x1  }
0x3: {  	s10 =	simm.s32 $0x3;
	s13 =	simm.s32 $0x0;
	s2 =	sshll.u32 s0, $0xC  }
0x4: {  	s12 =	simm.s32 $0x0;
	s3 =	sshll.u32 s1, $0xD;
	s4 =	sand.u32 $0x1000, s2  }
0x5: {  	s0 =	rddreg [dreg:$0x1];
	_ =	strace $0x8000006E;
	s3 =	sor.u32 s3, s4  }
0x6: {  	s2 =	sadd.s32 $0x120400, s5;
	[sflag:s6] =	ssyncpa.u1 $0x0;
	s8 =	ssub.s32 $0x40000, s3  }
.Ltmp0:
0x7: {  	s4 =	sadd.s32 $0x118400, s5;
	s7 =	sand.u32 $0x1F000, s8;
	(pc) =	sbr.rel .LBB2_1-.Ltmp0, $4  }
0x8: {  	s5 =	sadd.s32 $0xB1C00, s5;
	s11 =	smov.u32 s3;
	p0 =	sne.s32 s7, $0x0  }
0x9: {  	s8 =	sshrl.u32 s8, $0x11;
	s7 =	simm.s32 $0x2;
	s9 =	simm.s32 @!p0 $0x0  }
0xa: {  	[sflag:s7] =	ssyncpa.u1 $0x0;
	p0 =	por $0x0, $0x0;
	s8 =	sadd.s32 s9, s8  }
0xb: {  	vm0 =	vmmov $0xffff;
	v0 =	vlaneseq.u32;
	[sflag:s10] =	ssyncpa.u1 $0x0;
	s10 =	simm.s32 $0x0;
	s9 =	sadd.s32 $0x1, s8  }
.LBB2_4:
0xc: {  	_ =	sdelay $0x1  }
0xd: {  	s19 =	sshra.s32 s16, $0x2;
	(ifvalue) =	ssetifvalue $0x7FFFFFFF  }
0xe: {  	s24 =	sadd.s32 $0x180, s20;
	s15 =	sadd.s32 s19, s15;
	(ifvalue) =	ssetifvalue $0x7FFFFFFF  }
0xf: {  	[tilespmem:s24], [sflag:$0x1] =	stream.indirect_vreg.gather [hbm4b:s2+s10], $0x1, v1, vm0, $0x4038;
	[tilespmem:$0xA000] =	vst v63  }
0x10: {  	v1 =	vld.msk [tilespmem:s15+$0x0 ss:$0x1], $0xffff;
	_ =	sdelay $0x4  }
0x11: {  	v2 =	vshrl.u32 v1, $0xD  }
0x12: {  	v3 =	vshll.u32 v1, $0x15;
	v4 =	vshll.u32 v1, $0x8;
	vm1 =	veq.s32 v1, $0x80000000  }
0x13: {  	p1 =	sgt.s32 s18, $0x0;
	v1 =	vand.u32 $0x7F, v2;
	v2 =	vand.u32 $0x200000, v3;
	v3 =	vand.u32 $0x1FFE00, v4  }
0x14: {  	s18 =	simm.s32 @!p1 $0x0;
	v1 =	vsel vm1, $0xFFFFFFFF, v1;
	v2 =	vor.u32 v3, v2  }
0x15: {  	s25 =	smin.u32 s18, $0x10;
	v2 =	vsel vm1, $0xFFDFFE00, v2;
	v3 =	vand.u32 $0xFFFFFE00, v1  }
0x16: {  	v1 =	vand.u32 $0x7F, v1;
	v2 =	vadd.s32 v3, v2;
	v3 =	vmov s25  }
0x17: {  	v1 =	vor.u32 v1, v2;
	vm1 =	vgt.u32 v3, v0  }
0x18: {  	v2 =	vnsel vm1, $0x7FFFFFFF, v1;
	_ =	sdelay $0x1  }
0x19: {  	s26 =	sand.u32 $0x3E00, s16;
	v3 =	vor.u32 $0x80, v1  }
0x1a: {  	s28 =	sand.u32 $0x70, s17;
	(ifvalue) =	ssetifvalue $0x7FFFFFFF;
	s15 =	sadd.s32 s26, s14;
	v3 =	vnsel vm1, $0x7FFFFFFF, v3  }
0x1b: {  	(ifvalue) =	ssetifvalue $0x7FFFFFFF;
	s15 =	sadd.s32 s28, s15  }
0x1c: {  	v63 =	vor.u32 $0x100, v1;
	[tilespmem:s15], [sflag:$0x1] =	stream.indirect_vreg.gather [hbm4b:s2+s10], $0x1, v2, vm0, $0x4038;
	[tilespmem:$0xA000] =	vst v63  }
0x1d: {  	(ifvalue) =	ssetifvalue $0x7FFFFFFF;
	v2 =	vnsel vm1, $0x7FFFFFFF, v63  }
0x1e: {  	s16 =	sadd.s32 $0x80, s15;
	(ifvalue) =	ssetifvalue $0x7FFFFFFF  }
0x1f: {  	v1 =	vor.u32 $0x180, v1;
	[tilespmem:s16], [sflag:$0x1] =	stream.indirect_vreg.gather [hbm4b:s2+s10], $0x1, v3, vm0, $0x4038;
	[tilespmem:$0xA000] =	vst v63  }
0x20: {  	v1 =	vnsel vm1, $0x7FFFFFFF, v1;
	(ifvalue) =	ssetifvalue $0x7FFFFFFF  }
0x21: {  	s29 =	sadd.s32 $0x100, s15;
	(ifvalue) =	ssetifvalue $0x7FFFFFFF  }
0x22: {  	[tilespmem:s29], [sflag:$0x1] =	stream.indirect_vreg.gather [hbm4b:s2+s10], $0x1, v2, vm0, $0x4038;
	[tilespmem:$0xA000] =	vst v63  }
0x23: {  	(ifvalue) =	ssetifvalue $0x7FFFFFFF  }
0x24: {  	s30 =	sshll.u32 s13, $0x2;
	s15 =	sadd.s32 $0x180, s15;
	(ifvalue) =	ssetifvalue $0x7FFFFFFF  }
0x25: {  	[tilespmem:s15], [sflag:$0x1] =	stream.indirect_vreg.gather [hbm4b:s2+s10], $0x1, v1, vm0, $0x4038;
	[tilespmem:$0xA000] =	vst v63  }
0x26: {  	s31 =	sand.u32 $0x78, s13;
	s15 =	sand.u32 $0xFFFFFE00, s30  }
0x27: {  	_ =	swait.ge [sflag:s6], $0x4000;
	s13 =	sor.u32 s31, s15  }
0x28: {  	[sflag:s6] =	ssyncset.done $0x0;
	s13 =	sshrl.u32 s13, $0x3  }
0x29: {  	[sflag:s6] =	ssyncadd.s32 $0xFFFFC000;
	s13 =	sadd.s32 s5, s13  }
0x2a: {  	[hbm:s13] =	stream.linear.scatter [tilespmem:s14], [sflag:$0x3], $0x4000, $0x38;
	[tilespmem:$0xA000] =	vst v63  }
.LBB2_5:
0x2b: {  	s15 =	sadd.s32 $0x20000, s11  }
0x2c: {  	p2 =	sgt.s32 s15, $0x3FFFF  }
0x2d: {  	s15 =	smov.u32 @p2 s3;
	p2 =	sne.s32 s12, s9  }
.Ltmp1:
0x2e: {  	p1 =	slt.u32 s12, $0x2;
	(pc) =	sbr.rel @!p2 .LBB2_6-.Ltmp1, $4  }
0x2f: {  	s14 =	simm.s32 @!p1 $0x3  }
0x30: {  	s16 =	sadd.s32 $0x1, s12;
	_ =	swait.ge @!p1 [sflag:s14], $0x4000  }
0x31: {  	s13 =	smov.u32 s11;
	p0 =	por !p0, !p0;
	[sflag:s14] =	ssyncset.done @!p1 $0x0  }
0x32: {  	s12 =	smov.u32 s16;
	s11 =	smov.u32 s15;
	[sflag:s14] =	ssyncadd.s32 @!p1 $0xFFFFC000  }
.LBB2_1:
0x33: {  	p1 =	sge.u32 s12, s8  }
0x34: {  	s14 =	sxor.u32 @!p1 $0xFFFFFFFF, s12  }
0x35: {  	s31 =	sadd.s32 $0xFFFFFFFF, s12;
	s15 =	sshrl.u32 @!p1 s11, $0x3;
	s14 =	sshll.u32 @!p1 s14, $0xC  }
0x36: {  	s16 =	sand.u32 @!p1 $0x7, s11;
	s15 =	sadd.s32 @!p1 s4, s15;
	s14 =	sand.u32 @!p1 $0x1000, s14  }
0x37: {  	[tilespmem:s14], [sflag:$0x2] =	stream.linear.gather @!p1 [hbm4b:s15+s16], $0x1000, $0x38;
	[tilespmem:$0xA000] =	vst v63  }
0x38: {  	p1 =	sge.u32 s31, s8  }
.Ltmp2:
0x39: {  	_ = 	snop;
	(pc) =	sbr.rel @p1 .LBB2_5-.Ltmp2, $1  }
0x3a: {  	_ =	sdelay $0x3  }
0x3b: {  	s14 =	simm.s32 $0x1  }
0x3c: {  	_ =	swait.ge [sflag:s7], $0x1000;
	s14 =	simm.s32 @!p0 $0x0  }
0x3d: {  	[sflag:s7] =	ssyncset.done $0x0;
	s15 =	sshll.u32 s14, $0xC  }
0x3e: {  	[sflag:s7] =	ssyncadd.s32 $0xFFFFF000;
	s14 =	sadd.s32 $0x0, s15  }
0x3f: {  	v1 =	vld.msk [tilespmem:s14+$0x0 ss:$0x1], $0xffff;
	_ =	sdelay $0x3  }
0x40: {  	s17 =	ssub.s32 $0x40000, s13  }
0x41: {  	p1 =	slt.s32 s17, $0x1000;
	v2 =	vshrl.u32 v1, $0xD  }
0x42: {  	s17 =	simm.s32 @!p1 $0x1000;
	v3 =	vshll.u32 v1, $0x15;
	v4 =	vshll.u32 v1, $0x8;
	vm1 =	veq.s32 v1, $0x80000000  }
0x43: {  	p1 =	sgt.s32 s17, $0x0;
	s14 =	smov.u32 s17;
	v1 =	vand.u32 $0x7F, v2;
	v2 =	vand.u32 $0x200000, v3;
	v3 =	vand.u32 $0x1FFE00, v4  }
0x44: {  	s14 =	simm.s32 @!p1 $0x0;
	v1 =	vsel vm1, $0xFFFFFFFF, v1;
	v2 =	vor.u32 v3, v2  }
0x45: {  	s14 =	smin.u32 s14, $0x10;
	v2 =	vsel vm1, $0xFFDFFE00, v2;
	v3 =	vand.u32 $0xFFFFFE00, v1  }
0x46: {  	v1 =	vand.u32 $0x7F, v1;
	v2 =	vadd.s32 v3, v2;
	v3 =	vmov s14  }
0x47: {  	v1 =	vor.u32 v1, v2;
	vm1 =	vgt.u32 v3, v0  }
0x48: {  	s30 =	sshll.u32 s12, $0xE;
	v2 =	vnsel vm1, $0x7FFFFFFF, v1  }
0x49: {  	s16 =	simm.s32 $0x0;
	s14 =	sand.u32 $0x4000, s30  }
0x4a: {  	s18 =	sand.u32 $0x3E00, s16;
	s14 =	sor.u32 $0x2000, s14;
	v3 =	vor.u32 $0x80, v1  }
0x4b: {  	s16 =	sand.u32 $0x70, s16;
	(ifvalue) =	ssetifvalue $0x7FFFFFFF;
	s18 =	sadd.s32 s18, s14;
	v3 =	vnsel vm1, $0x7FFFFFFF, v3  }
0x4c: {  	(ifvalue) =	ssetifvalue $0x7FFFFFFF;
	s20 =	sadd.s32 s16, s18  }
0x4d: {  	v63 =	vor.u32 $0x100, v1;
	[tilespmem:s20], [sflag:$0x1] =	stream.indirect_vreg.gather [hbm4b:s2+s10], $0x1, v2, vm0, $0x4038;
	[tilespmem:$0xA000] =	vst v63  }
0x4e: {  	(ifvalue) =	ssetifvalue $0x7FFFFFFF;
	v2 =	vnsel vm1, $0x7FFFFFFF, v63  }
0x4f: {  	s21 =	simm.s32 $0x80;
	s16 =	sadd.s32 $0x80, s20;
	(ifvalue) =	ssetifvalue $0x7FFFFFFF  }
0x50: {  	[tilespmem:s16], [sflag:$0x1] =	stream.indirect_vreg.gather [hbm4b:s2+s10], $0x1, v3, vm0, $0x4038;
	[tilespmem:$0xA000] =	vst v63  }
0x51: {  	v1 =	vor.u32 $0x180, v1;
	s18 =	sadd.s32 $0xFFFFFFF0, s17;
	s17 =	simm.s32 $0x10;
	(ifvalue) =	ssetifvalue $0x7FFFFFFF  }
0x52: {  	v1 =	vnsel vm1, $0x7FFFFFFF, v1;
	s31 =	sadd.s32 $0x100, s20;
	s16 =	simm.s32 $0x40;
	(ifvalue) =	ssetifvalue $0x7FFFFFFF  }
0x53: {  	[tilespmem:s31], [sflag:$0x1] =	stream.indirect_vreg.gather [hbm4b:s2+s10], $0x1, v2, vm0, $0x4038;
	[tilespmem:$0xA000] =	vst v63  }
.LBB2_3:
0x54: {  	s22 =	sshra.s32 s16, $0x2  }
0x55: {  	(ifvalue) =	ssetifvalue $0x7FFFFFFF;
	s23 =	smov.u32 s21;
	s19 =	sadd.s32 $0x40, s21  }
0x56: {  	s20 =	sadd.s32 $0x180, s20;
	s22 =	sadd.s32 s22, s15;
	(ifvalue) =	ssetifvalue $0x7FFFFFFF  }
0x57: {  	[tilespmem:s20], [sflag:$0x1] =	stream.indirect_vreg.gather [hbm4b:s2+s10], $0x1, v1, vm0, $0x4038;
	[tilespmem:$0xA000] =	vst v63  }
0x58: {  	p1 =	sne.s32 s21, $0x3FC0;
	v1 =	vld.msk [tilespmem:s22+$0x0 ss:$0x1], $0xffff;
	_ =	sdelay $0x5  }
0x59: {  	v2 =	vshrl.u32 v1, $0xD;
	v3 =	vshll.u32 v1, $0x15;
	v4 =	vshll.u32 v1, $0x8  }
0x5a: {  	vm1 =	veq.s32 v1, $0x80000000;
	v1 =	vand.u32 $0x7F, v2;
	v2 =	vand.u32 $0x200000, v3  }
0x5b: {  	p2 =	sgt.s32 s18, $0x0;
	s20 =	smov.u32 s18;
	v3 =	vand.u32 $0x1FFE00, v4;
	v1 =	vsel vm1, $0xFFFFFFFF, v1  }
0x5c: {  	s20 =	simm.s32 @!p2 $0x0;
	v2 =	vor.u32 v3, v2  }
0x5d: {  	s20 =	smin.u32 s20, $0x10;
	v2 =	vsel vm1, $0xFFDFFE00, v2;
	v3 =	vand.u32 $0xFFFFFE00, v1  }
0x5e: {  	v1 =	vand.u32 $0x7F, v1;
	v2 =	vadd.s32 v3, v2;
	v3 =	vmov s20  }
0x5f: {  	v1 =	vor.u32 v1, v2;
	vm1 =	vgt.u32 v3, v0  }
0x60: {  	v2 =	vnsel vm1, $0x7FFFFFFF, v1;
	v3 =	vor.u32 $0x80, v1;
	v4 =	vor.u32 $0x100, v1  }
0x61: {  	v1 =	vor.u32 $0x180, v1;
	(ifvalue) =	ssetifvalue $0x7FFFFFFF  }
0x62: {  	s20 =	sand.u32 $0x3E00, s16;
	s16 =	smov.u32 s23;
	(ifvalue) =	ssetifvalue $0x7FFFFFFF  }
0x63: {  	s21 =	sand.u32 $0x70, s17;
	s20 =	sadd.s32 s20, s14;
	v3 =	vnsel vm1, $0x7FFFFFFF, v3  }
0x64: {  	s20 =	sadd.s32 s21, s20  }
0x65: {  	[tilespmem:s20], [sflag:$0x1] =	stream.indirect_vreg.gather [hbm4b:s2+s10], $0x1, v2, vm0, $0x4038;
	[tilespmem:$0xA000] =	vst v63  }
0x66: {  	v2 =	vnsel vm1, $0x7FFFFFFF, v4;
	(ifvalue) =	ssetifvalue $0x7FFFFFFF  }
0x67: {  	s21 =	sadd.s32 $0x80, s20;
	(ifvalue) =	ssetifvalue $0x7FFFFFFF  }
0x68: {  	[tilespmem:s21], [sflag:$0x1] =	stream.indirect_vreg.gather [hbm4b:s2+s10], $0x1, v3, vm0, $0x4038;
	[tilespmem:$0xA000] =	vst v63  }
.Ltmp3:
0x69: {  	_ = 	snop;
	(pc) =	sbr.rel @p1 .LBB2_3-.Ltmp3, $4  }
0x6a: {  	s18 =	sadd.s32 $0xFFFFFFF0, s18;
	v1 =	vnsel vm1, $0x7FFFFFFF, v1;
	(ifvalue) =	ssetifvalue $0x7FFFFFFF  }
0x6b: {  	s17 =	sadd.s32 $0x10, s17;
	s21 =	sadd.s32 $0x100, s20;
	(ifvalue) =	ssetifvalue $0x7FFFFFFF  }
0x6c: {  	[tilespmem:s21], [sflag:$0x1] =	stream.indirect_vreg.gather [hbm4b:s2+s10], $0x1, v2, vm0, $0x4038;
	[tilespmem:$0xA000] =	vst v63  }
0x6d: {  	s21 =	smov.u32 s19  }
.Ltmp4:
0x6e: {  	_ = 	snop;
	(pc) =	sbr.rel .LBB2_4-.Ltmp4, $1  }
0x6f: {  	_ =	sdelay $0x3  }
.LBB2_6:
0x70: {  	_ =	sfence.sel $0x180000  }
0x71: {  	s2 =	simm.s32 $0x2;
	[bflag:$0x0] =	sbarrier.arrive $0xFFFF  }
0x72: {  	s30 =	simm.s32 $0x3;
	[sflag:s2] =	ssyncpa.u1 $0x1  }
0x73: {  	s31 =	simm.s32 $0x1;
	[sflag:s30] =	ssyncpa.u1 $0x1  }
0x74: {  	[sflag:s31] =	ssyncpa.u1 $0x1  }
0x75: {  	p0 =	sne.s32 s1, $0x0;
	_ =	strace $0x9000006E  }
0x76: {  	s0 =	sadd.s32 @!p0 $0x100000, s0;
	[bflag:$0x2] =	sbarrier.arrive $0xFFFF  }
0x77: {  	[sflag:s0] =	ssyncadd.tile.s32 @!p0 $0x1;
	_ =	shalt  }
.Lfunc_end2:
_tile_overlayer_lowered:
.L_overlay_start_2:
0x78: {  	(tag) =	ssettag $0x2  }
0x79: {  	s0 =	rddreg [dreg:$0x0];
	s2 =	stileid.u32  }
0x7a: {  	s1 =	rddreg [dreg:$0x1];
	p0 =	sne.s32 s2, $0x0  }
0x7b: {  	s3 =	rddreg [dreg:$0x2];
	[bflag:$0x3] =	sbarrier.arrive $0xFFFF;
	s2 =	simm.s32 @!p0 $0x1C01  }
0x7c: {  	[timem:s3], [sflag:s2] =	dma.local @!p0 [hbm:s0], s1  }
0x7d: {  	s0 =	simm.s32 @!p0 $0x1  }
0x7e: {  	_ =	swait.ge @!p0 [sflag:s0], s1  }
0x7f: {  	s1 =	ssub.s32 @!p0 $0x0, s1;
	[sflag:s0] =	ssyncset.done @!p0 $0x0  }
0x80: {  	[sflag:s0] =	ssyncadd.s32 @!p0 s1  }
0x81: {  	[bflag:$0x3] =	sbarrier.arrive $0xFFFF  }
0x82: {  	_ =	shalt  }

// kernel: gather_offload_async_start
scs
__scs_entry_jumppad:
0x0: {  	(pc) =	sbr.rel $0x88, $3  }
0x1: {  	(tag) =	ssettag $0x0;
	lr =	simm.s32 $0x1  }
0x2: {  	[smem:$0x3F8F] =	sst lr;
	_ =	strace $0xD0000000  }
0x3: {  	_ = 	snop  }
0x4: {  	_ = 	snop  }
0x5: {  	_ = 	snop  }
0x6: {  	_ = 	snop  }
0x7: {  	_ = 	snop  }
__scs_overlays_trampoline_lowered:
0x8: {  	[smem:$0x3F9E] =	sst s0  }
0x9: {  	[smem:$0x3F9F] =	sst s1  }
0xa: {  	[smem:$0x3FA0] =	sst s2  }
0xb: {  	[smem:$0x3FA1] =	sst s3  }
0xc: {  	[smem:$0x3FA2] =	sst s4  }
0xd: {  	[smem:$0x3FA3] =	sst s5  }
0xe: {  	[smem:$0x3FA4] =	sst s6  }
0xf: {  	[smem:$0x3FA5] =	sst s7  }
0x10: {  	[smem:$0x3FA6] =	sst s8  }
0x11: {  	[smem:$0x3FA7] =	sst s9;
	s0 =	simm.s32 @!p0 $0x0  }
0x12: {  	s1 =	sld [smem:$0x3F8D];
	s0 =	simm.s32 @p0 $0x1  }
0x13: {  	[smem:$0x3FA8] =	sst s0;
	s0 =	simm.s32 @!p1 $0x0  }
0x14: {  	s2 =	sld [smem:$0x3F8C];
	s0 =	simm.s32 @p1 $0x1  }
0x15: {  	[smem:$0x3FA9] =	sst s0;
	s0 =	simm.s32 @!p2 $0x0  }
0x16: {  	s3 =	sld [smem:$0x3FDB];
	s0 =	simm.s32 @p2 $0x1  }
0x17: {  	s4 =	simm.s32 $0x1BF5;
	[smem:$0x3FAB] =	sst s0  }
0x18: {  	s0 =	sld [smem:$0x3F8E];
	_ =	swait.ge [sflag:s4], $0x0  }
0x19: {  	s7 =	sld [smem:$0x3F8F]  }
0x1a: {  	s8 =	sadd.s32 $0xFFFFE003, lr  }
0x1b: {  	s9 =	sadd.s32 $0xFFFFFEF7, lr;
	s5 =	simm.s32 $0xFFFFFFFF;
	p2 =	slt.u32 s8, $0xFFFFF086  }
0x1c: {  	p1 =	slt.u32 s9, $0xF7A;
	s5 =	simm.s32 @!p2 $0x0  }
0x1d: {  	s5 =	simm.s32 @p1 $0x1;
	p0 =	seq.s32 s7, s2  }
0x1e: {  	s7 =	smul.u32 @!p0 $0xF7A, s2;
	p2 =	seq.s32 @!p0 s5, $0x0  }
0x1f: {  	s9 =	smul.u32 $0xF7A, s1;
	s8 =	simm.s32 @!p0 $0x1BF5;
	p2 =	por !p2, p0  }
0x20: {  	[sflag:s8] =	ssyncset.s32 @!p0 $0xFFFFF086;
	s6 =	sadd.s32 @!p0 s3, s7;
	s7 =	simm.s32 @!p0 $0x108  }
0x21: {  	s3 =	sadd.s32 s3, s9;
	s6 =	sadd.s32 @!p0 $0x88, s6;
	s7 =	simm.s32 @p2 $0x1082  }
0x22: {  	[simem:s7], [sflag:s8] =	dma.local @!p0 [hbm:s6], $0xF7A  }
0x23: {  	s9 =	sor.u32 $0xD0000000, s2;
	s6 =	simm.s32 $0x108;
	_ =	swait.ge @!p0 [sflag:s8], $0x0  }
0x24: {  	s3 =	sadd.s32 $0x88, s3;
	s6 =	simm.s32 @!p1 $0x1082;
	[sflag:s4] =	ssyncset.s32 $0xFFFFF086  }
0x25: {  	[simem:s6], [sflag:s4] =	dma.local [hbm:s3], $0xF7A  }
0x26: {  	[smem:$0x3F8F] =	sst s1;
	(tag) =	ssettag s2;
	_ =	strace s9  }
0x27: {  	s1 =	sld [smem:$0x3F9F]  }
0x28: {  	s2 =	sld [smem:$0x3FA0]  }
0x29: {  	s4 =	sld [smem:$0x3FA2]  }
0x2a: {  	p0 =	seq.s32 s5, $0x0;
	s5 =	sld [smem:$0x3FA3]  }
0x2b: {  	s6 =	sld [smem:$0x3FA4]  }
0x2c: {  	s7 =	sld [smem:$0x3FA5]  }
0x2d: {  	s3 =	simm.s32 $0x108;
	s8 =	sld [smem:$0x3FA6]  }
0x2e: {  	s3 =	simm.s32 @!p0 $0x1082;
	s9 =	sld [smem:$0x3FA7]  }
0x2f: {  	lr =	sadd.s32 s0, s3;
	s0 =	sld [smem:$0x3F9E]  }
0x30: {  	s3 =	sld [smem:$0x3FA1]  }
0x31: {  	[smem:$0x3FAA] =	sst s10  }
0x32: {  	s10 =	sld [smem:$0x3FA8];
	_ =	sdelay $0x3  }
0x33: {  	p0 =	seq.s32 s10, $0x1;
	s10 =	sld [smem:$0x3FAA];
	_ =	sdelay $0x3  }
0x34: {  	[smem:$0x3FAA] =	sst s10  }
0x35: {  	s10 =	sld [smem:$0x3FA9];
	_ =	sdelay $0x3  }
0x36: {  	p1 =	seq.s32 s10, $0x1;
	s10 =	sld [smem:$0x3FAA];
	_ =	sdelay $0x3  }
0x37: {  	[smem:$0x3FAA] =	sst s10  }
0x38: {  	s10 =	sld [smem:$0x3FAB]  }
0x39: {  	_ = 	snop;
	(pc) =	sbr.ind lr, $3  }
0x3a: {  	_ = 	snop  }
0x3b: {  	_ = 	snop  }
0x3c: {  	p2 =	seq.s32 s10, $0x1;
	s10 =	sld [smem:$0x3FAA]  }
0x3d: {  	_ =	shalt  }
0x3e: {  	_ =	shalt  }
0x3f: {  	_ =	shalt  }
0x40: {  	_ =	shalt  }
0x41: {  	_ =	shalt  }
0x42: {  	_ =	shalt  }
0x43: {  	_ =	shalt  }
0x44: {  	_ =	shalt  }
0x45: {  	_ =	shalt  }
0x46: {  	_ =	shalt  }
0x47: {  	_ =	shalt  }
0x48: {  	_ =	shalt  }
0x49: {  	_ =	shalt  }
0x4a: {  	_ =	shalt  }
0x4b: {  	_ =	shalt  }
0x4c: {  	_ =	shalt  }
0x4d: {  	_ =	shalt  }
0x4e: {  	_ =	shalt  }
0x4f: {  	_ =	shalt  }
0x50: {  	_ =	shalt  }
0x51: {  	_ =	shalt  }
0x52: {  	_ =	shalt  }
0x53: {  	_ =	shalt  }
0x54: {  	_ =	shalt  }
0x55: {  	_ =	shalt  }
0x56: {  	_ =	shalt  }
0x57: {  	_ =	shalt  }
0x58: {  	_ =	shalt  }
0x59: {  	_ =	shalt  }
0x5a: {  	_ =	shalt  }
0x5b: {  	_ =	shalt  }
0x5c: {  	_ =	shalt  }
0x5d: {  	_ =	shalt  }
0x5e: {  	_ =	shalt  }
0x5f: {  	_ =	shalt  }
0x60: {  	_ =	shalt  }
0x61: {  	_ =	shalt  }
0x62: {  	_ =	shalt  }
0x63: {  	_ =	shalt  }
0x64: {  	_ =	shalt  }
0x65: {  	_ =	shalt  }
0x66: {  	_ =	shalt  }
0x67: {  	_ =	shalt  }
0x68: {  	_ =	shalt  }
0x69: {  	_ =	shalt  }
0x6a: {  	_ =	shalt  }
0x6b: {  	_ =	shalt  }
0x6c: {  	_ =	shalt  }
0x6d: {  	_ =	shalt  }
0x6e: {  	_ =	shalt  }
0x6f: {  	_ =	shalt  }
0x70: {  	_ =	shalt  }
0x71: {  	_ =	shalt  }
0x72: {  	_ =	shalt  }
0x73: {  	_ =	shalt  }
0x74: {  	_ =	shalt  }
0x75: {  	_ =	shalt  }
0x76: {  	_ =	shalt  }
0x77: {  	_ =	shalt  }
0x78: {  	_ =	shalt  }
0x79: {  	_ =	shalt  }
0x7a: {  	_ =	shalt  }
0x7b: {  	_ =	shalt  }
0x7c: {  	_ =	shalt  }
0x7d: {  	_ =	shalt  }
0x7e: {  	_ =	shalt  }
0x7f: {  	_ =	shalt  }
0x80: {  	_ =	shalt  }
0x81: {  	_ =	shalt  }
0x82: {  	_ =	shalt  }
0x83: {  	_ =	shalt  }
0x84: {  	_ =	shalt  }
0x85: {  	_ =	shalt  }
0x86: {  	_ =	shalt  }
0x87: {  	_ =	shalt  }
.Lfunc_end0:
.L_simem_size_0:
called_computation.6_lowered:
.L_overlay_start_0:
0x88: {  	s2 =	sld [smem:$0x3FD9]  }
0x89: {  	s3 =	sld [smem:$0x3FFE];
	_ =	sdelay $0x1  }
0x8a: {  	s1 =	srdreg.scid  }
0x8b: {  	s0 =	sand.u32 $0x1, s1  }
0x8c: {  	s17 =	sshll.u32 s0, $0xA;
	s2 =	sadd.s32 s3, s2  }
0x8d: {  	s2 =	sadd.s32 s2, s17  }
0x8e: {  	[smem:$0x3FB6] =	sst s2  }
0x8f: {  	_ = 	snop  }
0x90: {  	s2 =	sld [smem:$0x3FD0];
	(tm) =	ssettm $0x1  }
0x91: {  	s18 =	sld [smem:$0x3FFB];
	_ =	sdelay $0x3  }
0x92: {  	_ =	strace s18  }
0x93: {  	s3 =	sld [smem:$0x3FFC];
	_ =	sdelay $0x3  }
0x94: {  	_ =	strace s3  }
0x95: {  	s3 =	sld [smem:$0x3FFD];
	_ =	sdelay $0x3  }
0x96: {  	_ =	strace s3  }
0x97: {  	_ =	strace $0x8FFFFFFF  }
0x98: {  	s19 =	sld [smem:$0x3FDB];
	_ =	sdelay $0x1  }
0x99: {  	s4 =	simm.s32 $_scs_section_size  }
0x9a: {  	s5 =	simm.s32 $_size__tile_overlayer_lowered;
	s6 =	simm.s32 $_tile_overlayer_lowered  }
0x9b: {  	s22 =	simm.s32 $0x1BFF;
	s21 =	sshll.u32 s6, $0x1;
	s3 =	sadd.s32 s4, s19  }
0x9c: {  	s7 =	simm.s32 $0x0;
	s20 =	sshll.u32 s5, $0x1;
	s5 =	sadd.s32 s21, s3  }
0x9d: {  	[timem:s7], [sflag:s22] =	dma.local [hbm:s5], s20  }
0x9e: {  	_ =	swait.ge [sflag:s22], s20  }
0x9f: {  	s4 =	ssub.s32 $0x0, s20;
	[sflag:s22] =	ssyncset.done $0x0  }
0xa0: {  	[sflag:s22] =	ssyncadd.s32 s4;
	_ =	sdelay $0x1  }
0xa1: {  	s23 =	simm.s32 $0x1B8B  }
0xa2: {  	_ =	swait.ge [sflag:s23], $0x1  }
0xa3: {  	[sflag:s23] =	ssyncset.done $0x0  }
0xa4: {  	s25 =	simm.s32 $0x1B8E;
	s24 =	sld [smem:$0x3FFE];
	[sflag:s23] =	ssyncadd.s32 $0xFFFFFFFF  }
0xa5: {  	s26 =	simm.s32 $execute0_lowered;
	[smem:$0x3FD2] =	sst s25  }
0xa6: {  	s5 =	sshll.u32 s26, $0x1;
	_ =	strace $0x80000046;
	[dreg:$0x1] =	wrdreg $0xFFFFFFFF  }
0xa7: {  	s28 =	simm.s32 $_size_execute0_lowered;
	s3 =	sadd.s32 s3, s5;
	[dreg:$0x0] =	wrdreg $0x0  }
0xa8: {  	s5 =	sshll.u32 s28, $0x1;
	[dreg:$0x2] =	wrdreg s3  }
0xa9: {  	[dreg:$0x3] =	wrdreg s5  }
0xaa: {  	[dreg:$0x4] =	wrdreg $0xC0  }
0xab: {  	_ =	task [dreg:s7], $0x5FFFF  }
0xac: {  	[dreg:$0x1] =	wrdreg $0xFFFFFFFF  }
0xad: {  	[dreg:$0x0] =	wrdreg $0x60  }
0xae: {  	[dreg:$0x2] =	wrdreg s2  }
0xaf: {  	[dreg:$0x3] =	wrdreg s24  }
0xb0: {  	[dreg:$0x4] =	wrdreg $0xB  }
0xb1: {  	_ =	task.clear_ibuf [dreg:s7], $0x5FFFF;
	_ =	strace $0x90000046  }
0xb2: {  	s29 =	simm.s32 $0xB;
	_ =	strace $0x80000048  }
0xb3: {  	_ =	swait.ge [sflag:s29], $0x1  }
0xb4: {  	[sflag:s29] =	ssyncadd.s32 $0xFFFFFFFF  }
0xb5: {  	_ =	strace $0x90000048  }
0xb6: {  	_ =	sfence  }
0xb7: {  	s30 =	sld [smem:$0x0];
	_ =	sdelay $0x2  }
0xb8: {  	s31 =	sshll.u32 s1, $0xD;
	s1 =	sshrl.u32 s1, $0x2  }
0xb9: {  	s3 =	sand.u32 $0x4000, s31;
	s1 =	sadd.s32 s1, s30  }
0xba: {  	s0 =	sor.u32 s3, s0;
	s1 =	sshll.u32 s1, $0x11  }
0xbb: {  	s0 =	sor.u32 s1, s0  }
0xbc: {  	s0 =	sadd.s32 $0x8F2B, s0  }
0xbd: {  	[sflag:s0] =	ssyncadd.remote.s32 $0x1  }
0xbe: {  	_ =	sfence.sel $0xFFFF  }
0xbf: {  	[dreg:$0x0] =	wrdreg $0xFFFFFFFF;
	(pc) =	sbr.abs _section_cstart, $3  }
0xc0: {  	[dreg:$0x1] =	wrdreg $0xFFFFFFFF  }
0xc1: {  	_ =	task.clear_ibuf [dreg:s7], $0x2FFFF;
	_ =	strace $0x9FFFFFFF  }
0xc2: {  	(tm) =	ssettm $0x7FFFFFFF  }
0xc3: {  	_ =	shalt  }
tec
execute0_lowered:
.L_overlay_start_1:
0x0: {  	(tag) =	ssettag $0x1  }
0x1: {  	s2 =	rddreg [dreg:$0x0]  }
0x2: {  	s7 =	rddreg [dreg:$0x1]  }
0x3: {  	s0 =	rddreg [dreg:$0x2];
	_ =	strace $0x80000047;
	s1 =	simm.s32 $0x1  }
0x4: {  	s4 =	srdreg.scid;
	s9 =	simm.s32 $0x4;
	s10 =	simm.s32 $0xFFFFC000  }
0x5: {  	p0 =	por $0x0, $0x0;
	s14 =	simm.s32 $0x0;
	s11 =	simm.s32 $0x0  }
0x6: {  	s12 =	simm.s32 $0x0;
	[sflag:s1] =	ssyncpa.u1 $0x0;
	s4 =	sshll.u32 s4, $0x4  }
.Ltmp0:
0x7: {  	s1 =	stileid.u32;
	s5 =	sand.u32 $0x10, s4;
	(pc) =	sbr.rel .LBB2_1-.Ltmp0, $4  }
0x8: {  	s3 =	sadd.s32 $0x118400, s7;
	s4 =	simm.s32 $0x2;
	s6 =	sor.u32 s1, s5  }
0x9: {  	[sflag:s4] =	ssyncpa.u1 $0x0;
	s5 =	simm.s32 $0x3;
	s6 =	sshll.u32 s6, $0xD  }
0xa: {  	s7 =	sadd.s32 $0x98400, s7;
	[sflag:s5] =	ssyncpa.u1 $0x0;
	s8 =	sadd.s32 $0x2000, s6  }
0xb: {  	v0 =	vlaneseq.u32;
	vm0 =	vmmov $0xffff;
	[sflag:s9] =	ssyncpa.u1 $0x0;
	s9 =	simm.s32 $0x0;
	s13 =	smov.u32 s6  }
.LBB2_3:
0xc: {  	s14 =	sshrl.u32 s13, $0x3  }
0xd: {  	s15 =	sand.u32 $0x7, s13;
	s14 =	sadd.s32 s3, s14  }
0xe: {  	[tilespmem:s9], [sflag:$0x2] =	stream.linear.gather [hbm4b:s14+s15], $0x2000, $0x38;
	[tilespmem:$0xC000] =	vst v63  }
.LBB2_10:
0xf: {  	s15 =	sadd.s32 $0x2000, s13  }
0x10: {  	s16 =	smov.u32 s6;
	s14 =	smov.u32 s11;
	p1 =	slt.s32 s15, s8  }
0x11: {  	s11 =	smov.u32 s13;
	s12 =	sadd.s32 $0x1, s12;
	s16 =	smov.u32 @p1 s15  }
0x12: {  	s10 =	sadd.s32 $0x2000, s10;
	p0 =	por !p0, !p0;
	s13 =	smov.u32 s16  }
.LBB2_1:
0x13: {  	p1 =	sgt.s32 s12, $0x1  }
.Ltmp1:
0x14: {  	_ = 	snop;
	(pc) =	sbr.rel @p1 .LBB2_11-.Ltmp1, $1  }
0x15: {  	_ =	sdelay $0x3  }
0x16: {  	p1 =	seq.s32 s12, $0x0  }
.Ltmp2:
0x17: {  	_ = 	snop;
	(pc) =	sbr.rel @p1 .LBB2_3-.Ltmp2, $1  }
0x18: {  	_ =	sdelay $0x3  }
0x19: {  	_ =	swait.ge [sflag:s4], $0x2000  }
0x1a: {  	s16 =	simm.s32 $0x0;
	[sflag:s4] =	ssyncset.done $0x0  }
0x1b: {  	[sflag:s4] =	ssyncadd.s32 $0xFFFFE000;
	(ifvalue) =	ssetifvalue $0x7FFFFFFF;
	v1 =	vld.msk [tilespmem:s16+$0x0 ss:$0x1], $0xffff;
	_ =	sdelay $0x1  }
0x1c: {  	s14 =	simm.s32 $0x10  }
0x1d: {  	v4 =	vld.msk [tilespmem:s14+$0x0 ss:$0x1], $0xffff;
	_ =	sdelay $0x1  }
0x1e: {  	s17 =	ssub.s32 $0x40000, s11;
	vm1 =	veq.s32 v1, $0x80000000;
	v2 =	vshrl.u32 v1, $0x1;
	v3 =	vshll.u32 v1, $0x13  }
0x1f: {  	p1 =	slt.s32 s17, $0x2000;
	v1 =	vshrl.u32 v1, $0xD;
	v2 =	vand.u32 $0xFFF, v2;
	v3 =	vand.u32 $0x80000, v3  }
0x20: {  	s17 =	simm.s32 @!p1 $0x2000;
	v1 =	vand.u32 $0x7F, v1;
	v2 =	vsel vm1, $0xFFFFFFFF, v2;
	v3 =	vsel vm1, $0xFFF80000, v3  }
0x21: {  	p1 =	sgt.s32 s17, $0x0;
	s15 =	smov.u32 s17;
	v1 =	vsel vm1, $0xFFFFFFFF, v1;
	vm1 =	veq.s32 v4, $0x80000000;
	v5 =	vshll.u32 v2, $0x7  }
0x22: {  	s15 =	simm.s32 @!p1 $0x0;
	v7 =	vand.u32 $0xFFFFFC00, v1;
	v1 =	vshll.u32 v1, $0x1;
	v6 =	vand.u32 $0xFFFFFC00, v5  }
0x23: {  	s15 =	smin.u32 s15, $0x10;
	v3 =	vadd.s32 v3, v7;
	v5 =	vand.u32 $0x300, v5;
	v1 =	vand.u32 $0xFE, v1  }
0x24: {  	v3 =	vadd.s32 v6, v3;
	v1 =	vor.u32 v1, v5;
	v5 =	vmov s15  }
0x25: {  	v2 =	vand.u32 $0x1, v2;
	v1 =	vor.u32 v1, v3;
	vm2 =	vgt.u32 v5, v0  }
0x26: {  	v3 =	vshrl.u32 v4, $0x1;
	v5 =	vshll.u32 v4, $0x13;
	v1 =	vshrl.u32 v1, $0x1  }
0x27: {  	v6 =	vnsel vm2, $0x7FFFFFFF, v1;
	v1 =	vand.u32 $0xFFF, v3;
	v3 =	vshrl.u32 v4, $0xD  }
0x28: {  	s15 =	simm.s32 $0x20;
	v4 =	vand.u32 $0x80000, v5;
	v1 =	vsel vm1, $0xFFFFFFFF, v1;
	v3 =	vand.u32 $0x7F, v3  }
0x29: {  	s17 =	sadd.s32 $0xFFFFFFF0, s17;
	v5 =	vld.msk [tilespmem:s15+$0x0 ss:$0x1], $0xffff;
	v4 =	vsel vm1, $0xFFF80000, v4;
	v3 =	vsel vm1, $0xFFFFFFFF, v3;
	v7 =	vshll.u32 v1, $0x7  }
0x2a: {  	p1 =	sgt.s32 s17, $0x0;
	s18 =	smov.u32 s17;
	v8 =	vand.u32 $0xFFFFFC00, v7;
	v9 =	vand.u32 $0xFFFFFC00, v3;
	v3 =	vshll.u32 v3, $0x1  }
0x2b: {  	s18 =	simm.s32 @!p1 $0x0;
	v7 =	vand.u32 $0x300, v7;
	v4 =	vadd.s32 v4, v9;
	v3 =	vand.u32 $0xFE, v3  }
0x2c: {  	s18 =	smin.u32 s18, $0x10;
	[tilespmem:s16+$0x0] =	vst v2;
	v2 =	vadd.s32 v8, v4;
	v3 =	vor.u32 v3, v7  }
0x2d: {  	v4 =	vmov s18;
	v2 =	vor.u32 v3, v2  }
0x2e: {  	s16 =	simm.s32 $0x6000;
	(ifvalue) =	ssetifvalue $0x7FFFFFFF;
	vm1 =	veq.s32 v5, $0x80000000;
	vm2 =	vgt.u32 v4, v0;
	v2 =	vshrl.u32 v2, $0x1  }
0x2f: {  	[tilespmem:s16], [sflag:$0x3] =	stream.indirect_vreg.gather [hbm4b:s2+s9], $0x1, v6, vm0, $0x4038;
	v6 =	vshll.u32 v5, $0x13;
	v3 =	vshrl.u32 v5, $0x1;
	v2 =	vnsel vm2, $0x7FFFFFFF, v2;
	[tilespmem:$0xC000] =	vst v63  }
0x30: {  	s19 =	simm.s32 $0x30;
	s18 =	simm.s32 $0x20;
	v4 =	vshrl.u32 v5, $0xD;
	v5 =	vand.u32 $0x80000, v6;
	v3 =	vand.u32 $0xFFF, v3  }
.LBB2_5:
0x31: {  	v6 =	vld.msk [tilespmem:s19+$0x0 ss:$0x1], $0xffff;
	v3 =	vsel vm1, $0xFFFFFFFF, v3;
	v4 =	vand.u32 $0x7F, v4;
	v5 =	vsel vm1, $0xFFF80000, v5;
	s17 =	sadd.s32 $0xFFFFFFF0, s17;
	s16 =	sadd.s32 $0x10, s16  }
0x32: {  	v8 =	vand.u32 $0x1, v1;
	s18 =	sadd.s32 $0x10, s18;
	p1 =	sgt.s32 s17, $0x0;
	v4 =	vsel vm1, $0xFFFFFFFF, v4;
	v7 =	vshll.u32 v3, $0x7;
	v1 =	vmovc v3;
	s20 =	smov.u32 s17  }
0x33: {  	s20 =	simm.s32 @!p1 $0x0;
	v3 =	vand.u32 $0xFFFFFC00, v7;
	v9 =	vand.u32 $0xFFFFFC00, v4;
	v4 =	vshll.u32 v4, $0x1;
	[tilespmem:s14+$0x0] =	vst v8;
	(ifvalue) =	ssetifvalue $0x7FFFFFFF;
	p1 =	slt.u32 s18, $0x1FF0  }
0x34: {  	v7 =	vand.u32 $0x300, v7;
	v5 =	vadd.s32 v5, v9;
	v4 =	vand.u32 $0xFE, v4;
	[tilespmem:s16], [sflag:$0x3] =	stream.indirect_vreg.gather [hbm4b:s2+s9], $0x1, v2, vm0, $0x4038;
	[tilespmem:$0xC000] =	vst v63  }
.Ltmp3:
0x35: {  	s14 =	smin.u32 s20, $0x10;
	v2 =	vadd.s32 v3, v5;
	v3 =	vor.u32 v4, v7;
	(pc) =	sbr.rel @p1 .LBB2_5-.Ltmp3, $4  }
0x36: {  	v4 =	vmov s14;
	s14 =	smov.u32 s15;
	s15 =	smov.u32 s19;
	v2 =	vor.u32 v3, v2  }
0x37: {  	vm1 =	veq.s32 v6, $0x80000000;
	vm2 =	vgt.u32 v4, v0;
	v2 =	vshrl.u32 v2, $0x1  }
0x38: {  	v3 =	vshrl.u32 v6, $0x1;
	v5 =	vshll.u32 v6, $0x13;
	v2 =	vnsel vm2, $0x7FFFFFFF, v2  }
0x39: {  	s19 =	sadd.s32 $0x10, s19;
	v4 =	vshrl.u32 v6, $0xD;
	v3 =	vand.u32 $0xFFF, v3;
	v5 =	vand.u32 $0x80000, v5  }
0x3a: {  	v3 =	vsel vm1, $0xFFFFFFFF, v3;
	v4 =	vand.u32 $0x7F, v4  }
0x3b: {  	v5 =	vsel vm1, $0xFFF80000, v5;
	s17 =	sadd.s32 $0xFFFFFFF0, s17;
	v4 =	vsel vm1, $0xFFFFFFFF, v4;
	v6 =	vshll.u32 v3, $0x7  }
0x3c: {  	p1 =	sgt.s32 s17, $0x0;
	v7 =	vand.u32 $0xFFFFFC00, v6;
	v8 =	vand.u32 $0xFFFFFC00, v4;
	v4 =	vshll.u32 v4, $0x1  }
0x3d: {  	s17 =	simm.s32 @!p1 $0x0;
	v6 =	vand.u32 $0x300, v6;
	v5 =	vadd.s32 v5, v8;
	v4 =	vand.u32 $0xFE, v4  }
0x3e: {  	s17 =	smin.u32 s17, $0x10;
	v5 =	vadd.s32 v7, v5;
	v4 =	vor.u32 v4, v6  }
0x3f: {  	v63 =	vmov s17;
	v4 =	vor.u32 v4, v5  }
0x40: {  	vm1 =	vgt.u32 v63, v0;
	v4 =	vshrl.u32 v4, $0x1  }
0x41: {  	v4 =	vnsel vm1, $0x7FFFFFFF, v4  }
.Ltmp4:
0x42: {  	v1 =	vand.u32 $0x1, v1;
	(pc) =	sbr.rel .LBB2_10-.Ltmp4, $4  }
0x43: {  	s31 =	sadd.s32 $0x10, s16;
	[tilespmem:s14+$0x0] =	vst v1;
	(ifvalue) =	ssetifvalue $0x7FFFFFFF  }
0x44: {  	v1 =	vand.u32 $0x1, v3;
	[tilespmem:s31], [sflag:$0x3] =	stream.indirect_vreg.gather [hbm4b:s2+s9], $0x1, v2, vm0, $0x4038;
	[tilespmem:$0xC000] =	vst v63  }
0x45: {  	s14 =	sadd.s32 $0x10, s31;
	[tilespmem:s15+$0x0] =	vst v1;
	(ifvalue) =	ssetifvalue $0x7FFFFFFF  }
0x46: {  	[tilespmem:s14], [sflag:$0x3] =	stream.indirect_vreg.gather [hbm4b:s2+s9], $0x1, v4, vm0, $0x4038;
	[tilespmem:$0xC000] =	vst v63  }
.LBB2_11:
0x47: {  	p1 =	seq.s32 s12, $0x2  }
.Ltmp5:
0x48: {  	_ = 	snop;
	(pc) =	sbr.rel @!p1 .LBB2_12-.Ltmp5, $1  }
0x49: {  	_ =	sdelay $0x3  }
0x4a: {  	_ =	swait.ge [sflag:s5], $0x2000  }
0x4b: {  	s16 =	simm.s32 $0x1;
	[sflag:s5] =	ssyncset.done $0x0  }
0x4c: {  	s16 =	simm.s32 @!p0 $0x0;
	[sflag:s5] =	ssyncadd.s32 $0xFFFFE000  }
0x4d: {  	s15 =	sshll.u32 s16, $0xD;
	v2 =	vld [tilespmem:s10+$0x300]  }
0x4e: {  	s15 =	sadd.s32 $0x6200, s15;
	v3 =	vld [tilespmem:s10+$0x380]  }
0x4f: {  	v1 =	vld [tilespmem:s15+$0x100]  }
0x50: {  	v4 =	vld [tilespmem:s15+$0x180];
	_ =	sdelay $0x3  }
0x51: {  	v2 =	vshll.u32 v2, $0x4;
	v3 =	vshll.u32 v3, $0x4  }
0x52: {  	v5 =	vld [tilespmem:s10+$0x0];
	v1 =	vshrl.u32 v1, v2;
	v2 =	vshrl.u32 v4, v3  }
0x53: {  	s16 =	sshll.u32 s16, $0xC;
	v9 =	vld [tilespmem:s10+$0x200];
	v1 =	vand.u32 $0xFFFF, v1;
	v2 =	vshll.u32 v2, $0x10  }
0x54: {  	s16 =	sor.u32 $0xA100, s16;
	v10 =	vld [tilespmem:s10+$0x280];
	v1 =	vor.u32 v1, v2  }
0x55: {  	v11 =	vld [tilespmem:s15+$0xFFFFFE80];
	[tilespmem:s16+$0x80] =	vst v1  }
0x56: {  	v1 =	vld [tilespmem:s15+$0x110]  }
0x57: {  	v6 =	vld [tilespmem:s10+$0x310]  }
0x58: {  	v7 =	vld [tilespmem:s10+$0x390]  }
0x59: {  	v8 =	vld [tilespmem:s15+$0x190]  }
0x5a: {  	v12 =	vld [tilespmem:s15+$0xFFFFFE00]  }
0x5b: {  	v13 =	vld [tilespmem:s15+$0xFFFFFF00]  }
0x5c: {  	v3 =	vld [tilespmem:s10+$0x80]  }
0x5d: {  	v2 =	vld [tilespmem:s10+$0x180];
	v6 =	vshll.u32 v6, $0x4;
	v7 =	vshll.u32 v7, $0x4  }
0x5e: {  	v4 =	vld [tilespmem:s10+$0x100];
	v1 =	vshrl.u32 v1, v6;
	v6 =	vshrl.u32 v8, v7  }
0x5f: {  	v7 =	vld [tilespmem:s15+$0xFFFFFF80];
	v1 =	vand.u32 $0xFFFF, v1;
	v6 =	vshll.u32 v6, $0x10  }
0x60: {  	v8 =	vld [tilespmem:s15+$0x0];
	v1 =	vor.u32 v1, v6  }
0x61: {  	v5 =	vshll.u32 v5, $0x4;
	v9 =	vshll.u32 v9, $0x4;
	v3 =	vshll.u32 v3, $0x4;
	v6 =	vld [tilespmem:s15+$0x80];
	[tilespmem:s16+$0x90] =	vst v1  }
0x62: {  	v1 =	vshll.u32 v2, $0x4;
	v2 =	vshrl.u32 v11, v3;
	v3 =	vshrl.u32 v12, v5;
	v5 =	vld [tilespmem:s15+$0x120]  }
0x63: {  	v4 =	vshll.u32 v4, $0x4;
	v2 =	vshll.u32 v2, $0x10;
	v3 =	vand.u32 $0xFFFF, v3;
	v11 =	vld [tilespmem:s10+$0x320]  }
0x64: {  	v4 =	vshrl.u32 v13, v4;
	v1 =	vshrl.u32 v7, v1;
	v2 =	vor.u32 v3, v2;
	v3 =	vld [tilespmem:s10+$0x3A0]  }
0x65: {  	v4 =	vand.u32 $0xFFFF, v4;
	v7 =	vshll.u32 v10, $0x4;
	v1 =	vshll.u32 v1, $0x10;
	[tilespmem:s16+$0xFFFFFF00] =	vst v2;
	v2 =	vld [tilespmem:s15+$0x1A0]  }
0x66: {  	v8 =	vshrl.u32 v8, v9;
	v1 =	vor.u32 v4, v1;
	v4 =	vshrl.u32 v6, v7;
	v6 =	vld [tilespmem:s10+$0x10]  }
0x67: {  	v7 =	vand.u32 $0xFFFF, v8;
	[tilespmem:s16+$0xFFFFFF80] =	vst v1;
	v1 =	vshll.u32 v4, $0x10;
	v4 =	vld [tilespmem:s10+$0x90]  }
0x68: {  	v1 =	vor.u32 v7, v1;
	v7 =	vld [tilespmem:s10+$0x110]  }
0x69: {  	v8 =	vshll.u32 v11, $0x4;
	[tilespmem:s16+$0x0] =	vst v1;
	v1 =	vld [tilespmem:s10+$0x190];
	v3 =	vshll.u32 v3, $0x4  }
0x6a: {  	v5 =	vshrl.u32 v5, v8;
	v8 =	vld [tilespmem:s15+$0xFFFFFE10];
	v2 =	vshrl.u32 v2, v3  }
0x6b: {  	v9 =	vld [tilespmem:s10+$0x210];
	v5 =	vand.u32 $0xFFFF, v5;
	v2 =	vshll.u32 v2, $0x10  }
0x6c: {  	v3 =	vld [tilespmem:s10+$0x290];
	v2 =	vor.u32 v5, v2  }
0x6d: {  	v5 =	vld [tilespmem:s15+$0xFFFFFE90];
	[tilespmem:s16+$0xA0] =	vst v2  }
0x6e: {  	v2 =	vld [tilespmem:s15+$0x130]  }
0x6f: {  	v10 =	vld [tilespmem:s10+$0x330]  }
0x70: {  	v11 =	vld [tilespmem:s10+$0x3B0]  }
0x71: {  	v6 =	vshll.u32 v6, $0x4;
	v4 =	vshll.u32 v4, $0x4;
	v52 =	vld [tilespmem:s15+$0x1B0]  }
0x72: {  	v6 =	vshrl.u32 v8, v6;
	v8 =	vld [tilespmem:s15+$0xFFFFFF90];
	v4 =	vshrl.u32 v5, v4  }
0x73: {  	v6 =	vand.u32 $0xFFFF, v6;
	v5 =	vld [tilespmem:s15+$0xFFFFFF10];
	v4 =	vshll.u32 v4, $0x10  }
0x74: {  	v4 =	vor.u32 v6, v4;
	v6 =	vld [tilespmem:s15+$0x10]  }
0x75: {  	v10 =	vshll.u32 v10, $0x4;
	v11 =	vshll.u32 v11, $0x4;
	[tilespmem:s16+$0xFFFFFF10] =	vst v4;
	v4 =	vld [tilespmem:s15+$0x90]  }
0x76: {  	v2 =	vshrl.u32 v2, v10;
	v10 =	vshrl.u32 v52, v11;
	v53 =	vld [tilespmem:s10+$0x20]  }
0x77: {  	v11 =	vld [tilespmem:s10+$0xA0];
	v2 =	vand.u32 $0xFFFF, v2;
	v10 =	vshll.u32 v10, $0x10  }
0x78: {  	v54 =	vld [tilespmem:s15+$0xFFFFFE20];
	v2 =	vor.u32 v2, v10  }
0x79: {  	v7 =	vshll.u32 v7, $0x4;
	v1 =	vshll.u32 v1, $0x4;
	v10 =	vld [tilespmem:s15+$0xFFFFFEA0];
	[tilespmem:s16+$0xB0] =	vst v2  }
0x7a: {  	v1 =	vshrl.u32 v8, v1;
	v5 =	vshrl.u32 v5, v7;
	v7 =	vld [tilespmem:s15+$0x140]  }
0x7b: {  	v3 =	vshll.u32 v3, $0x4;
	v1 =	vshll.u32 v1, $0x10;
	v5 =	vand.u32 $0xFFFF, v5;
	v8 =	vld [tilespmem:s10+$0x340]  }
0x7c: {  	v2 =	vshll.u32 v9, $0x4;
	v1 =	vor.u32 v5, v1;
	v3 =	vshrl.u32 v4, v3;
	v4 =	vld [tilespmem:s10+$0x3C0]  }
0x7d: {  	v2 =	vshrl.u32 v6, v2;
	[tilespmem:s16+$0xFFFFFF90] =	vst v1;
	v1 =	vshll.u32 v3, $0x10;
	v3 =	vld [tilespmem:s15+$0x1C0]  }
0x7e: {  	v2 =	vand.u32 $0xFFFF, v2;
	v9 =	vld [tilespmem:s15+$0xFFFFFF20]  }
0x7f: {  	v1 =	vor.u32 v2, v1;
	v2 =	vld [tilespmem:s10+$0x120]  }
0x80: {  	[tilespmem:s16+$0x10] =	vst v1;
	v1 =	vld [tilespmem:s10+$0x1A0]  }
0x81: {  	v5 =	vld [tilespmem:s10+$0x220];
	v8 =	vshll.u32 v8, $0x4;
	v4 =	vshll.u32 v4, $0x4  }
0x82: {  	v6 =	vld [tilespmem:s10+$0x2A0];
	v7 =	vshrl.u32 v7, v8;
	v3 =	vshrl.u32 v3, v4  }
0x83: {  	v4 =	vld [tilespmem:s15+$0xFFFFFFA0];
	v7 =	vand.u32 $0xFFFF, v7;
	v3 =	vshll.u32 v3, $0x10  }
0x84: {  	v11 =	vshll.u32 v11, $0x4;
	v55 =	vld [tilespmem:s15+$0x20];
	v8 =	vshll.u32 v53, $0x4;
	v3 =	vor.u32 v7, v3  }
0x85: {  	v7 =	vshrl.u32 v54, v8;
	v8 =	vshrl.u32 v10, v11;
	v10 =	vld [tilespmem:s15+$0xA0];
	[tilespmem:s16+$0xC0] =	vst v3  }
0x86: {  	v3 =	vand.u32 $0xFFFF, v7;
	v7 =	vshll.u32 v8, $0x10;
	v8 =	vld [tilespmem:s15+$0x150]  }
0x87: {  	v2 =	vshll.u32 v2, $0x4;
	v1 =	vshll.u32 v1, $0x4;
	v3 =	vor.u32 v3, v7;
	v7 =	vld [tilespmem:s10+$0x350]  }
0x88: {  	v2 =	vshrl.u32 v9, v2;
	v5 =	vshll.u32 v5, $0x4;
	v1 =	vshrl.u32 v4, v1;
	v4 =	vld [tilespmem:s10+$0x3D0]  }
0x89: {  	v2 =	vand.u32 $0xFFFF, v2;
	[tilespmem:s16+$0xFFFFFF20] =	vst v3;
	v3 =	vshll.u32 v6, $0x4;
	v6 =	vld [tilespmem:s15+$0x1D0];
	v1 =	vshll.u32 v1, $0x10  }
0x8a: {  	v5 =	vshrl.u32 v55, v5;
	v9 =	vld [tilespmem:s10+$0x30];
	v1 =	vor.u32 v2, v1  }
0x8b: {  	v2 =	vshrl.u32 v10, v3;
	v3 =	vand.u32 $0xFFFF, v5;
	v5 =	vld [tilespmem:s10+$0xB0];
	[tilespmem:s16+$0xFFFFFFA0] =	vst v1  }
0x8c: {  	v1 =	vshll.u32 v2, $0x10;
	v2 =	vld [tilespmem:s10+$0x130]  }
0x8d: {  	v1 =	vor.u32 v3, v1;
	v3 =	vld [tilespmem:s10+$0x1B0]  }
0x8e: {  	v11 =	vld [tilespmem:s15+$0xFFFFFF30];
	[tilespmem:s16+$0x20] =	vst v1;
	v1 =	vshll.u32 v7, $0x4;
	v4 =	vshll.u32 v4, $0x4  }
0x8f: {  	v56 =	vld [tilespmem:s15+$0xFFFFFFB0];
	v1 =	vshrl.u32 v8, v1;
	v4 =	vshrl.u32 v6, v4  }
0x90: {  	v8 =	vld [tilespmem:s15+$0xFFFFFE30];
	v1 =	vand.u32 $0xFFFF, v1;
	v4 =	vshll.u32 v4, $0x10  }
0x91: {  	v1 =	vor.u32 v1, v4;
	v4 =	vld [tilespmem:s15+$0xFFFFFEB0]  }
0x92: {  	v7 =	vld [tilespmem:s10+$0x230]  }
0x93: {  	v6 =	vld [tilespmem:s10+$0x2B0];
	[tilespmem:s16+$0xD0] =	vst v1  }
0x94: {  	v1 =	vld [tilespmem:s15+$0x160]  }
0x95: {  	v9 =	vshll.u32 v9, $0x4;
	v5 =	vshll.u32 v5, $0x4;
	v10 =	vld [tilespmem:s10+$0x360]  }
0x96: {  	v57 =	vld [tilespmem:s10+$0x3E0];
	v8 =	vshrl.u32 v8, v9;
	v4 =	vshrl.u32 v4, v5  }
0x97: {  	v9 =	vld [tilespmem:s15+$0xB0];
	v8 =	vand.u32 $0xFFFF, v8;
	v4 =	vshll.u32 v4, $0x10  }
0x98: {  	v2 =	vshll.u32 v2, $0x4;
	v3 =	vshll.u32 v3, $0x4;
	v5 =	vld [tilespmem:s15+$0x30];
	v4 =	vor.u32 v8, v4  }
0x99: {  	v2 =	vshrl.u32 v11, v2;
	v3 =	vshrl.u32 v56, v3;
	v8 =	vld [tilespmem:s15+$0x1E0];
	[tilespmem:s16+$0xFFFFFF30] =	vst v4  }
0x9a: {  	v2 =	vand.u32 $0xFFFF, v2;
	v3 =	vshll.u32 v3, $0x10;
	v4 =	vshll.u32 v7, $0x4;
	v7 =	vld [tilespmem:s10+$0x40]  }
0x9b: {  	v6 =	vshll.u32 v6, $0x4;
	v2 =	vor.u32 v2, v3;
	v11 =	vld [tilespmem:s10+$0xC0]  }
0x9c: {  	[tilespmem:s16+$0xFFFFFFB0] =	vst v2;
	v3 =	vshrl.u32 v9, v6;
	v58 =	vld [tilespmem:s15+$0xFFFFFE40]  }
0x9d: {  	v2 =	vshll.u32 v3, $0x10;
	v3 =	vld [tilespmem:s10+$0x140];
	v4 =	vshrl.u32 v5, v4  }
0x9e: {  	v9 =	vshll.u32 v57, $0x4;
	v5 =	vld [tilespmem:s15+$0xFFFFFEC0];
	v4 =	vand.u32 $0xFFFF, v4  }
0x9f: {  	v2 =	vor.u32 v4, v2;
	v8 =	vshrl.u32 v8, v9;
	v9 =	vld [tilespmem:s15+$0xFFFFFF40]  }
0xa0: {  	[tilespmem:s16+$0x30] =	vst v2;
	v2 =	vld [tilespmem:s10+$0x1C0]  }
0xa1: {  	v4 =	vshll.u32 v10, $0x4;
	v6 =	vld [tilespmem:s10+$0x240]  }
0xa2: {  	v1 =	vshrl.u32 v1, v4;
	v8 =	vshll.u32 v8, $0x10;
	v4 =	vld [tilespmem:s10+$0x2C0]  }
0xa3: {  	v1 =	vand.u32 $0xFFFF, v1;
	v7 =	vshll.u32 v7, $0x4;
	v10 =	vshll.u32 v11, $0x4;
	v11 =	vld [tilespmem:s15+$0xFFFFFFC0]  }
0xa4: {  	v1 =	vor.u32 v1, v8;
	v7 =	vshrl.u32 v58, v7;
	v8 =	vld [tilespmem:s15+$0x40]  }
0xa5: {  	v5 =	vshrl.u32 v5, v10;
	[tilespmem:s16+$0xE0] =	vst v1;
	v1 =	vand.u32 $0xFFFF, v7;
	v7 =	vld [tilespmem:s15+$0xC0]  }
0xa6: {  	v5 =	vshll.u32 v5, $0x10;
	v10 =	vld [tilespmem:s15+$0x170]  }
0xa7: {  	v1 =	vor.u32 v1, v5;
	v5 =	vld [tilespmem:s10+$0x370]  }
0xa8: {  	v60 =	vld [tilespmem:s10+$0x3F0];
	[tilespmem:s16+$0xFFFFFF40] =	vst v1;
	v1 =	vshll.u32 v3, $0x4;
	v2 =	vshll.u32 v2, $0x4  }
0xa9: {  	v3 =	vshll.u32 v6, $0x4;
	v6 =	vld [tilespmem:s10+$0x50];
	v1 =	vshrl.u32 v9, v1;
	v2 =	vshrl.u32 v11, v2  }
0xaa: {  	v9 =	vld [tilespmem:s10+$0xD0];
	v1 =	vand.u32 $0xFFFF, v1;
	v2 =	vshll.u32 v2, $0x10  }
0xab: {  	v4 =	vshll.u32 v4, $0x4;
	v11 =	vld [tilespmem:s15+$0xFFFFFE50];
	v1 =	vor.u32 v1, v2  }
0xac: {  	v3 =	vshrl.u32 v8, v3;
	v2 =	vshrl.u32 v7, v4;
	v4 =	vld [tilespmem:s15+$0xFFFFFED0];
	[tilespmem:s16+$0xFFFFFFC0] =	vst v1  }
0xad: {  	v3 =	vand.u32 $0xFFFF, v3;
	v1 =	vshll.u32 v2, $0x10;
	v2 =	vld [tilespmem:s10+$0x150]  }
0xae: {  	v1 =	vor.u32 v3, v1;
	v3 =	vld [tilespmem:s10+$0x1D0]  }
0xaf: {  	v8 =	vld [tilespmem:s15+$0xFFFFFF50]  }
0xb0: {  	v59 =	vld [tilespmem:s15+$0xFFFFFFD0];
	[tilespmem:s16+$0x40] =	vst v1  }
0xb1: {  	v6 =	vshll.u32 v6, $0x4;
	v9 =	vshll.u32 v9, $0x4;
	v1 =	vld [tilespmem:s10+$0x250]  }
0xb2: {  	v7 =	vld [tilespmem:s10+$0x2D0];
	v6 =	vshrl.u32 v11, v6;
	v4 =	vshrl.u32 v4, v9  }
0xb3: {  	v11 =	vld [tilespmem:s15+$0xD0];
	v6 =	vand.u32 $0xFFFF, v6;
	v4 =	vshll.u32 v4, $0x10  }
0xb4: {  	v9 =	vld [tilespmem:s15+$0x50];
	v4 =	vor.u32 v6, v4  }
0xb5: {  	v6 =	vld [tilespmem:s15+$0x1F0];
	v2 =	vshll.u32 v2, $0x4;
	v3 =	vshll.u32 v3, $0x4;
	[tilespmem:s16+$0xFFFFFF50] =	vst v4  }
0xb6: {  	v2 =	vshrl.u32 v8, v2;
	v3 =	vshrl.u32 v59, v3;
	v4 =	vld [tilespmem:s10+$0x60]  }
0xb7: {  	v8 =	vld [tilespmem:s10+$0xE0];
	v2 =	vand.u32 $0xFFFF, v2;
	v3 =	vshll.u32 v3, $0x10  }
0xb8: {  	v1 =	vshll.u32 v1, $0x4;
	v7 =	vshll.u32 v7, $0x4;
	v61 =	vld [tilespmem:s15+$0xFFFFFE60];
	v2 =	vor.u32 v2, v3  }
0xb9: {  	v1 =	vshrl.u32 v9, v1;
	v3 =	vshrl.u32 v11, v7;
	v7 =	vld [tilespmem:s15+$0xFFFFFEE0];
	[tilespmem:s16+$0xFFFFFFD0] =	vst v2  }
0xba: {  	v1 =	vand.u32 $0xFFFF, v1;
	v2 =	vshll.u32 v3, $0x10;
	v3 =	vld [tilespmem:s10+$0x160]  }
0xbb: {  	v1 =	vor.u32 v1, v2;
	v2 =	vld [tilespmem:s10+$0x1E0]  }
0xbc: {  	v62 =	vld [tilespmem:s15+$0xFFFFFFE0];
	[tilespmem:s16+$0x50] =	vst v1  }
0xbd: {  	v9 =	vld [tilespmem:s10+$0x260];
	v1 =	vshll.u32 v4, $0x4;
	v4 =	vshll.u32 v8, $0x4  }
0xbe: {  	v8 =	vld [tilespmem:s10+$0x2E0];
	v1 =	vshrl.u32 v61, v1;
	v4 =	vshrl.u32 v7, v4  }
0xbf: {  	v5 =	vshll.u32 v5, $0x4;
	v7 =	vld [tilespmem:s15+$0xFFFFFF60];
	v1 =	vand.u32 $0xFFFF, v1;
	v4 =	vshll.u32 v4, $0x10  }
0xc0: {  	v5 =	vshrl.u32 v10, v5;
	v11 =	vshll.u32 v60, $0x4;
	v10 =	vld [tilespmem:s15+$0x60];
	v1 =	vor.u32 v1, v4  }
0xc1: {  	v6 =	vshrl.u32 v6, v11;
	v4 =	vand.u32 $0xFFFF, v5;
	v5 =	vld [tilespmem:s15+$0xE0];
	[tilespmem:s16+$0xFFFFFF60] =	vst v1  }
0xc2: {  	v6 =	vshll.u32 v6, $0x10;
	v3 =	vshll.u32 v3, $0x4;
	v1 =	vld [tilespmem:s10+$0x70]  }
0xc3: {  	s17 =	sand.u32 $0x1, s12;
	s20 =	simm.s32 $0x0;
	v11 =	vshll.u32 v2, $0x4;
	v4 =	vor.u32 v4, v6;
	v63 =	vshll.u32 v9, $0x4;
	v2 =	vld [tilespmem:s10+$0xF0]  }
0xc4: {  	s22 =	smov.u32 s10;
	s19 =	smov.u32 s10;
	s17 =	sshll.u32 s17, $0xC;
	v6 =	vshll.u32 v8, $0x4;
	v8 =	vshrl.u32 v62, v11;
	v7 =	vshrl.u32 v7, v3;
	v3 =	vld [tilespmem:s15+$0xFFFFFE70]  }
0xc5: {  	s17 =	sor.u32 $0xA000, s17;
	s21 =	sadd.s32 $0x400, s15;
	s18 =	smov.u32 s16;
	[tilespmem:s16+$0xF0] =	vst v4;
	v4 =	vld [tilespmem:s15+$0xFFFFFEF0];
	v9 =	vshll.u32 v8, $0x10;
	v8 =	vshrl.u32 v10, v63;
	v7 =	vand.u32 $0xFFFF, v7  }
.LBB2_8:
0xc6: {  	v10 =	vld [tilespmem:s21+$0x100];
	v7 =	vor.u32 v7, v9;
	v8 =	vand.u32 $0xFFFF, v8;
	v5 =	vshrl.u32 v5, v6;
	s22 =	sadd.s32 $0x400, s22  }
0xc7: {  	v6 =	vld [tilespmem:s22+$0x300];
	v1 =	vshll.u32 v1, $0x4;
	[tilespmem:s16+$0xFFFFFFE0] =	vst v7;
	v5 =	vshll.u32 v5, $0x10  }
0xc8: {  	v7 =	vld [tilespmem:s22+$0x380];
	v2 =	vshll.u32 v2, $0x4;
	v5 =	vor.u32 v8, v5  }
0xc9: {  	v8 =	vld [tilespmem:s21+$0x180];
	v1 =	vshrl.u32 v3, v1;
	[tilespmem:s16+$0x60] =	vst v5  }
0xca: {  	v3 =	vld [tilespmem:s22+$0x0];
	v1 =	vand.u32 $0xFFFF, v1;
	v2 =	vshrl.u32 v4, v2  }
0xcb: {  	v4 =	vld [tilespmem:s22+$0x80];
	v2 =	vshll.u32 v2, $0x10  }
0xcc: {  	v5 =	vld [tilespmem:s22+$0x100];
	v1 =	vor.u32 v1, v2  }
0xcd: {  	v6 =	vshll.u32 v6, $0x4;
	v2 =	vld [tilespmem:s22+$0x180];
	v7 =	vshll.u32 v7, $0x4;
	[tilespmem:s16+$0xFFFFFF70] =	vst v1  }
0xce: {  	v6 =	vshrl.u32 v10, v6;
	v1 =	vld [tilespmem:s22+$0x200];
	v7 =	vshrl.u32 v8, v7  }
0xcf: {  	v6 =	vand.u32 $0xFFFF, v6;
	v3 =	vshll.u32 v3, $0x4;
	v8 =	vld [tilespmem:s22+$0x280];
	v7 =	vshll.u32 v7, $0x10  }
0xd0: {  	s16 =	sadd.s32 $0x200, s16;
	v9 =	vld [tilespmem:s21+$0xFFFFFE80];
	v4 =	vshll.u32 v4, $0x4;
	v6 =	vor.u32 v6, v7  }
0xd1: {  	v7 =	vld [tilespmem:s21+$0xFFFFFF00];
	v5 =	vshll.u32 v5, $0x4;
	[tilespmem:s16+$0x80] =	vst v6  }
0xd2: {  	v2 =	vshll.u32 v2, $0x4;
	v6 =	vld [tilespmem:s21+$0x110]  }
0xd3: {  	v1 =	vshll.u32 v1, $0x4;
	v10 =	vld [tilespmem:s22+$0x310]  }
0xd4: {  	v8 =	vshll.u32 v8, $0x4;
	v11 =	vld [tilespmem:s22+$0x390]  }
0xd5: {  	v4 =	vshrl.u32 v9, v4;
	v9 =	vld [tilespmem:s21+$0x190]  }
0xd6: {  	s20 =	sadd.s32 $0x4, s20;
	v4 =	vshll.u32 v4, $0x10;
	v5 =	vshrl.u32 v7, v5;
	v7 =	vld [tilespmem:s21+$0xFFFFFF80]  }
0xd7: {  	p1 =	slt.u32 s20, $0x1C;
	v5 =	vand.u32 $0xFFFF, v5;
	v12 =	vld [tilespmem:s21+$0x0]  }
0xd8: {  	v13 =	vld [tilespmem:s21+$0x80]  }
0xd9: {  	v10 =	vshll.u32 v10, $0x4;
	v14 =	vld [tilespmem:s21+$0xFFFFFE00];
	v11 =	vshll.u32 v11, $0x4  }
0xda: {  	v6 =	vshrl.u32 v6, v10;
	v9 =	vshrl.u32 v9, v11;
	v10 =	vld [tilespmem:s19+$0x170]  }
0xdb: {  	v6 =	vand.u32 $0xFFFF, v6;
	v2 =	vshrl.u32 v7, v2;
	v7 =	vshll.u32 v9, $0x10;
	v9 =	vld [tilespmem:s19+$0x1F0]  }
0xdc: {  	v2 =	vshll.u32 v2, $0x10;
	v1 =	vshrl.u32 v12, v1;
	v6 =	vor.u32 v6, v7;
	v7 =	vld [tilespmem:s19+$0x270]  }
0xdd: {  	v2 =	vor.u32 v5, v2;
	v1 =	vand.u32 $0xFFFF, v1;
	v5 =	vshrl.u32 v13, v8;
	[tilespmem:s16+$0x90] =	vst v6;
	v6 =	vld [tilespmem:s19+$0x2F0];
	s19 =	smov.u32 s22  }
0xde: {  	v3 =	vshrl.u32 v14, v3;
	[tilespmem:s16+$0xFFFFFF80] =	vst v2;
	v2 =	vshll.u32 v5, $0x10;
	v5 =	vld [tilespmem:s21+$0x120]  }
0xdf: {  	v8 =	vand.u32 $0xFFFF, v3;
	v1 =	vor.u32 v1, v2;
	v11 =	vld [tilespmem:s22+$0x320];
	v3 =	vshll.u32 v10, $0x4  }
0xe0: {  	v2 =	vor.u32 v8, v4;
	[tilespmem:s16+$0x0] =	vst v1;
	v8 =	vld [tilespmem:s22+$0x3A0];
	v4 =	vshll.u32 v9, $0x4  }
0xe1: {  	[tilespmem:s16+$0xFFFFFF00] =	vst v2;
	v9 =	vld [tilespmem:s21+$0x1A0];
	v2 =	vshll.u32 v7, $0x4  }
0xe2: {  	v7 =	vld [tilespmem:s22+$0x10];
	v1 =	vshll.u32 v6, $0x4  }
0xe3: {  	v6 =	vld [tilespmem:s22+$0x90]  }
0xe4: {  	v10 =	vld [tilespmem:s22+$0x110]  }
0xe5: {  	v11 =	vshll.u32 v11, $0x4;
	v12 =	vld [tilespmem:s22+$0x190];
	v8 =	vshll.u32 v8, $0x4  }
0xe6: {  	v5 =	vshrl.u32 v5, v11;
	v13 =	vld [tilespmem:s22+$0x210];
	v8 =	vshrl.u32 v9, v8  }
0xe7: {  	v5 =	vand.u32 $0xFFFF, v5;
	v7 =	vshll.u32 v7, $0x4;
	v9 =	vld [tilespmem:s22+$0x290];
	v8 =	vshll.u32 v8, $0x10  }
0xe8: {  	v11 =	vld [tilespmem:s21+$0xFFFFFE10];
	v6 =	vshll.u32 v6, $0x4;
	v5 =	vor.u32 v5, v8  }
0xe9: {  	v8 =	vld [tilespmem:s21+$0xFFFFFE90];
	v10 =	vshll.u32 v10, $0x4;
	[tilespmem:s16+$0xA0] =	vst v5  }
0xea: {  	v5 =	vshll.u32 v12, $0x4;
	v12 =	vld [tilespmem:s21+$0x130]  }
0xeb: {  	v13 =	vshll.u32 v13, $0x4;
	v14 =	vld [tilespmem:s22+$0x330]  }
0xec: {  	v9 =	vshll.u32 v9, $0x4;
	v15 =	vld [tilespmem:s22+$0x3B0]  }
0xed: {  	v7 =	vshrl.u32 v11, v7;
	v11 =	vld [tilespmem:s21+$0x1B0]  }
0xee: {  	v7 =	vand.u32 $0xFFFF, v7;
	v6 =	vshrl.u32 v8, v6;
	v8 =	vld [tilespmem:s21+$0xFFFFFF10]  }
0xef: {  	v6 =	vshll.u32 v6, $0x10;
	v16 =	vld [tilespmem:s21+$0xFFFFFF90]  }
0xf0: {  	v6 =	vor.u32 v7, v6;
	v7 =	vld [tilespmem:s21+$0x10]  }
0xf1: {  	v14 =	vshll.u32 v14, $0x4;
	[tilespmem:s16+$0xFFFFFF10] =	vst v6;
	v6 =	vld [tilespmem:s21+$0x90];
	v15 =	vshll.u32 v15, $0x4  }
0xf2: {  	v12 =	vshrl.u32 v12, v14;
	v17 =	vld [tilespmem:s22+$0x20];
	v11 =	vshrl.u32 v11, v15  }
0xf3: {  	v14 =	vld [tilespmem:s22+$0xA0];
	v8 =	vshrl.u32 v8, v10;
	v10 =	vand.u32 $0xFFFF, v12;
	v11 =	vshll.u32 v11, $0x10  }
0xf4: {  	v12 =	vld [tilespmem:s21+$0xFFFFFE20];
	v8 =	vand.u32 $0xFFFF, v8;
	v5 =	vshrl.u32 v16, v5;
	v10 =	vor.u32 v10, v11  }
0xf5: {  	v11 =	vld [tilespmem:s21+$0xFFFFFEA0];
	v5 =	vshll.u32 v5, $0x10;
	v7 =	vshrl.u32 v7, v13;
	[tilespmem:s16+$0xB0] =	vst v10  }
0xf6: {  	v5 =	vor.u32 v8, v5;
	v7 =	vand.u32 $0xFFFF, v7;
	v6 =	vshrl.u32 v6, v9;
	v8 =	vld [tilespmem:s21+$0x140]  }
0xf7: {  	v9 =	vshll.u32 v17, $0x4;
	[tilespmem:s16+$0xFFFFFF90] =	vst v5;
	v5 =	vshll.u32 v6, $0x10;
	v6 =	vld [tilespmem:s22+$0x340]  }
0xf8: {  	v10 =	vshll.u32 v14, $0x4;
	v5 =	vor.u32 v7, v5;
	v7 =	vld [tilespmem:s22+$0x3C0]  }
0xf9: {  	v9 =	vshrl.u32 v12, v9;
	[tilespmem:s16+$0x10] =	vst v5;
	v5 =	vld [tilespmem:s21+$0x1C0]  }
0xfa: {  	v9 =	vand.u32 $0xFFFF, v9;
	v10 =	vshrl.u32 v11, v10;
	v11 =	vld [tilespmem:s22+$0x120]  }
0xfb: {  	v10 =	vshll.u32 v10, $0x10;
	v12 =	vld [tilespmem:s22+$0x1A0]  }
0xfc: {  	v9 =	vor.u32 v9, v10;
	v10 =	vld [tilespmem:s22+$0x220]  }
0xfd: {  	v6 =	vshll.u32 v6, $0x4;
	[tilespmem:s16+$0xFFFFFF20] =	vst v9;
	v9 =	vld [tilespmem:s22+$0x2A0];
	v7 =	vshll.u32 v7, $0x4  }
0xfe: {  	v6 =	vshrl.u32 v8, v6;
	v13 =	vld [tilespmem:s21+$0xFFFFFF20];
	v5 =	vshrl.u32 v5, v7  }
0xff: {  	v6 =	vand.u32 $0xFFFF, v6;
	v7 =	vshll.u32 v11, $0x4;
	v8 =	vld [tilespmem:s21+$0xFFFFFFA0];
	v5 =	vshll.u32 v5, $0x10  }
0x100: {  	v11 =	vshll.u32 v12, $0x4;
	v12 =	vld [tilespmem:s21+$0x20];
	v5 =	vor.u32 v6, v5  }
0x101: {  	v6 =	vshll.u32 v10, $0x4;
	v10 =	vld [tilespmem:s21+$0xA0];
	[tilespmem:s16+$0xC0] =	vst v5  }
0x102: {  	v5 =	vshll.u32 v9, $0x4;
	v9 =	vld [tilespmem:s21+$0x150]  }
0x103: {  	v7 =	vshrl.u32 v13, v7;
	v13 =	vld [tilespmem:s22+$0x350]  }
0x104: {  	v7 =	vand.u32 $0xFFFF, v7;
	v8 =	vshrl.u32 v8, v11;
	v11 =	vld [tilespmem:s22+$0x3D0]  }
0x105: {  	v8 =	vshll.u32 v8, $0x10;
	v6 =	vshrl.u32 v12, v6;
	v12 =	vld [tilespmem:s21+$0x1D0]  }
0x106: {  	v14 =	vld [tilespmem:s22+$0x30];
	v7 =	vor.u32 v7, v8;
	v6 =	vand.u32 $0xFFFF, v6;
	v5 =	vshrl.u32 v10, v5  }
0x107: {  	v8 =	vld [tilespmem:s22+$0xB0];
	[tilespmem:s16+$0xFFFFFFA0] =	vst v7;
	v5 =	vshll.u32 v5, $0x10  }
0x108: {  	v7 =	vld [tilespmem:s22+$0x130];
	v5 =	vor.u32 v6, v5  }
0x109: {  	v6 =	vld [tilespmem:s22+$0x1B0];
	[tilespmem:s16+$0x20] =	vst v5;
	v5 =	vshll.u32 v13, $0x4;
	v10 =	vshll.u32 v11, $0x4  }
0x10a: {  	v11 =	vld [tilespmem:s22+$0x230];
	v5 =	vshrl.u32 v9, v5;
	v9 =	vshrl.u32 v12, v10  }
0x10b: {  	v10 =	vshll.u32 v14, $0x4;
	v12 =	vld [tilespmem:s22+$0x2B0];
	v5 =	vand.u32 $0xFFFF, v5;
	v9 =	vshll.u32 v9, $0x10  }
0x10c: {  	v13 =	vld [tilespmem:s21+$0xFFFFFE30];
	v8 =	vshll.u32 v8, $0x4;
	v5 =	vor.u32 v5, v9  }
0x10d: {  	v9 =	vld [tilespmem:s21+$0xFFFFFEB0];
	v7 =	vshll.u32 v7, $0x4;
	[tilespmem:s16+$0xD0] =	vst v5  }
0x10e: {  	v5 =	vshll.u32 v6, $0x4;
	v6 =	vld [tilespmem:s21+$0x160]  }
0x10f: {  	v11 =	vshll.u32 v11, $0x4;
	v14 =	vld [tilespmem:s22+$0x360]  }
0x110: {  	v12 =	vshll.u32 v12, $0x4;
	v15 =	vld [tilespmem:s22+$0x3E0]  }
0x111: {  	v10 =	vshrl.u32 v13, v10;
	v13 =	vld [tilespmem:s21+$0x1E0]  }
0x112: {  	v10 =	vand.u32 $0xFFFF, v10;
	v8 =	vshrl.u32 v9, v8;
	v9 =	vld [tilespmem:s21+$0xFFFFFF30]  }
0x113: {  	v8 =	vshll.u32 v8, $0x10;
	v16 =	vld [tilespmem:s21+$0xFFFFFFB0]  }
0x114: {  	v8 =	vor.u32 v10, v8;
	v10 =	vld [tilespmem:s21+$0x30]  }
0x115: {  	v14 =	vshll.u32 v14, $0x4;
	[tilespmem:s16+$0xFFFFFF30] =	vst v8;
	v8 =	vld [tilespmem:s21+$0xB0];
	v15 =	vshll.u32 v15, $0x4  }
0x116: {  	v6 =	vshrl.u32 v6, v14;
	v17 =	vld [tilespmem:s22+$0x40];
	v13 =	vshrl.u32 v13, v15  }
0x117: {  	v6 =	vand.u32 $0xFFFF, v6;
	v14 =	vld [tilespmem:s22+$0xC0];
	v7 =	vshrl.u32 v9, v7;
	v9 =	vshll.u32 v13, $0x10  }
0x118: {  	v13 =	vld [tilespmem:s21+$0xFFFFFE40];
	v7 =	vand.u32 $0xFFFF, v7;
	v5 =	vshrl.u32 v16, v5;
	v6 =	vor.u32 v6, v9  }
0x119: {  	v9 =	vld [tilespmem:s21+$0xFFFFFEC0];
	v5 =	vshll.u32 v5, $0x10;
	v10 =	vshrl.u32 v10, v11;
	[tilespmem:s16+$0xE0] =	vst v6  }
0x11a: {  	v5 =	vor.u32 v7, v5;
	v6 =	vand.u32 $0xFFFF, v10;
	v7 =	vshrl.u32 v8, v12;
	v8 =	vld [tilespmem:s21+$0x170]  }
0x11b: {  	v10 =	vshll.u32 v17, $0x4;
	[tilespmem:s16+$0xFFFFFFB0] =	vst v5;
	v5 =	vshll.u32 v7, $0x10;
	v7 =	vld [tilespmem:s22+$0x370]  }
0x11c: {  	v11 =	vshll.u32 v14, $0x4;
	v5 =	vor.u32 v6, v5;
	v6 =	vld [tilespmem:s22+$0x3F0]  }
0x11d: {  	v10 =	vshrl.u32 v13, v10;
	[tilespmem:s16+$0x30] =	vst v5;
	v5 =	vld [tilespmem:s21+$0x1F0]  }
0x11e: {  	v10 =	vand.u32 $0xFFFF, v10;
	v9 =	vshrl.u32 v9, v11;
	v11 =	vld [tilespmem:s22+$0x140]  }
0x11f: {  	v9 =	vshll.u32 v9, $0x10;
	v12 =	vld [tilespmem:s22+$0x1C0]  }
0x120: {  	v9 =	vor.u32 v10, v9;
	v10 =	vld [tilespmem:s22+$0x240]  }
0x121: {  	v7 =	vshll.u32 v7, $0x4;
	[tilespmem:s16+$0xFFFFFF40] =	vst v9;
	v9 =	vld [tilespmem:s22+$0x2C0];
	v6 =	vshll.u32 v6, $0x4  }
0x122: {  	v7 =	vshrl.u32 v8, v7;
	v13 =	vld [tilespmem:s21+$0xFFFFFF40];
	v5 =	vshrl.u32 v5, v6  }
0x123: {  	v7 =	vand.u32 $0xFFFF, v7;
	v6 =	vshll.u32 v11, $0x4;
	v8 =	vld [tilespmem:s21+$0xFFFFFFC0];
	v5 =	vshll.u32 v5, $0x10  }
0x124: {  	v11 =	vshll.u32 v12, $0x4;
	v12 =	vld [tilespmem:s21+$0x40];
	v5 =	vor.u32 v7, v5  }
0x125: {  	v7 =	vshll.u32 v10, $0x4;
	v10 =	vld [tilespmem:s21+$0xC0];
	[tilespmem:s16+$0xF0] =	vst v5  }
0x126: {  	v5 =	vld [tilespmem:s22+$0x50];
	v9 =	vshll.u32 v9, $0x4  }
0x127: {  	v14 =	vld [tilespmem:s22+$0xD0];
	v6 =	vshrl.u32 v13, v6  }
0x128: {  	v13 =	vld [tilespmem:s21+$0xFFFFFE50];
	v6 =	vand.u32 $0xFFFF, v6;
	v8 =	vshrl.u32 v8, v11  }
0x129: {  	v11 =	vld [tilespmem:s21+$0xFFFFFED0];
	v8 =	vshll.u32 v8, $0x10;
	v7 =	vshrl.u32 v12, v7  }
0x12a: {  	v6 =	vor.u32 v6, v8;
	v7 =	vand.u32 $0xFFFF, v7;
	v8 =	vshrl.u32 v10, v9;
	v9 =	vld [tilespmem:s15+$0xFFFFFF70]  }
0x12b: {  	v5 =	vshll.u32 v5, $0x4;
	[tilespmem:s16+$0xFFFFFFC0] =	vst v6;
	v6 =	vshll.u32 v8, $0x10;
	v8 =	vld [tilespmem:s15+$0xFFFFFFF0]  }
0x12c: {  	v10 =	vshll.u32 v14, $0x4;
	v12 =	vld [tilespmem:s22+$0x150];
	v6 =	vor.u32 v7, v6  }
0x12d: {  	v5 =	vshrl.u32 v13, v5;
	v7 =	vld [tilespmem:s22+$0x1D0];
	[tilespmem:s16+$0x40] =	vst v6  }
0x12e: {  	v5 =	vand.u32 $0xFFFF, v5;
	v6 =	vshrl.u32 v11, v10;
	v10 =	vld [tilespmem:s22+$0x250]  }
0x12f: {  	v6 =	vshll.u32 v6, $0x10;
	v11 =	vld [tilespmem:s22+$0x2D0];
	v3 =	vshrl.u32 v9, v3  }
0x130: {  	v5 =	vor.u32 v5, v6;
	v6 =	vld [tilespmem:s21+$0xFFFFFF50];
	v3 =	vand.u32 $0xFFFF, v3;
	v4 =	vshrl.u32 v8, v4  }
0x131: {  	[tilespmem:s16+$0xFFFFFF50] =	vst v5;
	v5 =	vshll.u32 v12, $0x4;
	v8 =	vld [tilespmem:s21+$0xFFFFFFD0];
	v4 =	vshll.u32 v4, $0x10  }
0x132: {  	v7 =	vshll.u32 v7, $0x4;
	v9 =	vld [tilespmem:s21+$0x50];
	v3 =	vor.u32 v3, v4  }
0x133: {  	v4 =	vshll.u32 v10, $0x4;
	v10 =	vld [tilespmem:s21+$0xD0];
	[tilespmem:s18+$0xFFFFFFF0] =	vst v3  }
0x134: {  	v3 =	vld [tilespmem:s22+$0x60];
	v11 =	vshll.u32 v11, $0x4  }
0x135: {  	v12 =	vld [tilespmem:s22+$0xE0];
	v5 =	vshrl.u32 v6, v5  }
0x136: {  	v6 =	vld [tilespmem:s21+$0xFFFFFE60];
	v5 =	vand.u32 $0xFFFF, v5;
	v7 =	vshrl.u32 v8, v7  }
0x137: {  	v8 =	vld [tilespmem:s21+$0xFFFFFEE0];
	v7 =	vshll.u32 v7, $0x10;
	v4 =	vshrl.u32 v9, v4  }
0x138: {  	v5 =	vor.u32 v5, v7;
	v4 =	vand.u32 $0xFFFF, v4;
	v7 =	vshrl.u32 v10, v11;
	v9 =	vld [tilespmem:s15+$0x70]  }
0x139: {  	v3 =	vshll.u32 v3, $0x4;
	[tilespmem:s16+$0xFFFFFFD0] =	vst v5;
	v5 =	vshll.u32 v7, $0x10;
	v7 =	vld [tilespmem:s15+$0xF0];
	s15 =	smov.u32 s21  }
0x13a: {  	v10 =	vshll.u32 v12, $0x4;
	v11 =	vld [tilespmem:s22+$0x160];
	v4 =	vor.u32 v4, v5  }
0x13b: {  	v3 =	vshrl.u32 v6, v3;
	v5 =	vld [tilespmem:s22+$0x1E0];
	[tilespmem:s16+$0x50] =	vst v4  }
0x13c: {  	v3 =	vand.u32 $0xFFFF, v3;
	v4 =	vshrl.u32 v8, v10;
	v6 =	vld [tilespmem:s22+$0x260]  }
0x13d: {  	v4 =	vshll.u32 v4, $0x10;
	v8 =	vld [tilespmem:s22+$0x2E0];
	v2 =	vshrl.u32 v9, v2  }
0x13e: {  	v3 =	vor.u32 v3, v4;
	v4 =	vld [tilespmem:s21+$0xFFFFFF60];
	v2 =	vand.u32 $0xFFFF, v2;
	v1 =	vshrl.u32 v7, v1  }
0x13f: {  	[tilespmem:s16+$0xFFFFFF60] =	vst v3;
	v3 =	vshll.u32 v11, $0x4;
	v9 =	vld [tilespmem:s21+$0xFFFFFFE0];
	v1 =	vshll.u32 v1, $0x10  }
0x140: {  	v10 =	vshll.u32 v5, $0x4;
	v11 =	vld [tilespmem:s21+$0x60];
	v1 =	vor.u32 v2, v1  }
.Ltmp6:
0x141: {  	v12 =	vshll.u32 v6, $0x4;
	v5 =	vld [tilespmem:s21+$0xE0];
	[tilespmem:s18+$0x70] =	vst v1;
	s18 =	smov.u32 s16;
	(pc) =	sbr.rel @p1 .LBB2_8-.Ltmp6, $4  }
0x142: {  	v1 =	vld [tilespmem:s22+$0x70];
	v6 =	vshll.u32 v8, $0x4  }
0x143: {  	v2 =	vld [tilespmem:s22+$0xF0];
	v4 =	vshrl.u32 v4, v3  }
0x144: {  	v3 =	vld [tilespmem:s21+$0xFFFFFE70];
	v7 =	vand.u32 $0xFFFF, v4;
	v8 =	vshrl.u32 v9, v10  }
0x145: {  	s21 =	sadd.s32 $0x400, s21;
	v4 =	vld [tilespmem:s15+$0xFFFFFEF0];
	v9 =	vshll.u32 v8, $0x10;
	v8 =	vshrl.u32 v11, v12  }
0x146: {  	v7 =	vor.u32 v7, v9  }
0x147: {  	[tilespmem:s16+$0xFFFFFFE0] =	vst v7  }
0x148: {  	v5 =	vshrl.u32 v5, v6;
	v56 =	vld [tilespmem:s19+$0x170]  }
0x149: {  	v55 =	vand.u32 $0xFFFF, v8;
	v5 =	vshll.u32 v5, $0x10;
	v57 =	vld [tilespmem:s19+$0x1F0]  }
0x14a: {  	v5 =	vor.u32 v55, v5;
	v60 =	vld [tilespmem:s15+$0xFFFFFF70]  }
0x14b: {  	v10 =	vld [tilespmem:s15+$0xFFFFFFF0];
	[tilespmem:s16+$0x60] =	vst v5  }
0x14c: {  	v58 =	vld [tilespmem:s19+$0x270]  }
0x14d: {  	v59 =	vld [tilespmem:s19+$0x2F0]  }
0x14e: {  	v1 =	vshll.u32 v1, $0x4;
	v2 =	vshll.u32 v2, $0x4;
	v11 =	vld [tilespmem:s15+$0x70]  }
0x14f: {  	v1 =	vshrl.u32 v3, v1;
	v2 =	vshrl.u32 v4, v2;
	v3 =	vld [tilespmem:s15+$0xF0]  }
0x150: {  	v1 =	vand.u32 $0xFFFF, v1;
	v2 =	vshll.u32 v2, $0x10  }
0x151: {  	v1 =	vor.u32 v1, v2;
	v2 =	vshll.u32 v56, $0x4;
	v61 =	vshll.u32 v57, $0x4  }
0x152: {  	v2 =	vshrl.u32 v60, v2;
	v4 =	vshrl.u32 v10, v61  }
0x153: {  	v62 =	vshll.u32 v58, $0x4;
	v63 =	vshll.u32 v59, $0x4;
	v2 =	vand.u32 $0xFFFF, v2  }
.Ltmp7:
0x154: {  	v4 =	vshll.u32 v4, $0x10;
	v5 =	vshrl.u32 v11, v62;
	v3 =	vshrl.u32 v3, v63;
	(pc) =	sbr.rel .LBB2_10-.Ltmp7, $4  }
0x155: {  	[tilespmem:s16+$0xFFFFFF70] =	vst v1;
	v1 =	vor.u32 v2, v4;
	v2 =	vand.u32 $0xFFFF, v5;
	v3 =	vshll.u32 v3, $0x10  }
0x156: {  	s30 =	sshrl.u32 s14, $0x1;
	s31 =	sshrl.u32 s14, $0x4;
	[tilespmem:s18+$0xFFFFFFF0] =	vst v1;
	v1 =	vor.u32 v2, v3  }
0x157: {  	s14 =	sadd.s32 s7, s31;
	s15 =	sand.u32 $0x7, s30;
	[tilespmem:s18+$0x70] =	vst v1  }
0x158: {  	[hbm4b:s14+s15] =	stream.linear.scatter [tilespmem:s17], [sflag:$0x4], $0x1000, $0x38;
	[tilespmem:$0xC000] =	vst v63  }
.LBB2_12:
0x159: {  	s2 =	simm.s32 $0x4  }
0x15a: {  	_ =	swait.ge [sflag:s2], $0x1000  }
0x15b: {  	[sflag:s2] =	ssyncset.done $0x0  }
0x15c: {  	[sflag:s2] =	ssyncadd.s32 $0xFFFFF000  }
0x15d: {  	_ =	sfence.sel $0x180000  }
0x15e: {  	s3 =	simm.s32 $0x2;
	[bflag:$0x0] =	sbarrier.arrive $0xFFFF  }
0x15f: {  	s30 =	simm.s32 $0x3;
	[sflag:s3] =	ssyncpa.u1 $0x1  }
0x160: {  	[sflag:s30] =	ssyncpa.u1 $0x1  }
0x161: {  	s31 =	simm.s32 $0x1;
	[sflag:s2] =	ssyncpa.u1 $0x1  }
0x162: {  	[sflag:s31] =	ssyncpa.u1 $0x1  }
0x163: {  	p0 =	sne.s32 s1, $0x0;
	_ =	strace $0x90000047  }
0x164: {  	s0 =	sadd.s32 @!p0 $0x100000, s0;
	[bflag:$0x2] =	sbarrier.arrive $0xFFFF  }
0x165: {  	[sflag:s0] =	ssyncadd.tile.s32 @!p0 $0x1;
	_ =	shalt  }
.Lfunc_end2:
_tile_overlayer_lowered:
.L_overlay_start_2:
0x166: {  	(tag) =	ssettag $0x2  }
0x167: {  	s0 =	rddreg [dreg:$0x0];
	s2 =	stileid.u32  }
0x168: {  	s1 =	rddreg [dreg:$0x1];
	p0 =	sne.s32 s2, $0x0  }
0x169: {  	s3 =	rddreg [dreg:$0x2];
	[bflag:$0x3] =	sbarrier.arrive $0xFFFF;
	s2 =	simm.s32 @!p0 $0x1C01  }
0x16a: {  	[timem:s3], [sflag:s2] =	dma.local @!p0 [hbm:s0], s1  }
0x16b: {  	s0 =	simm.s32 @!p0 $0x1  }
0x16c: {  	_ =	swait.ge @!p0 [sflag:s0], s1  }
0x16d: {  	s1 =	ssub.s32 @!p0 $0x0, s1;
	[sflag:s0] =	ssyncset.done @!p0 $0x0  }
0x16e: {  	[sflag:s0] =	ssyncadd.s32 @!p0 s1  }
0x16f: {  	[bflag:$0x3] =	sbarrier.arrive $0xFFFF  }
0x170: {  	_ =	shalt  }

// kernel: scatter_offload_async_start.1
scs
__scs_entry_jumppad:
0x0: {  	(pc) =	sbr.rel $0x88, $3  }
0x1: {  	(tag) =	ssettag $0x0;
	lr =	simm.s32 $0x1  }
0x2: {  	[smem:$0x3F8F] =	sst lr;
	_ =	strace $0xD0000000  }
0x3: {  	_ = 	snop  }
0x4: {  	_ = 	snop  }
0x5: {  	_ = 	snop  }
0x6: {  	_ = 	snop  }
0x7: {  	_ = 	snop  }
__scs_overlays_trampoline_lowered:
0x8: {  	[smem:$0x3F9E] =	sst s0  }
0x9: {  	[smem:$0x3F9F] =	sst s1  }
0xa: {  	[smem:$0x3FA0] =	sst s2  }
0xb: {  	[smem:$0x3FA1] =	sst s3  }
0xc: {  	[smem:$0x3FA2] =	sst s4  }
0xd: {  	[smem:$0x3FA3] =	sst s5  }
0xe: {  	[smem:$0x3FA4] =	sst s6  }
0xf: {  	[smem:$0x3FA5] =	sst s7  }
0x10: {  	[smem:$0x3FA6] =	sst s8  }
0x11: {  	[smem:$0x3FA7] =	sst s9;
	s0 =	simm.s32 @!p0 $0x0  }
0x12: {  	s1 =	sld [smem:$0x3F8D];
	s0 =	simm.s32 @p0 $0x1  }
0x13: {  	[smem:$0x3FA8] =	sst s0;
	s0 =	simm.s32 @!p1 $0x0  }
0x14: {  	s2 =	sld [smem:$0x3F8C];
	s0 =	simm.s32 @p1 $0x1  }
0x15: {  	[smem:$0x3FA9] =	sst s0;
	s0 =	simm.s32 @!p2 $0x0  }
0x16: {  	s3 =	sld [smem:$0x3FDB];
	s0 =	simm.s32 @p2 $0x1  }
0x17: {  	s4 =	simm.s32 $0x1BF5;
	[smem:$0x3FAB] =	sst s0  }
0x18: {  	s0 =	sld [smem:$0x3F8E];
	_ =	swait.ge [sflag:s4], $0x0  }
0x19: {  	s7 =	sld [smem:$0x3F8F]  }
0x1a: {  	s8 =	sadd.s32 $0xFFFFE003, lr  }
0x1b: {  	s9 =	sadd.s32 $0xFFFFFEF7, lr;
	s5 =	simm.s32 $0xFFFFFFFF;
	p2 =	slt.u32 s8, $0xFFFFF086  }
0x1c: {  	p1 =	slt.u32 s9, $0xF7A;
	s5 =	simm.s32 @!p2 $0x0  }
0x1d: {  	s5 =	simm.s32 @p1 $0x1;
	p0 =	seq.s32 s7, s2  }
0x1e: {  	s7 =	smul.u32 @!p0 $0xF7A, s2;
	p2 =	seq.s32 @!p0 s5, $0x0  }
0x1f: {  	s9 =	smul.u32 $0xF7A, s1;
	s8 =	simm.s32 @!p0 $0x1BF5;
	p2 =	por !p2, p0  }
0x20: {  	[sflag:s8] =	ssyncset.s32 @!p0 $0xFFFFF086;
	s6 =	sadd.s32 @!p0 s3, s7;
	s7 =	simm.s32 @!p0 $0x108  }
0x21: {  	s3 =	sadd.s32 s3, s9;
	s6 =	sadd.s32 @!p0 $0x88, s6;
	s7 =	simm.s32 @p2 $0x1082  }
0x22: {  	[simem:s7], [sflag:s8] =	dma.local @!p0 [hbm:s6], $0xF7A  }
0x23: {  	s9 =	sor.u32 $0xD0000000, s2;
	s6 =	simm.s32 $0x108;
	_ =	swait.ge @!p0 [sflag:s8], $0x0  }
0x24: {  	s3 =	sadd.s32 $0x88, s3;
	s6 =	simm.s32 @!p1 $0x1082;
	[sflag:s4] =	ssyncset.s32 $0xFFFFF086  }
0x25: {  	[simem:s6], [sflag:s4] =	dma.local [hbm:s3], $0xF7A  }
0x26: {  	[smem:$0x3F8F] =	sst s1;
	(tag) =	ssettag s2;
	_ =	strace s9  }
0x27: {  	s1 =	sld [smem:$0x3F9F]  }
0x28: {  	s2 =	sld [smem:$0x3FA0]  }
0x29: {  	s4 =	sld [smem:$0x3FA2]  }
0x2a: {  	p0 =	seq.s32 s5, $0x0;
	s5 =	sld [smem:$0x3FA3]  }
0x2b: {  	s6 =	sld [smem:$0x3FA4]  }
0x2c: {  	s7 =	sld [smem:$0x3FA5]  }
0x2d: {  	s3 =	simm.s32 $0x108;
	s8 =	sld [smem:$0x3FA6]  }
0x2e: {  	s3 =	simm.s32 @!p0 $0x1082;
	s9 =	sld [smem:$0x3FA7]  }
0x2f: {  	lr =	sadd.s32 s0, s3;
	s0 =	sld [smem:$0x3F9E]  }
0x30: {  	s3 =	sld [smem:$0x3FA1]  }
0x31: {  	[smem:$0x3FAA] =	sst s10  }
0x32: {  	s10 =	sld [smem:$0x3FA8];
	_ =	sdelay $0x3  }
0x33: {  	p0 =	seq.s32 s10, $0x1;
	s10 =	sld [smem:$0x3FAA];
	_ =	sdelay $0x3  }
0x34: {  	[smem:$0x3FAA] =	sst s10  }
0x35: {  	s10 =	sld [smem:$0x3FA9];
	_ =	sdelay $0x3  }
0x36: {  	p1 =	seq.s32 s10, $0x1;
	s10 =	sld [smem:$0x3FAA];
	_ =	sdelay $0x3  }
0x37: {  	[smem:$0x3FAA] =	sst s10  }
0x38: {  	s10 =	sld [smem:$0x3FAB]  }
0x39: {  	_ = 	snop;
	(pc) =	sbr.ind lr, $3  }
0x3a: {  	_ = 	snop  }
0x3b: {  	_ = 	snop  }
0x3c: {  	p2 =	seq.s32 s10, $0x1;
	s10 =	sld [smem:$0x3FAA]  }
0x3d: {  	_ =	shalt  }
0x3e: {  	_ =	shalt  }
0x3f: {  	_ =	shalt  }
0x40: {  	_ =	shalt  }
0x41: {  	_ =	shalt  }
0x42: {  	_ =	shalt  }
0x43: {  	_ =	shalt  }
0x44: {  	_ =	shalt  }
0x45: {  	_ =	shalt  }
0x46: {  	_ =	shalt  }
0x47: {  	_ =	shalt  }
0x48: {  	_ =	shalt  }
0x49: {  	_ =	shalt  }
0x4a: {  	_ =	shalt  }
0x4b: {  	_ =	shalt  }
0x4c: {  	_ =	shalt  }
0x4d: {  	_ =	shalt  }
0x4e: {  	_ =	shalt  }
0x4f: {  	_ =	shalt  }
0x50: {  	_ =	shalt  }
0x51: {  	_ =	shalt  }
0x52: {  	_ =	shalt  }
0x53: {  	_ =	shalt  }
0x54: {  	_ =	shalt  }
0x55: {  	_ =	shalt  }
0x56: {  	_ =	shalt  }
0x57: {  	_ =	shalt  }
0x58: {  	_ =	shalt  }
0x59: {  	_ =	shalt  }
0x5a: {  	_ =	shalt  }
0x5b: {  	_ =	shalt  }
0x5c: {  	_ =	shalt  }
0x5d: {  	_ =	shalt  }
0x5e: {  	_ =	shalt  }
0x5f: {  	_ =	shalt  }
0x60: {  	_ =	shalt  }
0x61: {  	_ =	shalt  }
0x62: {  	_ =	shalt  }
0x63: {  	_ =	shalt  }
0x64: {  	_ =	shalt  }
0x65: {  	_ =	shalt  }
0x66: {  	_ =	shalt  }
0x67: {  	_ =	shalt  }
0x68: {  	_ =	shalt  }
0x69: {  	_ =	shalt  }
0x6a: {  	_ =	shalt  }
0x6b: {  	_ =	shalt  }
0x6c: {  	_ =	shalt  }
0x6d: {  	_ =	shalt  }
0x6e: {  	_ =	shalt  }
0x6f: {  	_ =	shalt  }
0x70: {  	_ =	shalt  }
0x71: {  	_ =	shalt  }
0x72: {  	_ =	shalt  }
0x73: {  	_ =	shalt  }
0x74: {  	_ =	shalt  }
0x75: {  	_ =	shalt  }
0x76: {  	_ =	shalt  }
0x77: {  	_ =	shalt  }
0x78: {  	_ =	shalt  }
0x79: {  	_ =	shalt  }
0x7a: {  	_ =	shalt  }
0x7b: {  	_ =	shalt  }
0x7c: {  	_ =	shalt  }
0x7d: {  	_ =	shalt  }
0x7e: {  	_ =	shalt  }
0x7f: {  	_ =	shalt  }
0x80: {  	_ =	shalt  }
0x81: {  	_ =	shalt  }
0x82: {  	_ =	shalt  }
0x83: {  	_ =	shalt  }
0x84: {  	_ =	shalt  }
0x85: {  	_ =	shalt  }
0x86: {  	_ =	shalt  }
0x87: {  	_ =	shalt  }
.Lfunc_end0:
.L_simem_size_0:
called_computation.1_lowered:
.L_overlay_start_0:
0x88: {  	s0 =	sld [smem:$0x3FD9]  }
0x89: {  	s1 =	sld [smem:$0x3FFE];
	_ =	sdelay $0x3  }
0x8a: {  	s0 =	sadd.s32 s1, s0  }
0x8b: {  	[smem:$0x3FB6] =	sst s0  }
0x8c: {  	_ = 	snop  }
0x8d: {  	(tm) =	ssettm $0x1  }
0x8e: {  	s14 =	sld [smem:$0x3FFB];
	_ =	sdelay $0x3  }
0x8f: {  	_ =	strace s14  }
0x90: {  	s0 =	sld [smem:$0x3FFC];
	_ =	sdelay $0x3  }
0x91: {  	_ =	strace s0  }
0x92: {  	s0 =	sld [smem:$0x3FFD];
	_ =	sdelay $0x3  }
0x93: {  	_ =	strace s0  }
0x94: {  	_ =	strace $0x8FFFFFFF  }
0x95: {  	s15 =	sld [smem:$0x3FDB];
	_ =	sdelay $0x1  }
0x96: {  	s16 =	simm.s32 $_scs_section_size  }
0x97: {  	s2 =	simm.s32 $_size__tile_overlayer_lowered;
	s3 =	simm.s32 $_tile_overlayer_lowered  }
0x98: {  	s4 =	simm.s32 $0x1BFF;
	s17 =	sshll.u32 s3, $0x1;
	s1 =	sadd.s32 s16, s15  }
0x99: {  	s18 =	simm.s32 $0x0;
	s2 =	sshll.u32 s2, $0x1;
	s3 =	sadd.s32 s17, s1  }
0x9a: {  	[timem:s18], [sflag:s4] =	dma.local [hbm:s3], s2  }
0x9b: {  	_ =	swait.ge [sflag:s4], s2  }
0x9c: {  	s2 =	ssub.s32 $0x0, s2;
	[sflag:s4] =	ssyncset.done $0x0  }
0x9d: {  	[sflag:s4] =	ssyncadd.s32 s2;
	_ =	sdelay $0x1  }
0x9e: {  	s19 =	simm.s32 $0x1B8B  }
0x9f: {  	_ =	swait.ge [sflag:s19], $0x1  }
0xa0: {  	[sflag:s19] =	ssyncset.done $0x0  }
0xa1: {  	s21 =	simm.s32 $0x1B8E;
	s20 =	sld [smem:$0x3FFE];
	[sflag:s19] =	ssyncadd.s32 $0xFFFFFFFF  }
0xa2: {  	s22 =	simm.s32 $execute0_lowered;
	[smem:$0x3FD2] =	sst s21  }
0xa3: {  	s3 =	sshll.u32 s22, $0x1;
	_ =	strace $0x8000005B;
	[dreg:$0x1] =	wrdreg $0xFFFFFFFF  }
0xa4: {  	s23 =	simm.s32 $_size_execute0_lowered;
	s3 =	sadd.s32 s1, s3;
	[dreg:$0x0] =	wrdreg $0x0  }
0xa5: {  	s4 =	sshll.u32 s23, $0x1;
	[dreg:$0x2] =	wrdreg s3  }
0xa6: {  	[dreg:$0x3] =	wrdreg s4  }
0xa7: {  	[dreg:$0x4] =	wrdreg $0xC0  }
0xa8: {  	s24 =	simm.s32 $execute1_lowered;
	_ =	task [dreg:s18], $0x5FFFF  }
0xa9: {  	s3 =	sshll.u32 s24, $0x1;
	[dreg:$0x1] =	wrdreg $0xFFFFFFFF  }
0xaa: {  	s1 =	sadd.s32 s1, s3;
	[dreg:$0x0] =	wrdreg $0x60  }
0xab: {  	[dreg:$0x2] =	wrdreg s1  }
0xac: {  	[dreg:$0x3] =	wrdreg s20  }
0xad: {  	[dreg:$0x4] =	wrdreg $0xB  }
0xae: {  	_ =	task.clear_ibuf [dreg:s18], $0x5FFFF;
	_ =	strace $0x9000005B  }
0xaf: {  	s25 =	simm.s32 $0xB;
	_ =	strace $0x8000005D  }
0xb0: {  	_ =	swait.ge [sflag:s25], $0x1  }
0xb1: {  	[sflag:s25] =	ssyncadd.s32 $0xFFFFFFFF  }
0xb2: {  	_ =	strace $0x9000005D  }
0xb3: {  	_ =	strace $0x8000005E;
	[dreg:$0x1] =	wrdreg $0xFFFFFFFF  }
0xb4: {  	[dreg:$0x0] =	wrdreg $0x2030  }
0xb5: {  	[dreg:$0x2] =	wrdreg s20  }
0xb6: {  	[dreg:$0x3] =	wrdreg $0xC  }
0xb7: {  	_ =	task.clear_ibuf [dreg:s18], $0x4FFFF;
	_ =	strace $0x9000005E  }
0xb8: {  	s26 =	simm.s32 $0xC;
	_ =	strace $0x80000060  }
0xb9: {  	_ =	swait.ge [sflag:s26], $0x1  }
0xba: {  	[sflag:s26] =	ssyncadd.s32 $0xFFFFFFFF  }
0xbb: {  	_ =	strace $0x90000060  }
0xbc: {  	_ =	sfence  }
0xbd: {  	s28 =	sld [smem:$0x0];
	_ =	sdelay $0x1  }
0xbe: {  	s29 =	srdreg.scid  }
0xbf: {  	s30 =	sshll.u32 s29, $0xD;
	s31 =	sshrl.u32 s29, $0x2  }
0xc0: {  	s2 =	sand.u32 $0x1, s29;
	s3 =	sand.u32 $0x4000, s30;
	s1 =	sadd.s32 s31, s28  }
0xc1: {  	s2 =	sor.u32 s3, s2;
	s1 =	sshll.u32 s1, $0x11  }
0xc2: {  	s1 =	sor.u32 s1, s2  }
0xc3: {  	s1 =	sadd.s32 $0x8F2B, s1  }
0xc4: {  	[sflag:s1] =	ssyncadd.remote.s32 $0x1  }
0xc5: {  	_ =	sfence.sel $0xFFFF  }
0xc6: {  	[dreg:$0x0] =	wrdreg $0xFFFFFFFF;
	(pc) =	sbr.abs _section_cstart, $3  }
0xc7: {  	[dreg:$0x1] =	wrdreg $0xFFFFFFFF  }
0xc8: {  	_ =	task.clear_ibuf [dreg:s18], $0x2FFFF;
	_ =	strace $0x9FFFFFFF  }
0xc9: {  	(tm) =	ssettm $0x7FFFFFFF  }
tec
execute0_lowered:
.L_overlay_start_1:
0x0: {  	(tag) =	ssettag $0x1  }
0x1: {  	s3 =	rddreg [dreg:$0x0];
	s4 =	stileid.u32  }
0x2: {  	s5 =	rddreg [dreg:$0x1];
	s2 =	smul.u32 $0x1B00, s4  }
0x3: {  	s0 =	rddreg [dreg:$0x2];
	[bflag:$0x3] =	sbarrier.arrive $0xFFFF;
	s1 =	simm.s32 $_size_execute1_lowered  }
0x4: {  	s1 =	sshll.u32 s1, $0x1;
	p0 =	sne.s32 s4, $0x0;
	s6 =	ssub.s32 $0x36000, s2  }
0x5: {  	s4 =	simm.s32 @!p0 $0x1C3F;
	s7 =	simm.s32 @!p0 $0x4060;
	s8 =	smulhi.u32 $0x25ED1, s6  }
0x6: {  	[timem:s7], [sflag:s4] =	dma.local @!p0 [hbm:s3], s1  }
0x7: {  	s30 =	sshrl.u32 s8, $0x2  }
0x8: {  	s31 =	simm.s32 $0x2;
	s8 =	smul.u32 $0x1B000, s30  }
.Ltmp0:
0x9: {  	s10 =	simm.s32 $0x0;
	s9 =	simm.s32 $0x0;
	(pc) =	sbr.rel .LBB2_1-.Ltmp0, $4  }
0xa: {  	s3 =	sadd.s32 $0x9C400, s5;
	p1 =	sne.s32 s6, s8;
	s6 =	simm.s32 $0x1  }
0xb: {  	s4 =	simm.s32 $0x1;
	_ =	strace $0x8000005C;
	s6 =	simm.s32 @!p1 $0x0  }
0xc: {  	s5 =	sadd.s32 $0x1000, s5;
	[sflag:s4] =	ssyncpa.u1 $0x0;
	s6 =	sadd.s32 s6, s30  }
0xd: {  	[sflag:s31] =	ssyncpa.u1 $0x0;
	s8 =	smov.u32 s2;
	s7 =	sadd.s32 $0x1, s6  }
.LBB2_4:
0xe: {  	[tilespmem:s11+$0x30] =	vst v0  }
0xf: {  	[tilespmem:s11+$0x40] =	vst v1  }
0x10: {  	[tilespmem:s11+$0x50] =	vst v2  }
0x11: {  	[tilespmem:s11+$0x60] =	vst v3;
	s13 =	sshrl.u32 s10, $0x3  }
0x12: {  	[tilespmem:s11+$0xFFFFFF80] =	vst v4;
	s31 =	sand.u32 $0x7, s10;
	s30 =	sadd.s32 s5, s13  }
0x13: {  	[hbm4b:s30+s31] =	stream.linear.scatter [tilespmem:s12], [sflag:$0x2], $0x1B00, $0x38;
	[tilespmem:$0x6C00] =	vst v63  }
.LBB2_5:
0x14: {  	s12 =	sadd.s32 $0x1B000, s8  }
0x15: {  	p2 =	sgt.s32 s12, $0x35FFF  }
0x16: {  	s12 =	smov.u32 @p2 s2;
	p2 =	sne.s32 s9, s7  }
.Ltmp1:
0x17: {  	p1 =	slt.u32 s9, $0x2;
	(pc) =	sbr.rel @!p2 .LBB2_6-.Ltmp1, $4  }
0x18: {  	s11 =	simm.s32 @!p1 $0x2  }
0x19: {  	_ =	swait.ge @!p1 [sflag:s11], $0x1B00  }
0x1a: {  	s13 =	sadd.s32 $0x1, s9;
	s10 =	smov.u32 s8;
	[sflag:s11] =	ssyncset.done @!p1 $0x0  }
0x1b: {  	s9 =	smov.u32 s13;
	s8 =	smov.u32 s12;
	[sflag:s11] =	ssyncadd.s32 @!p1 $0xFFFFE500  }
.LBB2_1:
0x1c: {  	p1 =	sge.u32 s9, s6  }
0x1d: {  	s11 =	sxor.u32 @!p1 $0xFFFFFFFF, s9  }
0x1e: {  	s11 =	sand.u32 @!p1 $0x1, s11  }
0x1f: {  	s11 =	smul.u32 @!p1 $0x6C00, s11  }
0x20: {  	s31 =	sadd.s32 $0xFFFFFFFF, s9;
	s12 =	sshrl.u32 @!p1 s8, $0x3  }
0x21: {  	s13 =	sand.u32 @!p1 $0x7, s8;
	s12 =	sadd.s32 @!p1 s3, s12;
	s11 =	sshrl.u32 @!p1 s11, $0x2  }
0x22: {  	[tilespmem:s11], [sflag:$0x1] =	stream.linear.gather @!p1 [hbm4b:s12+s13], $0x1B00, $0x38;
	[tilespmem:$0x6C00] =	vst v63  }
0x23: {  	p1 =	sge.u32 s31, s6  }
.Ltmp2:
0x24: {  	_ = 	snop;
	(pc) =	sbr.rel @p1 .LBB2_5-.Ltmp2, $1  }
0x25: {  	_ =	sdelay $0x3  }
0x26: {  	s11 =	sand.u32 $0x1, s9  }
0x27: {  	_ =	swait.ge [sflag:s4], $0x1B00;
	s12 =	simm.s32 $0x1B00;
	p1 =	seq.s32 s11, $0x1  }
0x28: {  	[sflag:s4] =	ssyncset.done $0x0;
	s12 =	simm.s32 @!p1 $0x0  }
0x29: {  	[sflag:s4] =	ssyncadd.s32 $0xFFFFE500;
	s14 =	sor.u32 $0x80, s12  }
0x2a: {  	v0 =	vld [tilespmem:s14+$0x70]  }
0x2b: {  	v1 =	vld [tilespmem:s14+$0xFFFFFF90]  }
0x2c: {  	v2 =	vld [tilespmem:s14+$0xFFFFFFA0]  }
0x2d: {  	v3 =	vld [tilespmem:s14+$0xFFFFFFB0]  }
0x2e: {  	s11 =	sadd.s32 $0x3680, s12;
	v4 =	vld [tilespmem:s14+$0xFFFFFFC0]  }
0x2f: {  	v5 =	vld [tilespmem:s14+$0xFFFFFFD0];
	[tilespmem:s11+$0x70] =	vst v0  }
0x30: {  	[tilespmem:s11+$0xFFFFFF90] =	vst v1;
	v0 =	vld [tilespmem:s14+$0xFFFFFFE0]  }
0x31: {  	[tilespmem:s11+$0xFFFFFFA0] =	vst v2;
	v1 =	vld [tilespmem:s14+$0xFFFFFFF0]  }
0x32: {  	[tilespmem:s11+$0xFFFFFFB0] =	vst v3;
	v2 =	vld [tilespmem:s14+$0x0]  }
0x33: {  	[tilespmem:s11+$0xFFFFFFC0] =	vst v4;
	v3 =	vld [tilespmem:s14+$0x10]  }
0x34: {  	[tilespmem:s11+$0xFFFFFFD0] =	vst v5;
	v5 =	vld [tilespmem:s14+$0x20]  }
0x35: {  	[tilespmem:s11+$0xFFFFFFE0] =	vst v0;
	v0 =	vld [tilespmem:s14+$0x30]  }
0x36: {  	[tilespmem:s11+$0xFFFFFFF0] =	vst v1;
	v1 =	vld [tilespmem:s14+$0x40]  }
0x37: {  	[tilespmem:s11+$0x0] =	vst v2;
	v2 =	vld [tilespmem:s14+$0x50]  }
0x38: {  	[tilespmem:s11+$0x10] =	vst v3;
	v3 =	vld [tilespmem:s14+$0x60]  }
0x39: {  	s13 =	simm.s32 $0x0;
	s12 =	sadd.s32 $0x3600, s12;
	v4 =	vld [tilespmem:s14+$0xFFFFFF80];
	[tilespmem:s11+$0x20] =	vst v5;
	s14 =	sadd.s32 $0x100, s14  }
.LBB2_3:
0x3a: {  	v5 =	vld [tilespmem:s14+$0x70];
	s13 =	sadd.s32 $0x100, s13;
	[tilespmem:s11+$0x30] =	vst v0  }
0x3b: {  	v0 =	vld [tilespmem:s14+$0xFFFFFF90];
	p1 =	slt.u32 s13, $0x1A00;
	[tilespmem:s11+$0x40] =	vst v1  }
0x3c: {  	v1 =	vld [tilespmem:s14+$0xFFFFFFA0];
	[tilespmem:s11+$0x50] =	vst v2  }
0x3d: {  	v2 =	vld [tilespmem:s14+$0xFFFFFFB0];
	[tilespmem:s11+$0x60] =	vst v3  }
0x3e: {  	v3 =	vld [tilespmem:s14+$0xFFFFFFC0];
	[tilespmem:s11+$0xFFFFFF80] =	vst v4;
	s11 =	sadd.s32 $0x100, s11  }
0x3f: {  	v4 =	vld [tilespmem:s14+$0xFFFFFFD0];
	[tilespmem:s11+$0x70] =	vst v5  }
0x40: {  	[tilespmem:s11+$0xFFFFFF90] =	vst v0;
	v0 =	vld [tilespmem:s14+$0xFFFFFFE0]  }
0x41: {  	[tilespmem:s11+$0xFFFFFFA0] =	vst v1;
	v1 =	vld [tilespmem:s14+$0xFFFFFFF0]  }
0x42: {  	[tilespmem:s11+$0xFFFFFFB0] =	vst v2;
	v2 =	vld [tilespmem:s14+$0x0]  }
0x43: {  	[tilespmem:s11+$0xFFFFFFC0] =	vst v3;
	v3 =	vld [tilespmem:s14+$0x10]  }
0x44: {  	[tilespmem:s11+$0xFFFFFFD0] =	vst v4;
	v5 =	vld [tilespmem:s14+$0x20]  }
.Ltmp3:
0x45: {  	[tilespmem:s11+$0xFFFFFFE0] =	vst v0;
	v0 =	vld [tilespmem:s14+$0x30];
	(pc) =	sbr.rel @p1 .LBB2_3-.Ltmp3, $4  }
0x46: {  	[tilespmem:s11+$0xFFFFFFF0] =	vst v1;
	v1 =	vld [tilespmem:s14+$0x40]  }
0x47: {  	[tilespmem:s11+$0x0] =	vst v2;
	v2 =	vld [tilespmem:s14+$0x50]  }
0x48: {  	[tilespmem:s11+$0x10] =	vst v3;
	v3 =	vld [tilespmem:s14+$0x60]  }
0x49: {  	v4 =	vld [tilespmem:s14+$0xFFFFFF80];
	[tilespmem:s11+$0x20] =	vst v5;
	s14 =	sadd.s32 $0x100, s14  }
.Ltmp4:
0x4a: {  	_ = 	snop;
	(pc) =	sbr.rel .LBB2_4-.Ltmp4, $1  }
0x4b: {  	_ =	sdelay $0x3  }
.LBB2_6:
0x4c: {  	_ =	sfence.sel $0x180000  }
0x4d: {  	s2 =	simm.s32 $0x1;
	[bflag:$0x0] =	sbarrier.arrive $0xFFFF  }
0x4e: {  	s31 =	simm.s32 $0x2;
	[sflag:s2] =	ssyncpa.u1 $0x1  }
0x4f: {  	[sflag:s31] =	ssyncpa.u1 $0x1  }
0x50: {  	_ =	strace $0x9000005C  }
0x51: {  	s0 =	sadd.s32 @!p0 $0x100000, s0;
	[bflag:$0x2] =	sbarrier.arrive $0xFFFF  }
0x52: {  	[sflag:s0] =	ssyncadd.tile.s32 @!p0 $0x1;
	s0 =	simm.s32 @!p0 $0x3F  }
0x53: {  	_ =	swait.ge @!p0 [sflag:s0], s1  }
0x54: {  	s1 =	ssub.s32 @!p0 $0x0, s1;
	[sflag:s0] =	ssyncset.done @!p0 $0x0  }
0x55: {  	[sflag:s0] =	ssyncadd.s32 @!p0 s1  }
0x56: {  	[bflag:$0x3] =	sbarrier.arrive $0xFFFF  }
0x57: {  	_ =	shalt  }
.Lfunc_end2:
execute1_lowered:
.L_overlay_start_2:
0x58: {  	(tag) =	ssettag $0x2  }
0x59: {  	s0 =	rddreg [dreg:$0x0];
	_ =	strace $0x8000005F;
	s2 =	simm.s32 $0x1  }
0x5a: {  	v1 =	vimm.s32 $0xFFFFFFFF;
	[sflag:s2] =	ssyncpa.u1 $0x0  }
0x5b: {  	[tilespmem:$0x10] =	vst v1  }
0x5c: {  	v0 =	vimm.f32 $0.0e+00;
	[tilespmem:$0x20] =	vst v1  }
0x5d: {  	[tilespmem:$0x30] =	vst v0  }
0x5e: {  	[tilespmem:$0x40] =	vst v0  }
0x5f: {  	s30 =	simm.s32 $0x2;
	s3 =	stileid.u32;
	s6 =	simm.s32 $0x7;
	[tilespmem:$0x50] =	vst v0  }
0x60: {  	s8 =	simm.s32 $0x8;
	s31 =	simm.s32 $0x9;
	s14 =	simm.s32 $0x0;
	[tilespmem:$0x60] =	vst v1  }
0x61: {  	s15 =	simm.s32 $0xFFFFE000;
	s16 =	simm.s32 $0xFF;
	p0 =	por $0x0, $0x0;
	[tilespmem:$0x70] =	vst v1  }
0x62: {  	s17 =	simm.s32 $0xFFFFC100;
	s18 =	simm.s32 $0xFFFFFFFE;
	s19 =	simm.s32 $0xF;
	[tilespmem:$0x80] =	vst v1  }
0x63: {  	s20 =	simm.s32 $0x30;
	s23 =	simm.s32 $0x0;
	s21 =	simm.s32 $0x0;
	v1 =	vimm.s32 $0x0;
	[tilespmem:$0xB0] =	vst v0  }
.Ltmp5:
0x64: {  	s1 =	sadd.s32 $0x1000, s0;
	s4 =	sadd.s32 $0xF0800, s0;
	[tilespmem:$0x90] =	vst v1;
	(pc) =	sbr.rel .LBB3_1-.Ltmp5, $4  }
0x65: {  	s5 =	sadd.s32 $0xF000, s0;
	s7 =	sshll.u32 s3, $0x10;
	[tilespmem:$0xA0] =	vst v1;
	[sflag:s30] =	ssyncpa.u1 $0x0  }
0x66: {  	s9 =	sshll.u32 s3, $0x1;
	s12 =	sshllo.u32 s3, $0x1;
	[sflag:s6] =	ssyncpa.u1 $0x0  }
0x67: {  	vm0 =	vmmov $0xffff;
	v2 =	vlaneseq.u32;
	s10 =	sadd.s32 $0x10000, s7;
	s11 =	sor.u32 $0x81, s9;
	[sflag:s8] =	ssyncpa.u1 $0x0  }
0x68: {  	vm1 =	vmxor vm1, vm1;
	vm2 =	vmmov $0x1;
	vm3 =	vcmask $0x3F3C;
	s13 =	sor.u32 $0x80, s9;
	s22 =	smov.u32 s7;
	[sflag:s31] =	ssyncpa.u1 $0x0  }
.LBB3_10:
0x69: {  	p1 =	slt.u32 s21, $0x3  }
0x6a: {  	s0 =	simm.s32 @!p1 $0x2  }
0x6b: {  	_ =	swait.ge @!p1 [sflag:s0], $0x2000  }
0x6c: {  	[sflag:s0] =	ssyncset.done @!p1 $0x0  }
0x6d: {  	[sflag:s0] =	ssyncadd.s32 @!p1 $0xFFFFE000;
	s0 =	simm.s32 @!p1 $0x9  }
0x6e: {  	_ =	swait.ge @!p1 [sflag:s0], $0x10  }
0x6f: {  	s21 =	sadd.s32 $0x1, s21;
	[sflag:s0] =	ssyncset.done @!p1 $0x0  }
0x70: {  	[sflag:s0] =	ssyncadd.s32 @!p1 $0xFFFFFFF0;
	p1 =	sne.s32 s21, $0xB  }
.Ltmp6:
0x71: {  	_ = 	snop;
	(pc) =	sbr.rel @!p1 .LBB3_11-.Ltmp6, $4  }
0x72: {  	s23 =	sadd.s32 $0x2000, s22;
	s24 =	smov.u32 s7  }
0x73: {  	s15 =	sadd.s32 $0x2000, s15;
	s16 =	sadd.s32 $0x1, s16;
	p2 =	slt.s32 s23, s10  }
0x74: {  	p0 =	por !p0, !p0;
	s17 =	sadd.s32 $0x2000, s17;
	s24 =	smov.u32 @p2 s23  }
0x75: {  	s18 =	sadd.s32 $0x1, s18;
	s23 =	smov.u32 s22;
	s22 =	smov.u32 s24  }
.LBB3_1:
0x76: {  	p1 =	sgt.u32 s21, $0x7  }
0x77: {  	s0 =	smul.u32 @!p1 $0xAB, s21;
	_ =	sdelay $0x1  }
0x78: {  	s0 =	sshrl.u32 @!p1 s0, $0x9  }
0x79: {  	s0 =	sand.u32 @!p1 $0x7F, s0  }
0x7a: {  	s0 =	smul.u32 @!p1 $0x3, s0;
	_ =	sdelay $0x1  }
0x7b: {  	s0 =	ssub.s32 @!p1 s21, s0  }
0x7c: {  	s0 =	sand.u32 @!p1 $0xFF, s0  }
0x7d: {  	s24 =	sshrl.u32 @!p1 s22, $0x3;
	s0 =	sshll.u32 @!p1 s0, $0xD  }
0x7e: {  	s25 =	sand.u32 @!p1 $0x7, s22;
	s24 =	sadd.s32 @!p1 s4, s24;
	s0 =	sor.u32 @!p1 $0x100, s0  }
0x7f: {  	[tilespmem:s0], [sflag:$0x7] =	stream.linear.gather @!p1 [hbm4b:s24+s25], $0x2000, $0x38;
	[tilespmem:$0x12120] =	vst v63  }
0x80: {  	s0 =	sadd.s32 $0xFFFFFFFF, s21  }
0x81: {  	p1 =	sgt.u32 s0, $0x7  }
.Ltmp7:
0x82: {  	_ = 	snop;
	(pc) =	sbr.rel @p1 .LBB3_5-.Ltmp7, $1  }
0x83: {  	_ =	sdelay $0x3  }
0x84: {  	s24 =	smul.u32 $0xAB, s0;
	_ =	sdelay $0x1  }
0x85: {  	s24 =	sshrl.u32 s24, $0x9  }
0x86: {  	s24 =	sand.u32 $0x7F, s24  }
0x87: {  	s24 =	smul.u32 $0x3, s24;
	_ =	sdelay $0x1  }
0x88: {  	s24 =	ssub.s32 s0, s24  }
0x89: {  	s24 =	sand.u32 $0xFF, s24  }
0x8a: {  	_ =	swait.ge [sflag:s6], $0x2000;
	s24 =	sshll.u32 s24, $0xD  }
0x8b: {  	[sflag:s6] =	ssyncset.done $0x0;
	s24 =	sor.u32 $0x100, s24  }
0x8c: {  	[sflag:s6] =	ssyncadd.s32 $0xFFFFE000;
	(ifvalue) =	ssetifvalue $0xFFFFFFFF;
	v3 =	vld.msk [tilespmem:s24+$0x0 ss:$0x1], $0xffff;
	_ =	sdelay $0x1  }
0x8d: {  	s28 =	sand.u32 $0xFF, s16  }
0x8e: {  	p1 =	sne.s32 s21, $0x1;
	s25 =	smulhi.u32 $0x55555556, s28  }
0x8f: {  	v4 =	vimm.s32 @!p1 $0x0  }
0x90: {  	s25 =	smul.u32 $0x18000, s25;
	v4 =	vperm.xlane @!p1 v3, v4  }
0x91: {  	s26 =	sshll.u32 s21, $0x4;
	s24 =	sshll.u32 s28, $0xF;
	vm4 =	vlt.u32 v3, $0x36000  }
0x92: {  	s29 =	sand.u32 $0x10, s26;
	s24 =	ssub.s32 s24, s25;
	v3 =	vnsel vm4, $0xFFFFFFFE, v3;
	vm4 =	vlt.u32 @!p1 v4, $0x36000  }
0x93: {  	s24 =	sshra.s32 s24, $0x2;
	[tilespmem:s29+$0x60] =	vst v3;
	v3 =	vnsel @!p1 vm4, $0xFFFFFFFE, v4  }
0x94: {  	s28 =	sadd.s32 $0x20F0, s24;
	[tilespmem:$0x80] =	vst @!p1 v3  }
0x95: {  	v3 =	vld.msk [tilespmem:s28+$0x0 ss:$0x1], $0xffff;
	_ =	sdelay $0x4  }
0x96: {  	(xrf1) =	vunique.msk.u32 $0xffff, v3;
	_ =	sdelay $0xd  }
0x97: {  	v4 =	vimm.s32 $0xFFFFFFFF;
	v5, _, _ =	vpop (xrf1)  }
0x98: {  	vm5 =	vne.s32 v3, v4;
	vm4 =	veq.s32 v5, v2  }
0x99: {  	vm6 =	vlt.u32 v3, $0x36000;
	vm4 =	vmand vm5, vm4  }
0x9a: {  	vm4 =	vmand vm6, vm4  }
0x9b: {  	v4 =	vnsel vm4, $0xFFFFFFFF, v3;
	_ =	sdelay $0x2  }
0x9c: {  	s30 =	sand.u32 $0x2000, s15  }
0x9d: {  	s31 =	sshll.u32 s0, $0xD;
	s24 =	sor.u32 $0x80F0, s30;
	(ifvalue) =	ssetifvalue $0xFFFFFFFF  }
0x9e: {  	v3 =	vperm.xlane v3, v1;
	[tilespmem:s24], [sflag:$0x8] =	stream.indirect_vreg.gather [hbm4b:s1+s14], $0x1, v4, vm0, $0x4038;
	v4 =	vnsel vm6, $0xFFFFFFFE, v4;
	[tilespmem:$0x12120] =	vst v63  }
0x9f: {  	s26 =	simm.s32 $0x0;
	s25 =	sand.u32 $0x2000, s31;
	s0 =	sadd.s32 $0xFFFFFFF0, s28;
	[tilespmem:s28+$0x0] =	vst v4  }
.LBB3_3:
0xa0: {  	v4 =	vld.msk [tilespmem:s0+$0x0 ss:$0x1], $0xffff;
	s26 =	sadd.s32 $0x10, s26;
	v5 =	vmov v3;
	s28 =	smov.u32 s0  }
0xa1: {  	p1 =	slt.u32 s26, $0x1FF0;
	_ =	sdelay $0x4  }
0xa2: {  	v3 =	vperm.xlane v4, v1;
	(xrf1) =	vunique.msk.u32 $0xffff, v4;
	_ =	sdelay $0xd  }
0xa3: {  	v6, _, _ =	vpop (xrf1)  }
0xa4: {  	vm5 =	vne.s32 v4, v5;
	vm4 =	veq.s32 v6, v2  }
0xa5: {  	vm6 =	vlt.u32 v4, $0x36000;
	vm4 =	vmand vm5, vm4  }
0xa6: {  	vm4 =	vmand vm6, vm4  }
0xa7: {  	v4 =	vnsel vm4, $0xFFFFFFFF, v4  }
.Ltmp8:
0xa8: {  	v5 =	vnsel vm6, $0xFFFFFFFE, v4;
	(pc) =	sbr.rel @p1 .LBB3_3-.Ltmp8, $3  }
0xa9: {  	_ =	sdelay $0x1  }
0xaa: {  	s0 =	sadd.s32 $0xFFFFFFF0, s0;
	s24 =	sadd.s32 $0xFFFFFFF0, s24;
	(ifvalue) =	ssetifvalue $0xFFFFFFFF  }
0xab: {  	[tilespmem:s24], [sflag:$0x8] =	stream.indirect_vreg.gather [hbm4b:s1+s14], $0x1, v4, vm0, $0x4038;
	[tilespmem:s28+$0x0] =	vst v5  }
0xac: {  	s0 =	sshrl.u32 s23, $0x3  }
0xad: {  	s31 =	sadd.s32 $0xA100, s25;
	s0 =	sadd.s32 s5, s0  }
0xae: {  	[tilespmem:s31], [sflag:$0x8] =	stream.linear.gather [hbm:s0], $0x2000, $0x38;
	[tilespmem:$0x12120] =	vst v63  }
.LBB3_5:
0xaf: {  	p1 =	sgt.u32 s21, $0xA  }
.Ltmp9:
0xb0: {  	_ = 	snop;
	(pc) =	sbr.rel @p1 .LBB3_7-.Ltmp9, $1  }
0xb1: {  	_ =	sdelay $0x3  }
0xb2: {  	s0 =	sshll.u32 s2, s21  }
0xb3: {  	s0 =	sand.u32 $0x403, s0  }
0xb4: {  	p1 =	sne.s32 s0, $0x0  }
.Ltmp10:
0xb5: {  	_ = 	snop;
	(pc) =	sbr.rel @p1 .LBB3_10-.Ltmp10, $1  }
0xb6: {  	_ =	sdelay $0x3  }
.LBB3_7:
0xb7: {  	s0 =	sadd.s32 $0xFFFFFFFE, s21  }
0xb8: {  	s23 =	smulhi.u32 $0xAAAAAAAB, s0;
	_ =	sdelay $0x1  }
0xb9: {  	s23 =	sshrl.u32 s23, $0x1  }
0xba: {  	s23 =	smul.u32 $0x3, s23;
	_ =	sdelay $0x1  }
0xbb: {  	_ =	swait.ge [sflag:s8], $0x4000;
	s0 =	ssub.s32 s0, s23  }
0xbc: {  	p1 =	sne.s32 s21, $0x9;
	[sflag:s8] =	ssyncset.done $0x0;
	s0 =	sshll.u32 s0, $0xD  }
0xbd: {  	[sflag:s8] =	ssyncadd.s32 $0xFFFFC000;
	s23 =	sadd.s32 @!p1 $0x20FF, s0  }
0xbe: {  	[spmem:s11] =	stream.linear.scatter @!p1 [tilespmem:s23], [sflag:$0x1], $0x1, $0x38;
	[tilespmem:$0x12120] =	vst v63  }
0xbf: {  	s23 =	simm.s32 @!p1 $0x1  }
0xc0: {  	_ =	swait.ge @!p1 [sflag:s23], $0x1  }
0xc1: {  	s24 =	sshll.u32 s21, $0x4;
	[sflag:s23] =	ssyncset.done @!p1 $0x0  }
0xc2: {  	[sflag:s23] =	ssyncadd.s32 @!p1 $0xFFFFFFFF;
	s23 =	sand.u32 $0x10, s24  }
0xc3: {  	v4 =	vld [tilespmem:s23+$0x10];
	s29 =	sxor.u32 $0x10, s23  }
0xc4: {  	v5 =	vld [tilespmem:s29+$0x60]  }
0xc5: {  	v3 =	vld [tilespmem:$0x80];
	_ =	sdelay $0x2  }
0xc6: {  	(v2sf) =	vpush v4, $0x0  }
0xc7: {  	(v2sf) =	vpush v5, $0x0  }
0xc8: {  	(v2sf) =	vpush v3, $0x0;
	_ =	sdelay $0xc  }
0xc9: {  	s24 =	spop (v2sf)  }
0xca: {  	s26 =	spop (v2sf)  }
0xcb: {  	s25 =	spop (v2sf)  }
0xcc: {  	p2 =	seq.s32 s24, s26;
	p3 =	seq.s32 s25, s24  }
0xcd: {  	p3 =	por p2, p3  }
0xce: {  	v4 =	vpsel p3, $0xFFFFFFFF, v4  }
0xcf: {  	s24 =	sand.u32 $0x1, s21;
	[tilespmem:s23+$0x10] =	vst.msk $0x1, v4  }
0xd0: {  	s26 =	sshll.u32 s24, $0xD;
	v4 =	vld [tilespmem:$0x30]  }
0xd1: {  	v5 =	vld [tilespmem:s26+$0xA100]  }
0xd2: {  	v6 =	vld [tilespmem:s23+$0x40];
	_ =	sdelay $0x3  }
0xd3: {  	vm4 =	vmmov vm1;
	v5 =	vadd.f32 v5, v4  }
0xd4: {  	vm5 =	vmmov vm2;
	vm4 =	vmmov @p2 vm2;
	s24 =	sshll.u32 s24, $0x4;
	v4 =	vadd.f32 v6, v4  }
0xd5: {  	vm5 =	vmmov @p3 vm1;
	s24 =	sor.u32 $0x12100, s24;
	[tilespmem:s26+$0xA100] =	vst.msk vm4, v5  }
0xd6: {  	[tilespmem:s24+$0x0] =	vst.msk vm5, v4  }
0xd7: {  	v4 =	vld [tilespmem:s26+$0x80F0];
	_ =	sdelay $0x3  }
0xd8: {  	v5 =	vimm.f32 $0.0e+00  }
0xd9: {  	v4 =	vshift.insert v4, v5, s19  }
0xda: {  	s28 =	sor.u32 $0x40, s29  }
0xdb: {  	[tilespmem:s28+$0x0] =	vst.msk $0x1, v4  }
0xdc: {  	[tilespmem:s26+$0x80FF] =	vst.msk $0x1, v5  }
0xdd: {  	v4 =	vld [tilespmem:s0+$0x20F0];
	_ =	sdelay $0x1  }
0xde: {  	s0 =	smulhi.u32 $0xAAAAAAAB, s18;
	_ =	sdelay $0x1  }
0xdf: {  	s28 =	simm.s32 $0x1;
	s0 =	sshrl.u32 s0, $0x1  }
0xe0: {  	s28 =	simm.s32 @!p0 $0x0;
	s0 =	smul.u32 $0xFFFE8000, s0;
	v4 =	vshift.insert v4, v1, s19  }
0xe1: {  	s30 =	sshll.u32 s28, $0xD  }
0xe2: {  	s28 =	sadd.s32 $0xA100, s30;
	s0 =	sshra.s32 s0, $0x2;
	[tilespmem:s29+$0x10] =	vst.msk $0x1, v4  }
0xe3: {  	s0 =	sadd.s32 s0, s17;
	v6 =	vld [tilespmem:s28+$0x0]  }
0xe4: {  	v7 =	vld [tilespmem:s0+$0x0];
	_ =	sdelay $0x3  }
0xe5: {  	v5 =	vadd.f32 v6, v5  }
0xe6: {  	vm4 =	vne.s32 v7, $0xFFFFFFFF  }
0xe7: {  	(xrf2) =	vadd.seg.scan.f32 vm4, v5;
	_ =	sdelay $0x3  }
0xe8: {  	s29 =	sadd.s32 $0x6100, s30;
	v5 =	vperm.xlane v4, v1  }
0xe9: {  	v6 =	vld [tilespmem:s29+$0x0]  }
0xea: {  	vm5 =	veq.s32 v7, v3;
	vm6 =	veq.s32 v7, v5  }
0xeb: {  	vm7 =	vgt.u32 v7, $0xFFFFFFFD;
	vm6 =	vmor vm6, vm5  }
0xec: {  	vm6 =	vmor vm6, vm7  }
0xed: {  	v9 =	vld [tilespmem:$0xA0];
	v7 =	vsel vm6, $0xFFFFFFFF, v7  }
0xee: {  	v10 =	vld [tilespmem:$0x90];
	v6 =	vsel vm5, $0x0, v6;
	v8, _, _ =	vpop (xrf2)  }
0xef: {  	v6 =	vadd.f32 v8, v6  }
0xf0: {  	s30 =	sadd.s32 $0xE100, s30  }
0xf1: {  	vm4 =	vmand vm4, vm3;
	[tilespmem:s30+$0x0] =	vst v6;
	(ifvalue) =	ssetifvalue $0xFFFFFFFF  }
0xf2: {  	vm6 =	veq.s32 v9, $0x1;
	[hbm4b:s1+s14] =	stream.indirect_vreg.scatter [tilespmem:s30], [sflag:$0x2], $0x1, v7, vm0, $0x4038;
	v7 =	vsel vm4, $0x0, v8;
	[tilespmem:$0x12120] =	vst v63  }
0xf3: {  	s31 =	simm.s32 $0x0;
	s0 =	sadd.s32 $0x10, s0;
	vm4 =	vmor vm6, vm5;
	v6 =	vsel vm5, v8, v10;
	v7 =	vshift.insert v7, v0, s19  }
.LBB3_8:
0xf4: {  	v8 =	vld [tilespmem:s0+$0x0];
	s28 =	sadd.s32 $0x10, s28  }
0xf5: {  	s29 =	sadd.s32 $0x10, s29;
	v9 =	vld [tilespmem:s28+$0x0]  }
0xf6: {  	s31 =	sadd.s32 $0x10, s31;
	v10 =	vld [tilespmem:s29+$0x0]  }
0xf7: {  	p2 =	slt.u32 s31, $0x1FF0;
	_ =	sdelay $0x2  }
0xf8: {  	v7 =	vadd.f32 v9, v7  }
0xf9: {  	vm5 =	vne.s32 v8, $0xFFFFFFFF  }
0xfa: {  	vm6 =	vmand vm5, vm3;
	(xrf2) =	vadd.seg.scan.f32 vm5, v7;
	_ =	sdelay $0x5  }
0xfb: {  	vm7 =	veq.s32 v8, v5;
	vm5 =	veq.s32 v8, v3  }
0xfc: {  	vm8 =	vgt.u32 v8, $0xFFFFFFFD;
	vm4 =	vmor vm4, vm5;
	vm7 =	vmor vm7, vm5  }
0xfd: {  	vm7 =	vmor vm7, vm8  }
0xfe: {  	v8 =	vsel vm7, $0xFFFFFFFF, v8  }
.Ltmp11:
0xff: {  	v7 =	vsel vm5, $0x0, v10;
	v9, _, _ =	vpop (xrf2);
	(pc) =	sbr.rel @p2 .LBB3_8-.Ltmp11, $4  }
0x100: {  	v6 =	vsel vm5, v9, v6;
	v10 =	vadd.f32 v9, v7;
	v7 =	vsel vm6, $0x0, v9  }
0x101: {  	s30 =	sadd.s32 $0x10, s30;
	v7 =	vshift.insert v7, v0, s19  }
0x102: {  	s0 =	sadd.s32 $0x10, s0;
	[tilespmem:s30+$0x0] =	vst v10;
	(ifvalue) =	ssetifvalue $0xFFFFFFFF  }
0x103: {  	[hbm4b:s1+s14] =	stream.indirect_vreg.scatter [tilespmem:s30], [sflag:$0x2], $0x1, v8, vm0, $0x4038;
	[tilespmem:$0x12120] =	vst v63  }
0x104: {  	v3 =	vld [tilespmem:s26+$0x100F0];
	_ =	sdelay $0x4  }
0x105: {  	v3 =	vshift.insert v3, v0, s19;
	_ =	sdelay $0x1  }
0x106: {  	[tilespmem:s20+$0x0] =	vst.msk $0x1, v3  }
0x107: {  	v3 =	vsel vm4, $0x1, v1;
	[tilespmem:$0x90] =	vst v6  }
0x108: {  	s0 =	sadd.s32 @!p1 $0x100FF, s26;
	[tilespmem:$0xA0] =	vst v3  }
0x109: {  	[spmem:s12] =	stream.linear.scatter @!p1 [tilespmem:s0], [sflag:$0x1], $0x1, $0x38;
	[tilespmem:$0x12120] =	vst v63  }
0x10a: {  	s0 =	simm.s32 @!p1 $0x1  }
0x10b: {  	v3 =	vmctz.xlane @!p1 vm4;
	_ =	swait.ge @!p1 [sflag:s0], $0x1  }
0x10c: {  	(v2sf) =	vpush @!p1 v4, $0x0  }
0x10d: {  	(v2sf) =	vpush @!p1 v3, $0x0;
	_ =	sdelay $0xd  }
0x10e: {  	s26 =	spop @!p1 (v2sf)  }
0x10f: {  	s28 =	spop @!p1 (v2sf)  }
0x110: {  	p2 =	sne.s32 @!p1 s25, s26;
	p3 =	slt.s32 @!p1 s28, $0xF  }
0x111: {  	[sflag:s0] =	ssyncset.done @!p1 $0x0;
	p2 =	por p2, p1;
	p3 =	por !p3, p1  }
0x112: {  	[sflag:s0] =	ssyncadd.s32 @!p1 $0xFFFFFFFF;
	v3 =	vimm.s32 @!p2 $0xFFFFFFFF;
	s28 =	simm.s32 @p3 $0xF  }
0x113: {  	[tilespmem:$0x80] =	vst @!p2 v3;
	s25 =	sadd.s32 @!p1 $0x90, s28  }
0x114: {  	[spmem:s9] =	stream.linear.scatter @!p1 [tilespmem:s25], [sflag:$0x1], $0x1, $0x38;
	[tilespmem:$0x12120] =	vst v63  }
0x115: {  	_ =	swait.ge @!p1 [sflag:s0], $0x1  }
0x116: {  	[sflag:s0] =	ssyncset.done @!p1 $0x0  }
0x117: {  	s25 =	simm.s32 @!p1 $0x80;
	[sflag:s0] =	ssyncadd.s32 @!p1 $0xFFFFFFFF  }
0x118: {  	[spmem:s13] =	stream.linear.scatter @!p1 [tilespmem:s25], [sflag:$0x1], $0x1, $0x38;
	[tilespmem:$0x12120] =	vst v63  }
0x119: {  	_ =	swait.ge @!p1 [sflag:s0], $0x1  }
0x11a: {  	[sflag:s0] =	ssyncset.done @!p1 $0x0  }
0x11b: {  	[sflag:s0] =	ssyncadd.s32 @!p1 $0xFFFFFFFF;
	(ifvalue) =	ssetifvalue $0xFFFFFFFF;
	v3 =	vld [tilespmem:s23+$0x10];
	_ =	sdelay $0x3  }
.Ltmp12:
0x11c: {  	_ = 	snop;
	(pc) =	sbr.rel .LBB3_10-.Ltmp12, $3  }
0x11d: {  	_ =	sdelay $0x1  }
0x11e: {  	(ifvalue) =	ssetifvalue $0xFFFFFFFF  }
0x11f: {  	[hbm4b:s1+s14] =	stream.indirect_vreg.scatter [tilespmem:s24], [sflag:$0x9], $0x1, v3, vm0, $0x4038;
	[tilespmem:$0x12120] =	vst v63  }
.LBB3_11:
0x120: {  	_ =	sfence.sel $0x180000  }
0x121: {  	s0 =	simm.s32 $0x7;
	[bflag:$0x0] =	sbarrier.arrive $0xFFFF  }
0x122: {  	s26 =	simm.s32 $0x8;
	[sflag:s0] =	ssyncpa.u1 $0x1  }
0x123: {  	s28 =	simm.s32 $0x9;
	[sflag:s26] =	ssyncpa.u1 $0x1  }
0x124: {  	[sflag:s28] =	ssyncpa.u1 $0x1  }
0x125: {  	_ =	sfence.stream.spmem  }
0x126: {  	s29 =	simm.s32 $0x3;
	[bflag:$0x0] =	sbarrier.arrive $0xFFFF  }
0x127: {  	s30 =	simm.s32 $0x4;
	[sflag:s29] =	ssyncpa.u1 $0x1  }
0x128: {  	s31 =	simm.s32 $0x3C;
	[sflag:s30] =	ssyncpa.u1 $0x1  }
0x129: {  	p0 =	sne.s32 s3, $0x0;
	[sflag:s31] =	ssyncpa.u1 $0x1  }
0x12a: {  	s0 =	simm.s32 @p0 $0x1;
	_ =	sfence @p0  }
0x12b: {  	[sflag:s0] =	ssyncpa.u1 @p0 $0x1;
	s0 =	simm.s32 @p0 $0x2  }
0x12c: {  	[sflag:s0] =	ssyncpa.u1 @p0 $0x1  }
0x12d: {  	_ =	strace @p0 $0x9000005F  }
0x12e: {  	[bflag:$0x2] =	sbarrier.arrive @p0 $0xFFFF  }
0x12f: {  	_ =	shalt @p0  }
.LBB3_12:
0x130: {  	_ =	sfence.stream.spmem;
	s0 =	simm.s32 $0x5  }
0x131: {  	s2 =	simm.s32 $0x80;
	s3 =	simm.s32 $0xC0;
	[sflag:s0] =	ssyncpa.u1 $0x0  }
0x132: {  	[tilespmem:s3], [sflag:$0x5] =	stream.linear.gather [spmem:s2], $0x20, $0x38;
	[tilespmem:$0x12120] =	vst v63  }
0x133: {  	s2 =	simm.s32 $0x0;
	s3 =	simm.s32 $0xE0  }
0x134: {  	[tilespmem:s3], [sflag:$0x5] =	stream.linear.gather [spmem:s2], $0x20, $0x38;
	[tilespmem:$0x12120] =	vst v63  }
.Ltmp13:
0x135: {  	_ = 	snop;
	(pc) =	sbr.rel .LBB3_13-.Ltmp13, $4  }
0x136: {  	_ =	swait.ge [sflag:s0], $0x40  }
0x137: {  	[sflag:s0] =	ssyncset.done $0x0  }
0x138: {  	s31 =	simm.s32 $0x6;
	[sflag:s0] =	ssyncadd.s32 $0xFFFFFFC0  }
0x139: {  	s4 =	simm.s32 $0x0;
	[sflag:s31] =	ssyncpa.u1 $0x0  }
.LBB3_18:
0x13a: {  	p0 =	sgt.u32 s5, $0x35FFF  }
0x13b: {  	s0 =	sshrl.u32 @!p0 s5, $0x3  }
0x13c: {  	s5 =	sand.u32 @!p0 $0x7, s5;
	s6 =	simm.s32 @!p0 $0xB0;
	s0 =	sadd.s32 @!p0 s1, s0  }
0x13d: {  	[tilespmem:s6], [sflag:$0x6] =	stream.linear.gather @!p0 [hbm4b:s0+s5], $0x1, $0x38;
	[tilespmem:$0x12120] =	vst v63  }
0x13e: {  	s0 =	simm.s32 @!p0 $0x6  }
0x13f: {  	_ =	swait.ge @!p0 [sflag:s0], $0x1  }
0x140: {  	[sflag:s0] =	ssyncset.done @!p0 $0x0  }
0x141: {  	[sflag:s0] =	ssyncadd.s32 @!p0 $0xFFFFFFFF  }
0x142: {  	v2 =	vmov @!p0 s4;
	v1 =	vld.msk @!p0 [tilespmem:$0xB0], $0x1;
	_ =	sdelay $0x3  }
0x143: {  	s0 =	simm.s32 @!p0 $0xE0  }
0x144: {  	[tilespmem:v2+s0+$0x0], v1 =	vst.idx.ret.add.f32.msk @!p0 $0x1, v1  }
0x145: {  	[tilespmem:s2+$0xC0] =	vst.msk $0x1, v0  }
0x146: {  	v0 =	vld.msk [tilespmem:s4+$0xE0], $0x1;
	_ =	sdelay $0x4  }
0x147: {  	[tilespmem:s2+$0xE0] =	vst.msk $0x1, v0;
	s2 =	sadd.s32 $0x1, s2  }
.LBB3_20:
0x148: {  	s4 =	sadd.s32 $0x1, s4  }
0x149: {  	p0 =	sne.s32 s4, $0x20  }
.Ltmp14:
0x14a: {  	_ = 	snop;
	(pc) =	sbr.rel @!p0 .LBB3_21-.Ltmp14, $1  }
0x14b: {  	_ =	sdelay $0x3  }
.LBB3_13:
0x14c: {  	v0 =	vld.msk [tilespmem:s4+$0xC0], $0x1;
	_ =	sdelay $0x4  }
0x14d: {  	(v2sf) =	vpush v0, $0x0;
	_ =	sdelay $0xe  }
0x14e: {  	s5 =	spop (v2sf)  }
0x14f: {  	p0 =	seq.s32 s5, $0xFFFFFFFF  }
.Ltmp15:
0x150: {  	_ = 	snop;
	(pc) =	sbr.rel @p0 .LBB3_20-.Ltmp15, $1  }
0x151: {  	_ =	sdelay $0x3  }
0x152: {  	p0 =	slt.s32 s2, $0x1  }
.Ltmp16:
0x153: {  	_ = 	snop;
	(pc) =	sbr.rel @p0 .LBB3_18-.Ltmp16, $1  }
0x154: {  	_ =	sdelay $0x3  }
0x155: {  	s6 =	simm.s32 $0xC0;
	p0 =	por $0x0, $0x0  }
0x156: {  	v1 =	vld.msk @!p0 [tilespmem:s6+$0x0], $0x1;
	_ =	sdelay $0x4  }
0x157: {  	(v2sf) =	vpush @!p0 v1, $0x0;
	_ =	sdelay $0xd  }
0x158: {  	p2 =	sne.s32 s2, $0x1  }
.Ltmp17:
0x159: {  	s0 =	spop @!p0 (v2sf);
	(pc) =	sbr.rel @!p2 .LBB3_17-.Ltmp17, $4  }
0x15a: {  	p1 =	seq.s32 @!p0 s5, s0  }
0x15b: {  	s0 =	simm.s32 $0x0;
	p1 =	por !p1, p0  }
0x15c: {  	s8 =	simm.s32 $0xFFFFFFFF;
	s0 =	simm.s32 @p1 $0xFFFFFFFF  }
0x15d: {  	s7 =	simm.s32 $0x1;
	s0 =	smov.u32 @p0 s8  }
.LBB3_16:
0x15e: {  	s8 =	smov.u32 s0;
	p0 =	sne.s32 s0, $0xFFFFFFFF  }
0x15f: {  	s6 =	sadd.s32 $0x1, s6;
	s0 =	smov.u32 s7;
	s7 =	sadd.s32 $0x1, s7  }
0x160: {  	p1 =	sne.s32 s2, s7;
	v1 =	vld.msk @!p0 [tilespmem:s6+$0x0], $0x1;
	_ =	sdelay $0x4  }
0x161: {  	(v2sf) =	vpush @!p0 v1, $0x0;
	_ =	sdelay $0xe  }
.Ltmp18:
0x162: {  	s9 =	spop @!p0 (v2sf);
	(pc) =	sbr.rel @p1 .LBB3_16-.Ltmp18, $4  }
0x163: {  	p2 =	seq.s32 @!p0 s5, s9  }
0x164: {  	p2 =	por !p2, p0  }
0x165: {  	s0 =	simm.s32 @p2 $0xFFFFFFFF  }
0x166: {  	s0 =	smov.u32 @p0 s8  }
.LBB3_17:
0x167: {  	p0 =	sne.s32 s0, $0xFFFFFFFF  }
.Ltmp19:
0x168: {  	_ = 	snop;
	(pc) =	sbr.rel @!p0 .LBB3_18-.Ltmp19, $1  }
0x169: {  	_ =	sdelay $0x3  }
0x16a: {  	v0 =	vld.msk [tilespmem:s4+$0xE0], $0x1;
	v1 =	vmov s0  }
.Ltmp20:
0x16b: {  	_ = 	snop;
	(pc) =	sbr.rel .LBB3_20-.Ltmp20, $2  }
0x16c: {  	_ =	sdelay $0x2  }
0x16d: {  	[tilespmem:v1+s3+$0x0], v0 =	vst.idx.ret.add.f32.msk $0x1, v0  }
.LBB3_21:
0x16e: {  	p0 =	slt.s32 s2, $0x1  }
.Ltmp21:
0x16f: {  	_ = 	snop;
	(pc) =	sbr.rel @p0 .LBB3_25-.Ltmp21, $3  }
0x170: {  	_ =	sdelay $0x1  }
0x171: {  	s0 =	simm.s32 $0x6  }
0x172: {  	s3 =	simm.s32 $0x0;
	[sflag:s0] =	ssyncpa.u1 $0x1  }
0x173: {  	s0 =	simm.s32 $0xC0  }
0x174: {  	v0 =	vld.msk [tilespmem:s0+$0x0], $0x1;
	_ =	sdelay $0x4  }
0x175: {  	(v2sf) =	vpush v0, $0x0;
	_ =	sdelay $0xe  }
0x176: {  	s2 =	sadd.s32 $0xFFFFFFFF, s2;
	s4 =	spop (v2sf)  }
0x177: {  	p1 =	sne.s32 s2, $0x0;
	p0 =	sgt.u32 s4, $0x35FFF  }
.Ltmp22:
0x178: {  	s5 =	sshrl.u32 @!p0 s4, $0x3;
	(pc) =	sbr.rel @!p1 .LBB3_24-.Ltmp22, $4  }
0x179: {  	s0 =	simm.s32 $0xE0;
	s4 =	sand.u32 @!p0 $0x7, s4;
	s5 =	sadd.s32 @!p0 s1, s5  }
0x17a: {  	[hbm4b:s5+s4] =	stream.linear.scatter @!p0 [tilespmem:s0], [sflag:$0x5], $0x1, $0x38;
	[tilespmem:$0x12120] =	vst v63  }
0x17b: {  	s5 =	simm.s32 $0x0  }
0x17c: {  	s4 =	simm.s32 $0xC1;
	s5 =	simm.s32 @!p0 $0x4  }
.LBB3_23:
0x17d: {  	v0 =	vld.msk [tilespmem:s4+$0x0], $0x1;
	s2 =	sadd.s32 $0xFFFFFFFF, s2;
	s3 =	sadd.s32 s3, s5  }
0x17e: {  	p0 =	sne.s32 s2, $0x0;
	_ =	sdelay $0x3  }
0x17f: {  	(v2sf) =	vpush v0, $0x0;
	_ =	sdelay $0xe  }
.Ltmp23:
0x180: {  	s6 =	spop (v2sf);
	(pc) =	sbr.rel @p0 .LBB3_23-.Ltmp23, $4  }
0x181: {  	s5 =	simm.s32 $0x0;
	p1 =	sgt.u32 s6, $0x35FFF  }
0x182: {  	s0 =	sadd.s32 $0x1, s0;
	s5 =	simm.s32 @!p1 $0x4;
	s7 =	sshrl.u32 @!p1 s6, $0x3  }
0x183: {  	s4 =	sadd.s32 $0x1, s4;
	s6 =	sand.u32 @!p1 $0x7, s6;
	s7 =	sadd.s32 @!p1 s1, s7  }
0x184: {  	[hbm4b:s7+s6] =	stream.linear.scatter @!p1 [tilespmem:s0], [sflag:$0x5], $0x1, $0x38;
	[tilespmem:$0x12120] =	vst v63  }
.LBB3_24:
0x185: {  	s0 =	sadd.s32 s3, s5  }
0x186: {  	s3 =	sshrl.u32 s0, $0x2  }
.LBB3_25:
0x187: {  	s0 =	simm.s32 $0x5  }
0x188: {  	_ =	swait.ge [sflag:s0], s3  }
0x189: {  	s1 =	ssub.s32 $0x0, s3;
	[sflag:s0] =	ssyncset.done $0x0  }
0x18a: {  	[sflag:s0] =	ssyncadd.s32 s1  }
0x18b: {  	[sflag:s0] =	ssyncpa.u1 $0x1  }
0x18c: {  	s29 =	simm.s32 $0x1;
	_ =	sfence  }
0x18d: {  	s30 =	simm.s32 $0x2;
	[sflag:s29] =	ssyncpa.u1 $0x1  }
0x18e: {  	[sflag:s30] =	ssyncpa.u1 $0x1  }
0x18f: {  	_ =	strace $0x9000005F  }
0x190: {  	[bflag:$0x2] =	sbarrier.arrive $0xFFFF  }
0x191: {  	s31 =	rddreg [dreg:$0x1]  }
0x192: {  	s0 =	sadd.s32 $0x100000, s31  }
0x193: {  	[sflag:s0] =	ssyncadd.tile.s32 $0x1;
	_ =	shalt  }
.Lfunc_end3:
_tile_overlayer_lowered:
.L_overlay_start_3:
0x194: {  	(tag) =	ssettag $0x3  }
0x195: {  	s0 =	rddreg [dreg:$0x0];
	s2 =	stileid.u32  }
0x196: {  	s1 =	rddreg [dreg:$0x1];
	p0 =	sne.s32 s2, $0x0  }
0x197: {  	s3 =	rddreg [dreg:$0x2];
	[bflag:$0x3] =	sbarrier.arrive $0xFFFF;
	s2 =	simm.s32 @!p0 $0x1C01  }
0x198: {  	[timem:s3], [sflag:s2] =	dma.local @!p0 [hbm:s0], s1  }
0x199: {  	s0 =	simm.s32 @!p0 $0x1  }
0x19a: {  	_ =	swait.ge @!p0 [sflag:s0], s1  }
0x19b: {  	s1 =	ssub.s32 @!p0 $0x0, s1;
	[sflag:s0] =	ssyncset.done @!p0 $0x0  }
0x19c: {  	[sflag:s0] =	ssyncadd.s32 @!p0 s1  }
0x19d: {  	[bflag:$0x3] =	sbarrier.arrive $0xFFFF  }
0x19e: {  	_ =	shalt  }

// kernel: scatter_offload_async_start.2
scs
__scs_entry_jumppad:
0x0: {  	(pc) =	sbr.rel $0x88, $3  }
0x1: {  	(tag) =	ssettag $0x0;
	lr =	simm.s32 $0x1  }
0x2: {  	[smem:$0x3F8F] =	sst lr;
	_ =	strace $0xD0000000  }
0x3: {  	_ = 	snop  }
0x4: {  	_ = 	snop  }
0x5: {  	_ = 	snop  }
0x6: {  	_ = 	snop  }
0x7: {  	_ = 	snop  }
__scs_overlays_trampoline_lowered:
0x8: {  	[smem:$0x3F9E] =	sst s0  }
0x9: {  	[smem:$0x3F9F] =	sst s1  }
0xa: {  	[smem:$0x3FA0] =	sst s2  }
0xb: {  	[smem:$0x3FA1] =	sst s3  }
0xc: {  	[smem:$0x3FA2] =	sst s4  }
0xd: {  	[smem:$0x3FA3] =	sst s5  }
0xe: {  	[smem:$0x3FA4] =	sst s6  }
0xf: {  	[smem:$0x3FA5] =	sst s7  }
0x10: {  	[smem:$0x3FA6] =	sst s8  }
0x11: {  	[smem:$0x3FA7] =	sst s9;
	s0 =	simm.s32 @!p0 $0x0  }
0x12: {  	s1 =	sld [smem:$0x3F8D];
	s0 =	simm.s32 @p0 $0x1  }
0x13: {  	[smem:$0x3FA8] =	sst s0;
	s0 =	simm.s32 @!p1 $0x0  }
0x14: {  	s2 =	sld [smem:$0x3F8C];
	s0 =	simm.s32 @p1 $0x1  }
0x15: {  	[smem:$0x3FA9] =	sst s0;
	s0 =	simm.s32 @!p2 $0x0  }
0x16: {  	s3 =	sld [smem:$0x3FDB];
	s0 =	simm.s32 @p2 $0x1  }
0x17: {  	s4 =	simm.s32 $0x1BF5;
	[smem:$0x3FAB] =	sst s0  }
0x18: {  	s0 =	sld [smem:$0x3F8E];
	_ =	swait.ge [sflag:s4], $0x0  }
0x19: {  	s7 =	sld [smem:$0x3F8F]  }
0x1a: {  	s8 =	sadd.s32 $0xFFFFE003, lr  }
0x1b: {  	s9 =	sadd.s32 $0xFFFFFEF7, lr;
	s5 =	simm.s32 $0xFFFFFFFF;
	p2 =	slt.u32 s8, $0xFFFFF086  }
0x1c: {  	p1 =	slt.u32 s9, $0xF7A;
	s5 =	simm.s32 @!p2 $0x0  }
0x1d: {  	s5 =	simm.s32 @p1 $0x1;
	p0 =	seq.s32 s7, s2  }
0x1e: {  	s7 =	smul.u32 @!p0 $0xF7A, s2;
	p2 =	seq.s32 @!p0 s5, $0x0  }
0x1f: {  	s9 =	smul.u32 $0xF7A, s1;
	s8 =	simm.s32 @!p0 $0x1BF5;
	p2 =	por !p2, p0  }
0x20: {  	[sflag:s8] =	ssyncset.s32 @!p0 $0xFFFFF086;
	s6 =	sadd.s32 @!p0 s3, s7;
	s7 =	simm.s32 @!p0 $0x108  }
0x21: {  	s3 =	sadd.s32 s3, s9;
	s6 =	sadd.s32 @!p0 $0x88, s6;
	s7 =	simm.s32 @p2 $0x1082  }
0x22: {  	[simem:s7], [sflag:s8] =	dma.local @!p0 [hbm:s6], $0xF7A  }
0x23: {  	s9 =	sor.u32 $0xD0000000, s2;
	s6 =	simm.s32 $0x108;
	_ =	swait.ge @!p0 [sflag:s8], $0x0  }
0x24: {  	s3 =	sadd.s32 $0x88, s3;
	s6 =	simm.s32 @!p1 $0x1082;
	[sflag:s4] =	ssyncset.s32 $0xFFFFF086  }
0x25: {  	[simem:s6], [sflag:s4] =	dma.local [hbm:s3], $0xF7A  }
0x26: {  	[smem:$0x3F8F] =	sst s1;
	(tag) =	ssettag s2;
	_ =	strace s9  }
0x27: {  	s1 =	sld [smem:$0x3F9F]  }
0x28: {  	s2 =	sld [smem:$0x3FA0]  }
0x29: {  	s4 =	sld [smem:$0x3FA2]  }
0x2a: {  	p0 =	seq.s32 s5, $0x0;
	s5 =	sld [smem:$0x3FA3]  }
0x2b: {  	s6 =	sld [smem:$0x3FA4]  }
0x2c: {  	s7 =	sld [smem:$0x3FA5]  }
0x2d: {  	s3 =	simm.s32 $0x108;
	s8 =	sld [smem:$0x3FA6]  }
0x2e: {  	s3 =	simm.s32 @!p0 $0x1082;
	s9 =	sld [smem:$0x3FA7]  }
0x2f: {  	lr =	sadd.s32 s0, s3;
	s0 =	sld [smem:$0x3F9E]  }
0x30: {  	s3 =	sld [smem:$0x3FA1]  }
0x31: {  	[smem:$0x3FAA] =	sst s10  }
0x32: {  	s10 =	sld [smem:$0x3FA8];
	_ =	sdelay $0x3  }
0x33: {  	p0 =	seq.s32 s10, $0x1;
	s10 =	sld [smem:$0x3FAA];
	_ =	sdelay $0x3  }
0x34: {  	[smem:$0x3FAA] =	sst s10  }
0x35: {  	s10 =	sld [smem:$0x3FA9];
	_ =	sdelay $0x3  }
0x36: {  	p1 =	seq.s32 s10, $0x1;
	s10 =	sld [smem:$0x3FAA];
	_ =	sdelay $0x3  }
0x37: {  	[smem:$0x3FAA] =	sst s10  }
0x38: {  	s10 =	sld [smem:$0x3FAB]  }
0x39: {  	_ = 	snop;
	(pc) =	sbr.ind lr, $3  }
0x3a: {  	_ = 	snop  }
0x3b: {  	_ = 	snop  }
0x3c: {  	p2 =	seq.s32 s10, $0x1;
	s10 =	sld [smem:$0x3FAA]  }
0x3d: {  	_ =	shalt  }
0x3e: {  	_ =	shalt  }
0x3f: {  	_ =	shalt  }
0x40: {  	_ =	shalt  }
0x41: {  	_ =	shalt  }
0x42: {  	_ =	shalt  }
0x43: {  	_ =	shalt  }
0x44: {  	_ =	shalt  }
0x45: {  	_ =	shalt  }
0x46: {  	_ =	shalt  }
0x47: {  	_ =	shalt  }
0x48: {  	_ =	shalt  }
0x49: {  	_ =	shalt  }
0x4a: {  	_ =	shalt  }
0x4b: {  	_ =	shalt  }
0x4c: {  	_ =	shalt  }
0x4d: {  	_ =	shalt  }
0x4e: {  	_ =	shalt  }
0x4f: {  	_ =	shalt  }
0x50: {  	_ =	shalt  }
0x51: {  	_ =	shalt  }
0x52: {  	_ =	shalt  }
0x53: {  	_ =	shalt  }
0x54: {  	_ =	shalt  }
0x55: {  	_ =	shalt  }
0x56: {  	_ =	shalt  }
0x57: {  	_ =	shalt  }
0x58: {  	_ =	shalt  }
0x59: {  	_ =	shalt  }
0x5a: {  	_ =	shalt  }
0x5b: {  	_ =	shalt  }
0x5c: {  	_ =	shalt  }
0x5d: {  	_ =	shalt  }
0x5e: {  	_ =	shalt  }
0x5f: {  	_ =	shalt  }
0x60: {  	_ =	shalt  }
0x61: {  	_ =	shalt  }
0x62: {  	_ =	shalt  }
0x63: {  	_ =	shalt  }
0x64: {  	_ =	shalt  }
0x65: {  	_ =	shalt  }
0x66: {  	_ =	shalt  }
0x67: {  	_ =	shalt  }
0x68: {  	_ =	shalt  }
0x69: {  	_ =	shalt  }
0x6a: {  	_ =	shalt  }
0x6b: {  	_ =	shalt  }
0x6c: {  	_ =	shalt  }
0x6d: {  	_ =	shalt  }
0x6e: {  	_ =	shalt  }
0x6f: {  	_ =	shalt  }
0x70: {  	_ =	shalt  }
0x71: {  	_ =	shalt  }
0x72: {  	_ =	shalt  }
0x73: {  	_ =	shalt  }
0x74: {  	_ =	shalt  }
0x75: {  	_ =	shalt  }
0x76: {  	_ =	shalt  }
0x77: {  	_ =	shalt  }
0x78: {  	_ =	shalt  }
0x79: {  	_ =	shalt  }
0x7a: {  	_ =	shalt  }
0x7b: {  	_ =	shalt  }
0x7c: {  	_ =	shalt  }
0x7d: {  	_ =	shalt  }
0x7e: {  	_ =	shalt  }
0x7f: {  	_ =	shalt  }
0x80: {  	_ =	shalt  }
0x81: {  	_ =	shalt  }
0x82: {  	_ =	shalt  }
0x83: {  	_ =	shalt  }
0x84: {  	_ =	shalt  }
0x85: {  	_ =	shalt  }
0x86: {  	_ =	shalt  }
0x87: {  	_ =	shalt  }
.Lfunc_end0:
.L_simem_size_0:
called_computation.2_lowered:
.L_overlay_start_0:
0x88: {  	s0 =	sld [smem:$0x3FD9]  }
0x89: {  	s1 =	sld [smem:$0x3FFE];
	_ =	sdelay $0x3  }
0x8a: {  	s0 =	sadd.s32 s1, s0  }
0x8b: {  	[smem:$0x3FB6] =	sst s0  }
0x8c: {  	_ = 	snop  }
0x8d: {  	(tm) =	ssettm $0x1  }
0x8e: {  	s14 =	sld [smem:$0x3FFB];
	_ =	sdelay $0x3  }
0x8f: {  	_ =	strace s14  }
0x90: {  	s0 =	sld [smem:$0x3FFC];
	_ =	sdelay $0x3  }
0x91: {  	_ =	strace s0  }
0x92: {  	s0 =	sld [smem:$0x3FFD];
	_ =	sdelay $0x3  }
0x93: {  	_ =	strace s0  }
0x94: {  	_ =	strace $0x8FFFFFFF  }
0x95: {  	s15 =	sld [smem:$0x3FDB];
	_ =	sdelay $0x1  }
0x96: {  	s16 =	simm.s32 $_scs_section_size  }
0x97: {  	s2 =	simm.s32 $_size__tile_overlayer_lowered;
	s3 =	simm.s32 $_tile_overlayer_lowered  }
0x98: {  	s4 =	simm.s32 $0x1BFF;
	s17 =	sshll.u32 s3, $0x1;
	s1 =	sadd.s32 s16, s15  }
0x99: {  	s18 =	simm.s32 $0x0;
	s2 =	sshll.u32 s2, $0x1;
	s3 =	sadd.s32 s17, s1  }
0x9a: {  	[timem:s18], [sflag:s4] =	dma.local [hbm:s3], s2  }
0x9b: {  	_ =	swait.ge [sflag:s4], s2  }
0x9c: {  	s2 =	ssub.s32 $0x0, s2;
	[sflag:s4] =	ssyncset.done $0x0  }
0x9d: {  	[sflag:s4] =	ssyncadd.s32 s2;
	_ =	sdelay $0x1  }
0x9e: {  	s19 =	simm.s32 $0x1B8B  }
0x9f: {  	_ =	swait.ge [sflag:s19], $0x1  }
0xa0: {  	[sflag:s19] =	ssyncset.done $0x0  }
0xa1: {  	s21 =	simm.s32 $0x1B8E;
	s20 =	sld [smem:$0x3FFE];
	[sflag:s19] =	ssyncadd.s32 $0xFFFFFFFF  }
0xa2: {  	s22 =	simm.s32 $execute0_lowered;
	[smem:$0x3FD2] =	sst s21  }
0xa3: {  	s3 =	sshll.u32 s22, $0x1;
	_ =	strace $0x80000061;
	[dreg:$0x1] =	wrdreg $0xFFFFFFFF  }
0xa4: {  	s23 =	simm.s32 $_size_execute0_lowered;
	s3 =	sadd.s32 s1, s3;
	[dreg:$0x0] =	wrdreg $0x0  }
0xa5: {  	s4 =	sshll.u32 s23, $0x1;
	[dreg:$0x2] =	wrdreg s3  }
0xa6: {  	[dreg:$0x3] =	wrdreg s4  }
0xa7: {  	[dreg:$0x4] =	wrdreg $0xC0  }
0xa8: {  	s24 =	simm.s32 $execute1_lowered;
	_ =	task [dreg:s18], $0x5FFFF  }
0xa9: {  	s3 =	sshll.u32 s24, $0x1;
	[dreg:$0x1] =	wrdreg $0xFFFFFFFF  }
0xaa: {  	s1 =	sadd.s32 s1, s3;
	[dreg:$0x0] =	wrdreg $0x60  }
0xab: {  	[dreg:$0x2] =	wrdreg s1  }
0xac: {  	[dreg:$0x3] =	wrdreg s20  }
0xad: {  	[dreg:$0x4] =	wrdreg $0xD  }
0xae: {  	_ =	task.clear_ibuf [dreg:s18], $0x5FFFF;
	_ =	strace $0x90000061  }
0xaf: {  	s25 =	simm.s32 $0xD;
	_ =	strace $0x80000063  }
0xb0: {  	_ =	swait.ge [sflag:s25], $0x1  }
0xb1: {  	[sflag:s25] =	ssyncadd.s32 $0xFFFFFFFF  }
0xb2: {  	_ =	strace $0x90000063  }
0xb3: {  	_ =	strace $0x80000064;
	[dreg:$0x1] =	wrdreg $0xFFFFFFFF  }
0xb4: {  	[dreg:$0x0] =	wrdreg $0x2030  }
0xb5: {  	[dreg:$0x2] =	wrdreg s20  }
0xb6: {  	[dreg:$0x3] =	wrdreg $0xE  }
0xb7: {  	_ =	task.clear_ibuf [dreg:s18], $0x4FFFF;
	_ =	strace $0x90000064  }
0xb8: {  	s26 =	simm.s32 $0xE;
	_ =	strace $0x80000066  }
0xb9: {  	_ =	swait.ge [sflag:s26], $0x1  }
0xba: {  	[sflag:s26] =	ssyncadd.s32 $0xFFFFFFFF  }
0xbb: {  	_ =	strace $0x90000066  }
0xbc: {  	_ =	sfence  }
0xbd: {  	s28 =	sld [smem:$0x0];
	_ =	sdelay $0x1  }
0xbe: {  	s29 =	srdreg.scid  }
0xbf: {  	s30 =	sshll.u32 s29, $0xD;
	s31 =	sshrl.u32 s29, $0x2  }
0xc0: {  	s2 =	sand.u32 $0x1, s29;
	s3 =	sand.u32 $0x4000, s30;
	s1 =	sadd.s32 s31, s28  }
0xc1: {  	s2 =	sor.u32 s3, s2;
	s1 =	sshll.u32 s1, $0x11  }
0xc2: {  	s1 =	sor.u32 s1, s2  }
0xc3: {  	s1 =	sadd.s32 $0x8F2B, s1  }
0xc4: {  	[sflag:s1] =	ssyncadd.remote.s32 $0x1  }
0xc5: {  	_ =	sfence.sel $0xFFFF  }
0xc6: {  	[dreg:$0x0] =	wrdreg $0xFFFFFFFF;
	(pc) =	sbr.abs _section_cstart, $3  }
0xc7: {  	[dreg:$0x1] =	wrdreg $0xFFFFFFFF  }
0xc8: {  	_ =	task.clear_ibuf [dreg:s18], $0x2FFFF;
	_ =	strace $0x9FFFFFFF  }
0xc9: {  	(tm) =	ssettm $0x7FFFFFFF  }
tec
execute0_lowered:
.L_overlay_start_1:
0x0: {  	(tag) =	ssettag $0x1  }
0x1: {  	s3 =	rddreg [dreg:$0x0];
	s4 =	stileid.u32  }
0x2: {  	s5 =	rddreg [dreg:$0x1];
	s2 =	smul.u32 $0x1B00, s4  }
0x3: {  	s0 =	rddreg [dreg:$0x2];
	[bflag:$0x3] =	sbarrier.arrive $0xFFFF;
	s1 =	simm.s32 $_size_execute1_lowered  }
0x4: {  	s1 =	sshll.u32 s1, $0x1;
	p0 =	sne.s32 s4, $0x0;
	s6 =	ssub.s32 $0x36000, s2  }
0x5: {  	s4 =	simm.s32 @!p0 $0x1C3F;
	s7 =	simm.s32 @!p0 $0x4060;
	s8 =	smulhi.u32 $0x25ED1, s6  }
0x6: {  	[timem:s7], [sflag:s4] =	dma.local @!p0 [hbm:s3], s1  }
0x7: {  	s30 =	sshrl.u32 s8, $0x2  }
0x8: {  	s31 =	simm.s32 $0x2;
	s8 =	smul.u32 $0x1B000, s30  }
.Ltmp0:
0x9: {  	s10 =	simm.s32 $0x0;
	s9 =	simm.s32 $0x0;
	(pc) =	sbr.rel .LBB2_1-.Ltmp0, $4  }
0xa: {  	s3 =	sadd.s32 $0x9C400, s5;
	p1 =	sne.s32 s6, s8;
	s6 =	simm.s32 $0x1  }
0xb: {  	s4 =	simm.s32 $0x1;
	_ =	strace $0x80000062;
	s6 =	simm.s32 @!p1 $0x0  }
0xc: {  	s5 =	sadd.s32 $0x110800, s5;
	[sflag:s4] =	ssyncpa.u1 $0x0;
	s6 =	sadd.s32 s6, s30  }
0xd: {  	[sflag:s31] =	ssyncpa.u1 $0x0;
	s8 =	smov.u32 s2;
	s7 =	sadd.s32 $0x1, s6  }
.LBB2_4:
0xe: {  	[tilespmem:s11+$0x30] =	vst v0  }
0xf: {  	[tilespmem:s11+$0x40] =	vst v1  }
0x10: {  	[tilespmem:s11+$0x50] =	vst v2  }
0x11: {  	[tilespmem:s11+$0x60] =	vst v3;
	s13 =	sshrl.u32 s10, $0x3  }
0x12: {  	[tilespmem:s11+$0xFFFFFF80] =	vst v4;
	s31 =	sand.u32 $0x7, s10;
	s30 =	sadd.s32 s5, s13  }
0x13: {  	[hbm4b:s30+s31] =	stream.linear.scatter [tilespmem:s12], [sflag:$0x2], $0x1B00, $0x38;
	[tilespmem:$0x6C00] =	vst v63  }
.LBB2_5:
0x14: {  	s12 =	sadd.s32 $0x1B000, s8  }
0x15: {  	p2 =	sgt.s32 s12, $0x35FFF  }
0x16: {  	s12 =	smov.u32 @p2 s2;
	p2 =	sne.s32 s9, s7  }
.Ltmp1:
0x17: {  	p1 =	slt.u32 s9, $0x2;
	(pc) =	sbr.rel @!p2 .LBB2_6-.Ltmp1, $4  }
0x18: {  	s11 =	simm.s32 @!p1 $0x2  }
0x19: {  	_ =	swait.ge @!p1 [sflag:s11], $0x1B00  }
0x1a: {  	s13 =	sadd.s32 $0x1, s9;
	s10 =	smov.u32 s8;
	[sflag:s11] =	ssyncset.done @!p1 $0x0  }
0x1b: {  	s9 =	smov.u32 s13;
	s8 =	smov.u32 s12;
	[sflag:s11] =	ssyncadd.s32 @!p1 $0xFFFFE500  }
.LBB2_1:
0x1c: {  	p1 =	sge.u32 s9, s6  }
0x1d: {  	s11 =	sxor.u32 @!p1 $0xFFFFFFFF, s9  }
0x1e: {  	s11 =	sand.u32 @!p1 $0x1, s11  }
0x1f: {  	s11 =	smul.u32 @!p1 $0x6C00, s11  }
0x20: {  	s31 =	sadd.s32 $0xFFFFFFFF, s9;
	s12 =	sshrl.u32 @!p1 s8, $0x3  }
0x21: {  	s13 =	sand.u32 @!p1 $0x7, s8;
	s12 =	sadd.s32 @!p1 s3, s12;
	s11 =	sshrl.u32 @!p1 s11, $0x2  }
0x22: {  	[tilespmem:s11], [sflag:$0x1] =	stream.linear.gather @!p1 [hbm4b:s12+s13], $0x1B00, $0x38;
	[tilespmem:$0x6C00] =	vst v63  }
0x23: {  	p1 =	sge.u32 s31, s6  }
.Ltmp2:
0x24: {  	_ = 	snop;
	(pc) =	sbr.rel @p1 .LBB2_5-.Ltmp2, $1  }
0x25: {  	_ =	sdelay $0x3  }
0x26: {  	s11 =	sand.u32 $0x1, s9  }
0x27: {  	_ =	swait.ge [sflag:s4], $0x1B00;
	s12 =	simm.s32 $0x1B00;
	p1 =	seq.s32 s11, $0x1  }
0x28: {  	[sflag:s4] =	ssyncset.done $0x0;
	s12 =	simm.s32 @!p1 $0x0  }
0x29: {  	[sflag:s4] =	ssyncadd.s32 $0xFFFFE500;
	s14 =	sor.u32 $0x80, s12  }
0x2a: {  	v0 =	vld [tilespmem:s14+$0x70]  }
0x2b: {  	v1 =	vld [tilespmem:s14+$0xFFFFFF90]  }
0x2c: {  	v2 =	vld [tilespmem:s14+$0xFFFFFFA0]  }
0x2d: {  	v3 =	vld [tilespmem:s14+$0xFFFFFFB0]  }
0x2e: {  	s11 =	sadd.s32 $0x3680, s12;
	v4 =	vld [tilespmem:s14+$0xFFFFFFC0]  }
0x2f: {  	v5 =	vld [tilespmem:s14+$0xFFFFFFD0];
	[tilespmem:s11+$0x70] =	vst v0  }
0x30: {  	[tilespmem:s11+$0xFFFFFF90] =	vst v1;
	v0 =	vld [tilespmem:s14+$0xFFFFFFE0]  }
0x31: {  	[tilespmem:s11+$0xFFFFFFA0] =	vst v2;
	v1 =	vld [tilespmem:s14+$0xFFFFFFF0]  }
0x32: {  	[tilespmem:s11+$0xFFFFFFB0] =	vst v3;
	v2 =	vld [tilespmem:s14+$0x0]  }
0x33: {  	[tilespmem:s11+$0xFFFFFFC0] =	vst v4;
	v3 =	vld [tilespmem:s14+$0x10]  }
0x34: {  	[tilespmem:s11+$0xFFFFFFD0] =	vst v5;
	v5 =	vld [tilespmem:s14+$0x20]  }
0x35: {  	[tilespmem:s11+$0xFFFFFFE0] =	vst v0;
	v0 =	vld [tilespmem:s14+$0x30]  }
0x36: {  	[tilespmem:s11+$0xFFFFFFF0] =	vst v1;
	v1 =	vld [tilespmem:s14+$0x40]  }
0x37: {  	[tilespmem:s11+$0x0] =	vst v2;
	v2 =	vld [tilespmem:s14+$0x50]  }
0x38: {  	[tilespmem:s11+$0x10] =	vst v3;
	v3 =	vld [tilespmem:s14+$0x60]  }
0x39: {  	s13 =	simm.s32 $0x0;
	s12 =	sadd.s32 $0x3600, s12;
	v4 =	vld [tilespmem:s14+$0xFFFFFF80];
	[tilespmem:s11+$0x20] =	vst v5;
	s14 =	sadd.s32 $0x100, s14  }
.LBB2_3:
0x3a: {  	v5 =	vld [tilespmem:s14+$0x70];
	s13 =	sadd.s32 $0x100, s13;
	[tilespmem:s11+$0x30] =	vst v0  }
0x3b: {  	v0 =	vld [tilespmem:s14+$0xFFFFFF90];
	p1 =	slt.u32 s13, $0x1A00;
	[tilespmem:s11+$0x40] =	vst v1  }
0x3c: {  	v1 =	vld [tilespmem:s14+$0xFFFFFFA0];
	[tilespmem:s11+$0x50] =	vst v2  }
0x3d: {  	v2 =	vld [tilespmem:s14+$0xFFFFFFB0];
	[tilespmem:s11+$0x60] =	vst v3  }
0x3e: {  	v3 =	vld [tilespmem:s14+$0xFFFFFFC0];
	[tilespmem:s11+$0xFFFFFF80] =	vst v4;
	s11 =	sadd.s32 $0x100, s11  }
0x3f: {  	v4 =	vld [tilespmem:s14+$0xFFFFFFD0];
	[tilespmem:s11+$0x70] =	vst v5  }
0x40: {  	[tilespmem:s11+$0xFFFFFF90] =	vst v0;
	v0 =	vld [tilespmem:s14+$0xFFFFFFE0]  }
0x41: {  	[tilespmem:s11+$0xFFFFFFA0] =	vst v1;
	v1 =	vld [tilespmem:s14+$0xFFFFFFF0]  }
0x42: {  	[tilespmem:s11+$0xFFFFFFB0] =	vst v2;
	v2 =	vld [tilespmem:s14+$0x0]  }
0x43: {  	[tilespmem:s11+$0xFFFFFFC0] =	vst v3;
	v3 =	vld [tilespmem:s14+$0x10]  }
0x44: {  	[tilespmem:s11+$0xFFFFFFD0] =	vst v4;
	v5 =	vld [tilespmem:s14+$0x20]  }
.Ltmp3:
0x45: {  	[tilespmem:s11+$0xFFFFFFE0] =	vst v0;
	v0 =	vld [tilespmem:s14+$0x30];
	(pc) =	sbr.rel @p1 .LBB2_3-.Ltmp3, $4  }
0x46: {  	[tilespmem:s11+$0xFFFFFFF0] =	vst v1;
	v1 =	vld [tilespmem:s14+$0x40]  }
0x47: {  	[tilespmem:s11+$0x0] =	vst v2;
	v2 =	vld [tilespmem:s14+$0x50]  }
0x48: {  	[tilespmem:s11+$0x10] =	vst v3;
	v3 =	vld [tilespmem:s14+$0x60]  }
0x49: {  	v4 =	vld [tilespmem:s14+$0xFFFFFF80];
	[tilespmem:s11+$0x20] =	vst v5;
	s14 =	sadd.s32 $0x100, s14  }
.Ltmp4:
0x4a: {  	_ = 	snop;
	(pc) =	sbr.rel .LBB2_4-.Ltmp4, $1  }
0x4b: {  	_ =	sdelay $0x3  }
.LBB2_6:
0x4c: {  	_ =	sfence.sel $0x180000  }
0x4d: {  	s2 =	simm.s32 $0x1;
	[bflag:$0x0] =	sbarrier.arrive $0xFFFF  }
0x4e: {  	s31 =	simm.s32 $0x2;
	[sflag:s2] =	ssyncpa.u1 $0x1  }
0x4f: {  	[sflag:s31] =	ssyncpa.u1 $0x1  }
0x50: {  	_ =	strace $0x90000062  }
0x51: {  	s0 =	sadd.s32 @!p0 $0x100000, s0;
	[bflag:$0x2] =	sbarrier.arrive $0xFFFF  }
0x52: {  	[sflag:s0] =	ssyncadd.tile.s32 @!p0 $0x1;
	s0 =	simm.s32 @!p0 $0x3F  }
0x53: {  	_ =	swait.ge @!p0 [sflag:s0], s1  }
0x54: {  	s1 =	ssub.s32 @!p0 $0x0, s1;
	[sflag:s0] =	ssyncset.done @!p0 $0x0  }
0x55: {  	[sflag:s0] =	ssyncadd.s32 @!p0 s1  }
0x56: {  	[bflag:$0x3] =	sbarrier.arrive $0xFFFF  }
0x57: {  	_ =	shalt  }
.Lfunc_end2:
execute1_lowered:
.L_overlay_start_2:
0x58: {  	(tag) =	ssettag $0x2  }
0x59: {  	s0 =	rddreg [dreg:$0x0];
	_ =	strace $0x80000065;
	s2 =	simm.s32 $0x1  }
0x5a: {  	v1 =	vimm.s32 $0xFFFFFFFF;
	[sflag:s2] =	ssyncpa.u1 $0x0  }
0x5b: {  	[tilespmem:$0x10] =	vst v1  }
0x5c: {  	v0 =	vimm.f32 $0.0e+00;
	[tilespmem:$0x20] =	vst v1  }
0x5d: {  	[tilespmem:$0x30] =	vst v0  }
0x5e: {  	[tilespmem:$0x40] =	vst v0  }
0x5f: {  	s30 =	simm.s32 $0x2;
	s3 =	stileid.u32;
	s6 =	simm.s32 $0x7;
	[tilespmem:$0x50] =	vst v0  }
0x60: {  	s8 =	simm.s32 $0x8;
	s31 =	simm.s32 $0x9;
	s14 =	simm.s32 $0x0;
	[tilespmem:$0x60] =	vst v1  }
0x61: {  	s15 =	simm.s32 $0xFFFFE000;
	s16 =	simm.s32 $0xFF;
	p0 =	por $0x0, $0x0;
	[tilespmem:$0x70] =	vst v1  }
0x62: {  	s17 =	simm.s32 $0xFFFFC100;
	s18 =	simm.s32 $0xFFFFFFFE;
	s19 =	simm.s32 $0xF;
	[tilespmem:$0x80] =	vst v1  }
0x63: {  	s20 =	simm.s32 $0x30;
	s23 =	simm.s32 $0x0;
	s1 =	sadd.s32 $0x110800, s0;
	v1 =	vimm.s32 $0x0;
	[tilespmem:$0xB0] =	vst v0  }
.Ltmp5:
0x64: {  	s21 =	simm.s32 $0x0;
	s4 =	sadd.s32 $0x1E0400, s0;
	[tilespmem:$0x90] =	vst v1;
	(pc) =	sbr.rel .LBB3_1-.Ltmp5, $4  }
0x65: {  	s5 =	sadd.s32 $0x200400, s0;
	s7 =	sshll.u32 s3, $0x10;
	[tilespmem:$0xA0] =	vst v1;
	[sflag:s30] =	ssyncpa.u1 $0x0  }
0x66: {  	s9 =	sshll.u32 s3, $0x1;
	s12 =	sshllo.u32 s3, $0x1;
	[sflag:s6] =	ssyncpa.u1 $0x0  }
0x67: {  	vm0 =	vmmov $0xffff;
	v2 =	vlaneseq.u32;
	s10 =	sadd.s32 $0x10000, s7;
	s11 =	sor.u32 $0x81, s9;
	[sflag:s8] =	ssyncpa.u1 $0x0  }
0x68: {  	vm1 =	vmxor vm1, vm1;
	vm2 =	vmmov $0x1;
	vm3 =	vcmask $0x3F3C;
	s13 =	sor.u32 $0x80, s9;
	s22 =	smov.u32 s7;
	[sflag:s31] =	ssyncpa.u1 $0x0  }
.LBB3_10:
0x69: {  	p1 =	slt.u32 s21, $0x3  }
0x6a: {  	s0 =	simm.s32 @!p1 $0x2  }
0x6b: {  	_ =	swait.ge @!p1 [sflag:s0], $0x2000  }
0x6c: {  	[sflag:s0] =	ssyncset.done @!p1 $0x0  }
0x6d: {  	[sflag:s0] =	ssyncadd.s32 @!p1 $0xFFFFE000;
	s0 =	simm.s32 @!p1 $0x9  }
0x6e: {  	_ =	swait.ge @!p1 [sflag:s0], $0x10  }
0x6f: {  	s21 =	sadd.s32 $0x1, s21;
	[sflag:s0] =	ssyncset.done @!p1 $0x0  }
0x70: {  	[sflag:s0] =	ssyncadd.s32 @!p1 $0xFFFFFFF0;
	p1 =	sne.s32 s21, $0xB  }
.Ltmp6:
0x71: {  	_ = 	snop;
	(pc) =	sbr.rel @!p1 .LBB3_11-.Ltmp6, $4  }
0x72: {  	s23 =	sadd.s32 $0x2000, s22;
	s24 =	smov.u32 s7  }
0x73: {  	s15 =	sadd.s32 $0x2000, s15;
	s16 =	sadd.s32 $0x1, s16;
	p2 =	slt.s32 s23, s10  }
0x74: {  	p0 =	por !p0, !p0;
	s17 =	sadd.s32 $0x2000, s17;
	s24 =	smov.u32 @p2 s23  }
0x75: {  	s18 =	sadd.s32 $0x1, s18;
	s23 =	smov.u32 s22;
	s22 =	smov.u32 s24  }
.LBB3_1:
0x76: {  	p1 =	sgt.u32 s21, $0x7  }
0x77: {  	s0 =	smul.u32 @!p1 $0xAB, s21;
	_ =	sdelay $0x1  }
0x78: {  	s0 =	sshrl.u32 @!p1 s0, $0x9  }
0x79: {  	s0 =	sand.u32 @!p1 $0x7F, s0  }
0x7a: {  	s0 =	smul.u32 @!p1 $0x3, s0;
	_ =	sdelay $0x1  }
0x7b: {  	s0 =	ssub.s32 @!p1 s21, s0  }
0x7c: {  	s0 =	sand.u32 @!p1 $0xFF, s0  }
0x7d: {  	s24 =	sshrl.u32 @!p1 s22, $0x3;
	s0 =	sshll.u32 @!p1 s0, $0xD  }
0x7e: {  	s25 =	sand.u32 @!p1 $0x7, s22;
	s24 =	sadd.s32 @!p1 s4, s24;
	s0 =	sor.u32 @!p1 $0x100, s0  }
0x7f: {  	[tilespmem:s0], [sflag:$0x7] =	stream.linear.gather @!p1 [hbm4b:s24+s25], $0x2000, $0x38;
	[tilespmem:$0x12120] =	vst v63  }
0x80: {  	s0 =	sadd.s32 $0xFFFFFFFF, s21  }
0x81: {  	p1 =	sgt.u32 s0, $0x7  }
.Ltmp7:
0x82: {  	_ = 	snop;
	(pc) =	sbr.rel @p1 .LBB3_5-.Ltmp7, $1  }
0x83: {  	_ =	sdelay $0x3  }
0x84: {  	s24 =	smul.u32 $0xAB, s0;
	_ =	sdelay $0x1  }
0x85: {  	s24 =	sshrl.u32 s24, $0x9  }
0x86: {  	s24 =	sand.u32 $0x7F, s24  }
0x87: {  	s24 =	smul.u32 $0x3, s24;
	_ =	sdelay $0x1  }
0x88: {  	s24 =	ssub.s32 s0, s24  }
0x89: {  	s24 =	sand.u32 $0xFF, s24  }
0x8a: {  	_ =	swait.ge [sflag:s6], $0x2000;
	s24 =	sshll.u32 s24, $0xD  }
0x8b: {  	[sflag:s6] =	ssyncset.done $0x0;
	s24 =	sor.u32 $0x100, s24  }
0x8c: {  	[sflag:s6] =	ssyncadd.s32 $0xFFFFE000;
	(ifvalue) =	ssetifvalue $0xFFFFFFFF;
	v3 =	vld.msk [tilespmem:s24+$0x0 ss:$0x1], $0xffff;
	_ =	sdelay $0x1  }
0x8d: {  	s28 =	sand.u32 $0xFF, s16  }
0x8e: {  	p1 =	sne.s32 s21, $0x1;
	s25 =	smulhi.u32 $0x55555556, s28  }
0x8f: {  	v4 =	vimm.s32 @!p1 $0x0  }
0x90: {  	s25 =	smul.u32 $0x18000, s25;
	v4 =	vperm.xlane @!p1 v3, v4  }
0x91: {  	s26 =	sshll.u32 s21, $0x4;
	s24 =	sshll.u32 s28, $0xF;
	vm4 =	vlt.u32 v3, $0x36000  }
0x92: {  	s29 =	sand.u32 $0x10, s26;
	s24 =	ssub.s32 s24, s25;
	v3 =	vnsel vm4, $0xFFFFFFFE, v3;
	vm4 =	vlt.u32 @!p1 v4, $0x36000  }
0x93: {  	s24 =	sshra.s32 s24, $0x2;
	[tilespmem:s29+$0x60] =	vst v3;
	v3 =	vnsel @!p1 vm4, $0xFFFFFFFE, v4  }
0x94: {  	s28 =	sadd.s32 $0x20F0, s24;
	[tilespmem:$0x80] =	vst @!p1 v3  }
0x95: {  	v3 =	vld.msk [tilespmem:s28+$0x0 ss:$0x1], $0xffff;
	_ =	sdelay $0x4  }
0x96: {  	(xrf1) =	vunique.msk.u32 $0xffff, v3;
	_ =	sdelay $0xd  }
0x97: {  	v4 =	vimm.s32 $0xFFFFFFFF;
	v5, _, _ =	vpop (xrf1)  }
0x98: {  	vm5 =	vne.s32 v3, v4;
	vm4 =	veq.s32 v5, v2  }
0x99: {  	vm6 =	vlt.u32 v3, $0x36000;
	vm4 =	vmand vm5, vm4  }
0x9a: {  	vm4 =	vmand vm6, vm4  }
0x9b: {  	v4 =	vnsel vm4, $0xFFFFFFFF, v3;
	_ =	sdelay $0x2  }
0x9c: {  	s30 =	sand.u32 $0x2000, s15  }
0x9d: {  	s31 =	sshll.u32 s0, $0xD;
	s24 =	sor.u32 $0x80F0, s30;
	(ifvalue) =	ssetifvalue $0xFFFFFFFF  }
0x9e: {  	v3 =	vperm.xlane v3, v1;
	[tilespmem:s24], [sflag:$0x8] =	stream.indirect_vreg.gather [hbm4b:s1+s14], $0x1, v4, vm0, $0x4038;
	v4 =	vnsel vm6, $0xFFFFFFFE, v4;
	[tilespmem:$0x12120] =	vst v63  }
0x9f: {  	s26 =	simm.s32 $0x0;
	s25 =	sand.u32 $0x2000, s31;
	s0 =	sadd.s32 $0xFFFFFFF0, s28;
	[tilespmem:s28+$0x0] =	vst v4  }
.LBB3_3:
0xa0: {  	v4 =	vld.msk [tilespmem:s0+$0x0 ss:$0x1], $0xffff;
	s26 =	sadd.s32 $0x10, s26;
	v5 =	vmov v3;
	s28 =	smov.u32 s0  }
0xa1: {  	p1 =	slt.u32 s26, $0x1FF0;
	_ =	sdelay $0x4  }
0xa2: {  	v3 =	vperm.xlane v4, v1;
	(xrf1) =	vunique.msk.u32 $0xffff, v4;
	_ =	sdelay $0xd  }
0xa3: {  	v6, _, _ =	vpop (xrf1)  }
0xa4: {  	vm5 =	vne.s32 v4, v5;
	vm4 =	veq.s32 v6, v2  }
0xa5: {  	vm6 =	vlt.u32 v4, $0x36000;
	vm4 =	vmand vm5, vm4  }
0xa6: {  	vm4 =	vmand vm6, vm4  }
0xa7: {  	v4 =	vnsel vm4, $0xFFFFFFFF, v4  }
.Ltmp8:
0xa8: {  	v5 =	vnsel vm6, $0xFFFFFFFE, v4;
	(pc) =	sbr.rel @p1 .LBB3_3-.Ltmp8, $3  }
0xa9: {  	_ =	sdelay $0x1  }
0xaa: {  	s0 =	sadd.s32 $0xFFFFFFF0, s0;
	s24 =	sadd.s32 $0xFFFFFFF0, s24;
	(ifvalue) =	ssetifvalue $0xFFFFFFFF  }
0xab: {  	[tilespmem:s24], [sflag:$0x8] =	stream.indirect_vreg.gather [hbm4b:s1+s14], $0x1, v4, vm0, $0x4038;
	[tilespmem:s28+$0x0] =	vst v5  }
0xac: {  	s0 =	sshrl.u32 s23, $0x3  }
0xad: {  	s31 =	sadd.s32 $0xA100, s25;
	s0 =	sadd.s32 s5, s0  }
0xae: {  	[tilespmem:s31], [sflag:$0x8] =	stream.linear.gather [hbm:s0], $0x2000, $0x38;
	[tilespmem:$0x12120] =	vst v63  }
.LBB3_5:
0xaf: {  	p1 =	sgt.u32 s21, $0xA  }
.Ltmp9:
0xb0: {  	_ = 	snop;
	(pc) =	sbr.rel @p1 .LBB3_7-.Ltmp9, $1  }
0xb1: {  	_ =	sdelay $0x3  }
0xb2: {  	s0 =	sshll.u32 s2, s21  }
0xb3: {  	s0 =	sand.u32 $0x403, s0  }
0xb4: {  	p1 =	sne.s32 s0, $0x0  }
.Ltmp10:
0xb5: {  	_ = 	snop;
	(pc) =	sbr.rel @p1 .LBB3_10-.Ltmp10, $1  }
0xb6: {  	_ =	sdelay $0x3  }
.LBB3_7:
0xb7: {  	s0 =	sadd.s32 $0xFFFFFFFE, s21  }
0xb8: {  	s23 =	smulhi.u32 $0xAAAAAAAB, s0;
	_ =	sdelay $0x1  }
0xb9: {  	s23 =	sshrl.u32 s23, $0x1  }
0xba: {  	s23 =	smul.u32 $0x3, s23;
	_ =	sdelay $0x1  }
0xbb: {  	_ =	swait.ge [sflag:s8], $0x4000;
	s0 =	ssub.s32 s0, s23  }
0xbc: {  	p1 =	sne.s32 s21, $0x9;
	[sflag:s8] =	ssyncset.done $0x0;
	s0 =	sshll.u32 s0, $0xD  }
0xbd: {  	[sflag:s8] =	ssyncadd.s32 $0xFFFFC000;
	s23 =	sadd.s32 @!p1 $0x20FF, s0  }
0xbe: {  	[spmem:s11] =	stream.linear.scatter @!p1 [tilespmem:s23], [sflag:$0x1], $0x1, $0x38;
	[tilespmem:$0x12120] =	vst v63  }
0xbf: {  	s23 =	simm.s32 @!p1 $0x1  }
0xc0: {  	_ =	swait.ge @!p1 [sflag:s23], $0x1  }
0xc1: {  	s24 =	sshll.u32 s21, $0x4;
	[sflag:s23] =	ssyncset.done @!p1 $0x0  }
0xc2: {  	[sflag:s23] =	ssyncadd.s32 @!p1 $0xFFFFFFFF;
	s23 =	sand.u32 $0x10, s24  }
0xc3: {  	v4 =	vld [tilespmem:s23+$0x10];
	s29 =	sxor.u32 $0x10, s23  }
0xc4: {  	v5 =	vld [tilespmem:s29+$0x60]  }
0xc5: {  	v3 =	vld [tilespmem:$0x80];
	_ =	sdelay $0x2  }
0xc6: {  	(v2sf) =	vpush v4, $0x0  }
0xc7: {  	(v2sf) =	vpush v5, $0x0  }
0xc8: {  	(v2sf) =	vpush v3, $0x0;
	_ =	sdelay $0xc  }
0xc9: {  	s24 =	spop (v2sf)  }
0xca: {  	s26 =	spop (v2sf)  }
0xcb: {  	s25 =	spop (v2sf)  }
0xcc: {  	p2 =	seq.s32 s24, s26;
	p3 =	seq.s32 s25, s24  }
0xcd: {  	p3 =	por p2, p3  }
0xce: {  	v4 =	vpsel p3, $0xFFFFFFFF, v4  }
0xcf: {  	s24 =	sand.u32 $0x1, s21;
	[tilespmem:s23+$0x10] =	vst.msk $0x1, v4  }
0xd0: {  	s26 =	sshll.u32 s24, $0xD;
	v4 =	vld [tilespmem:$0x30]  }
0xd1: {  	v5 =	vld [tilespmem:s26+$0xA100]  }
0xd2: {  	v6 =	vld [tilespmem:s23+$0x40];
	_ =	sdelay $0x3  }
0xd3: {  	vm4 =	vmmov vm1;
	v5 =	vadd.f32 v5, v4  }
0xd4: {  	vm5 =	vmmov vm2;
	vm4 =	vmmov @p2 vm2;
	s24 =	sshll.u32 s24, $0x4;
	v4 =	vadd.f32 v6, v4  }
0xd5: {  	vm5 =	vmmov @p3 vm1;
	s24 =	sor.u32 $0x12100, s24;
	[tilespmem:s26+$0xA100] =	vst.msk vm4, v5  }
0xd6: {  	[tilespmem:s24+$0x0] =	vst.msk vm5, v4  }
0xd7: {  	v4 =	vld [tilespmem:s26+$0x80F0];
	_ =	sdelay $0x3  }
0xd8: {  	v5 =	vimm.f32 $0.0e+00  }
0xd9: {  	v4 =	vshift.insert v4, v5, s19  }
0xda: {  	s28 =	sor.u32 $0x40, s29  }
0xdb: {  	[tilespmem:s28+$0x0] =	vst.msk $0x1, v4  }
0xdc: {  	[tilespmem:s26+$0x80FF] =	vst.msk $0x1, v5  }
0xdd: {  	v4 =	vld [tilespmem:s0+$0x20F0];
	_ =	sdelay $0x1  }
0xde: {  	s0 =	smulhi.u32 $0xAAAAAAAB, s18;
	_ =	sdelay $0x1  }
0xdf: {  	s28 =	simm.s32 $0x1;
	s0 =	sshrl.u32 s0, $0x1  }
0xe0: {  	s28 =	simm.s32 @!p0 $0x0;
	s0 =	smul.u32 $0xFFFE8000, s0;
	v4 =	vshift.insert v4, v1, s19  }
0xe1: {  	s30 =	sshll.u32 s28, $0xD  }
0xe2: {  	s28 =	sadd.s32 $0xA100, s30;
	s0 =	sshra.s32 s0, $0x2;
	[tilespmem:s29+$0x10] =	vst.msk $0x1, v4  }
0xe3: {  	s0 =	sadd.s32 s0, s17;
	v6 =	vld [tilespmem:s28+$0x0]  }
0xe4: {  	v7 =	vld [tilespmem:s0+$0x0];
	_ =	sdelay $0x3  }
0xe5: {  	v5 =	vadd.f32 v6, v5  }
0xe6: {  	vm4 =	vne.s32 v7, $0xFFFFFFFF  }
0xe7: {  	(xrf2) =	vadd.seg.scan.f32 vm4, v5;
	_ =	sdelay $0x3  }
0xe8: {  	s29 =	sadd.s32 $0x6100, s30;
	v5 =	vperm.xlane v4, v1  }
0xe9: {  	v6 =	vld [tilespmem:s29+$0x0]  }
0xea: {  	vm5 =	veq.s32 v7, v3;
	vm6 =	veq.s32 v7, v5  }
0xeb: {  	vm7 =	vgt.u32 v7, $0xFFFFFFFD;
	vm6 =	vmor vm6, vm5  }
0xec: {  	vm6 =	vmor vm6, vm7  }
0xed: {  	v9 =	vld [tilespmem:$0xA0];
	v7 =	vsel vm6, $0xFFFFFFFF, v7  }
0xee: {  	v10 =	vld [tilespmem:$0x90];
	v6 =	vsel vm5, $0x0, v6;
	v8, _, _ =	vpop (xrf2)  }
0xef: {  	v6 =	vadd.f32 v8, v6  }
0xf0: {  	s30 =	sadd.s32 $0xE100, s30  }
0xf1: {  	vm4 =	vmand vm4, vm3;
	[tilespmem:s30+$0x0] =	vst v6;
	(ifvalue) =	ssetifvalue $0xFFFFFFFF  }
0xf2: {  	vm6 =	veq.s32 v9, $0x1;
	[hbm4b:s1+s14] =	stream.indirect_vreg.scatter [tilespmem:s30], [sflag:$0x2], $0x1, v7, vm0, $0x4038;
	v7 =	vsel vm4, $0x0, v8;
	[tilespmem:$0x12120] =	vst v63  }
0xf3: {  	s31 =	simm.s32 $0x0;
	s0 =	sadd.s32 $0x10, s0;
	vm4 =	vmor vm6, vm5;
	v6 =	vsel vm5, v8, v10;
	v7 =	vshift.insert v7, v0, s19  }
.LBB3_8:
0xf4: {  	v8 =	vld [tilespmem:s0+$0x0];
	s28 =	sadd.s32 $0x10, s28  }
0xf5: {  	s29 =	sadd.s32 $0x10, s29;
	v9 =	vld [tilespmem:s28+$0x0]  }
0xf6: {  	s31 =	sadd.s32 $0x10, s31;
	v10 =	vld [tilespmem:s29+$0x0]  }
0xf7: {  	p2 =	slt.u32 s31, $0x1FF0;
	_ =	sdelay $0x2  }
0xf8: {  	v7 =	vadd.f32 v9, v7  }
0xf9: {  	vm5 =	vne.s32 v8, $0xFFFFFFFF  }
0xfa: {  	vm6 =	vmand vm5, vm3;
	(xrf2) =	vadd.seg.scan.f32 vm5, v7;
	_ =	sdelay $0x5  }
0xfb: {  	vm7 =	veq.s32 v8, v5;
	vm5 =	veq.s32 v8, v3  }
0xfc: {  	vm8 =	vgt.u32 v8, $0xFFFFFFFD;
	vm4 =	vmor vm4, vm5;
	vm7 =	vmor vm7, vm5  }
0xfd: {  	vm7 =	vmor vm7, vm8  }
0xfe: {  	v8 =	vsel vm7, $0xFFFFFFFF, v8  }
.Ltmp11:
0xff: {  	v7 =	vsel vm5, $0x0, v10;
	v9, _, _ =	vpop (xrf2);
	(pc) =	sbr.rel @p2 .LBB3_8-.Ltmp11, $4  }
0x100: {  	v6 =	vsel vm5, v9, v6;
	v10 =	vadd.f32 v9, v7;
	v7 =	vsel vm6, $0x0, v9  }
0x101: {  	s30 =	sadd.s32 $0x10, s30;
	v7 =	vshift.insert v7, v0, s19  }
0x102: {  	s0 =	sadd.s32 $0x10, s0;
	[tilespmem:s30+$0x0] =	vst v10;
	(ifvalue) =	ssetifvalue $0xFFFFFFFF  }
0x103: {  	[hbm4b:s1+s14] =	stream.indirect_vreg.scatter [tilespmem:s30], [sflag:$0x2], $0x1, v8, vm0, $0x4038;
	[tilespmem:$0x12120] =	vst v63  }
0x104: {  	v3 =	vld [tilespmem:s26+$0x100F0];
	_ =	sdelay $0x4  }
0x105: {  	v3 =	vshift.insert v3, v0, s19;
	_ =	sdelay $0x1  }
0x106: {  	[tilespmem:s20+$0x0] =	vst.msk $0x1, v3  }
0x107: {  	v3 =	vsel vm4, $0x1, v1;
	[tilespmem:$0x90] =	vst v6  }
0x108: {  	s0 =	sadd.s32 @!p1 $0x100FF, s26;
	[tilespmem:$0xA0] =	vst v3  }
0x109: {  	[spmem:s12] =	stream.linear.scatter @!p1 [tilespmem:s0], [sflag:$0x1], $0x1, $0x38;
	[tilespmem:$0x12120] =	vst v63  }
0x10a: {  	s0 =	simm.s32 @!p1 $0x1  }
0x10b: {  	v3 =	vmctz.xlane @!p1 vm4;
	_ =	swait.ge @!p1 [sflag:s0], $0x1  }
0x10c: {  	(v2sf) =	vpush @!p1 v4, $0x0  }
0x10d: {  	(v2sf) =	vpush @!p1 v3, $0x0;
	_ =	sdelay $0xd  }
0x10e: {  	s26 =	spop @!p1 (v2sf)  }
0x10f: {  	s28 =	spop @!p1 (v2sf)  }
0x110: {  	p2 =	sne.s32 @!p1 s25, s26;
	p3 =	slt.s32 @!p1 s28, $0xF  }
0x111: {  	[sflag:s0] =	ssyncset.done @!p1 $0x0;
	p2 =	por p2, p1;
	p3 =	por !p3, p1  }
0x112: {  	[sflag:s0] =	ssyncadd.s32 @!p1 $0xFFFFFFFF;
	v3 =	vimm.s32 @!p2 $0xFFFFFFFF;
	s28 =	simm.s32 @p3 $0xF  }
0x113: {  	[tilespmem:$0x80] =	vst @!p2 v3;
	s25 =	sadd.s32 @!p1 $0x90, s28  }
0x114: {  	[spmem:s9] =	stream.linear.scatter @!p1 [tilespmem:s25], [sflag:$0x1], $0x1, $0x38;
	[tilespmem:$0x12120] =	vst v63  }
0x115: {  	_ =	swait.ge @!p1 [sflag:s0], $0x1  }
0x116: {  	[sflag:s0] =	ssyncset.done @!p1 $0x0  }
0x117: {  	s25 =	simm.s32 @!p1 $0x80;
	[sflag:s0] =	ssyncadd.s32 @!p1 $0xFFFFFFFF  }
0x118: {  	[spmem:s13] =	stream.linear.scatter @!p1 [tilespmem:s25], [sflag:$0x1], $0x1, $0x38;
	[tilespmem:$0x12120] =	vst v63  }
0x119: {  	_ =	swait.ge @!p1 [sflag:s0], $0x1  }
0x11a: {  	[sflag:s0] =	ssyncset.done @!p1 $0x0  }
0x11b: {  	[sflag:s0] =	ssyncadd.s32 @!p1 $0xFFFFFFFF;
	(ifvalue) =	ssetifvalue $0xFFFFFFFF;
	v3 =	vld [tilespmem:s23+$0x10];
	_ =	sdelay $0x3  }
.Ltmp12:
0x11c: {  	_ = 	snop;
	(pc) =	sbr.rel .LBB3_10-.Ltmp12, $3  }
0x11d: {  	_ =	sdelay $0x1  }
0x11e: {  	(ifvalue) =	ssetifvalue $0xFFFFFFFF  }
0x11f: {  	[hbm4b:s1+s14] =	stream.indirect_vreg.scatter [tilespmem:s24], [sflag:$0x9], $0x1, v3, vm0, $0x4038;
	[tilespmem:$0x12120] =	vst v63  }
.LBB3_11:
0x120: {  	_ =	sfence.sel $0x180000  }
0x121: {  	s0 =	simm.s32 $0x7;
	[bflag:$0x0] =	sbarrier.arrive $0xFFFF  }
0x122: {  	s26 =	simm.s32 $0x8;
	[sflag:s0] =	ssyncpa.u1 $0x1  }
0x123: {  	s28 =	simm.s32 $0x9;
	[sflag:s26] =	ssyncpa.u1 $0x1  }
0x124: {  	[sflag:s28] =	ssyncpa.u1 $0x1  }
0x125: {  	_ =	sfence.stream.spmem  }
0x126: {  	s29 =	simm.s32 $0x3;
	[bflag:$0x0] =	sbarrier.arrive $0xFFFF  }
0x127: {  	s30 =	simm.s32 $0x4;
	[sflag:s29] =	ssyncpa.u1 $0x1  }
0x128: {  	s31 =	simm.s32 $0x3C;
	[sflag:s30] =	ssyncpa.u1 $0x1  }
0x129: {  	p0 =	sne.s32 s3, $0x0;
	[sflag:s31] =	ssyncpa.u1 $0x1  }
0x12a: {  	s0 =	simm.s32 @p0 $0x1;
	_ =	sfence @p0  }
0x12b: {  	[sflag:s0] =	ssyncpa.u1 @p0 $0x1;
	s0 =	simm.s32 @p0 $0x2  }
0x12c: {  	[sflag:s0] =	ssyncpa.u1 @p0 $0x1  }
0x12d: {  	_ =	strace @p0 $0x90000065  }
0x12e: {  	[bflag:$0x2] =	sbarrier.arrive @p0 $0xFFFF  }
0x12f: {  	_ =	shalt @p0  }
.LBB3_12:
0x130: {  	_ =	sfence.stream.spmem;
	s0 =	simm.s32 $0x5  }
0x131: {  	s2 =	simm.s32 $0x80;
	s3 =	simm.s32 $0xC0;
	[sflag:s0] =	ssyncpa.u1 $0x0  }
0x132: {  	[tilespmem:s3], [sflag:$0x5] =	stream.linear.gather [spmem:s2], $0x20, $0x38;
	[tilespmem:$0x12120] =	vst v63  }
0x133: {  	s2 =	simm.s32 $0x0;
	s3 =	simm.s32 $0xE0  }
0x134: {  	[tilespmem:s3], [sflag:$0x5] =	stream.linear.gather [spmem:s2], $0x20, $0x38;
	[tilespmem:$0x12120] =	vst v63  }
.Ltmp13:
0x135: {  	_ = 	snop;
	(pc) =	sbr.rel .LBB3_13-.Ltmp13, $4  }
0x136: {  	_ =	swait.ge [sflag:s0], $0x40  }
0x137: {  	[sflag:s0] =	ssyncset.done $0x0  }
0x138: {  	s31 =	simm.s32 $0x6;
	[sflag:s0] =	ssyncadd.s32 $0xFFFFFFC0  }
0x139: {  	s4 =	simm.s32 $0x0;
	[sflag:s31] =	ssyncpa.u1 $0x0  }
.LBB3_18:
0x13a: {  	p0 =	sgt.u32 s5, $0x35FFF  }
0x13b: {  	s0 =	sshrl.u32 @!p0 s5, $0x3  }
0x13c: {  	s5 =	sand.u32 @!p0 $0x7, s5;
	s6 =	simm.s32 @!p0 $0xB0;
	s0 =	sadd.s32 @!p0 s1, s0  }
0x13d: {  	[tilespmem:s6], [sflag:$0x6] =	stream.linear.gather @!p0 [hbm4b:s0+s5], $0x1, $0x38;
	[tilespmem:$0x12120] =	vst v63  }
0x13e: {  	s0 =	simm.s32 @!p0 $0x6  }
0x13f: {  	_ =	swait.ge @!p0 [sflag:s0], $0x1  }
0x140: {  	[sflag:s0] =	ssyncset.done @!p0 $0x0  }
0x141: {  	[sflag:s0] =	ssyncadd.s32 @!p0 $0xFFFFFFFF  }
0x142: {  	v2 =	vmov @!p0 s4;
	v1 =	vld.msk @!p0 [tilespmem:$0xB0], $0x1;
	_ =	sdelay $0x3  }
0x143: {  	s0 =	simm.s32 @!p0 $0xE0  }
0x144: {  	[tilespmem:v2+s0+$0x0], v1 =	vst.idx.ret.add.f32.msk @!p0 $0x1, v1  }
0x145: {  	[tilespmem:s2+$0xC0] =	vst.msk $0x1, v0  }
0x146: {  	v0 =	vld.msk [tilespmem:s4+$0xE0], $0x1;
	_ =	sdelay $0x4  }
0x147: {  	[tilespmem:s2+$0xE0] =	vst.msk $0x1, v0;
	s2 =	sadd.s32 $0x1, s2  }
.LBB3_20:
0x148: {  	s4 =	sadd.s32 $0x1, s4  }
0x149: {  	p0 =	sne.s32 s4, $0x20  }
.Ltmp14:
0x14a: {  	_ = 	snop;
	(pc) =	sbr.rel @!p0 .LBB3_21-.Ltmp14, $1  }
0x14b: {  	_ =	sdelay $0x3  }
.LBB3_13:
0x14c: {  	v0 =	vld.msk [tilespmem:s4+$0xC0], $0x1;
	_ =	sdelay $0x4  }
0x14d: {  	(v2sf) =	vpush v0, $0x0;
	_ =	sdelay $0xe  }
0x14e: {  	s5 =	spop (v2sf)  }
0x14f: {  	p0 =	seq.s32 s5, $0xFFFFFFFF  }
.Ltmp15:
0x150: {  	_ = 	snop;
	(pc) =	sbr.rel @p0 .LBB3_20-.Ltmp15, $1  }
0x151: {  	_ =	sdelay $0x3  }
0x152: {  	p0 =	slt.s32 s2, $0x1  }
.Ltmp16:
0x153: {  	_ = 	snop;
	(pc) =	sbr.rel @p0 .LBB3_18-.Ltmp16, $1  }
0x154: {  	_ =	sdelay $0x3  }
0x155: {  	s6 =	simm.s32 $0xC0;
	p0 =	por $0x0, $0x0  }
0x156: {  	v1 =	vld.msk @!p0 [tilespmem:s6+$0x0], $0x1;
	_ =	sdelay $0x4  }
0x157: {  	(v2sf) =	vpush @!p0 v1, $0x0;
	_ =	sdelay $0xd  }
0x158: {  	p2 =	sne.s32 s2, $0x1  }
.Ltmp17:
0x159: {  	s0 =	spop @!p0 (v2sf);
	(pc) =	sbr.rel @!p2 .LBB3_17-.Ltmp17, $4  }
0x15a: {  	p1 =	seq.s32 @!p0 s5, s0  }
0x15b: {  	s0 =	simm.s32 $0x0;
	p1 =	por !p1, p0  }
0x15c: {  	s8 =	simm.s32 $0xFFFFFFFF;
	s0 =	simm.s32 @p1 $0xFFFFFFFF  }
0x15d: {  	s7 =	simm.s32 $0x1;
	s0 =	smov.u32 @p0 s8  }
.LBB3_16:
0x15e: {  	s8 =	smov.u32 s0;
	p0 =	sne.s32 s0, $0xFFFFFFFF  }
0x15f: {  	s6 =	sadd.s32 $0x1, s6;
	s0 =	smov.u32 s7;
	s7 =	sadd.s32 $0x1, s7  }
0x160: {  	p1 =	sne.s32 s2, s7;
	v1 =	vld.msk @!p0 [tilespmem:s6+$0x0], $0x1;
	_ =	sdelay $0x4  }
0x161: {  	(v2sf) =	vpush @!p0 v1, $0x0;
	_ =	sdelay $0xe  }
.Ltmp18:
0x162: {  	s9 =	spop @!p0 (v2sf);
	(pc) =	sbr.rel @p1 .LBB3_16-.Ltmp18, $4  }
0x163: {  	p2 =	seq.s32 @!p0 s5, s9  }
0x164: {  	p2 =	por !p2, p0  }
0x165: {  	s0 =	simm.s32 @p2 $0xFFFFFFFF  }
0x166: {  	s0 =	smov.u32 @p0 s8  }
.LBB3_17:
0x167: {  	p0 =	sne.s32 s0, $0xFFFFFFFF  }
.Ltmp19:
0x168: {  	_ = 	snop;
	(pc) =	sbr.rel @!p0 .LBB3_18-.Ltmp19, $1  }
0x169: {  	_ =	sdelay $0x3  }
0x16a: {  	v0 =	vld.msk [tilespmem:s4+$0xE0], $0x1;
	v1 =	vmov s0  }
.Ltmp20:
0x16b: {  	_ = 	snop;
	(pc) =	sbr.rel .LBB3_20-.Ltmp20, $2  }
0x16c: {  	_ =	sdelay $0x2  }
0x16d: {  	[tilespmem:v1+s3+$0x0], v0 =	vst.idx.ret.add.f32.msk $0x1, v0  }
.LBB3_21:
0x16e: {  	p0 =	slt.s32 s2, $0x1  }
.Ltmp21:
0x16f: {  	_ = 	snop;
	(pc) =	sbr.rel @p0 .LBB3_25-.Ltmp21, $3  }
0x170: {  	_ =	sdelay $0x1  }
0x171: {  	s0 =	simm.s32 $0x6  }
0x172: {  	s3 =	simm.s32 $0x0;
	[sflag:s0] =	ssyncpa.u1 $0x1  }
0x173: {  	s0 =	simm.s32 $0xC0  }
0x174: {  	v0 =	vld.msk [tilespmem:s0+$0x0], $0x1;
	_ =	sdelay $0x4  }
0x175: {  	(v2sf) =	vpush v0, $0x0;
	_ =	sdelay $0xe  }
0x176: {  	s2 =	sadd.s32 $0xFFFFFFFF, s2;
	s4 =	spop (v2sf)  }
0x177: {  	p1 =	sne.s32 s2, $0x0;
	p0 =	sgt.u32 s4, $0x35FFF  }
.Ltmp22:
0x178: {  	s5 =	sshrl.u32 @!p0 s4, $0x3;
	(pc) =	sbr.rel @!p1 .LBB3_24-.Ltmp22, $4  }
0x179: {  	s0 =	simm.s32 $0xE0;
	s4 =	sand.u32 @!p0 $0x7, s4;
	s5 =	sadd.s32 @!p0 s1, s5  }
0x17a: {  	[hbm4b:s5+s4] =	stream.linear.scatter @!p0 [tilespmem:s0], [sflag:$0x5], $0x1, $0x38;
	[tilespmem:$0x12120] =	vst v63  }
0x17b: {  	s5 =	simm.s32 $0x0  }
0x17c: {  	s4 =	simm.s32 $0xC1;
	s5 =	simm.s32 @!p0 $0x4  }
.LBB3_23:
0x17d: {  	v0 =	vld.msk [tilespmem:s4+$0x0], $0x1;
	s2 =	sadd.s32 $0xFFFFFFFF, s2;
	s3 =	sadd.s32 s3, s5  }
0x17e: {  	p0 =	sne.s32 s2, $0x0;
	_ =	sdelay $0x3  }
0x17f: {  	(v2sf) =	vpush v0, $0x0;
	_ =	sdelay $0xe  }
.Ltmp23:
0x180: {  	s6 =	spop (v2sf);
	(pc) =	sbr.rel @p0 .LBB3_23-.Ltmp23, $4  }
0x181: {  	s5 =	simm.s32 $0x0;
	p1 =	sgt.u32 s6, $0x35FFF  }
0x182: {  	s0 =	sadd.s32 $0x1, s0;
	s5 =	simm.s32 @!p1 $0x4;
	s7 =	sshrl.u32 @!p1 s6, $0x3  }
0x183: {  	s4 =	sadd.s32 $0x1, s4;
	s6 =	sand.u32 @!p1 $0x7, s6;
	s7 =	sadd.s32 @!p1 s1, s7  }
0x184: {  	[hbm4b:s7+s6] =	stream.linear.scatter @!p1 [tilespmem:s0], [sflag:$0x5], $0x1, $0x38;
	[tilespmem:$0x12120] =	vst v63  }
.LBB3_24:
0x185: {  	s0 =	sadd.s32 s3, s5  }
0x186: {  	s3 =	sshrl.u32 s0, $0x2  }
.LBB3_25:
0x187: {  	s0 =	simm.s32 $0x5  }
0x188: {  	_ =	swait.ge [sflag:s0], s3  }
0x189: {  	s1 =	ssub.s32 $0x0, s3;
	[sflag:s0] =	ssyncset.done $0x0  }
0x18a: {  	[sflag:s0] =	ssyncadd.s32 s1  }
0x18b: {  	[sflag:s0] =	ssyncpa.u1 $0x1  }
0x18c: {  	s29 =	simm.s32 $0x1;
	_ =	sfence  }
0x18d: {  	s30 =	simm.s32 $0x2;
	[sflag:s29] =	ssyncpa.u1 $0x1  }
0x18e: {  	[sflag:s30] =	ssyncpa.u1 $0x1  }
0x18f: {  	_ =	strace $0x90000065  }
0x190: {  	[bflag:$0x2] =	sbarrier.arrive $0xFFFF  }
0x191: {  	s31 =	rddreg [dreg:$0x1]  }
0x192: {  	s0 =	sadd.s32 $0x100000, s31  }
0x193: {  	[sflag:s0] =	ssyncadd.tile.s32 $0x1;
	_ =	shalt  }
.Lfunc_end3:
_tile_overlayer_lowered:
.L_overlay_start_3:
0x194: {  	(tag) =	ssettag $0x3  }
0x195: {  	s0 =	rddreg [dreg:$0x0];
	s2 =	stileid.u32  }
0x196: {  	s1 =	rddreg [dreg:$0x1];
	p0 =	sne.s32 s2, $0x0  }
0x197: {  	s3 =	rddreg [dreg:$0x2];
	[bflag:$0x3] =	sbarrier.arrive $0xFFFF;
	s2 =	simm.s32 @!p0 $0x1C01  }
0x198: {  	[timem:s3], [sflag:s2] =	dma.local @!p0 [hbm:s0], s1  }
0x199: {  	s0 =	simm.s32 @!p0 $0x1  }
0x19a: {  	_ =	swait.ge @!p0 [sflag:s0], s1  }
0x19b: {  	s1 =	ssub.s32 @!p0 $0x0, s1;
	[sflag:s0] =	ssyncset.done @!p0 $0x0  }
0x19c: {  	[sflag:s0] =	ssyncadd.s32 @!p0 s1  }
0x19d: {  	[bflag:$0x3] =	sbarrier.arrive $0xFFFF  }
0x19e: {  	_ =	shalt  }

// kernel: scatter_offload_async_start.3
scs
__scs_entry_jumppad:
0x0: {  	(pc) =	sbr.rel $0x88, $3  }
0x1: {  	(tag) =	ssettag $0x0;
	lr =	simm.s32 $0x1  }
0x2: {  	[smem:$0x3F8F] =	sst lr;
	_ =	strace $0xD0000000  }
0x3: {  	_ = 	snop  }
0x4: {  	_ = 	snop  }
0x5: {  	_ = 	snop  }
0x6: {  	_ = 	snop  }
0x7: {  	_ = 	snop  }
__scs_overlays_trampoline_lowered:
0x8: {  	[smem:$0x3F9E] =	sst s0  }
0x9: {  	[smem:$0x3F9F] =	sst s1  }
0xa: {  	[smem:$0x3FA0] =	sst s2  }
0xb: {  	[smem:$0x3FA1] =	sst s3  }
0xc: {  	[smem:$0x3FA2] =	sst s4  }
0xd: {  	[smem:$0x3FA3] =	sst s5  }
0xe: {  	[smem:$0x3FA4] =	sst s6  }
0xf: {  	[smem:$0x3FA5] =	sst s7  }
0x10: {  	[smem:$0x3FA6] =	sst s8  }
0x11: {  	[smem:$0x3FA7] =	sst s9;
	s0 =	simm.s32 @!p0 $0x0  }
0x12: {  	s1 =	sld [smem:$0x3F8D];
	s0 =	simm.s32 @p0 $0x1  }
0x13: {  	[smem:$0x3FA8] =	sst s0;
	s0 =	simm.s32 @!p1 $0x0  }
0x14: {  	s2 =	sld [smem:$0x3F8C];
	s0 =	simm.s32 @p1 $0x1  }
0x15: {  	[smem:$0x3FA9] =	sst s0;
	s0 =	simm.s32 @!p2 $0x0  }
0x16: {  	s3 =	sld [smem:$0x3FDB];
	s0 =	simm.s32 @p2 $0x1  }
0x17: {  	s4 =	simm.s32 $0x1BF5;
	[smem:$0x3FAB] =	sst s0  }
0x18: {  	s0 =	sld [smem:$0x3F8E];
	_ =	swait.ge [sflag:s4], $0x0  }
0x19: {  	s7 =	sld [smem:$0x3F8F]  }
0x1a: {  	s8 =	sadd.s32 $0xFFFFE003, lr  }
0x1b: {  	s9 =	sadd.s32 $0xFFFFFEF7, lr;
	s5 =	simm.s32 $0xFFFFFFFF;
	p2 =	slt.u32 s8, $0xFFFFF086  }
0x1c: {  	p1 =	slt.u32 s9, $0xF7A;
	s5 =	simm.s32 @!p2 $0x0  }
0x1d: {  	s5 =	simm.s32 @p1 $0x1;
	p0 =	seq.s32 s7, s2  }
0x1e: {  	s7 =	smul.u32 @!p0 $0xF7A, s2;
	p2 =	seq.s32 @!p0 s5, $0x0  }
0x1f: {  	s9 =	smul.u32 $0xF7A, s1;
	s8 =	simm.s32 @!p0 $0x1BF5;
	p2 =	por !p2, p0  }
0x20: {  	[sflag:s8] =	ssyncset.s32 @!p0 $0xFFFFF086;
	s6 =	sadd.s32 @!p0 s3, s7;
	s7 =	simm.s32 @!p0 $0x108  }
0x21: {  	s3 =	sadd.s32 s3, s9;
	s6 =	sadd.s32 @!p0 $0x88, s6;
	s7 =	simm.s32 @p2 $0x1082  }
0x22: {  	[simem:s7], [sflag:s8] =	dma.local @!p0 [hbm:s6], $0xF7A  }
0x23: {  	s9 =	sor.u32 $0xD0000000, s2;
	s6 =	simm.s32 $0x108;
	_ =	swait.ge @!p0 [sflag:s8], $0x0  }
0x24: {  	s3 =	sadd.s32 $0x88, s3;
	s6 =	simm.s32 @!p1 $0x1082;
	[sflag:s4] =	ssyncset.s32 $0xFFFFF086  }
0x25: {  	[simem:s6], [sflag:s4] =	dma.local [hbm:s3], $0xF7A  }
0x26: {  	[smem:$0x3F8F] =	sst s1;
	(tag) =	ssettag s2;
	_ =	strace s9  }
0x27: {  	s1 =	sld [smem:$0x3F9F]  }
0x28: {  	s2 =	sld [smem:$0x3FA0]  }
0x29: {  	s4 =	sld [smem:$0x3FA2]  }
0x2a: {  	p0 =	seq.s32 s5, $0x0;
	s5 =	sld [smem:$0x3FA3]  }
0x2b: {  	s6 =	sld [smem:$0x3FA4]  }
0x2c: {  	s7 =	sld [smem:$0x3FA5]  }
0x2d: {  	s3 =	simm.s32 $0x108;
	s8 =	sld [smem:$0x3FA6]  }
0x2e: {  	s3 =	simm.s32 @!p0 $0x1082;
	s9 =	sld [smem:$0x3FA7]  }
0x2f: {  	lr =	sadd.s32 s0, s3;
	s0 =	sld [smem:$0x3F9E]  }
0x30: {  	s3 =	sld [smem:$0x3FA1]  }
0x31: {  	[smem:$0x3FAA] =	sst s10  }
0x32: {  	s10 =	sld [smem:$0x3FA8];
	_ =	sdelay $0x3  }
0x33: {  	p0 =	seq.s32 s10, $0x1;
	s10 =	sld [smem:$0x3FAA];
	_ =	sdelay $0x3  }
0x34: {  	[smem:$0x3FAA] =	sst s10  }
0x35: {  	s10 =	sld [smem:$0x3FA9];
	_ =	sdelay $0x3  }
0x36: {  	p1 =	seq.s32 s10, $0x1;
	s10 =	sld [smem:$0x3FAA];
	_ =	sdelay $0x3  }
0x37: {  	[smem:$0x3FAA] =	sst s10  }
0x38: {  	s10 =	sld [smem:$0x3FAB]  }
0x39: {  	_ = 	snop;
	(pc) =	sbr.ind lr, $3  }
0x3a: {  	_ = 	snop  }
0x3b: {  	_ = 	snop  }
0x3c: {  	p2 =	seq.s32 s10, $0x1;
	s10 =	sld [smem:$0x3FAA]  }
0x3d: {  	_ =	shalt  }
0x3e: {  	_ =	shalt  }
0x3f: {  	_ =	shalt  }
0x40: {  	_ =	shalt  }
0x41: {  	_ =	shalt  }
0x42: {  	_ =	shalt  }
0x43: {  	_ =	shalt  }
0x44: {  	_ =	shalt  }
0x45: {  	_ =	shalt  }
0x46: {  	_ =	shalt  }
0x47: {  	_ =	shalt  }
0x48: {  	_ =	shalt  }
0x49: {  	_ =	shalt  }
0x4a: {  	_ =	shalt  }
0x4b: {  	_ =	shalt  }
0x4c: {  	_ =	shalt  }
0x4d: {  	_ =	shalt  }
0x4e: {  	_ =	shalt  }
0x4f: {  	_ =	shalt  }
0x50: {  	_ =	shalt  }
0x51: {  	_ =	shalt  }
0x52: {  	_ =	shalt  }
0x53: {  	_ =	shalt  }
0x54: {  	_ =	shalt  }
0x55: {  	_ =	shalt  }
0x56: {  	_ =	shalt  }
0x57: {  	_ =	shalt  }
0x58: {  	_ =	shalt  }
0x59: {  	_ =	shalt  }
0x5a: {  	_ =	shalt  }
0x5b: {  	_ =	shalt  }
0x5c: {  	_ =	shalt  }
0x5d: {  	_ =	shalt  }
0x5e: {  	_ =	shalt  }
0x5f: {  	_ =	shalt  }
0x60: {  	_ =	shalt  }
0x61: {  	_ =	shalt  }
0x62: {  	_ =	shalt  }
0x63: {  	_ =	shalt  }
0x64: {  	_ =	shalt  }
0x65: {  	_ =	shalt  }
0x66: {  	_ =	shalt  }
0x67: {  	_ =	shalt  }
0x68: {  	_ =	shalt  }
0x69: {  	_ =	shalt  }
0x6a: {  	_ =	shalt  }
0x6b: {  	_ =	shalt  }
0x6c: {  	_ =	shalt  }
0x6d: {  	_ =	shalt  }
0x6e: {  	_ =	shalt  }
0x6f: {  	_ =	shalt  }
0x70: {  	_ =	shalt  }
0x71: {  	_ =	shalt  }
0x72: {  	_ =	shalt  }
0x73: {  	_ =	shalt  }
0x74: {  	_ =	shalt  }
0x75: {  	_ =	shalt  }
0x76: {  	_ =	shalt  }
0x77: {  	_ =	shalt  }
0x78: {  	_ =	shalt  }
0x79: {  	_ =	shalt  }
0x7a: {  	_ =	shalt  }
0x7b: {  	_ =	shalt  }
0x7c: {  	_ =	shalt  }
0x7d: {  	_ =	shalt  }
0x7e: {  	_ =	shalt  }
0x7f: {  	_ =	shalt  }
0x80: {  	_ =	shalt  }
0x81: {  	_ =	shalt  }
0x82: {  	_ =	shalt  }
0x83: {  	_ =	shalt  }
0x84: {  	_ =	shalt  }
0x85: {  	_ =	shalt  }
0x86: {  	_ =	shalt  }
0x87: {  	_ =	shalt  }
.Lfunc_end0:
.L_simem_size_0:
called_computation.3_lowered:
.L_overlay_start_0:
0x88: {  	s0 =	sld [smem:$0x3FD9]  }
0x89: {  	s1 =	sld [smem:$0x3FFE];
	_ =	sdelay $0x3  }
0x8a: {  	s0 =	sadd.s32 s1, s0  }
0x8b: {  	[smem:$0x3FB6] =	sst s0  }
0x8c: {  	_ = 	snop  }
0x8d: {  	(tm) =	ssettm $0x1  }
0x8e: {  	s14 =	sld [smem:$0x3FFB];
	_ =	sdelay $0x3  }
0x8f: {  	_ =	strace s14  }
0x90: {  	s0 =	sld [smem:$0x3FFC];
	_ =	sdelay $0x3  }
0x91: {  	_ =	strace s0  }
0x92: {  	s0 =	sld [smem:$0x3FFD];
	_ =	sdelay $0x3  }
0x93: {  	_ =	strace s0  }
0x94: {  	_ =	strace $0x8FFFFFFF  }
0x95: {  	s15 =	sld [smem:$0x3FDB];
	_ =	sdelay $0x1  }
0x96: {  	s16 =	simm.s32 $_scs_section_size  }
0x97: {  	s2 =	simm.s32 $_size__tile_overlayer_lowered;
	s3 =	simm.s32 $_tile_overlayer_lowered  }
0x98: {  	s4 =	simm.s32 $0x1BFF;
	s17 =	sshll.u32 s3, $0x1;
	s1 =	sadd.s32 s16, s15  }
0x99: {  	s18 =	simm.s32 $0x0;
	s2 =	sshll.u32 s2, $0x1;
	s3 =	sadd.s32 s17, s1  }
0x9a: {  	[timem:s18], [sflag:s4] =	dma.local [hbm:s3], s2  }
0x9b: {  	_ =	swait.ge [sflag:s4], s2  }
0x9c: {  	s2 =	ssub.s32 $0x0, s2;
	[sflag:s4] =	ssyncset.done $0x0  }
0x9d: {  	[sflag:s4] =	ssyncadd.s32 s2;
	_ =	sdelay $0x1  }
0x9e: {  	s19 =	simm.s32 $0x1B8B  }
0x9f: {  	_ =	swait.ge [sflag:s19], $0x1  }
0xa0: {  	[sflag:s19] =	ssyncset.done $0x0  }
0xa1: {  	s21 =	simm.s32 $0x1B8E;
	s20 =	sld [smem:$0x3FFE];
	[sflag:s19] =	ssyncadd.s32 $0xFFFFFFFF  }
0xa2: {  	s22 =	simm.s32 $execute0_lowered;
	[smem:$0x3FD2] =	sst s21  }
0xa3: {  	s3 =	sshll.u32 s22, $0x1;
	_ =	strace $0x80000067;
	[dreg:$0x1] =	wrdreg $0xFFFFFFFF  }
0xa4: {  	s23 =	simm.s32 $_size_execute0_lowered;
	s3 =	sadd.s32 s1, s3;
	[dreg:$0x0] =	wrdreg $0x0  }
0xa5: {  	s4 =	sshll.u32 s23, $0x1;
	[dreg:$0x2] =	wrdreg s3  }
0xa6: {  	[dreg:$0x3] =	wrdreg s4  }
0xa7: {  	[dreg:$0x4] =	wrdreg $0xC0  }
0xa8: {  	s24 =	simm.s32 $execute1_lowered;
	_ =	task [dreg:s18], $0x5FFFF  }
0xa9: {  	s3 =	sshll.u32 s24, $0x1;
	[dreg:$0x1] =	wrdreg $0xFFFFFFFF  }
0xaa: {  	s1 =	sadd.s32 s1, s3;
	[dreg:$0x0] =	wrdreg $0x60  }
0xab: {  	[dreg:$0x2] =	wrdreg s1  }
0xac: {  	[dreg:$0x3] =	wrdreg s20  }
0xad: {  	[dreg:$0x4] =	wrdreg $0xF  }
0xae: {  	_ =	task.clear_ibuf [dreg:s18], $0x5FFFF;
	_ =	strace $0x90000067  }
0xaf: {  	s25 =	simm.s32 $0xF;
	_ =	strace $0x80000069  }
0xb0: {  	_ =	swait.ge [sflag:s25], $0x1  }
0xb1: {  	[sflag:s25] =	ssyncadd.s32 $0xFFFFFFFF  }
0xb2: {  	_ =	strace $0x90000069  }
0xb3: {  	_ =	strace $0x8000006A;
	[dreg:$0x1] =	wrdreg $0xFFFFFFFF  }
0xb4: {  	[dreg:$0x0] =	wrdreg $0x2030  }
0xb5: {  	[dreg:$0x2] =	wrdreg s20  }
0xb6: {  	[dreg:$0x3] =	wrdreg $0x10  }
0xb7: {  	_ =	task.clear_ibuf [dreg:s18], $0x4FFFF;
	_ =	strace $0x9000006A  }
0xb8: {  	s26 =	simm.s32 $0x10;
	_ =	strace $0x8000006C  }
0xb9: {  	_ =	swait.ge [sflag:s26], $0x1  }
0xba: {  	[sflag:s26] =	ssyncadd.s32 $0xFFFFFFFF  }
0xbb: {  	_ =	strace $0x9000006C  }
0xbc: {  	_ =	sfence  }
0xbd: {  	s28 =	sld [smem:$0x0];
	_ =	sdelay $0x1  }
0xbe: {  	s29 =	srdreg.scid  }
0xbf: {  	s30 =	sshll.u32 s29, $0xD;
	s31 =	sshrl.u32 s29, $0x2  }
0xc0: {  	s2 =	sand.u32 $0x1, s29;
	s3 =	sand.u32 $0x4000, s30;
	s1 =	sadd.s32 s31, s28  }
0xc1: {  	s2 =	sor.u32 s3, s2;
	s1 =	sshll.u32 s1, $0x11  }
0xc2: {  	s1 =	sor.u32 s1, s2  }
0xc3: {  	s1 =	sadd.s32 $0x8F2B, s1  }
0xc4: {  	[sflag:s1] =	ssyncadd.remote.s32 $0x1  }
0xc5: {  	_ =	sfence.sel $0xFFFF  }
0xc6: {  	[dreg:$0x0] =	wrdreg $0xFFFFFFFF;
	(pc) =	sbr.abs _section_cstart, $3  }
0xc7: {  	[dreg:$0x1] =	wrdreg $0xFFFFFFFF  }
0xc8: {  	_ =	task.clear_ibuf [dreg:s18], $0x2FFFF;
	_ =	strace $0x9FFFFFFF  }
0xc9: {  	(tm) =	ssettm $0x7FFFFFFF  }
tec
execute0_lowered:
.L_overlay_start_1:
0x0: {  	(tag) =	ssettag $0x1  }
0x1: {  	s3 =	rddreg [dreg:$0x0];
	s4 =	stileid.u32  }
0x2: {  	s5 =	rddreg [dreg:$0x1];
	s2 =	smul.u32 $0x1B00, s4  }
0x3: {  	s0 =	rddreg [dreg:$0x2];
	[bflag:$0x3] =	sbarrier.arrive $0xFFFF;
	s1 =	simm.s32 $_size_execute1_lowered  }
0x4: {  	s1 =	sshll.u32 s1, $0x1;
	p0 =	sne.s32 s4, $0x0;
	s6 =	ssub.s32 $0x36000, s2  }
0x5: {  	s4 =	simm.s32 @!p0 $0x1C3F;
	s7 =	simm.s32 @!p0 $0x4060;
	s8 =	smulhi.u32 $0x25ED1, s6  }
0x6: {  	[timem:s7], [sflag:s4] =	dma.local @!p0 [hbm:s3], s1  }
0x7: {  	s30 =	sshrl.u32 s8, $0x2  }
0x8: {  	s31 =	simm.s32 $0x2;
	s8 =	smul.u32 $0x1B000, s30  }
.Ltmp0:
0x9: {  	s10 =	simm.s32 $0x0;
	s9 =	simm.s32 $0x0;
	(pc) =	sbr.rel .LBB2_1-.Ltmp0, $4  }
0xa: {  	s3 =	sadd.s32 $0x9C400, s5;
	p1 =	sne.s32 s6, s8;
	s6 =	simm.s32 $0x1  }
0xb: {  	s4 =	simm.s32 $0x1;
	_ =	strace $0x80000068;
	s6 =	simm.s32 @!p1 $0x0  }
0xc: {  	s5 =	sadd.s32 $0xA3000, s5;
	[sflag:s4] =	ssyncpa.u1 $0x0;
	s6 =	sadd.s32 s6, s30  }
0xd: {  	[sflag:s31] =	ssyncpa.u1 $0x0;
	s8 =	smov.u32 s2;
	s7 =	sadd.s32 $0x1, s6  }
.LBB2_4:
0xe: {  	[tilespmem:s11+$0x30] =	vst v0  }
0xf: {  	[tilespmem:s11+$0x40] =	vst v1  }
0x10: {  	[tilespmem:s11+$0x50] =	vst v2  }
0x11: {  	[tilespmem:s11+$0x60] =	vst v3;
	s13 =	sshrl.u32 s10, $0x3  }
0x12: {  	[tilespmem:s11+$0xFFFFFF80] =	vst v4;
	s31 =	sand.u32 $0x7, s10;
	s30 =	sadd.s32 s5, s13  }
0x13: {  	[hbm4b:s30+s31] =	stream.linear.scatter [tilespmem:s12], [sflag:$0x2], $0x1B00, $0x38;
	[tilespmem:$0x6C00] =	vst v63  }
.LBB2_5:
0x14: {  	s12 =	sadd.s32 $0x1B000, s8  }
0x15: {  	p2 =	sgt.s32 s12, $0x35FFF  }
0x16: {  	s12 =	smov.u32 @p2 s2;
	p2 =	sne.s32 s9, s7  }
.Ltmp1:
0x17: {  	p1 =	slt.u32 s9, $0x2;
	(pc) =	sbr.rel @!p2 .LBB2_6-.Ltmp1, $4  }
0x18: {  	s11 =	simm.s32 @!p1 $0x2  }
0x19: {  	_ =	swait.ge @!p1 [sflag:s11], $0x1B00  }
0x1a: {  	s13 =	sadd.s32 $0x1, s9;
	s10 =	smov.u32 s8;
	[sflag:s11] =	ssyncset.done @!p1 $0x0  }
0x1b: {  	s9 =	smov.u32 s13;
	s8 =	smov.u32 s12;
	[sflag:s11] =	ssyncadd.s32 @!p1 $0xFFFFE500  }
.LBB2_1:
0x1c: {  	p1 =	sge.u32 s9, s6  }
0x1d: {  	s11 =	sxor.u32 @!p1 $0xFFFFFFFF, s9  }
0x1e: {  	s11 =	sand.u32 @!p1 $0x1, s11  }
0x1f: {  	s11 =	smul.u32 @!p1 $0x6C00, s11  }
0x20: {  	s31 =	sadd.s32 $0xFFFFFFFF, s9;
	s12 =	sshrl.u32 @!p1 s8, $0x3  }
0x21: {  	s13 =	sand.u32 @!p1 $0x7, s8;
	s12 =	sadd.s32 @!p1 s3, s12;
	s11 =	sshrl.u32 @!p1 s11, $0x2  }
0x22: {  	[tilespmem:s11], [sflag:$0x1] =	stream.linear.gather @!p1 [hbm4b:s12+s13], $0x1B00, $0x38;
	[tilespmem:$0x6C00] =	vst v63  }
0x23: {  	p1 =	sge.u32 s31, s6  }
.Ltmp2:
0x24: {  	_ = 	snop;
	(pc) =	sbr.rel @p1 .LBB2_5-.Ltmp2, $1  }
0x25: {  	_ =	sdelay $0x3  }
0x26: {  	s11 =	sand.u32 $0x1, s9  }
0x27: {  	_ =	swait.ge [sflag:s4], $0x1B00;
	s12 =	simm.s32 $0x1B00;
	p1 =	seq.s32 s11, $0x1  }
0x28: {  	[sflag:s4] =	ssyncset.done $0x0;
	s12 =	simm.s32 @!p1 $0x0  }
0x29: {  	[sflag:s4] =	ssyncadd.s32 $0xFFFFE500;
	s14 =	sor.u32 $0x80, s12  }
0x2a: {  	v0 =	vld [tilespmem:s14+$0x70]  }
0x2b: {  	v1 =	vld [tilespmem:s14+$0xFFFFFF90]  }
0x2c: {  	v2 =	vld [tilespmem:s14+$0xFFFFFFA0]  }
0x2d: {  	v3 =	vld [tilespmem:s14+$0xFFFFFFB0]  }
0x2e: {  	s11 =	sadd.s32 $0x3680, s12;
	v4 =	vld [tilespmem:s14+$0xFFFFFFC0]  }
0x2f: {  	v5 =	vld [tilespmem:s14+$0xFFFFFFD0];
	[tilespmem:s11+$0x70] =	vst v0  }
0x30: {  	[tilespmem:s11+$0xFFFFFF90] =	vst v1;
	v0 =	vld [tilespmem:s14+$0xFFFFFFE0]  }
0x31: {  	[tilespmem:s11+$0xFFFFFFA0] =	vst v2;
	v1 =	vld [tilespmem:s14+$0xFFFFFFF0]  }
0x32: {  	[tilespmem:s11+$0xFFFFFFB0] =	vst v3;
	v2 =	vld [tilespmem:s14+$0x0]  }
0x33: {  	[tilespmem:s11+$0xFFFFFFC0] =	vst v4;
	v3 =	vld [tilespmem:s14+$0x10]  }
0x34: {  	[tilespmem:s11+$0xFFFFFFD0] =	vst v5;
	v5 =	vld [tilespmem:s14+$0x20]  }
0x35: {  	[tilespmem:s11+$0xFFFFFFE0] =	vst v0;
	v0 =	vld [tilespmem:s14+$0x30]  }
0x36: {  	[tilespmem:s11+$0xFFFFFFF0] =	vst v1;
	v1 =	vld [tilespmem:s14+$0x40]  }
0x37: {  	[tilespmem:s11+$0x0] =	vst v2;
	v2 =	vld [tilespmem:s14+$0x50]  }
0x38: {  	[tilespmem:s11+$0x10] =	vst v3;
	v3 =	vld [tilespmem:s14+$0x60]  }
0x39: {  	s13 =	simm.s32 $0x0;
	s12 =	sadd.s32 $0x3600, s12;
	v4 =	vld [tilespmem:s14+$0xFFFFFF80];
	[tilespmem:s11+$0x20] =	vst v5;
	s14 =	sadd.s32 $0x100, s14  }
.LBB2_3:
0x3a: {  	v5 =	vld [tilespmem:s14+$0x70];
	s13 =	sadd.s32 $0x100, s13;
	[tilespmem:s11+$0x30] =	vst v0  }
0x3b: {  	v0 =	vld [tilespmem:s14+$0xFFFFFF90];
	p1 =	slt.u32 s13, $0x1A00;
	[tilespmem:s11+$0x40] =	vst v1  }
0x3c: {  	v1 =	vld [tilespmem:s14+$0xFFFFFFA0];
	[tilespmem:s11+$0x50] =	vst v2  }
0x3d: {  	v2 =	vld [tilespmem:s14+$0xFFFFFFB0];
	[tilespmem:s11+$0x60] =	vst v3  }
0x3e: {  	v3 =	vld [tilespmem:s14+$0xFFFFFFC0];
	[tilespmem:s11+$0xFFFFFF80] =	vst v4;
	s11 =	sadd.s32 $0x100, s11  }
0x3f: {  	v4 =	vld [tilespmem:s14+$0xFFFFFFD0];
	[tilespmem:s11+$0x70] =	vst v5  }
0x40: {  	[tilespmem:s11+$0xFFFFFF90] =	vst v0;
	v0 =	vld [tilespmem:s14+$0xFFFFFFE0]  }
0x41: {  	[tilespmem:s11+$0xFFFFFFA0] =	vst v1;
	v1 =	vld [tilespmem:s14+$0xFFFFFFF0]  }
0x42: {  	[tilespmem:s11+$0xFFFFFFB0] =	vst v2;
	v2 =	vld [tilespmem:s14+$0x0]  }
0x43: {  	[tilespmem:s11+$0xFFFFFFC0] =	vst v3;
	v3 =	vld [tilespmem:s14+$0x10]  }
0x44: {  	[tilespmem:s11+$0xFFFFFFD0] =	vst v4;
	v5 =	vld [tilespmem:s14+$0x20]  }
.Ltmp3:
0x45: {  	[tilespmem:s11+$0xFFFFFFE0] =	vst v0;
	v0 =	vld [tilespmem:s14+$0x30];
	(pc) =	sbr.rel @p1 .LBB2_3-.Ltmp3, $4  }
0x46: {  	[tilespmem:s11+$0xFFFFFFF0] =	vst v1;
	v1 =	vld [tilespmem:s14+$0x40]  }
0x47: {  	[tilespmem:s11+$0x0] =	vst v2;
	v2 =	vld [tilespmem:s14+$0x50]  }
0x48: {  	[tilespmem:s11+$0x10] =	vst v3;
	v3 =	vld [tilespmem:s14+$0x60]  }
0x49: {  	v4 =	vld [tilespmem:s14+$0xFFFFFF80];
	[tilespmem:s11+$0x20] =	vst v5;
	s14 =	sadd.s32 $0x100, s14  }
.Ltmp4:
0x4a: {  	_ = 	snop;
	(pc) =	sbr.rel .LBB2_4-.Ltmp4, $1  }
0x4b: {  	_ =	sdelay $0x3  }
.LBB2_6:
0x4c: {  	_ =	sfence.sel $0x180000  }
0x4d: {  	s2 =	simm.s32 $0x1;
	[bflag:$0x0] =	sbarrier.arrive $0xFFFF  }
0x4e: {  	s31 =	simm.s32 $0x2;
	[sflag:s2] =	ssyncpa.u1 $0x1  }
0x4f: {  	[sflag:s31] =	ssyncpa.u1 $0x1  }
0x50: {  	_ =	strace $0x90000068  }
0x51: {  	s0 =	sadd.s32 @!p0 $0x100000, s0;
	[bflag:$0x2] =	sbarrier.arrive $0xFFFF  }
0x52: {  	[sflag:s0] =	ssyncadd.tile.s32 @!p0 $0x1;
	s0 =	simm.s32 @!p0 $0x3F  }
0x53: {  	_ =	swait.ge @!p0 [sflag:s0], s1  }
0x54: {  	s1 =	ssub.s32 @!p0 $0x0, s1;
	[sflag:s0] =	ssyncset.done @!p0 $0x0  }
0x55: {  	[sflag:s0] =	ssyncadd.s32 @!p0 s1  }
0x56: {  	[bflag:$0x3] =	sbarrier.arrive $0xFFFF  }
0x57: {  	_ =	shalt  }
.Lfunc_end2:
execute1_lowered:
.L_overlay_start_2:
0x58: {  	(tag) =	ssettag $0x2  }
0x59: {  	s0 =	rddreg [dreg:$0x0];
	_ =	strace $0x8000006B;
	s2 =	simm.s32 $0x1  }
0x5a: {  	v1 =	vimm.s32 $0xFFFFFFFF;
	[sflag:s2] =	ssyncpa.u1 $0x0  }
0x5b: {  	[tilespmem:$0x10] =	vst v1  }
0x5c: {  	v0 =	vimm.f32 $0.0e+00;
	[tilespmem:$0x20] =	vst v1  }
0x5d: {  	[tilespmem:$0x30] =	vst v0  }
0x5e: {  	[tilespmem:$0x40] =	vst v0  }
0x5f: {  	s30 =	simm.s32 $0x2;
	s3 =	stileid.u32;
	s6 =	simm.s32 $0x7;
	[tilespmem:$0x50] =	vst v0  }
0x60: {  	s8 =	simm.s32 $0x8;
	s31 =	simm.s32 $0x9;
	s14 =	simm.s32 $0x0;
	[tilespmem:$0x60] =	vst v1  }
0x61: {  	s15 =	simm.s32 $0xFFFFE000;
	s16 =	simm.s32 $0xFF;
	p0 =	por $0x0, $0x0;
	[tilespmem:$0x70] =	vst v1  }
0x62: {  	s17 =	simm.s32 $0xFFFFC100;
	s18 =	simm.s32 $0xFFFFFFFE;
	s19 =	simm.s32 $0xF;
	[tilespmem:$0x80] =	vst v1  }
0x63: {  	s20 =	simm.s32 $0x30;
	s23 =	simm.s32 $0x0;
	s21 =	simm.s32 $0x0;
	v1 =	vimm.s32 $0x0;
	[tilespmem:$0xB0] =	vst v0  }
.Ltmp5:
0x64: {  	s1 =	sadd.s32 $0xA3000, s0;
	s4 =	sadd.s32 $0x1A0400, s0;
	[tilespmem:$0x90] =	vst v1;
	(pc) =	sbr.rel .LBB3_1-.Ltmp5, $4  }
0x65: {  	s5 =	sadd.s32 $0x1C0400, s0;
	s7 =	sshll.u32 s3, $0x10;
	[tilespmem:$0xA0] =	vst v1;
	[sflag:s30] =	ssyncpa.u1 $0x0  }
0x66: {  	s9 =	sshll.u32 s3, $0x1;
	s12 =	sshllo.u32 s3, $0x1;
	[sflag:s6] =	ssyncpa.u1 $0x0  }
0x67: {  	vm0 =	vmmov $0xffff;
	v2 =	vlaneseq.u32;
	s10 =	sadd.s32 $0x10000, s7;
	s11 =	sor.u32 $0x81, s9;
	[sflag:s8] =	ssyncpa.u1 $0x0  }
0x68: {  	vm1 =	vmxor vm1, vm1;
	vm2 =	vmmov $0x1;
	vm3 =	vcmask $0x3F3C;
	s13 =	sor.u32 $0x80, s9;
	s22 =	smov.u32 s7;
	[sflag:s31] =	ssyncpa.u1 $0x0  }
.LBB3_10:
0x69: {  	p1 =	slt.u32 s21, $0x3  }
0x6a: {  	s0 =	simm.s32 @!p1 $0x2  }
0x6b: {  	_ =	swait.ge @!p1 [sflag:s0], $0x2000  }
0x6c: {  	[sflag:s0] =	ssyncset.done @!p1 $0x0  }
0x6d: {  	[sflag:s0] =	ssyncadd.s32 @!p1 $0xFFFFE000;
	s0 =	simm.s32 @!p1 $0x9  }
0x6e: {  	_ =	swait.ge @!p1 [sflag:s0], $0x10  }
0x6f: {  	s21 =	sadd.s32 $0x1, s21;
	[sflag:s0] =	ssyncset.done @!p1 $0x0  }
0x70: {  	[sflag:s0] =	ssyncadd.s32 @!p1 $0xFFFFFFF0;
	p1 =	sne.s32 s21, $0xB  }
.Ltmp6:
0x71: {  	_ = 	snop;
	(pc) =	sbr.rel @!p1 .LBB3_11-.Ltmp6, $4  }
0x72: {  	s23 =	sadd.s32 $0x2000, s22;
	s24 =	smov.u32 s7  }
0x73: {  	s15 =	sadd.s32 $0x2000, s15;
	s16 =	sadd.s32 $0x1, s16;
	p2 =	slt.s32 s23, s10  }
0x74: {  	p0 =	por !p0, !p0;
	s17 =	sadd.s32 $0x2000, s17;
	s24 =	smov.u32 @p2 s23  }
0x75: {  	s18 =	sadd.s32 $0x1, s18;
	s23 =	smov.u32 s22;
	s22 =	smov.u32 s24  }
.LBB3_1:
0x76: {  	p1 =	sgt.u32 s21, $0x7  }
0x77: {  	s0 =	smul.u32 @!p1 $0xAB, s21;
	_ =	sdelay $0x1  }
0x78: {  	s0 =	sshrl.u32 @!p1 s0, $0x9  }
0x79: {  	s0 =	sand.u32 @!p1 $0x7F, s0  }
0x7a: {  	s0 =	smul.u32 @!p1 $0x3, s0;
	_ =	sdelay $0x1  }
0x7b: {  	s0 =	ssub.s32 @!p1 s21, s0  }
0x7c: {  	s0 =	sand.u32 @!p1 $0xFF, s0  }
0x7d: {  	s24 =	sshrl.u32 @!p1 s22, $0x3;
	s0 =	sshll.u32 @!p1 s0, $0xD  }
0x7e: {  	s25 =	sand.u32 @!p1 $0x7, s22;
	s24 =	sadd.s32 @!p1 s4, s24;
	s0 =	sor.u32 @!p1 $0x100, s0  }
0x7f: {  	[tilespmem:s0], [sflag:$0x7] =	stream.linear.gather @!p1 [hbm4b:s24+s25], $0x2000, $0x38;
	[tilespmem:$0x12120] =	vst v63  }
0x80: {  	s0 =	sadd.s32 $0xFFFFFFFF, s21  }
0x81: {  	p1 =	sgt.u32 s0, $0x7  }
.Ltmp7:
0x82: {  	_ = 	snop;
	(pc) =	sbr.rel @p1 .LBB3_5-.Ltmp7, $1  }
0x83: {  	_ =	sdelay $0x3  }
0x84: {  	s24 =	smul.u32 $0xAB, s0;
	_ =	sdelay $0x1  }
0x85: {  	s24 =	sshrl.u32 s24, $0x9  }
0x86: {  	s24 =	sand.u32 $0x7F, s24  }
0x87: {  	s24 =	smul.u32 $0x3, s24;
	_ =	sdelay $0x1  }
0x88: {  	s24 =	ssub.s32 s0, s24  }
0x89: {  	s24 =	sand.u32 $0xFF, s24  }
0x8a: {  	_ =	swait.ge [sflag:s6], $0x2000;
	s24 =	sshll.u32 s24, $0xD  }
0x8b: {  	[sflag:s6] =	ssyncset.done $0x0;
	s24 =	sor.u32 $0x100, s24  }
0x8c: {  	[sflag:s6] =	ssyncadd.s32 $0xFFFFE000;
	(ifvalue) =	ssetifvalue $0xFFFFFFFF;
	v3 =	vld.msk [tilespmem:s24+$0x0 ss:$0x1], $0xffff;
	_ =	sdelay $0x1  }
0x8d: {  	s28 =	sand.u32 $0xFF, s16  }
0x8e: {  	p1 =	sne.s32 s21, $0x1;
	s25 =	smulhi.u32 $0x55555556, s28  }
0x8f: {  	v4 =	vimm.s32 @!p1 $0x0  }
0x90: {  	s25 =	smul.u32 $0x18000, s25;
	v4 =	vperm.xlane @!p1 v3, v4  }
0x91: {  	s26 =	sshll.u32 s21, $0x4;
	s24 =	sshll.u32 s28, $0xF;
	vm4 =	vlt.u32 v3, $0x36000  }
0x92: {  	s29 =	sand.u32 $0x10, s26;
	s24 =	ssub.s32 s24, s25;
	v3 =	vnsel vm4, $0xFFFFFFFE, v3;
	vm4 =	vlt.u32 @!p1 v4, $0x36000  }
0x93: {  	s24 =	sshra.s32 s24, $0x2;
	[tilespmem:s29+$0x60] =	vst v3;
	v3 =	vnsel @!p1 vm4, $0xFFFFFFFE, v4  }
0x94: {  	s28 =	sadd.s32 $0x20F0, s24;
	[tilespmem:$0x80] =	vst @!p1 v3  }
0x95: {  	v3 =	vld.msk [tilespmem:s28+$0x0 ss:$0x1], $0xffff;
	_ =	sdelay $0x4  }
0x96: {  	(xrf1) =	vunique.msk.u32 $0xffff, v3;
	_ =	sdelay $0xd  }
0x97: {  	v4 =	vimm.s32 $0xFFFFFFFF;
	v5, _, _ =	vpop (xrf1)  }
0x98: {  	vm5 =	vne.s32 v3, v4;
	vm4 =	veq.s32 v5, v2  }
0x99: {  	vm6 =	vlt.u32 v3, $0x36000;
	vm4 =	vmand vm5, vm4  }
0x9a: {  	vm4 =	vmand vm6, vm4  }
0x9b: {  	v4 =	vnsel vm4, $0xFFFFFFFF, v3;
	_ =	sdelay $0x2  }
0x9c: {  	s30 =	sand.u32 $0x2000, s15  }
0x9d: {  	s31 =	sshll.u32 s0, $0xD;
	s24 =	sor.u32 $0x80F0, s30;
	(ifvalue) =	ssetifvalue $0xFFFFFFFF  }
0x9e: {  	v3 =	vperm.xlane v3, v1;
	[tilespmem:s24], [sflag:$0x8] =	stream.indirect_vreg.gather [hbm4b:s1+s14], $0x1, v4, vm0, $0x4038;
	v4 =	vnsel vm6, $0xFFFFFFFE, v4;
	[tilespmem:$0x12120] =	vst v63  }
0x9f: {  	s26 =	simm.s32 $0x0;
	s25 =	sand.u32 $0x2000, s31;
	s0 =	sadd.s32 $0xFFFFFFF0, s28;
	[tilespmem:s28+$0x0] =	vst v4  }
.LBB3_3:
0xa0: {  	v4 =	vld.msk [tilespmem:s0+$0x0 ss:$0x1], $0xffff;
	s26 =	sadd.s32 $0x10, s26;
	v5 =	vmov v3;
	s28 =	smov.u32 s0  }
0xa1: {  	p1 =	slt.u32 s26, $0x1FF0;
	_ =	sdelay $0x4  }
0xa2: {  	v3 =	vperm.xlane v4, v1;
	(xrf1) =	vunique.msk.u32 $0xffff, v4;
	_ =	sdelay $0xd  }
0xa3: {  	v6, _, _ =	vpop (xrf1)  }
0xa4: {  	vm5 =	vne.s32 v4, v5;
	vm4 =	veq.s32 v6, v2  }
0xa5: {  	vm6 =	vlt.u32 v4, $0x36000;
	vm4 =	vmand vm5, vm4  }
0xa6: {  	vm4 =	vmand vm6, vm4  }
0xa7: {  	v4 =	vnsel vm4, $0xFFFFFFFF, v4  }
.Ltmp8:
0xa8: {  	v5 =	vnsel vm6, $0xFFFFFFFE, v4;
	(pc) =	sbr.rel @p1 .LBB3_3-.Ltmp8, $3  }
0xa9: {  	_ =	sdelay $0x1  }
0xaa: {  	s0 =	sadd.s32 $0xFFFFFFF0, s0;
	s24 =	sadd.s32 $0xFFFFFFF0, s24;
	(ifvalue) =	ssetifvalue $0xFFFFFFFF  }
0xab: {  	[tilespmem:s24], [sflag:$0x8] =	stream.indirect_vreg.gather [hbm4b:s1+s14], $0x1, v4, vm0, $0x4038;
	[tilespmem:s28+$0x0] =	vst v5  }
0xac: {  	s0 =	sshrl.u32 s23, $0x3  }
0xad: {  	s31 =	sadd.s32 $0xA100, s25;
	s0 =	sadd.s32 s5, s0  }
0xae: {  	[tilespmem:s31], [sflag:$0x8] =	stream.linear.gather [hbm:s0], $0x2000, $0x38;
	[tilespmem:$0x12120] =	vst v63  }
.LBB3_5:
0xaf: {  	p1 =	sgt.u32 s21, $0xA  }
.Ltmp9:
0xb0: {  	_ = 	snop;
	(pc) =	sbr.rel @p1 .LBB3_7-.Ltmp9, $1  }
0xb1: {  	_ =	sdelay $0x3  }
0xb2: {  	s0 =	sshll.u32 s2, s21  }
0xb3: {  	s0 =	sand.u32 $0x403, s0  }
0xb4: {  	p1 =	sne.s32 s0, $0x0  }
.Ltmp10:
0xb5: {  	_ = 	snop;
	(pc) =	sbr.rel @p1 .LBB3_10-.Ltmp10, $1  }
0xb6: {  	_ =	sdelay $0x3  }
.LBB3_7:
0xb7: {  	s0 =	sadd.s32 $0xFFFFFFFE, s21  }
0xb8: {  	s23 =	smulhi.u32 $0xAAAAAAAB, s0;
	_ =	sdelay $0x1  }
0xb9: {  	s23 =	sshrl.u32 s23, $0x1  }
0xba: {  	s23 =	smul.u32 $0x3, s23;
	_ =	sdelay $0x1  }
0xbb: {  	_ =	swait.ge [sflag:s8], $0x4000;
	s0 =	ssub.s32 s0, s23  }
0xbc: {  	p1 =	sne.s32 s21, $0x9;
	[sflag:s8] =	ssyncset.done $0x0;
	s0 =	sshll.u32 s0, $0xD  }
0xbd: {  	[sflag:s8] =	ssyncadd.s32 $0xFFFFC000;
	s23 =	sadd.s32 @!p1 $0x20FF, s0  }
0xbe: {  	[spmem:s11] =	stream.linear.scatter @!p1 [tilespmem:s23], [sflag:$0x1], $0x1, $0x38;
	[tilespmem:$0x12120] =	vst v63  }
0xbf: {  	s23 =	simm.s32 @!p1 $0x1  }
0xc0: {  	_ =	swait.ge @!p1 [sflag:s23], $0x1  }
0xc1: {  	s24 =	sshll.u32 s21, $0x4;
	[sflag:s23] =	ssyncset.done @!p1 $0x0  }
0xc2: {  	[sflag:s23] =	ssyncadd.s32 @!p1 $0xFFFFFFFF;
	s23 =	sand.u32 $0x10, s24  }
0xc3: {  	v4 =	vld [tilespmem:s23+$0x10];
	s29 =	sxor.u32 $0x10, s23  }
0xc4: {  	v5 =	vld [tilespmem:s29+$0x60]  }
0xc5: {  	v3 =	vld [tilespmem:$0x80];
	_ =	sdelay $0x2  }
0xc6: {  	(v2sf) =	vpush v4, $0x0  }
0xc7: {  	(v2sf) =	vpush v5, $0x0  }
0xc8: {  	(v2sf) =	vpush v3, $0x0;
	_ =	sdelay $0xc  }
0xc9: {  	s24 =	spop (v2sf)  }
0xca: {  	s26 =	spop (v2sf)  }
0xcb: {  	s25 =	spop (v2sf)  }
0xcc: {  	p2 =	seq.s32 s24, s26;
	p3 =	seq.s32 s25, s24  }
0xcd: {  	p3 =	por p2, p3  }
0xce: {  	v4 =	vpsel p3, $0xFFFFFFFF, v4  }
0xcf: {  	s24 =	sand.u32 $0x1, s21;
	[tilespmem:s23+$0x10] =	vst.msk $0x1, v4  }
0xd0: {  	s26 =	sshll.u32 s24, $0xD;
	v4 =	vld [tilespmem:$0x30]  }
0xd1: {  	v5 =	vld [tilespmem:s26+$0xA100]  }
0xd2: {  	v6 =	vld [tilespmem:s23+$0x40];
	_ =	sdelay $0x3  }
0xd3: {  	vm4 =	vmmov vm1;
	v5 =	vadd.f32 v5, v4  }
0xd4: {  	vm5 =	vmmov vm2;
	vm4 =	vmmov @p2 vm2;
	s24 =	sshll.u32 s24, $0x4;
	v4 =	vadd.f32 v6, v4  }
0xd5: {  	vm5 =	vmmov @p3 vm1;
	s24 =	sor.u32 $0x12100, s24;
	[tilespmem:s26+$0xA100] =	vst.msk vm4, v5  }
0xd6: {  	[tilespmem:s24+$0x0] =	vst.msk vm5, v4  }
0xd7: {  	v4 =	vld [tilespmem:s26+$0x80F0];
	_ =	sdelay $0x3  }
0xd8: {  	v5 =	vimm.f32 $0.0e+00  }
0xd9: {  	v4 =	vshift.insert v4, v5, s19  }
0xda: {  	s28 =	sor.u32 $0x40, s29  }
0xdb: {  	[tilespmem:s28+$0x0] =	vst.msk $0x1, v4  }
0xdc: {  	[tilespmem:s26+$0x80FF] =	vst.msk $0x1, v5  }
0xdd: {  	v4 =	vld [tilespmem:s0+$0x20F0];
	_ =	sdelay $0x1  }
0xde: {  	s0 =	smulhi.u32 $0xAAAAAAAB, s18;
	_ =	sdelay $0x1  }
0xdf: {  	s28 =	simm.s32 $0x1;
	s0 =	sshrl.u32 s0, $0x1  }
0xe0: {  	s28 =	simm.s32 @!p0 $0x0;
	s0 =	smul.u32 $0xFFFE8000, s0;
	v4 =	vshift.insert v4, v1, s19  }
0xe1: {  	s30 =	sshll.u32 s28, $0xD  }
0xe2: {  	s28 =	sadd.s32 $0xA100, s30;
	s0 =	sshra.s32 s0, $0x2;
	[tilespmem:s29+$0x10] =	vst.msk $0x1, v4  }
0xe3: {  	s0 =	sadd.s32 s0, s17;
	v6 =	vld [tilespmem:s28+$0x0]  }
0xe4: {  	v7 =	vld [tilespmem:s0+$0x0];
	_ =	sdelay $0x3  }
0xe5: {  	v5 =	vadd.f32 v6, v5  }
0xe6: {  	vm4 =	vne.s32 v7, $0xFFFFFFFF  }
0xe7: {  	(xrf2) =	vadd.seg.scan.f32 vm4, v5;
	_ =	sdelay $0x3  }
0xe8: {  	s29 =	sadd.s32 $0x6100, s30;
	v5 =	vperm.xlane v4, v1  }
0xe9: {  	v6 =	vld [tilespmem:s29+$0x0]  }
0xea: {  	vm5 =	veq.s32 v7, v3;
	vm6 =	veq.s32 v7, v5  }
0xeb: {  	vm7 =	vgt.u32 v7, $0xFFFFFFFD;
	vm6 =	vmor vm6, vm5  }
0xec: {  	vm6 =	vmor vm6, vm7  }
0xed: {  	v9 =	vld [tilespmem:$0xA0];
	v7 =	vsel vm6, $0xFFFFFFFF, v7  }
0xee: {  	v10 =	vld [tilespmem:$0x90];
	v6 =	vsel vm5, $0x0, v6;
	v8, _, _ =	vpop (xrf2)  }
0xef: {  	v6 =	vadd.f32 v8, v6  }
0xf0: {  	s30 =	sadd.s32 $0xE100, s30  }
0xf1: {  	vm4 =	vmand vm4, vm3;
	[tilespmem:s30+$0x0] =	vst v6;
	(ifvalue) =	ssetifvalue $0xFFFFFFFF  }
0xf2: {  	vm6 =	veq.s32 v9, $0x1;
	[hbm4b:s1+s14] =	stream.indirect_vreg.scatter [tilespmem:s30], [sflag:$0x2], $0x1, v7, vm0, $0x4038;
	v7 =	vsel vm4, $0x0, v8;
	[tilespmem:$0x12120] =	vst v63  }
0xf3: {  	s31 =	simm.s32 $0x0;
	s0 =	sadd.s32 $0x10, s0;
	vm4 =	vmor vm6, vm5;
	v6 =	vsel vm5, v8, v10;
	v7 =	vshift.insert v7, v0, s19  }
.LBB3_8:
0xf4: {  	v8 =	vld [tilespmem:s0+$0x0];
	s28 =	sadd.s32 $0x10, s28  }
0xf5: {  	s29 =	sadd.s32 $0x10, s29;
	v9 =	vld [tilespmem:s28+$0x0]  }
0xf6: {  	s31 =	sadd.s32 $0x10, s31;
	v10 =	vld [tilespmem:s29+$0x0]  }
0xf7: {  	p2 =	slt.u32 s31, $0x1FF0;
	_ =	sdelay $0x2  }
0xf8: {  	v7 =	vadd.f32 v9, v7  }
0xf9: {  	vm5 =	vne.s32 v8, $0xFFFFFFFF  }
0xfa: {  	vm6 =	vmand vm5, vm3;
	(xrf2) =	vadd.seg.scan.f32 vm5, v7;
	_ =	sdelay $0x5  }
0xfb: {  	vm7 =	veq.s32 v8, v5;
	vm5 =	veq.s32 v8, v3  }
0xfc: {  	vm8 =	vgt.u32 v8, $0xFFFFFFFD;
	vm4 =	vmor vm4, vm5;
	vm7 =	vmor vm7, vm5  }
0xfd: {  	vm7 =	vmor vm7, vm8  }
0xfe: {  	v8 =	vsel vm7, $0xFFFFFFFF, v8  }
.Ltmp11:
0xff: {  	v7 =	vsel vm5, $0x0, v10;
	v9, _, _ =	vpop (xrf2);
	(pc) =	sbr.rel @p2 .LBB3_8-.Ltmp11, $4  }
0x100: {  	v6 =	vsel vm5, v9, v6;
	v10 =	vadd.f32 v9, v7;
	v7 =	vsel vm6, $0x0, v9  }
0x101: {  	s30 =	sadd.s32 $0x10, s30;
	v7 =	vshift.insert v7, v0, s19  }
0x102: {  	s0 =	sadd.s32 $0x10, s0;
	[tilespmem:s30+$0x0] =	vst v10;
	(ifvalue) =	ssetifvalue $0xFFFFFFFF  }
0x103: {  	[hbm4b:s1+s14] =	stream.indirect_vreg.scatter [tilespmem:s30], [sflag:$0x2], $0x1, v8, vm0, $0x4038;
	[tilespmem:$0x12120] =	vst v63  }
0x104: {  	v3 =	vld [tilespmem:s26+$0x100F0];
	_ =	sdelay $0x4  }
0x105: {  	v3 =	vshift.insert v3, v0, s19;
	_ =	sdelay $0x1  }
0x106: {  	[tilespmem:s20+$0x0] =	vst.msk $0x1, v3  }
0x107: {  	v3 =	vsel vm4, $0x1, v1;
	[tilespmem:$0x90] =	vst v6  }
0x108: {  	s0 =	sadd.s32 @!p1 $0x100FF, s26;
	[tilespmem:$0xA0] =	vst v3  }
0x109: {  	[spmem:s12] =	stream.linear.scatter @!p1 [tilespmem:s0], [sflag:$0x1], $0x1, $0x38;
	[tilespmem:$0x12120] =	vst v63  }
0x10a: {  	s0 =	simm.s32 @!p1 $0x1  }
0x10b: {  	v3 =	vmctz.xlane @!p1 vm4;
	_ =	swait.ge @!p1 [sflag:s0], $0x1  }
0x10c: {  	(v2sf) =	vpush @!p1 v4, $0x0  }
0x10d: {  	(v2sf) =	vpush @!p1 v3, $0x0;
	_ =	sdelay $0xd  }
0x10e: {  	s26 =	spop @!p1 (v2sf)  }
0x10f: {  	s28 =	spop @!p1 (v2sf)  }
0x110: {  	p2 =	sne.s32 @!p1 s25, s26;
	p3 =	slt.s32 @!p1 s28, $0xF  }
0x111: {  	[sflag:s0] =	ssyncset.done @!p1 $0x0;
	p2 =	por p2, p1;
	p3 =	por !p3, p1  }
0x112: {  	[sflag:s0] =	ssyncadd.s32 @!p1 $0xFFFFFFFF;
	v3 =	vimm.s32 @!p2 $0xFFFFFFFF;
	s28 =	simm.s32 @p3 $0xF  }
0x113: {  	[tilespmem:$0x80] =	vst @!p2 v3;
	s25 =	sadd.s32 @!p1 $0x90, s28  }
0x114: {  	[spmem:s9] =	stream.linear.scatter @!p1 [tilespmem:s25], [sflag:$0x1], $0x1, $0x38;
	[tilespmem:$0x12120] =	vst v63  }
0x115: {  	_ =	swait.ge @!p1 [sflag:s0], $0x1  }
0x116: {  	[sflag:s0] =	ssyncset.done @!p1 $0x0  }
0x117: {  	s25 =	simm.s32 @!p1 $0x80;
	[sflag:s0] =	ssyncadd.s32 @!p1 $0xFFFFFFFF  }
0x118: {  	[spmem:s13] =	stream.linear.scatter @!p1 [tilespmem:s25], [sflag:$0x1], $0x1, $0x38;
	[tilespmem:$0x12120] =	vst v63  }
0x119: {  	_ =	swait.ge @!p1 [sflag:s0], $0x1  }
0x11a: {  	[sflag:s0] =	ssyncset.done @!p1 $0x0  }
0x11b: {  	[sflag:s0] =	ssyncadd.s32 @!p1 $0xFFFFFFFF;
	(ifvalue) =	ssetifvalue $0xFFFFFFFF;
	v3 =	vld [tilespmem:s23+$0x10];
	_ =	sdelay $0x3  }
.Ltmp12:
0x11c: {  	_ = 	snop;
	(pc) =	sbr.rel .LBB3_10-.Ltmp12, $3  }
0x11d: {  	_ =	sdelay $0x1  }
0x11e: {  	(ifvalue) =	ssetifvalue $0xFFFFFFFF  }
0x11f: {  	[hbm4b:s1+s14] =	stream.indirect_vreg.scatter [tilespmem:s24], [sflag:$0x9], $0x1, v3, vm0, $0x4038;
	[tilespmem:$0x12120] =	vst v63  }
.LBB3_11:
0x120: {  	_ =	sfence.sel $0x180000  }
0x121: {  	s0 =	simm.s32 $0x7;
	[bflag:$0x0] =	sbarrier.arrive $0xFFFF  }
0x122: {  	s26 =	simm.s32 $0x8;
	[sflag:s0] =	ssyncpa.u1 $0x1  }
0x123: {  	s28 =	simm.s32 $0x9;
	[sflag:s26] =	ssyncpa.u1 $0x1  }
0x124: {  	[sflag:s28] =	ssyncpa.u1 $0x1  }
0x125: {  	_ =	sfence.stream.spmem  }
0x126: {  	s29 =	simm.s32 $0x3;
	[bflag:$0x0] =	sbarrier.arrive $0xFFFF  }
0x127: {  	s30 =	simm.s32 $0x4;
	[sflag:s29] =	ssyncpa.u1 $0x1  }
0x128: {  	s31 =	simm.s32 $0x3C;
	[sflag:s30] =	ssyncpa.u1 $0x1  }
0x129: {  	p0 =	sne.s32 s3, $0x0;
	[sflag:s31] =	ssyncpa.u1 $0x1  }
0x12a: {  	s0 =	simm.s32 @p0 $0x1;
	_ =	sfence @p0  }
0x12b: {  	[sflag:s0] =	ssyncpa.u1 @p0 $0x1;
	s0 =	simm.s32 @p0 $0x2  }
0x12c: {  	[sflag:s0] =	ssyncpa.u1 @p0 $0x1  }
0x12d: {  	_ =	strace @p0 $0x9000006B  }
0x12e: {  	[bflag:$0x2] =	sbarrier.arrive @p0 $0xFFFF  }
0x12f: {  	_ =	shalt @p0  }
.LBB3_12:
0x130: {  	_ =	sfence.stream.spmem;
	s0 =	simm.s32 $0x5  }
0x131: {  	s2 =	simm.s32 $0x80;
	s3 =	simm.s32 $0xC0;
	[sflag:s0] =	ssyncpa.u1 $0x0  }
0x132: {  	[tilespmem:s3], [sflag:$0x5] =	stream.linear.gather [spmem:s2], $0x20, $0x38;
	[tilespmem:$0x12120] =	vst v63  }
0x133: {  	s2 =	simm.s32 $0x0;
	s3 =	simm.s32 $0xE0  }
0x134: {  	[tilespmem:s3], [sflag:$0x5] =	stream.linear.gather [spmem:s2], $0x20, $0x38;
	[tilespmem:$0x12120] =	vst v63  }
.Ltmp13:
0x135: {  	_ = 	snop;
	(pc) =	sbr.rel .LBB3_13-.Ltmp13, $4  }
0x136: {  	_ =	swait.ge [sflag:s0], $0x40  }
0x137: {  	[sflag:s0] =	ssyncset.done $0x0  }
0x138: {  	s31 =	simm.s32 $0x6;
	[sflag:s0] =	ssyncadd.s32 $0xFFFFFFC0  }
0x139: {  	s4 =	simm.s32 $0x0;
	[sflag:s31] =	ssyncpa.u1 $0x0  }
.LBB3_18:
0x13a: {  	p0 =	sgt.u32 s5, $0x35FFF  }
0x13b: {  	s0 =	sshrl.u32 @!p0 s5, $0x3  }
0x13c: {  	s5 =	sand.u32 @!p0 $0x7, s5;
	s6 =	simm.s32 @!p0 $0xB0;
	s0 =	sadd.s32 @!p0 s1, s0  }
0x13d: {  	[tilespmem:s6], [sflag:$0x6] =	stream.linear.gather @!p0 [hbm4b:s0+s5], $0x1, $0x38;
	[tilespmem:$0x12120] =	vst v63  }
0x13e: {  	s0 =	simm.s32 @!p0 $0x6  }
0x13f: {  	_ =	swait.ge @!p0 [sflag:s0], $0x1  }
0x140: {  	[sflag:s0] =	ssyncset.done @!p0 $0x0  }
0x141: {  	[sflag:s0] =	ssyncadd.s32 @!p0 $0xFFFFFFFF  }
0x142: {  	v2 =	vmov @!p0 s4;
	v1 =	vld.msk @!p0 [tilespmem:$0xB0], $0x1;
	_ =	sdelay $0x3  }
0x143: {  	s0 =	simm.s32 @!p0 $0xE0  }
0x144: {  	[tilespmem:v2+s0+$0x0], v1 =	vst.idx.ret.add.f32.msk @!p0 $0x1, v1  }
0x145: {  	[tilespmem:s2+$0xC0] =	vst.msk $0x1, v0  }
0x146: {  	v0 =	vld.msk [tilespmem:s4+$0xE0], $0x1;
	_ =	sdelay $0x4  }
0x147: {  	[tilespmem:s2+$0xE0] =	vst.msk $0x1, v0;
	s2 =	sadd.s32 $0x1, s2  }
.LBB3_20:
0x148: {  	s4 =	sadd.s32 $0x1, s4  }
0x149: {  	p0 =	sne.s32 s4, $0x20  }
.Ltmp14:
0x14a: {  	_ = 	snop;
	(pc) =	sbr.rel @!p0 .LBB3_21-.Ltmp14, $1  }
0x14b: {  	_ =	sdelay $0x3  }
.LBB3_13:
0x14c: {  	v0 =	vld.msk [tilespmem:s4+$0xC0], $0x1;
	_ =	sdelay $0x4  }
0x14d: {  	(v2sf) =	vpush v0, $0x0;
	_ =	sdelay $0xe  }
0x14e: {  	s5 =	spop (v2sf)  }
0x14f: {  	p0 =	seq.s32 s5, $0xFFFFFFFF  }
.Ltmp15:
0x150: {  	_ = 	snop;
	(pc) =	sbr.rel @p0 .LBB3_20-.Ltmp15, $1  }
0x151: {  	_ =	sdelay $0x3  }
0x152: {  	p0 =	slt.s32 s2, $0x1  }
.Ltmp16:
0x153: {  	_ = 	snop;
	(pc) =	sbr.rel @p0 .LBB3_18-.Ltmp16, $1  }
0x154: {  	_ =	sdelay $0x3  }
0x155: {  	s6 =	simm.s32 $0xC0;
	p0 =	por $0x0, $0x0  }
0x156: {  	v1 =	vld.msk @!p0 [tilespmem:s6+$0x0], $0x1;
	_ =	sdelay $0x4  }
0x157: {  	(v2sf) =	vpush @!p0 v1, $0x0;
	_ =	sdelay $0xd  }
0x158: {  	p2 =	sne.s32 s2, $0x1  }
.Ltmp17:
0x159: {  	s0 =	spop @!p0 (v2sf);
	(pc) =	sbr.rel @!p2 .LBB3_17-.Ltmp17, $4  }
0x15a: {  	p1 =	seq.s32 @!p0 s5, s0  }
0x15b: {  	s0 =	simm.s32 $0x0;
	p1 =	por !p1, p0  }
0x15c: {  	s8 =	simm.s32 $0xFFFFFFFF;
	s0 =	simm.s32 @p1 $0xFFFFFFFF  }
0x15d: {  	s7 =	simm.s32 $0x1;
	s0 =	smov.u32 @p0 s8  }
.LBB3_16:
0x15e: {  	s8 =	smov.u32 s0;
	p0 =	sne.s32 s0, $0xFFFFFFFF  }
0x15f: {  	s6 =	sadd.s32 $0x1, s6;
	s0 =	smov.u32 s7;
	s7 =	sadd.s32 $0x1, s7  }
0x160: {  	p1 =	sne.s32 s2, s7;
	v1 =	vld.msk @!p0 [tilespmem:s6+$0x0], $0x1;
	_ =	sdelay $0x4  }
0x161: {  	(v2sf) =	vpush @!p0 v1, $0x0;
	_ =	sdelay $0xe  }
.Ltmp18:
0x162: {  	s9 =	spop @!p0 (v2sf);
	(pc) =	sbr.rel @p1 .LBB3_16-.Ltmp18, $4  }
0x163: {  	p2 =	seq.s32 @!p0 s5, s9  }
0x164: {  	p2 =	por !p2, p0  }
0x165: {  	s0 =	simm.s32 @p2 $0xFFFFFFFF  }
0x166: {  	s0 =	smov.u32 @p0 s8  }
.LBB3_17:
0x167: {  	p0 =	sne.s32 s0, $0xFFFFFFFF  }
.Ltmp19:
0x168: {  	_ = 	snop;
	(pc) =	sbr.rel @!p0 .LBB3_18-.Ltmp19, $1  }
0x169: {  	_ =	sdelay $0x3  }
0x16a: {  	v0 =	vld.msk [tilespmem:s4+$0xE0], $0x1;
	v1 =	vmov s0  }
.Ltmp20:
0x16b: {  	_ = 	snop;
	(pc) =	sbr.rel .LBB3_20-.Ltmp20, $2  }
0x16c: {  	_ =	sdelay $0x2  }
0x16d: {  	[tilespmem:v1+s3+$0x0], v0 =	vst.idx.ret.add.f32.msk $0x1, v0  }
.LBB3_21:
0x16e: {  	p0 =	slt.s32 s2, $0x1  }
.Ltmp21:
0x16f: {  	_ = 	snop;
	(pc) =	sbr.rel @p0 .LBB3_25-.Ltmp21, $3  }
0x170: {  	_ =	sdelay $0x1  }
0x171: {  	s0 =	simm.s32 $0x6  }
0x172: {  	s3 =	simm.s32 $0x0;
	[sflag:s0] =	ssyncpa.u1 $0x1  }
0x173: {  	s0 =	simm.s32 $0xC0  }
0x174: {  	v0 =	vld.msk [tilespmem:s0+$0x0], $0x1;
	_ =	sdelay $0x4  }
0x175: {  	(v2sf) =	vpush v0, $0x0;
	_ =	sdelay $0xe  }
0x176: {  	s2 =	sadd.s32 $0xFFFFFFFF, s2;
	s4 =	spop (v2sf)  }
0x177: {  	p1 =	sne.s32 s2, $0x0;
	p0 =	sgt.u32 s4, $0x35FFF  }
.Ltmp22:
0x178: {  	s5 =	sshrl.u32 @!p0 s4, $0x3;
	(pc) =	sbr.rel @!p1 .LBB3_24-.Ltmp22, $4  }
0x179: {  	s0 =	simm.s32 $0xE0;
	s4 =	sand.u32 @!p0 $0x7, s4;
	s5 =	sadd.s32 @!p0 s1, s5  }
0x17a: {  	[hbm4b:s5+s4] =	stream.linear.scatter @!p0 [tilespmem:s0], [sflag:$0x5], $0x1, $0x38;
	[tilespmem:$0x12120] =	vst v63  }
0x17b: {  	s5 =	simm.s32 $0x0  }
0x17c: {  	s4 =	simm.s32 $0xC1;
	s5 =	simm.s32 @!p0 $0x4  }
.LBB3_23:
0x17d: {  	v0 =	vld.msk [tilespmem:s4+$0x0], $0x1;
	s2 =	sadd.s32 $0xFFFFFFFF, s2;
	s3 =	sadd.s32 s3, s5  }
0x17e: {  	p0 =	sne.s32 s2, $0x0;
	_ =	sdelay $0x3  }
0x17f: {  	(v2sf) =	vpush v0, $0x0;
	_ =	sdelay $0xe  }
.Ltmp23:
0x180: {  	s6 =	spop (v2sf);
	(pc) =	sbr.rel @p0 .LBB3_23-.Ltmp23, $4  }
0x181: {  	s5 =	simm.s32 $0x0;
	p1 =	sgt.u32 s6, $0x35FFF  }
0x182: {  	s0 =	sadd.s32 $0x1, s0;
	s5 =	simm.s32 @!p1 $0x4;
	s7 =	sshrl.u32 @!p1 s6, $0x3  }
0x183: {  	s4 =	sadd.s32 $0x1, s4;
	s6 =	sand.u32 @!p1 $0x7, s6;
	s7 =	sadd.s32 @!p1 s1, s7  }
0x184: {  	[hbm4b:s7+s6] =	stream.linear.scatter @!p1 [tilespmem:s0], [sflag:$0x5], $0x1, $0x38;
	[tilespmem:$0x12120] =	vst v63  }
.LBB3_24:
0x185: {  	s0 =	sadd.s32 s3, s5  }
0x186: {  	s3 =	sshrl.u32 s0, $0x2  }
.LBB3_25:
0x187: {  	s0 =	simm.s32 $0x5  }
0x188: {  	_ =	swait.ge [sflag:s0], s3  }
0x189: {  	s1 =	ssub.s32 $0x0, s3;
	[sflag:s0] =	ssyncset.done $0x0  }
0x18a: {  	[sflag:s0] =	ssyncadd.s32 s1  }
0x18b: {  	[sflag:s0] =	ssyncpa.u1 $0x1  }
0x18c: {  	s29 =	simm.s32 $0x1;
	_ =	sfence  }
0x18d: {  	s30 =	simm.s32 $0x2;
	[sflag:s29] =	ssyncpa.u1 $0x1  }
0x18e: {  	[sflag:s30] =	ssyncpa.u1 $0x1  }
0x18f: {  	_ =	strace $0x9000006B  }
0x190: {  	[bflag:$0x2] =	sbarrier.arrive $0xFFFF  }
0x191: {  	s31 =	rddreg [dreg:$0x1]  }
0x192: {  	s0 =	sadd.s32 $0x100000, s31  }
0x193: {  	[sflag:s0] =	ssyncadd.tile.s32 $0x1;
	_ =	shalt  }
.Lfunc_end3:
_tile_overlayer_lowered:
.L_overlay_start_3:
0x194: {  	(tag) =	ssettag $0x3  }
0x195: {  	s0 =	rddreg [dreg:$0x0];
	s2 =	stileid.u32  }
0x196: {  	s1 =	rddreg [dreg:$0x1];
	p0 =	sne.s32 s2, $0x0  }
0x197: {  	s3 =	rddreg [dreg:$0x2];
	[bflag:$0x3] =	sbarrier.arrive $0xFFFF;
	s2 =	simm.s32 @!p0 $0x1C01  }
0x198: {  	[timem:s3], [sflag:s2] =	dma.local @!p0 [hbm:s0], s1  }
0x199: {  	s0 =	simm.s32 @!p0 $0x1  }
0x19a: {  	_ =	swait.ge @!p0 [sflag:s0], s1  }
0x19b: {  	s1 =	ssub.s32 @!p0 $0x0, s1;
	[sflag:s0] =	ssyncset.done @!p0 $0x0  }
0x19c: {  	[sflag:s0] =	ssyncadd.s32 @!p0 s1  }
0x19d: {  	[bflag:$0x3] =	sbarrier.arrive $0xFFFF  }
0x19e: {  	_ =	shalt  }

// kernel: scatter_offload_async_start.4
scs
__scs_entry_jumppad:
0x0: {  	(pc) =	sbr.rel $0x88, $3  }
0x1: {  	(tag) =	ssettag $0x0;
	lr =	simm.s32 $0x1  }
0x2: {  	[smem:$0x3F8F] =	sst lr;
	_ =	strace $0xD0000000  }
0x3: {  	_ = 	snop  }
0x4: {  	_ = 	snop  }
0x5: {  	_ = 	snop  }
0x6: {  	_ = 	snop  }
0x7: {  	_ = 	snop  }
__scs_overlays_trampoline_lowered:
0x8: {  	[smem:$0x3F9E] =	sst s0  }
0x9: {  	[smem:$0x3F9F] =	sst s1  }
0xa: {  	[smem:$0x3FA0] =	sst s2  }
0xb: {  	[smem:$0x3FA1] =	sst s3  }
0xc: {  	[smem:$0x3FA2] =	sst s4  }
0xd: {  	[smem:$0x3FA3] =	sst s5  }
0xe: {  	[smem:$0x3FA4] =	sst s6  }
0xf: {  	[smem:$0x3FA5] =	sst s7  }
0x10: {  	[smem:$0x3FA6] =	sst s8  }
0x11: {  	[smem:$0x3FA7] =	sst s9;
	s0 =	simm.s32 @!p0 $0x0  }
0x12: {  	s1 =	sld [smem:$0x3F8D];
	s0 =	simm.s32 @p0 $0x1  }
0x13: {  	[smem:$0x3FA8] =	sst s0;
	s0 =	simm.s32 @!p1 $0x0  }
0x14: {  	s2 =	sld [smem:$0x3F8C];
	s0 =	simm.s32 @p1 $0x1  }
0x15: {  	[smem:$0x3FA9] =	sst s0;
	s0 =	simm.s32 @!p2 $0x0  }
0x16: {  	s3 =	sld [smem:$0x3FDB];
	s0 =	simm.s32 @p2 $0x1  }
0x17: {  	s4 =	simm.s32 $0x1BF5;
	[smem:$0x3FAB] =	sst s0  }
0x18: {  	s0 =	sld [smem:$0x3F8E];
	_ =	swait.ge [sflag:s4], $0x0  }
0x19: {  	s7 =	sld [smem:$0x3F8F]  }
0x1a: {  	s8 =	sadd.s32 $0xFFFFE003, lr  }
0x1b: {  	s9 =	sadd.s32 $0xFFFFFEF7, lr;
	s5 =	simm.s32 $0xFFFFFFFF;
	p2 =	slt.u32 s8, $0xFFFFF086  }
0x1c: {  	p1 =	slt.u32 s9, $0xF7A;
	s5 =	simm.s32 @!p2 $0x0  }
0x1d: {  	s5 =	simm.s32 @p1 $0x1;
	p0 =	seq.s32 s7, s2  }
0x1e: {  	s7 =	smul.u32 @!p0 $0xF7A, s2;
	p2 =	seq.s32 @!p0 s5, $0x0  }
0x1f: {  	s9 =	smul.u32 $0xF7A, s1;
	s8 =	simm.s32 @!p0 $0x1BF5;
	p2 =	por !p2, p0  }
0x20: {  	[sflag:s8] =	ssyncset.s32 @!p0 $0xFFFFF086;
	s6 =	sadd.s32 @!p0 s3, s7;
	s7 =	simm.s32 @!p0 $0x108  }
0x21: {  	s3 =	sadd.s32 s3, s9;
	s6 =	sadd.s32 @!p0 $0x88, s6;
	s7 =	simm.s32 @p2 $0x1082  }
0x22: {  	[simem:s7], [sflag:s8] =	dma.local @!p0 [hbm:s6], $0xF7A  }
0x23: {  	s9 =	sor.u32 $0xD0000000, s2;
	s6 =	simm.s32 $0x108;
	_ =	swait.ge @!p0 [sflag:s8], $0x0  }
0x24: {  	s3 =	sadd.s32 $0x88, s3;
	s6 =	simm.s32 @!p1 $0x1082;
	[sflag:s4] =	ssyncset.s32 $0xFFFFF086  }
0x25: {  	[simem:s6], [sflag:s4] =	dma.local [hbm:s3], $0xF7A  }
0x26: {  	[smem:$0x3F8F] =	sst s1;
	(tag) =	ssettag s2;
	_ =	strace s9  }
0x27: {  	s1 =	sld [smem:$0x3F9F]  }
0x28: {  	s2 =	sld [smem:$0x3FA0]  }
0x29: {  	s4 =	sld [smem:$0x3FA2]  }
0x2a: {  	p0 =	seq.s32 s5, $0x0;
	s5 =	sld [smem:$0x3FA3]  }
0x2b: {  	s6 =	sld [smem:$0x3FA4]  }
0x2c: {  	s7 =	sld [smem:$0x3FA5]  }
0x2d: {  	s3 =	simm.s32 $0x108;
	s8 =	sld [smem:$0x3FA6]  }
0x2e: {  	s3 =	simm.s32 @!p0 $0x1082;
	s9 =	sld [smem:$0x3FA7]  }
0x2f: {  	lr =	sadd.s32 s0, s3;
	s0 =	sld [smem:$0x3F9E]  }
0x30: {  	s3 =	sld [smem:$0x3FA1]  }
0x31: {  	[smem:$0x3FAA] =	sst s10  }
0x32: {  	s10 =	sld [smem:$0x3FA8];
	_ =	sdelay $0x3  }
0x33: {  	p0 =	seq.s32 s10, $0x1;
	s10 =	sld [smem:$0x3FAA];
	_ =	sdelay $0x3  }
0x34: {  	[smem:$0x3FAA] =	sst s10  }
0x35: {  	s10 =	sld [smem:$0x3FA9];
	_ =	sdelay $0x3  }
0x36: {  	p1 =	seq.s32 s10, $0x1;
	s10 =	sld [smem:$0x3FAA];
	_ =	sdelay $0x3  }
0x37: {  	[smem:$0x3FAA] =	sst s10  }
0x38: {  	s10 =	sld [smem:$0x3FAB]  }
0x39: {  	_ = 	snop;
	(pc) =	sbr.ind lr, $3  }
0x3a: {  	_ = 	snop  }
0x3b: {  	_ = 	snop  }
0x3c: {  	p2 =	seq.s32 s10, $0x1;
	s10 =	sld [smem:$0x3FAA]  }
0x3d: {  	_ =	shalt  }
0x3e: {  	_ =	shalt  }
0x3f: {  	_ =	shalt  }
0x40: {  	_ =	shalt  }
0x41: {  	_ =	shalt  }
0x42: {  	_ =	shalt  }
0x43: {  	_ =	shalt  }
0x44: {  	_ =	shalt  }
0x45: {  	_ =	shalt  }
0x46: {  	_ =	shalt  }
0x47: {  	_ =	shalt  }
0x48: {  	_ =	shalt  }
0x49: {  	_ =	shalt  }
0x4a: {  	_ =	shalt  }
0x4b: {  	_ =	shalt  }
0x4c: {  	_ =	shalt  }
0x4d: {  	_ =	shalt  }
0x4e: {  	_ =	shalt  }
0x4f: {  	_ =	shalt  }
0x50: {  	_ =	shalt  }
0x51: {  	_ =	shalt  }
0x52: {  	_ =	shalt  }
0x53: {  	_ =	shalt  }
0x54: {  	_ =	shalt  }
0x55: {  	_ =	shalt  }
0x56: {  	_ =	shalt  }
0x57: {  	_ =	shalt  }
0x58: {  	_ =	shalt  }
0x59: {  	_ =	shalt  }
0x5a: {  	_ =	shalt  }
0x5b: {  	_ =	shalt  }
0x5c: {  	_ =	shalt  }
0x5d: {  	_ =	shalt  }
0x5e: {  	_ =	shalt  }
0x5f: {  	_ =	shalt  }
0x60: {  	_ =	shalt  }
0x61: {  	_ =	shalt  }
0x62: {  	_ =	shalt  }
0x63: {  	_ =	shalt  }
0x64: {  	_ =	shalt  }
0x65: {  	_ =	shalt  }
0x66: {  	_ =	shalt  }
0x67: {  	_ =	shalt  }
0x68: {  	_ =	shalt  }
0x69: {  	_ =	shalt  }
0x6a: {  	_ =	shalt  }
0x6b: {  	_ =	shalt  }
0x6c: {  	_ =	shalt  }
0x6d: {  	_ =	shalt  }
0x6e: {  	_ =	shalt  }
0x6f: {  	_ =	shalt  }
0x70: {  	_ =	shalt  }
0x71: {  	_ =	shalt  }
0x72: {  	_ =	shalt  }
0x73: {  	_ =	shalt  }
0x74: {  	_ =	shalt  }
0x75: {  	_ =	shalt  }
0x76: {  	_ =	shalt  }
0x77: {  	_ =	shalt  }
0x78: {  	_ =	shalt  }
0x79: {  	_ =	shalt  }
0x7a: {  	_ =	shalt  }
0x7b: {  	_ =	shalt  }
0x7c: {  	_ =	shalt  }
0x7d: {  	_ =	shalt  }
0x7e: {  	_ =	shalt  }
0x7f: {  	_ =	shalt  }
0x80: {  	_ =	shalt  }
0x81: {  	_ =	shalt  }
0x82: {  	_ =	shalt  }
0x83: {  	_ =	shalt  }
0x84: {  	_ =	shalt  }
0x85: {  	_ =	shalt  }
0x86: {  	_ =	shalt  }
0x87: {  	_ =	shalt  }
.Lfunc_end0:
.L_simem_size_0:
called_computation.4_lowered:
.L_overlay_start_0:
0x88: {  	s0 =	sld [smem:$0x3FD9]  }
0x89: {  	s1 =	sld [smem:$0x3FFE];
	_ =	sdelay $0x3  }
0x8a: {  	s0 =	sadd.s32 s1, s0  }
0x8b: {  	[smem:$0x3FB6] =	sst s0  }
0x8c: {  	_ = 	snop  }
0x8d: {  	(tm) =	ssettm $0x1  }
0x8e: {  	s14 =	sld [smem:$0x3FFB];
	_ =	sdelay $0x3  }
0x8f: {  	_ =	strace s14  }
0x90: {  	s0 =	sld [smem:$0x3FFC];
	_ =	sdelay $0x3  }
0x91: {  	_ =	strace s0  }
0x92: {  	s0 =	sld [smem:$0x3FFD];
	_ =	sdelay $0x3  }
0x93: {  	_ =	strace s0  }
0x94: {  	_ =	strace $0x8FFFFFFF  }
0x95: {  	s15 =	sld [smem:$0x3FDB];
	_ =	sdelay $0x1  }
0x96: {  	s16 =	simm.s32 $_scs_section_size  }
0x97: {  	s2 =	simm.s32 $_size__tile_overlayer_lowered;
	s3 =	simm.s32 $_tile_overlayer_lowered  }
0x98: {  	s4 =	simm.s32 $0x1BFF;
	s17 =	sshll.u32 s3, $0x1;
	s1 =	sadd.s32 s16, s15  }
0x99: {  	s18 =	simm.s32 $0x0;
	s2 =	sshll.u32 s2, $0x1;
	s3 =	sadd.s32 s17, s1  }
0x9a: {  	[timem:s18], [sflag:s4] =	dma.local [hbm:s3], s2  }
0x9b: {  	_ =	swait.ge [sflag:s4], s2  }
0x9c: {  	s2 =	ssub.s32 $0x0, s2;
	[sflag:s4] =	ssyncset.done $0x0  }
0x9d: {  	[sflag:s4] =	ssyncadd.s32 s2;
	_ =	sdelay $0x1  }
0x9e: {  	s19 =	simm.s32 $0x1B8B  }
0x9f: {  	_ =	swait.ge [sflag:s19], $0x1  }
0xa0: {  	[sflag:s19] =	ssyncset.done $0x0  }
0xa1: {  	s21 =	simm.s32 $0x1B8E;
	s20 =	sld [smem:$0x3FFE];
	[sflag:s19] =	ssyncadd.s32 $0xFFFFFFFF  }
0xa2: {  	s22 =	simm.s32 $execute0_lowered;
	[smem:$0x3FD2] =	sst s21  }
0xa3: {  	s3 =	sshll.u32 s22, $0x1;
	_ =	strace $0x80000049;
	[dreg:$0x1] =	wrdreg $0xFFFFFFFF  }
0xa4: {  	s23 =	simm.s32 $_size_execute0_lowered;
	s3 =	sadd.s32 s1, s3;
	[dreg:$0x0] =	wrdreg $0x0  }
0xa5: {  	s4 =	sshll.u32 s23, $0x1;
	[dreg:$0x2] =	wrdreg s3  }
0xa6: {  	[dreg:$0x3] =	wrdreg s4  }
0xa7: {  	[dreg:$0x4] =	wrdreg $0xC0  }
0xa8: {  	s24 =	simm.s32 $execute1_lowered;
	_ =	task [dreg:s18], $0x5FFFF  }
0xa9: {  	s3 =	sshll.u32 s24, $0x1;
	[dreg:$0x1] =	wrdreg $0xFFFFFFFF  }
0xaa: {  	s1 =	sadd.s32 s1, s3;
	[dreg:$0x0] =	wrdreg $0x60  }
0xab: {  	[dreg:$0x2] =	wrdreg s1  }
0xac: {  	[dreg:$0x3] =	wrdreg s20  }
0xad: {  	[dreg:$0x4] =	wrdreg $0xF  }
0xae: {  	_ =	task.clear_ibuf [dreg:s18], $0x5FFFF;
	_ =	strace $0x90000049  }
0xaf: {  	s25 =	simm.s32 $0xF;
	_ =	strace $0x8000004B  }
0xb0: {  	_ =	swait.ge [sflag:s25], $0x1  }
0xb1: {  	[sflag:s25] =	ssyncadd.s32 $0xFFFFFFFF  }
0xb2: {  	_ =	strace $0x9000004B  }
0xb3: {  	_ =	strace $0x8000004C;
	[dreg:$0x1] =	wrdreg $0xFFFFFFFF  }
0xb4: {  	[dreg:$0x0] =	wrdreg $0x2030  }
0xb5: {  	[dreg:$0x2] =	wrdreg s20  }
0xb6: {  	[dreg:$0x3] =	wrdreg $0x10  }
0xb7: {  	_ =	task.clear_ibuf [dreg:s18], $0x4FFFF;
	_ =	strace $0x9000004C  }
0xb8: {  	s26 =	simm.s32 $0x10;
	_ =	strace $0x8000004E  }
0xb9: {  	_ =	swait.ge [sflag:s26], $0x1  }
0xba: {  	[sflag:s26] =	ssyncadd.s32 $0xFFFFFFFF  }
0xbb: {  	_ =	strace $0x9000004E  }
0xbc: {  	_ =	sfence  }
0xbd: {  	s28 =	sld [smem:$0x0];
	_ =	sdelay $0x1  }
0xbe: {  	s29 =	srdreg.scid  }
0xbf: {  	s30 =	sshll.u32 s29, $0xD;
	s31 =	sshrl.u32 s29, $0x2  }
0xc0: {  	s2 =	sand.u32 $0x1, s29;
	s3 =	sand.u32 $0x4000, s30;
	s1 =	sadd.s32 s31, s28  }
0xc1: {  	s2 =	sor.u32 s3, s2;
	s1 =	sshll.u32 s1, $0x11  }
0xc2: {  	s1 =	sor.u32 s1, s2  }
0xc3: {  	s1 =	sadd.s32 $0x8F2B, s1  }
0xc4: {  	[sflag:s1] =	ssyncadd.remote.s32 $0x1  }
0xc5: {  	_ =	sfence.sel $0xFFFF  }
0xc6: {  	[dreg:$0x0] =	wrdreg $0xFFFFFFFF;
	(pc) =	sbr.abs _section_cstart, $3  }
0xc7: {  	[dreg:$0x1] =	wrdreg $0xFFFFFFFF  }
0xc8: {  	_ =	task.clear_ibuf [dreg:s18], $0x2FFFF;
	_ =	strace $0x9FFFFFFF  }
0xc9: {  	(tm) =	ssettm $0x7FFFFFFF  }
tec
execute0_lowered:
.L_overlay_start_1:
0x0: {  	(tag) =	ssettag $0x1  }
0x1: {  	s3 =	rddreg [dreg:$0x0];
	s4 =	stileid.u32  }
0x2: {  	s5 =	rddreg [dreg:$0x1];
	s2 =	smul.u32 $0x1B00, s4  }
0x3: {  	s0 =	rddreg [dreg:$0x2];
	[bflag:$0x3] =	sbarrier.arrive $0xFFFF;
	s1 =	simm.s32 $_size_execute1_lowered  }
0x4: {  	s1 =	sshll.u32 s1, $0x1;
	p0 =	sne.s32 s4, $0x0;
	s6 =	ssub.s32 $0x36000, s2  }
0x5: {  	s4 =	simm.s32 @!p0 $0x1C3F;
	s7 =	simm.s32 @!p0 $0x4060;
	s8 =	smulhi.u32 $0x25ED1, s6  }
0x6: {  	[timem:s7], [sflag:s4] =	dma.local @!p0 [hbm:s3], s1  }
0x7: {  	s30 =	sshrl.u32 s8, $0x2  }
0x8: {  	s31 =	simm.s32 $0x2;
	s8 =	smul.u32 $0x1B000, s30  }
.Ltmp0:
0x9: {  	s10 =	simm.s32 $0x0;
	s9 =	simm.s32 $0x0;
	(pc) =	sbr.rel .LBB2_1-.Ltmp0, $4  }
0xa: {  	s3 =	sadd.s32 $0x9C400, s5;
	p1 =	sne.s32 s6, s8;
	s6 =	simm.s32 $0x1  }
0xb: {  	s4 =	simm.s32 $0x1;
	_ =	strace $0x8000004A;
	s6 =	simm.s32 @!p1 $0x0  }
0xc: {  	s5 =	sadd.s32 $0xA3000, s5;
	[sflag:s4] =	ssyncpa.u1 $0x0;
	s6 =	sadd.s32 s6, s30  }
0xd: {  	[sflag:s31] =	ssyncpa.u1 $0x0;
	s8 =	smov.u32 s2;
	s7 =	sadd.s32 $0x1, s6  }
.LBB2_4:
0xe: {  	[tilespmem:s11+$0x30] =	vst v0  }
0xf: {  	[tilespmem:s11+$0x40] =	vst v1  }
0x10: {  	[tilespmem:s11+$0x50] =	vst v2  }
0x11: {  	[tilespmem:s11+$0x60] =	vst v3;
	s13 =	sshrl.u32 s10, $0x3  }
0x12: {  	[tilespmem:s11+$0xFFFFFF80] =	vst v4;
	s31 =	sand.u32 $0x7, s10;
	s30 =	sadd.s32 s5, s13  }
0x13: {  	[hbm4b:s30+s31] =	stream.linear.scatter [tilespmem:s12], [sflag:$0x2], $0x1B00, $0x38;
	[tilespmem:$0x6C00] =	vst v63  }
.LBB2_5:
0x14: {  	s12 =	sadd.s32 $0x1B000, s8  }
0x15: {  	p2 =	sgt.s32 s12, $0x35FFF  }
0x16: {  	s12 =	smov.u32 @p2 s2;
	p2 =	sne.s32 s9, s7  }
.Ltmp1:
0x17: {  	p1 =	slt.u32 s9, $0x2;
	(pc) =	sbr.rel @!p2 .LBB2_6-.Ltmp1, $4  }
0x18: {  	s11 =	simm.s32 @!p1 $0x2  }
0x19: {  	_ =	swait.ge @!p1 [sflag:s11], $0x1B00  }
0x1a: {  	s13 =	sadd.s32 $0x1, s9;
	s10 =	smov.u32 s8;
	[sflag:s11] =	ssyncset.done @!p1 $0x0  }
0x1b: {  	s9 =	smov.u32 s13;
	s8 =	smov.u32 s12;
	[sflag:s11] =	ssyncadd.s32 @!p1 $0xFFFFE500  }
.LBB2_1:
0x1c: {  	p1 =	sge.u32 s9, s6  }
0x1d: {  	s11 =	sxor.u32 @!p1 $0xFFFFFFFF, s9  }
0x1e: {  	s11 =	sand.u32 @!p1 $0x1, s11  }
0x1f: {  	s11 =	smul.u32 @!p1 $0x6C00, s11  }
0x20: {  	s31 =	sadd.s32 $0xFFFFFFFF, s9;
	s12 =	sshrl.u32 @!p1 s8, $0x3  }
0x21: {  	s13 =	sand.u32 @!p1 $0x7, s8;
	s12 =	sadd.s32 @!p1 s3, s12;
	s11 =	sshrl.u32 @!p1 s11, $0x2  }
0x22: {  	[tilespmem:s11], [sflag:$0x1] =	stream.linear.gather @!p1 [hbm4b:s12+s13], $0x1B00, $0x38;
	[tilespmem:$0x6C00] =	vst v63  }
0x23: {  	p1 =	sge.u32 s31, s6  }
.Ltmp2:
0x24: {  	_ = 	snop;
	(pc) =	sbr.rel @p1 .LBB2_5-.Ltmp2, $1  }
0x25: {  	_ =	sdelay $0x3  }
0x26: {  	s11 =	sand.u32 $0x1, s9  }
0x27: {  	_ =	swait.ge [sflag:s4], $0x1B00;
	s12 =	simm.s32 $0x1B00;
	p1 =	seq.s32 s11, $0x1  }
0x28: {  	[sflag:s4] =	ssyncset.done $0x0;
	s12 =	simm.s32 @!p1 $0x0  }
0x29: {  	[sflag:s4] =	ssyncadd.s32 $0xFFFFE500;
	s14 =	sor.u32 $0x80, s12  }
0x2a: {  	v0 =	vld [tilespmem:s14+$0x70]  }
0x2b: {  	v1 =	vld [tilespmem:s14+$0xFFFFFF90]  }
0x2c: {  	v2 =	vld [tilespmem:s14+$0xFFFFFFA0]  }
0x2d: {  	v3 =	vld [tilespmem:s14+$0xFFFFFFB0]  }
0x2e: {  	s11 =	sadd.s32 $0x3680, s12;
	v4 =	vld [tilespmem:s14+$0xFFFFFFC0]  }
0x2f: {  	v5 =	vld [tilespmem:s14+$0xFFFFFFD0];
	[tilespmem:s11+$0x70] =	vst v0  }
0x30: {  	[tilespmem:s11+$0xFFFFFF90] =	vst v1;
	v0 =	vld [tilespmem:s14+$0xFFFFFFE0]  }
0x31: {  	[tilespmem:s11+$0xFFFFFFA0] =	vst v2;
	v1 =	vld [tilespmem:s14+$0xFFFFFFF0]  }
0x32: {  	[tilespmem:s11+$0xFFFFFFB0] =	vst v3;
	v2 =	vld [tilespmem:s14+$0x0]  }
0x33: {  	[tilespmem:s11+$0xFFFFFFC0] =	vst v4;
	v3 =	vld [tilespmem:s14+$0x10]  }
0x34: {  	[tilespmem:s11+$0xFFFFFFD0] =	vst v5;
	v5 =	vld [tilespmem:s14+$0x20]  }
0x35: {  	[tilespmem:s11+$0xFFFFFFE0] =	vst v0;
	v0 =	vld [tilespmem:s14+$0x30]  }
0x36: {  	[tilespmem:s11+$0xFFFFFFF0] =	vst v1;
	v1 =	vld [tilespmem:s14+$0x40]  }
0x37: {  	[tilespmem:s11+$0x0] =	vst v2;
	v2 =	vld [tilespmem:s14+$0x50]  }
0x38: {  	[tilespmem:s11+$0x10] =	vst v3;
	v3 =	vld [tilespmem:s14+$0x60]  }
0x39: {  	s13 =	simm.s32 $0x0;
	s12 =	sadd.s32 $0x3600, s12;
	v4 =	vld [tilespmem:s14+$0xFFFFFF80];
	[tilespmem:s11+$0x20] =	vst v5;
	s14 =	sadd.s32 $0x100, s14  }
.LBB2_3:
0x3a: {  	v5 =	vld [tilespmem:s14+$0x70];
	s13 =	sadd.s32 $0x100, s13;
	[tilespmem:s11+$0x30] =	vst v0  }
0x3b: {  	v0 =	vld [tilespmem:s14+$0xFFFFFF90];
	p1 =	slt.u32 s13, $0x1A00;
	[tilespmem:s11+$0x40] =	vst v1  }
0x3c: {  	v1 =	vld [tilespmem:s14+$0xFFFFFFA0];
	[tilespmem:s11+$0x50] =	vst v2  }
0x3d: {  	v2 =	vld [tilespmem:s14+$0xFFFFFFB0];
	[tilespmem:s11+$0x60] =	vst v3  }
0x3e: {  	v3 =	vld [tilespmem:s14+$0xFFFFFFC0];
	[tilespmem:s11+$0xFFFFFF80] =	vst v4;
	s11 =	sadd.s32 $0x100, s11  }
0x3f: {  	v4 =	vld [tilespmem:s14+$0xFFFFFFD0];
	[tilespmem:s11+$0x70] =	vst v5  }
0x40: {  	[tilespmem:s11+$0xFFFFFF90] =	vst v0;
	v0 =	vld [tilespmem:s14+$0xFFFFFFE0]  }
0x41: {  	[tilespmem:s11+$0xFFFFFFA0] =	vst v1;
	v1 =	vld [tilespmem:s14+$0xFFFFFFF0]  }
0x42: {  	[tilespmem:s11+$0xFFFFFFB0] =	vst v2;
	v2 =	vld [tilespmem:s14+$0x0]  }
0x43: {  	[tilespmem:s11+$0xFFFFFFC0] =	vst v3;
	v3 =	vld [tilespmem:s14+$0x10]  }
0x44: {  	[tilespmem:s11+$0xFFFFFFD0] =	vst v4;
	v5 =	vld [tilespmem:s14+$0x20]  }
.Ltmp3:
0x45: {  	[tilespmem:s11+$0xFFFFFFE0] =	vst v0;
	v0 =	vld [tilespmem:s14+$0x30];
	(pc) =	sbr.rel @p1 .LBB2_3-.Ltmp3, $4  }
0x46: {  	[tilespmem:s11+$0xFFFFFFF0] =	vst v1;
	v1 =	vld [tilespmem:s14+$0x40]  }
0x47: {  	[tilespmem:s11+$0x0] =	vst v2;
	v2 =	vld [tilespmem:s14+$0x50]  }
0x48: {  	[tilespmem:s11+$0x10] =	vst v3;
	v3 =	vld [tilespmem:s14+$0x60]  }
0x49: {  	v4 =	vld [tilespmem:s14+$0xFFFFFF80];
	[tilespmem:s11+$0x20] =	vst v5;
	s14 =	sadd.s32 $0x100, s14  }
.Ltmp4:
0x4a: {  	_ = 	snop;
	(pc) =	sbr.rel .LBB2_4-.Ltmp4, $1  }
0x4b: {  	_ =	sdelay $0x3  }
.LBB2_6:
0x4c: {  	_ =	sfence.sel $0x180000  }
0x4d: {  	s2 =	simm.s32 $0x1;
	[bflag:$0x0] =	sbarrier.arrive $0xFFFF  }
0x4e: {  	s31 =	simm.s32 $0x2;
	[sflag:s2] =	ssyncpa.u1 $0x1  }
0x4f: {  	[sflag:s31] =	ssyncpa.u1 $0x1  }
0x50: {  	_ =	strace $0x9000004A  }
0x51: {  	s0 =	sadd.s32 @!p0 $0x100000, s0;
	[bflag:$0x2] =	sbarrier.arrive $0xFFFF  }
0x52: {  	[sflag:s0] =	ssyncadd.tile.s32 @!p0 $0x1;
	s0 =	simm.s32 @!p0 $0x3F  }
0x53: {  	_ =	swait.ge @!p0 [sflag:s0], s1  }
0x54: {  	s1 =	ssub.s32 @!p0 $0x0, s1;
	[sflag:s0] =	ssyncset.done @!p0 $0x0  }
0x55: {  	[sflag:s0] =	ssyncadd.s32 @!p0 s1  }
0x56: {  	[bflag:$0x3] =	sbarrier.arrive $0xFFFF  }
0x57: {  	_ =	shalt  }
.Lfunc_end2:
execute1_lowered:
.L_overlay_start_2:
0x58: {  	(tag) =	ssettag $0x2  }
0x59: {  	s0 =	rddreg [dreg:$0x0];
	_ =	strace $0x8000004D;
	s2 =	simm.s32 $0x1  }
0x5a: {  	v1 =	vimm.s32 $0xFFFFFFFF;
	[sflag:s2] =	ssyncpa.u1 $0x0  }
0x5b: {  	[tilespmem:$0x10] =	vst v1  }
0x5c: {  	v0 =	vimm.f32 $0.0e+00;
	[tilespmem:$0x20] =	vst v1  }
0x5d: {  	[tilespmem:$0x30] =	vst v0  }
0x5e: {  	[tilespmem:$0x40] =	vst v0  }
0x5f: {  	s30 =	simm.s32 $0x2;
	s3 =	stileid.u32;
	s6 =	simm.s32 $0x7;
	[tilespmem:$0x50] =	vst v0  }
0x60: {  	s8 =	simm.s32 $0x8;
	s31 =	simm.s32 $0x9;
	s14 =	simm.s32 $0x0;
	[tilespmem:$0x60] =	vst v1  }
0x61: {  	s15 =	simm.s32 $0xFFFFE000;
	s16 =	simm.s32 $0xFF;
	p0 =	por $0x0, $0x0;
	[tilespmem:$0x70] =	vst v1  }
0x62: {  	s17 =	simm.s32 $0xFFFFC100;
	s18 =	simm.s32 $0xFFFFFFFE;
	s19 =	simm.s32 $0xF;
	[tilespmem:$0x80] =	vst v1  }
0x63: {  	s20 =	simm.s32 $0x30;
	s23 =	simm.s32 $0x0;
	s21 =	simm.s32 $0x0;
	v1 =	vimm.s32 $0x0;
	[tilespmem:$0xB0] =	vst v0  }
.Ltmp5:
0x64: {  	s1 =	sadd.s32 $0xA3000, s0;
	s4 =	sadd.s32 $0x1440400, s0;
	[tilespmem:$0x90] =	vst v1;
	(pc) =	sbr.rel .LBB3_1-.Ltmp5, $4  }
0x65: {  	s5 =	sadd.s32 $0x78400, s0;
	s7 =	sshll.u32 s3, $0x10;
	[tilespmem:$0xA0] =	vst v1;
	[sflag:s30] =	ssyncpa.u1 $0x0  }
0x66: {  	s9 =	sshll.u32 s3, $0x1;
	s12 =	sshllo.u32 s3, $0x1;
	[sflag:s6] =	ssyncpa.u1 $0x0  }
0x67: {  	vm0 =	vmmov $0xffff;
	v2 =	vlaneseq.u32;
	s10 =	sadd.s32 $0x10000, s7;
	s11 =	sor.u32 $0x81, s9;
	[sflag:s8] =	ssyncpa.u1 $0x0  }
0x68: {  	vm1 =	vmxor vm1, vm1;
	vm2 =	vmmov $0x1;
	vm3 =	vcmask $0x3F3C;
	s13 =	sor.u32 $0x80, s9;
	s22 =	smov.u32 s7;
	[sflag:s31] =	ssyncpa.u1 $0x0  }
.LBB3_10:
0x69: {  	p1 =	slt.u32 s21, $0x3  }
0x6a: {  	s0 =	simm.s32 @!p1 $0x2  }
0x6b: {  	_ =	swait.ge @!p1 [sflag:s0], $0x2000  }
0x6c: {  	[sflag:s0] =	ssyncset.done @!p1 $0x0  }
0x6d: {  	[sflag:s0] =	ssyncadd.s32 @!p1 $0xFFFFE000;
	s0 =	simm.s32 @!p1 $0x9  }
0x6e: {  	_ =	swait.ge @!p1 [sflag:s0], $0x10  }
0x6f: {  	s21 =	sadd.s32 $0x1, s21;
	[sflag:s0] =	ssyncset.done @!p1 $0x0  }
0x70: {  	[sflag:s0] =	ssyncadd.s32 @!p1 $0xFFFFFFF0;
	p1 =	sne.s32 s21, $0xB  }
.Ltmp6:
0x71: {  	_ = 	snop;
	(pc) =	sbr.rel @!p1 .LBB3_11-.Ltmp6, $4  }
0x72: {  	s23 =	sadd.s32 $0x2000, s22;
	s24 =	smov.u32 s7  }
0x73: {  	s15 =	sadd.s32 $0x2000, s15;
	s16 =	sadd.s32 $0x1, s16;
	p2 =	slt.s32 s23, s10  }
0x74: {  	p0 =	por !p0, !p0;
	s17 =	sadd.s32 $0x2000, s17;
	s24 =	smov.u32 @p2 s23  }
0x75: {  	s18 =	sadd.s32 $0x1, s18;
	s23 =	smov.u32 s22;
	s22 =	smov.u32 s24  }
.LBB3_1:
0x76: {  	p1 =	sgt.u32 s21, $0x7  }
0x77: {  	s0 =	smul.u32 @!p1 $0xAB, s21;
	_ =	sdelay $0x1  }
0x78: {  	s0 =	sshrl.u32 @!p1 s0, $0x9  }
0x79: {  	s0 =	sand.u32 @!p1 $0x7F, s0  }
0x7a: {  	s0 =	smul.u32 @!p1 $0x3, s0;
	_ =	sdelay $0x1  }
0x7b: {  	s0 =	ssub.s32 @!p1 s21, s0  }
0x7c: {  	s0 =	sand.u32 @!p1 $0xFF, s0  }
0x7d: {  	s24 =	sshrl.u32 @!p1 s22, $0x3;
	s0 =	sshll.u32 @!p1 s0, $0xD  }
0x7e: {  	s25 =	sand.u32 @!p1 $0x7, s22;
	s24 =	sadd.s32 @!p1 s4, s24;
	s0 =	sor.u32 @!p1 $0x100, s0  }
0x7f: {  	[tilespmem:s0], [sflag:$0x7] =	stream.linear.gather @!p1 [hbm4b:s24+s25], $0x2000, $0x38;
	[tilespmem:$0x12120] =	vst v63  }
0x80: {  	s0 =	sadd.s32 $0xFFFFFFFF, s21  }
0x81: {  	p1 =	sgt.u32 s0, $0x7  }
.Ltmp7:
0x82: {  	_ = 	snop;
	(pc) =	sbr.rel @p1 .LBB3_5-.Ltmp7, $1  }
0x83: {  	_ =	sdelay $0x3  }
0x84: {  	s24 =	smul.u32 $0xAB, s0;
	_ =	sdelay $0x1  }
0x85: {  	s24 =	sshrl.u32 s24, $0x9  }
0x86: {  	s24 =	sand.u32 $0x7F, s24  }
0x87: {  	s24 =	smul.u32 $0x3, s24;
	_ =	sdelay $0x1  }
0x88: {  	s24 =	ssub.s32 s0, s24  }
0x89: {  	s24 =	sand.u32 $0xFF, s24  }
0x8a: {  	_ =	swait.ge [sflag:s6], $0x2000;
	s24 =	sshll.u32 s24, $0xD  }
0x8b: {  	[sflag:s6] =	ssyncset.done $0x0;
	s24 =	sor.u32 $0x100, s24  }
0x8c: {  	[sflag:s6] =	ssyncadd.s32 $0xFFFFE000;
	(ifvalue) =	ssetifvalue $0xFFFFFFFF;
	v3 =	vld.msk [tilespmem:s24+$0x0 ss:$0x1], $0xffff;
	_ =	sdelay $0x1  }
0x8d: {  	s28 =	sand.u32 $0xFF, s16  }
0x8e: {  	p1 =	sne.s32 s21, $0x1;
	s25 =	smulhi.u32 $0x55555556, s28  }
0x8f: {  	v4 =	vimm.s32 @!p1 $0x0  }
0x90: {  	s25 =	smul.u32 $0x18000, s25;
	v4 =	vperm.xlane @!p1 v3, v4  }
0x91: {  	s26 =	sshll.u32 s21, $0x4;
	s24 =	sshll.u32 s28, $0xF;
	vm4 =	vlt.u32 v3, $0x36000  }
0x92: {  	s29 =	sand.u32 $0x10, s26;
	s24 =	ssub.s32 s24, s25;
	v3 =	vnsel vm4, $0xFFFFFFFE, v3;
	vm4 =	vlt.u32 @!p1 v4, $0x36000  }
0x93: {  	s24 =	sshra.s32 s24, $0x2;
	[tilespmem:s29+$0x60] =	vst v3;
	v3 =	vnsel @!p1 vm4, $0xFFFFFFFE, v4  }
0x94: {  	s28 =	sadd.s32 $0x20F0, s24;
	[tilespmem:$0x80] =	vst @!p1 v3  }
0x95: {  	v3 =	vld.msk [tilespmem:s28+$0x0 ss:$0x1], $0xffff;
	_ =	sdelay $0x4  }
0x96: {  	(xrf1) =	vunique.msk.u32 $0xffff, v3;
	_ =	sdelay $0xd  }
0x97: {  	v4 =	vimm.s32 $0xFFFFFFFF;
	v5, _, _ =	vpop (xrf1)  }
0x98: {  	vm5 =	vne.s32 v3, v4;
	vm4 =	veq.s32 v5, v2  }
0x99: {  	vm6 =	vlt.u32 v3, $0x36000;
	vm4 =	vmand vm5, vm4  }
0x9a: {  	vm4 =	vmand vm6, vm4  }
0x9b: {  	v4 =	vnsel vm4, $0xFFFFFFFF, v3;
	_ =	sdelay $0x2  }
0x9c: {  	s30 =	sand.u32 $0x2000, s15  }
0x9d: {  	s31 =	sshll.u32 s0, $0xD;
	s24 =	sor.u32 $0x80F0, s30;
	(ifvalue) =	ssetifvalue $0xFFFFFFFF  }
0x9e: {  	v3 =	vperm.xlane v3, v1;
	[tilespmem:s24], [sflag:$0x8] =	stream.indirect_vreg.gather [hbm4b:s1+s14], $0x1, v4, vm0, $0x4038;
	v4 =	vnsel vm6, $0xFFFFFFFE, v4;
	[tilespmem:$0x12120] =	vst v63  }
0x9f: {  	s26 =	simm.s32 $0x0;
	s25 =	sand.u32 $0x2000, s31;
	s0 =	sadd.s32 $0xFFFFFFF0, s28;
	[tilespmem:s28+$0x0] =	vst v4  }
.LBB3_3:
0xa0: {  	v4 =	vld.msk [tilespmem:s0+$0x0 ss:$0x1], $0xffff;
	s26 =	sadd.s32 $0x10, s26;
	v5 =	vmov v3;
	s28 =	smov.u32 s0  }
0xa1: {  	p1 =	slt.u32 s26, $0x1FF0;
	_ =	sdelay $0x4  }
0xa2: {  	v3 =	vperm.xlane v4, v1;
	(xrf1) =	vunique.msk.u32 $0xffff, v4;
	_ =	sdelay $0xd  }
0xa3: {  	v6, _, _ =	vpop (xrf1)  }
0xa4: {  	vm5 =	vne.s32 v4, v5;
	vm4 =	veq.s32 v6, v2  }
0xa5: {  	vm6 =	vlt.u32 v4, $0x36000;
	vm4 =	vmand vm5, vm4  }
0xa6: {  	vm4 =	vmand vm6, vm4  }
0xa7: {  	v4 =	vnsel vm4, $0xFFFFFFFF, v4  }
.Ltmp8:
0xa8: {  	v5 =	vnsel vm6, $0xFFFFFFFE, v4;
	(pc) =	sbr.rel @p1 .LBB3_3-.Ltmp8, $3  }
0xa9: {  	_ =	sdelay $0x1  }
0xaa: {  	s0 =	sadd.s32 $0xFFFFFFF0, s0;
	s24 =	sadd.s32 $0xFFFFFFF0, s24;
	(ifvalue) =	ssetifvalue $0xFFFFFFFF  }
0xab: {  	[tilespmem:s24], [sflag:$0x8] =	stream.indirect_vreg.gather [hbm4b:s1+s14], $0x1, v4, vm0, $0x4038;
	[tilespmem:s28+$0x0] =	vst v5  }
0xac: {  	s0 =	sshrl.u32 s23, $0x3  }
0xad: {  	s31 =	sadd.s32 $0xA100, s25;
	s0 =	sadd.s32 s5, s0  }
0xae: {  	[tilespmem:s31], [sflag:$0x8] =	stream.linear.gather [hbm:s0], $0x2000, $0x38;
	[tilespmem:$0x12120] =	vst v63  }
.LBB3_5:
0xaf: {  	p1 =	sgt.u32 s21, $0xA  }
.Ltmp9:
0xb0: {  	_ = 	snop;
	(pc) =	sbr.rel @p1 .LBB3_7-.Ltmp9, $1  }
0xb1: {  	_ =	sdelay $0x3  }
0xb2: {  	s0 =	sshll.u32 s2, s21  }
0xb3: {  	s0 =	sand.u32 $0x403, s0  }
0xb4: {  	p1 =	sne.s32 s0, $0x0  }
.Ltmp10:
0xb5: {  	_ = 	snop;
	(pc) =	sbr.rel @p1 .LBB3_10-.Ltmp10, $1  }
0xb6: {  	_ =	sdelay $0x3  }
.LBB3_7:
0xb7: {  	s0 =	sadd.s32 $0xFFFFFFFE, s21  }
0xb8: {  	s23 =	smulhi.u32 $0xAAAAAAAB, s0;
	_ =	sdelay $0x1  }
0xb9: {  	s23 =	sshrl.u32 s23, $0x1  }
0xba: {  	s23 =	smul.u32 $0x3, s23;
	_ =	sdelay $0x1  }
0xbb: {  	_ =	swait.ge [sflag:s8], $0x4000;
	s0 =	ssub.s32 s0, s23  }
0xbc: {  	p1 =	sne.s32 s21, $0x9;
	[sflag:s8] =	ssyncset.done $0x0;
	s0 =	sshll.u32 s0, $0xD  }
0xbd: {  	[sflag:s8] =	ssyncadd.s32 $0xFFFFC000;
	s23 =	sadd.s32 @!p1 $0x20FF, s0  }
0xbe: {  	[spmem:s11] =	stream.linear.scatter @!p1 [tilespmem:s23], [sflag:$0x1], $0x1, $0x38;
	[tilespmem:$0x12120] =	vst v63  }
0xbf: {  	s23 =	simm.s32 @!p1 $0x1  }
0xc0: {  	_ =	swait.ge @!p1 [sflag:s23], $0x1  }
0xc1: {  	s24 =	sshll.u32 s21, $0x4;
	[sflag:s23] =	ssyncset.done @!p1 $0x0  }
0xc2: {  	[sflag:s23] =	ssyncadd.s32 @!p1 $0xFFFFFFFF;
	s23 =	sand.u32 $0x10, s24  }
0xc3: {  	v4 =	vld [tilespmem:s23+$0x10];
	s29 =	sxor.u32 $0x10, s23  }
0xc4: {  	v5 =	vld [tilespmem:s29+$0x60]  }
0xc5: {  	v3 =	vld [tilespmem:$0x80];
	_ =	sdelay $0x2  }
0xc6: {  	(v2sf) =	vpush v4, $0x0  }
0xc7: {  	(v2sf) =	vpush v5, $0x0  }
0xc8: {  	(v2sf) =	vpush v3, $0x0;
	_ =	sdelay $0xc  }
0xc9: {  	s24 =	spop (v2sf)  }
0xca: {  	s26 =	spop (v2sf)  }
0xcb: {  	s25 =	spop (v2sf)  }
0xcc: {  	p2 =	seq.s32 s24, s26;
	p3 =	seq.s32 s25, s24  }
0xcd: {  	p3 =	por p2, p3  }
0xce: {  	v4 =	vpsel p3, $0xFFFFFFFF, v4  }
0xcf: {  	s24 =	sand.u32 $0x1, s21;
	[tilespmem:s23+$0x10] =	vst.msk $0x1, v4  }
0xd0: {  	s26 =	sshll.u32 s24, $0xD;
	v4 =	vld [tilespmem:$0x30]  }
0xd1: {  	v5 =	vld [tilespmem:s26+$0xA100]  }
0xd2: {  	v6 =	vld [tilespmem:s23+$0x40];
	_ =	sdelay $0x3  }
0xd3: {  	vm4 =	vmmov vm1;
	v5 =	vadd.f32 v5, v4  }
0xd4: {  	vm5 =	vmmov vm2;
	vm4 =	vmmov @p2 vm2;
	s24 =	sshll.u32 s24, $0x4;
	v4 =	vadd.f32 v6, v4  }
0xd5: {  	vm5 =	vmmov @p3 vm1;
	s24 =	sor.u32 $0x12100, s24;
	[tilespmem:s26+$0xA100] =	vst.msk vm4, v5  }
0xd6: {  	[tilespmem:s24+$0x0] =	vst.msk vm5, v4  }
0xd7: {  	v4 =	vld [tilespmem:s26+$0x80F0];
	_ =	sdelay $0x3  }
0xd8: {  	v5 =	vimm.f32 $0.0e+00  }
0xd9: {  	v4 =	vshift.insert v4, v5, s19  }
0xda: {  	s28 =	sor.u32 $0x40, s29  }
0xdb: {  	[tilespmem:s28+$0x0] =	vst.msk $0x1, v4  }
0xdc: {  	[tilespmem:s26+$0x80FF] =	vst.msk $0x1, v5  }
0xdd: {  	v4 =	vld [tilespmem:s0+$0x20F0];
	_ =	sdelay $0x1  }
0xde: {  	s0 =	smulhi.u32 $0xAAAAAAAB, s18;
	_ =	sdelay $0x1  }
0xdf: {  	s28 =	simm.s32 $0x1;
	s0 =	sshrl.u32 s0, $0x1  }
0xe0: {  	s28 =	simm.s32 @!p0 $0x0;
	s0 =	smul.u32 $0xFFFE8000, s0;
	v4 =	vshift.insert v4, v1, s19  }
0xe1: {  	s30 =	sshll.u32 s28, $0xD  }
0xe2: {  	s28 =	sadd.s32 $0xA100, s30;
	s0 =	sshra.s32 s0, $0x2;
	[tilespmem:s29+$0x10] =	vst.msk $0x1, v4  }
0xe3: {  	s0 =	sadd.s32 s0, s17;
	v6 =	vld [tilespmem:s28+$0x0]  }
0xe4: {  	v7 =	vld [tilespmem:s0+$0x0];
	_ =	sdelay $0x3  }
0xe5: {  	v5 =	vadd.f32 v6, v5  }
0xe6: {  	vm4 =	vne.s32 v7, $0xFFFFFFFF  }
0xe7: {  	(xrf2) =	vadd.seg.scan.f32 vm4, v5;
	_ =	sdelay $0x3  }
0xe8: {  	s29 =	sadd.s32 $0x6100, s30;
	v5 =	vperm.xlane v4, v1  }
0xe9: {  	v6 =	vld [tilespmem:s29+$0x0]  }
0xea: {  	vm5 =	veq.s32 v7, v3;
	vm6 =	veq.s32 v7, v5  }
0xeb: {  	vm7 =	vgt.u32 v7, $0xFFFFFFFD;
	vm6 =	vmor vm6, vm5  }
0xec: {  	vm6 =	vmor vm6, vm7  }
0xed: {  	v9 =	vld [tilespmem:$0xA0];
	v7 =	vsel vm6, $0xFFFFFFFF, v7  }
0xee: {  	v10 =	vld [tilespmem:$0x90];
	v6 =	vsel vm5, $0x0, v6;
	v8, _, _ =	vpop (xrf2)  }
0xef: {  	v6 =	vadd.f32 v8, v6  }
0xf0: {  	s30 =	sadd.s32 $0xE100, s30  }
0xf1: {  	vm4 =	vmand vm4, vm3;
	[tilespmem:s30+$0x0] =	vst v6;
	(ifvalue) =	ssetifvalue $0xFFFFFFFF  }
0xf2: {  	vm6 =	veq.s32 v9, $0x1;
	[hbm4b:s1+s14] =	stream.indirect_vreg.scatter [tilespmem:s30], [sflag:$0x2], $0x1, v7, vm0, $0x4038;
	v7 =	vsel vm4, $0x0, v8;
	[tilespmem:$0x12120] =	vst v63  }
0xf3: {  	s31 =	simm.s32 $0x0;
	s0 =	sadd.s32 $0x10, s0;
	vm4 =	vmor vm6, vm5;
	v6 =	vsel vm5, v8, v10;
	v7 =	vshift.insert v7, v0, s19  }
.LBB3_8:
0xf4: {  	v8 =	vld [tilespmem:s0+$0x0];
	s28 =	sadd.s32 $0x10, s28  }
0xf5: {  	s29 =	sadd.s32 $0x10, s29;
	v9 =	vld [tilespmem:s28+$0x0]  }
0xf6: {  	s31 =	sadd.s32 $0x10, s31;
	v10 =	vld [tilespmem:s29+$0x0]  }
0xf7: {  	p2 =	slt.u32 s31, $0x1FF0;
	_ =	sdelay $0x2  }
0xf8: {  	v7 =	vadd.f32 v9, v7  }
0xf9: {  	vm5 =	vne.s32 v8, $0xFFFFFFFF  }
0xfa: {  	vm6 =	vmand vm5, vm3;
	(xrf2) =	vadd.seg.scan.f32 vm5, v7;
	_ =	sdelay $0x5  }
0xfb: {  	vm7 =	veq.s32 v8, v5;
	vm5 =	veq.s32 v8, v3  }
0xfc: {  	vm8 =	vgt.u32 v8, $0xFFFFFFFD;
	vm4 =	vmor vm4, vm5;
	vm7 =	vmor vm7, vm5  }
0xfd: {  	vm7 =	vmor vm7, vm8  }
0xfe: {  	v8 =	vsel vm7, $0xFFFFFFFF, v8  }
.Ltmp11:
0xff: {  	v7 =	vsel vm5, $0x0, v10;
	v9, _, _ =	vpop (xrf2);
	(pc) =	sbr.rel @p2 .LBB3_8-.Ltmp11, $4  }
0x100: {  	v6 =	vsel vm5, v9, v6;
	v10 =	vadd.f32 v9, v7;
	v7 =	vsel vm6, $0x0, v9  }
0x101: {  	s30 =	sadd.s32 $0x10, s30;
	v7 =	vshift.insert v7, v0, s19  }
0x102: {  	s0 =	sadd.s32 $0x10, s0;
	[tilespmem:s30+$0x0] =	vst v10;
	(ifvalue) =	ssetifvalue $0xFFFFFFFF  }
0x103: {  	[hbm4b:s1+s14] =	stream.indirect_vreg.scatter [tilespmem:s30], [sflag:$0x2], $0x1, v8, vm0, $0x4038;
	[tilespmem:$0x12120] =	vst v63  }
0x104: {  	v3 =	vld [tilespmem:s26+$0x100F0];
	_ =	sdelay $0x4  }
0x105: {  	v3 =	vshift.insert v3, v0, s19;
	_ =	sdelay $0x1  }
0x106: {  	[tilespmem:s20+$0x0] =	vst.msk $0x1, v3  }
0x107: {  	v3 =	vsel vm4, $0x1, v1;
	[tilespmem:$0x90] =	vst v6  }
0x108: {  	s0 =	sadd.s32 @!p1 $0x100FF, s26;
	[tilespmem:$0xA0] =	vst v3  }
0x109: {  	[spmem:s12] =	stream.linear.scatter @!p1 [tilespmem:s0], [sflag:$0x1], $0x1, $0x38;
	[tilespmem:$0x12120] =	vst v63  }
0x10a: {  	s0 =	simm.s32 @!p1 $0x1  }
0x10b: {  	v3 =	vmctz.xlane @!p1 vm4;
	_ =	swait.ge @!p1 [sflag:s0], $0x1  }
0x10c: {  	(v2sf) =	vpush @!p1 v4, $0x0  }
0x10d: {  	(v2sf) =	vpush @!p1 v3, $0x0;
	_ =	sdelay $0xd  }
0x10e: {  	s26 =	spop @!p1 (v2sf)  }
0x10f: {  	s28 =	spop @!p1 (v2sf)  }
0x110: {  	p2 =	sne.s32 @!p1 s25, s26;
	p3 =	slt.s32 @!p1 s28, $0xF  }
0x111: {  	[sflag:s0] =	ssyncset.done @!p1 $0x0;
	p2 =	por p2, p1;
	p3 =	por !p3, p1  }
0x112: {  	[sflag:s0] =	ssyncadd.s32 @!p1 $0xFFFFFFFF;
	v3 =	vimm.s32 @!p2 $0xFFFFFFFF;
	s28 =	simm.s32 @p3 $0xF  }
0x113: {  	[tilespmem:$0x80] =	vst @!p2 v3;
	s25 =	sadd.s32 @!p1 $0x90, s28  }
0x114: {  	[spmem:s9] =	stream.linear.scatter @!p1 [tilespmem:s25], [sflag:$0x1], $0x1, $0x38;
	[tilespmem:$0x12120] =	vst v63  }
0x115: {  	_ =	swait.ge @!p1 [sflag:s0], $0x1  }
0x116: {  	[sflag:s0] =	ssyncset.done @!p1 $0x0  }
0x117: {  	s25 =	simm.s32 @!p1 $0x80;
	[sflag:s0] =	ssyncadd.s32 @!p1 $0xFFFFFFFF  }
0x118: {  	[spmem:s13] =	stream.linear.scatter @!p1 [tilespmem:s25], [sflag:$0x1], $0x1, $0x38;
	[tilespmem:$0x12120] =	vst v63  }
0x119: {  	_ =	swait.ge @!p1 [sflag:s0], $0x1  }
0x11a: {  	[sflag:s0] =	ssyncset.done @!p1 $0x0  }
0x11b: {  	[sflag:s0] =	ssyncadd.s32 @!p1 $0xFFFFFFFF;
	(ifvalue) =	ssetifvalue $0xFFFFFFFF;
	v3 =	vld [tilespmem:s23+$0x10];
	_ =	sdelay $0x3  }
.Ltmp12:
0x11c: {  	_ = 	snop;
	(pc) =	sbr.rel .LBB3_10-.Ltmp12, $3  }
0x11d: {  	_ =	sdelay $0x1  }
0x11e: {  	(ifvalue) =	ssetifvalue $0xFFFFFFFF  }
0x11f: {  	[hbm4b:s1+s14] =	stream.indirect_vreg.scatter [tilespmem:s24], [sflag:$0x9], $0x1, v3, vm0, $0x4038;
	[tilespmem:$0x12120] =	vst v63  }
.LBB3_11:
0x120: {  	_ =	sfence.sel $0x180000  }
0x121: {  	s0 =	simm.s32 $0x7;
	[bflag:$0x0] =	sbarrier.arrive $0xFFFF  }
0x122: {  	s26 =	simm.s32 $0x8;
	[sflag:s0] =	ssyncpa.u1 $0x1  }
0x123: {  	s28 =	simm.s32 $0x9;
	[sflag:s26] =	ssyncpa.u1 $0x1  }
0x124: {  	[sflag:s28] =	ssyncpa.u1 $0x1  }
0x125: {  	_ =	sfence.stream.spmem  }
0x126: {  	s29 =	simm.s32 $0x3;
	[bflag:$0x0] =	sbarrier.arrive $0xFFFF  }
0x127: {  	s30 =	simm.s32 $0x4;
	[sflag:s29] =	ssyncpa.u1 $0x1  }
0x128: {  	s31 =	simm.s32 $0x3C;
	[sflag:s30] =	ssyncpa.u1 $0x1  }
0x129: {  	p0 =	sne.s32 s3, $0x0;
	[sflag:s31] =	ssyncpa.u1 $0x1  }
0x12a: {  	s0 =	simm.s32 @p0 $0x1;
	_ =	sfence @p0  }
0x12b: {  	[sflag:s0] =	ssyncpa.u1 @p0 $0x1;
	s0 =	simm.s32 @p0 $0x2  }
0x12c: {  	[sflag:s0] =	ssyncpa.u1 @p0 $0x1  }
0x12d: {  	_ =	strace @p0 $0x9000004D  }
0x12e: {  	[bflag:$0x2] =	sbarrier.arrive @p0 $0xFFFF  }
0x12f: {  	_ =	shalt @p0  }
.LBB3_12:
0x130: {  	_ =	sfence.stream.spmem;
	s0 =	simm.s32 $0x5  }
0x131: {  	s2 =	simm.s32 $0x80;
	s3 =	simm.s32 $0xC0;
	[sflag:s0] =	ssyncpa.u1 $0x0  }
0x132: {  	[tilespmem:s3], [sflag:$0x5] =	stream.linear.gather [spmem:s2], $0x20, $0x38;
	[tilespmem:$0x12120] =	vst v63  }
0x133: {  	s2 =	simm.s32 $0x0;
	s3 =	simm.s32 $0xE0  }
0x134: {  	[tilespmem:s3], [sflag:$0x5] =	stream.linear.gather [spmem:s2], $0x20, $0x38;
	[tilespmem:$0x12120] =	vst v63  }
.Ltmp13:
0x135: {  	_ = 	snop;
	(pc) =	sbr.rel .LBB3_13-.Ltmp13, $4  }
0x136: {  	_ =	swait.ge [sflag:s0], $0x40  }
0x137: {  	[sflag:s0] =	ssyncset.done $0x0  }
0x138: {  	s31 =	simm.s32 $0x6;
	[sflag:s0] =	ssyncadd.s32 $0xFFFFFFC0  }
0x139: {  	s4 =	simm.s32 $0x0;
	[sflag:s31] =	ssyncpa.u1 $0x0  }
.LBB3_18:
0x13a: {  	p0 =	sgt.u32 s5, $0x35FFF  }
0x13b: {  	s0 =	sshrl.u32 @!p0 s5, $0x3  }
0x13c: {  	s5 =	sand.u32 @!p0 $0x7, s5;
	s6 =	simm.s32 @!p0 $0xB0;
	s0 =	sadd.s32 @!p0 s1, s0  }
0x13d: {  	[tilespmem:s6], [sflag:$0x6] =	stream.linear.gather @!p0 [hbm4b:s0+s5], $0x1, $0x38;
	[tilespmem:$0x12120] =	vst v63  }
0x13e: {  	s0 =	simm.s32 @!p0 $0x6  }
0x13f: {  	_ =	swait.ge @!p0 [sflag:s0], $0x1  }
0x140: {  	[sflag:s0] =	ssyncset.done @!p0 $0x0  }
0x141: {  	[sflag:s0] =	ssyncadd.s32 @!p0 $0xFFFFFFFF  }
0x142: {  	v2 =	vmov @!p0 s4;
	v1 =	vld.msk @!p0 [tilespmem:$0xB0], $0x1;
	_ =	sdelay $0x3  }
0x143: {  	s0 =	simm.s32 @!p0 $0xE0  }
0x144: {  	[tilespmem:v2+s0+$0x0], v1 =	vst.idx.ret.add.f32.msk @!p0 $0x1, v1  }
0x145: {  	[tilespmem:s2+$0xC0] =	vst.msk $0x1, v0  }
0x146: {  	v0 =	vld.msk [tilespmem:s4+$0xE0], $0x1;
	_ =	sdelay $0x4  }
0x147: {  	[tilespmem:s2+$0xE0] =	vst.msk $0x1, v0;
	s2 =	sadd.s32 $0x1, s2  }
.LBB3_20:
0x148: {  	s4 =	sadd.s32 $0x1, s4  }
0x149: {  	p0 =	sne.s32 s4, $0x20  }
.Ltmp14:
0x14a: {  	_ = 	snop;
	(pc) =	sbr.rel @!p0 .LBB3_21-.Ltmp14, $1  }
0x14b: {  	_ =	sdelay $0x3  }
.LBB3_13:
0x14c: {  	v0 =	vld.msk [tilespmem:s4+$0xC0], $0x1;
	_ =	sdelay $0x4  }
0x14d: {  	(v2sf) =	vpush v0, $0x0;
	_ =	sdelay $0xe  }
0x14e: {  	s5 =	spop (v2sf)  }
0x14f: {  	p0 =	seq.s32 s5, $0xFFFFFFFF  }
.Ltmp15:
0x150: {  	_ = 	snop;
	(pc) =	sbr.rel @p0 .LBB3_20-.Ltmp15, $1  }
0x151: {  	_ =	sdelay $0x3  }
0x152: {  	p0 =	slt.s32 s2, $0x1  }
.Ltmp16:
0x153: {  	_ = 	snop;
	(pc) =	sbr.rel @p0 .LBB3_18-.Ltmp16, $1  }
0x154: {  	_ =	sdelay $0x3  }
0x155: {  	s6 =	simm.s32 $0xC0;
	p0 =	por $0x0, $0x0  }
0x156: {  	v1 =	vld.msk @!p0 [tilespmem:s6+$0x0], $0x1;
	_ =	sdelay $0x4  }
0x157: {  	(v2sf) =	vpush @!p0 v1, $0x0;
	_ =	sdelay $0xd  }
0x158: {  	p2 =	sne.s32 s2, $0x1  }
.Ltmp17:
0x159: {  	s0 =	spop @!p0 (v2sf);
	(pc) =	sbr.rel @!p2 .LBB3_17-.Ltmp17, $4  }
0x15a: {  	p1 =	seq.s32 @!p0 s5, s0  }
0x15b: {  	s0 =	simm.s32 $0x0;
	p1 =	por !p1, p0  }
0x15c: {  	s8 =	simm.s32 $0xFFFFFFFF;
	s0 =	simm.s32 @p1 $0xFFFFFFFF  }
0x15d: {  	s7 =	simm.s32 $0x1;
	s0 =	smov.u32 @p0 s8  }
.LBB3_16:
0x15e: {  	s8 =	smov.u32 s0;
	p0 =	sne.s32 s0, $0xFFFFFFFF  }
0x15f: {  	s6 =	sadd.s32 $0x1, s6;
	s0 =	smov.u32 s7;
	s7 =	sadd.s32 $0x1, s7  }
0x160: {  	p1 =	sne.s32 s2, s7;
	v1 =	vld.msk @!p0 [tilespmem:s6+$0x0], $0x1;
	_ =	sdelay $0x4  }
0x161: {  	(v2sf) =	vpush @!p0 v1, $0x0;
	_ =	sdelay $0xe  }
.Ltmp18:
0x162: {  	s9 =	spop @!p0 (v2sf);
	(pc) =	sbr.rel @p1 .LBB3_16-.Ltmp18, $4  }
0x163: {  	p2 =	seq.s32 @!p0 s5, s9  }
0x164: {  	p2 =	por !p2, p0  }
0x165: {  	s0 =	simm.s32 @p2 $0xFFFFFFFF  }
0x166: {  	s0 =	smov.u32 @p0 s8  }
.LBB3_17:
0x167: {  	p0 =	sne.s32 s0, $0xFFFFFFFF  }
.Ltmp19:
0x168: {  	_ = 	snop;
	(pc) =	sbr.rel @!p0 .LBB3_18-.Ltmp19, $1  }
0x169: {  	_ =	sdelay $0x3  }
0x16a: {  	v0 =	vld.msk [tilespmem:s4+$0xE0], $0x1;
	v1 =	vmov s0  }
.Ltmp20:
0x16b: {  	_ = 	snop;
	(pc) =	sbr.rel .LBB3_20-.Ltmp20, $2  }
0x16c: {  	_ =	sdelay $0x2  }
0x16d: {  	[tilespmem:v1+s3+$0x0], v0 =	vst.idx.ret.add.f32.msk $0x1, v0  }
.LBB3_21:
0x16e: {  	p0 =	slt.s32 s2, $0x1  }
.Ltmp21:
0x16f: {  	_ = 	snop;
	(pc) =	sbr.rel @p0 .LBB3_25-.Ltmp21, $3  }
0x170: {  	_ =	sdelay $0x1  }
0x171: {  	s0 =	simm.s32 $0x6  }
0x172: {  	s3 =	simm.s32 $0x0;
	[sflag:s0] =	ssyncpa.u1 $0x1  }
0x173: {  	s0 =	simm.s32 $0xC0  }
0x174: {  	v0 =	vld.msk [tilespmem:s0+$0x0], $0x1;
	_ =	sdelay $0x4  }
0x175: {  	(v2sf) =	vpush v0, $0x0;
	_ =	sdelay $0xe  }
0x176: {  	s2 =	sadd.s32 $0xFFFFFFFF, s2;
	s4 =	spop (v2sf)  }
0x177: {  	p1 =	sne.s32 s2, $0x0;
	p0 =	sgt.u32 s4, $0x35FFF  }
.Ltmp22:
0x178: {  	s5 =	sshrl.u32 @!p0 s4, $0x3;
	(pc) =	sbr.rel @!p1 .LBB3_24-.Ltmp22, $4  }
0x179: {  	s0 =	simm.s32 $0xE0;
	s4 =	sand.u32 @!p0 $0x7, s4;
	s5 =	sadd.s32 @!p0 s1, s5  }
0x17a: {  	[hbm4b:s5+s4] =	stream.linear.scatter @!p0 [tilespmem:s0], [sflag:$0x5], $0x1, $0x38;
	[tilespmem:$0x12120] =	vst v63  }
0x17b: {  	s5 =	simm.s32 $0x0  }
0x17c: {  	s4 =	simm.s32 $0xC1;
	s5 =	simm.s32 @!p0 $0x4  }
.LBB3_23:
0x17d: {  	v0 =	vld.msk [tilespmem:s4+$0x0], $0x1;
	s2 =	sadd.s32 $0xFFFFFFFF, s2;
	s3 =	sadd.s32 s3, s5  }
0x17e: {  	p0 =	sne.s32 s2, $0x0;
	_ =	sdelay $0x3  }
0x17f: {  	(v2sf) =	vpush v0, $0x0;
	_ =	sdelay $0xe  }
.Ltmp23:
0x180: {  	s6 =	spop (v2sf);
	(pc) =	sbr.rel @p0 .LBB3_23-.Ltmp23, $4  }
0x181: {  	s5 =	simm.s32 $0x0;
	p1 =	sgt.u32 s6, $0x35FFF  }
0x182: {  	s0 =	sadd.s32 $0x1, s0;
	s5 =	simm.s32 @!p1 $0x4;
	s7 =	sshrl.u32 @!p1 s6, $0x3  }
0x183: {  	s4 =	sadd.s32 $0x1, s4;
	s6 =	sand.u32 @!p1 $0x7, s6;
	s7 =	sadd.s32 @!p1 s1, s7  }
0x184: {  	[hbm4b:s7+s6] =	stream.linear.scatter @!p1 [tilespmem:s0], [sflag:$0x5], $0x1, $0x38;
	[tilespmem:$0x12120] =	vst v63  }
.LBB3_24:
0x185: {  	s0 =	sadd.s32 s3, s5  }
0x186: {  	s3 =	sshrl.u32 s0, $0x2  }
.LBB3_25:
0x187: {  	s0 =	simm.s32 $0x5  }
0x188: {  	_ =	swait.ge [sflag:s0], s3  }
0x189: {  	s1 =	ssub.s32 $0x0, s3;
	[sflag:s0] =	ssyncset.done $0x0  }
0x18a: {  	[sflag:s0] =	ssyncadd.s32 s1  }
0x18b: {  	[sflag:s0] =	ssyncpa.u1 $0x1  }
0x18c: {  	s29 =	simm.s32 $0x1;
	_ =	sfence  }
0x18d: {  	s30 =	simm.s32 $0x2;
	[sflag:s29] =	ssyncpa.u1 $0x1  }
0x18e: {  	[sflag:s30] =	ssyncpa.u1 $0x1  }
0x18f: {  	_ =	strace $0x9000004D  }
0x190: {  	[bflag:$0x2] =	sbarrier.arrive $0xFFFF  }
0x191: {  	s31 =	rddreg [dreg:$0x1]  }
0x192: {  	s0 =	sadd.s32 $0x100000, s31  }
0x193: {  	[sflag:s0] =	ssyncadd.tile.s32 $0x1;
	_ =	shalt  }
.Lfunc_end3:
_tile_overlayer_lowered:
.L_overlay_start_3:
0x194: {  	(tag) =	ssettag $0x3  }
0x195: {  	s0 =	rddreg [dreg:$0x0];
	s2 =	stileid.u32  }
0x196: {  	s1 =	rddreg [dreg:$0x1];
	p0 =	sne.s32 s2, $0x0  }
0x197: {  	s3 =	rddreg [dreg:$0x2];
	[bflag:$0x3] =	sbarrier.arrive $0xFFFF;
	s2 =	simm.s32 @!p0 $0x1C01  }
0x198: {  	[timem:s3], [sflag:s2] =	dma.local @!p0 [hbm:s0], s1  }
0x199: {  	s0 =	simm.s32 @!p0 $0x1  }
0x19a: {  	_ =	swait.ge @!p0 [sflag:s0], s1  }
0x19b: {  	s1 =	ssub.s32 @!p0 $0x0, s1;
	[sflag:s0] =	ssyncset.done @!p0 $0x0  }
0x19c: {  	[sflag:s0] =	ssyncadd.s32 @!p0 s1  }
0x19d: {  	[bflag:$0x3] =	sbarrier.arrive $0xFFFF  }
0x19e: {  	_ =	shalt  }

// kernel: scatter_offload_async_start.5
scs
__scs_entry_jumppad:
0x0: {  	(pc) =	sbr.rel $0x88, $3  }
0x1: {  	(tag) =	ssettag $0x0;
	lr =	simm.s32 $0x1  }
0x2: {  	[smem:$0x3F8F] =	sst lr;
	_ =	strace $0xD0000000  }
0x3: {  	_ = 	snop  }
0x4: {  	_ = 	snop  }
0x5: {  	_ = 	snop  }
0x6: {  	_ = 	snop  }
0x7: {  	_ = 	snop  }
__scs_overlays_trampoline_lowered:
0x8: {  	[smem:$0x3F9E] =	sst s0  }
0x9: {  	[smem:$0x3F9F] =	sst s1  }
0xa: {  	[smem:$0x3FA0] =	sst s2  }
0xb: {  	[smem:$0x3FA1] =	sst s3  }
0xc: {  	[smem:$0x3FA2] =	sst s4  }
0xd: {  	[smem:$0x3FA3] =	sst s5  }
0xe: {  	[smem:$0x3FA4] =	sst s6  }
0xf: {  	[smem:$0x3FA5] =	sst s7  }
0x10: {  	[smem:$0x3FA6] =	sst s8  }
0x11: {  	[smem:$0x3FA7] =	sst s9;
	s0 =	simm.s32 @!p0 $0x0  }
0x12: {  	s1 =	sld [smem:$0x3F8D];
	s0 =	simm.s32 @p0 $0x1  }
0x13: {  	[smem:$0x3FA8] =	sst s0;
	s0 =	simm.s32 @!p1 $0x0  }
0x14: {  	s2 =	sld [smem:$0x3F8C];
	s0 =	simm.s32 @p1 $0x1  }
0x15: {  	[smem:$0x3FA9] =	sst s0;
	s0 =	simm.s32 @!p2 $0x0  }
0x16: {  	s3 =	sld [smem:$0x3FDB];
	s0 =	simm.s32 @p2 $0x1  }
0x17: {  	s4 =	simm.s32 $0x1BF5;
	[smem:$0x3FAB] =	sst s0  }
0x18: {  	s0 =	sld [smem:$0x3F8E];
	_ =	swait.ge [sflag:s4], $0x0  }
0x19: {  	s7 =	sld [smem:$0x3F8F]  }
0x1a: {  	s8 =	sadd.s32 $0xFFFFE003, lr  }
0x1b: {  	s9 =	sadd.s32 $0xFFFFFEF7, lr;
	s5 =	simm.s32 $0xFFFFFFFF;
	p2 =	slt.u32 s8, $0xFFFFF086  }
0x1c: {  	p1 =	slt.u32 s9, $0xF7A;
	s5 =	simm.s32 @!p2 $0x0  }
0x1d: {  	s5 =	simm.s32 @p1 $0x1;
	p0 =	seq.s32 s7, s2  }
0x1e: {  	s7 =	smul.u32 @!p0 $0xF7A, s2;
	p2 =	seq.s32 @!p0 s5, $0x0  }
0x1f: {  	s9 =	smul.u32 $0xF7A, s1;
	s8 =	simm.s32 @!p0 $0x1BF5;
	p2 =	por !p2, p0  }
0x20: {  	[sflag:s8] =	ssyncset.s32 @!p0 $0xFFFFF086;
	s6 =	sadd.s32 @!p0 s3, s7;
	s7 =	simm.s32 @!p0 $0x108  }
0x21: {  	s3 =	sadd.s32 s3, s9;
	s6 =	sadd.s32 @!p0 $0x88, s6;
	s7 =	simm.s32 @p2 $0x1082  }
0x22: {  	[simem:s7], [sflag:s8] =	dma.local @!p0 [hbm:s6], $0xF7A  }
0x23: {  	s9 =	sor.u32 $0xD0000000, s2;
	s6 =	simm.s32 $0x108;
	_ =	swait.ge @!p0 [sflag:s8], $0x0  }
0x24: {  	s3 =	sadd.s32 $0x88, s3;
	s6 =	simm.s32 @!p1 $0x1082;
	[sflag:s4] =	ssyncset.s32 $0xFFFFF086  }
0x25: {  	[simem:s6], [sflag:s4] =	dma.local [hbm:s3], $0xF7A  }
0x26: {  	[smem:$0x3F8F] =	sst s1;
	(tag) =	ssettag s2;
	_ =	strace s9  }
0x27: {  	s1 =	sld [smem:$0x3F9F]  }
0x28: {  	s2 =	sld [smem:$0x3FA0]  }
0x29: {  	s4 =	sld [smem:$0x3FA2]  }
0x2a: {  	p0 =	seq.s32 s5, $0x0;
	s5 =	sld [smem:$0x3FA3]  }
0x2b: {  	s6 =	sld [smem:$0x3FA4]  }
0x2c: {  	s7 =	sld [smem:$0x3FA5]  }
0x2d: {  	s3 =	simm.s32 $0x108;
	s8 =	sld [smem:$0x3FA6]  }
0x2e: {  	s3 =	simm.s32 @!p0 $0x1082;
	s9 =	sld [smem:$0x3FA7]  }
0x2f: {  	lr =	sadd.s32 s0, s3;
	s0 =	sld [smem:$0x3F9E]  }
0x30: {  	s3 =	sld [smem:$0x3FA1]  }
0x31: {  	[smem:$0x3FAA] =	sst s10  }
0x32: {  	s10 =	sld [smem:$0x3FA8];
	_ =	sdelay $0x3  }
0x33: {  	p0 =	seq.s32 s10, $0x1;
	s10 =	sld [smem:$0x3FAA];
	_ =	sdelay $0x3  }
0x34: {  	[smem:$0x3FAA] =	sst s10  }
0x35: {  	s10 =	sld [smem:$0x3FA9];
	_ =	sdelay $0x3  }
0x36: {  	p1 =	seq.s32 s10, $0x1;
	s10 =	sld [smem:$0x3FAA];
	_ =	sdelay $0x3  }
0x37: {  	[smem:$0x3FAA] =	sst s10  }
0x38: {  	s10 =	sld [smem:$0x3FAB]  }
0x39: {  	_ = 	snop;
	(pc) =	sbr.ind lr, $3  }
0x3a: {  	_ = 	snop  }
0x3b: {  	_ = 	snop  }
0x3c: {  	p2 =	seq.s32 s10, $0x1;
	s10 =	sld [smem:$0x3FAA]  }
0x3d: {  	_ =	shalt  }
0x3e: {  	_ =	shalt  }
0x3f: {  	_ =	shalt  }
0x40: {  	_ =	shalt  }
0x41: {  	_ =	shalt  }
0x42: {  	_ =	shalt  }
0x43: {  	_ =	shalt  }
0x44: {  	_ =	shalt  }
0x45: {  	_ =	shalt  }
0x46: {  	_ =	shalt  }
0x47: {  	_ =	shalt  }
0x48: {  	_ =	shalt  }
0x49: {  	_ =	shalt  }
0x4a: {  	_ =	shalt  }
0x4b: {  	_ =	shalt  }
0x4c: {  	_ =	shalt  }
0x4d: {  	_ =	shalt  }
0x4e: {  	_ =	shalt  }
0x4f: {  	_ =	shalt  }
0x50: {  	_ =	shalt  }
0x51: {  	_ =	shalt  }
0x52: {  	_ =	shalt  }
0x53: {  	_ =	shalt  }
0x54: {  	_ =	shalt  }
0x55: {  	_ =	shalt  }
0x56: {  	_ =	shalt  }
0x57: {  	_ =	shalt  }
0x58: {  	_ =	shalt  }
0x59: {  	_ =	shalt  }
0x5a: {  	_ =	shalt  }
0x5b: {  	_ =	shalt  }
0x5c: {  	_ =	shalt  }
0x5d: {  	_ =	shalt  }
0x5e: {  	_ =	shalt  }
0x5f: {  	_ =	shalt  }
0x60: {  	_ =	shalt  }
0x61: {  	_ =	shalt  }
0x62: {  	_ =	shalt  }
0x63: {  	_ =	shalt  }
0x64: {  	_ =	shalt  }
0x65: {  	_ =	shalt  }
0x66: {  	_ =	shalt  }
0x67: {  	_ =	shalt  }
0x68: {  	_ =	shalt  }
0x69: {  	_ =	shalt  }
0x6a: {  	_ =	shalt  }
0x6b: {  	_ =	shalt  }
0x6c: {  	_ =	shalt  }
0x6d: {  	_ =	shalt  }
0x6e: {  	_ =	shalt  }
0x6f: {  	_ =	shalt  }
0x70: {  	_ =	shalt  }
0x71: {  	_ =	shalt  }
0x72: {  	_ =	shalt  }
0x73: {  	_ =	shalt  }
0x74: {  	_ =	shalt  }
0x75: {  	_ =	shalt  }
0x76: {  	_ =	shalt  }
0x77: {  	_ =	shalt  }
0x78: {  	_ =	shalt  }
0x79: {  	_ =	shalt  }
0x7a: {  	_ =	shalt  }
0x7b: {  	_ =	shalt  }
0x7c: {  	_ =	shalt  }
0x7d: {  	_ =	shalt  }
0x7e: {  	_ =	shalt  }
0x7f: {  	_ =	shalt  }
0x80: {  	_ =	shalt  }
0x81: {  	_ =	shalt  }
0x82: {  	_ =	shalt  }
0x83: {  	_ =	shalt  }
0x84: {  	_ =	shalt  }
0x85: {  	_ =	shalt  }
0x86: {  	_ =	shalt  }
0x87: {  	_ =	shalt  }
.Lfunc_end0:
.L_simem_size_0:
called_computation.5_lowered:
.L_overlay_start_0:
0x88: {  	s0 =	sld [smem:$0x3FD9]  }
0x89: {  	s1 =	sld [smem:$0x3FFE];
	_ =	sdelay $0x3  }
0x8a: {  	s0 =	sadd.s32 s1, s0  }
0x8b: {  	[smem:$0x3FB6] =	sst s0  }
0x8c: {  	_ = 	snop  }
0x8d: {  	(tm) =	ssettm $0x1  }
0x8e: {  	s14 =	sld [smem:$0x3FFB];
	_ =	sdelay $0x3  }
0x8f: {  	_ =	strace s14  }
0x90: {  	s0 =	sld [smem:$0x3FFC];
	_ =	sdelay $0x3  }
0x91: {  	_ =	strace s0  }
0x92: {  	s0 =	sld [smem:$0x3FFD];
	_ =	sdelay $0x3  }
0x93: {  	_ =	strace s0  }
0x94: {  	_ =	strace $0x8FFFFFFF  }
0x95: {  	s15 =	sld [smem:$0x3FDB];
	_ =	sdelay $0x1  }
0x96: {  	s16 =	simm.s32 $_scs_section_size  }
0x97: {  	s2 =	simm.s32 $_size__tile_overlayer_lowered;
	s3 =	simm.s32 $_tile_overlayer_lowered  }
0x98: {  	s4 =	simm.s32 $0x1BFF;
	s17 =	sshll.u32 s3, $0x1;
	s1 =	sadd.s32 s16, s15  }
0x99: {  	s18 =	simm.s32 $0x0;
	s2 =	sshll.u32 s2, $0x1;
	s3 =	sadd.s32 s17, s1  }
0x9a: {  	[timem:s18], [sflag:s4] =	dma.local [hbm:s3], s2  }
0x9b: {  	_ =	swait.ge [sflag:s4], s2  }
0x9c: {  	s2 =	ssub.s32 $0x0, s2;
	[sflag:s4] =	ssyncset.done $0x0  }
0x9d: {  	[sflag:s4] =	ssyncadd.s32 s2;
	_ =	sdelay $0x1  }
0x9e: {  	s19 =	simm.s32 $0x1B8B  }
0x9f: {  	_ =	swait.ge [sflag:s19], $0x1  }
0xa0: {  	[sflag:s19] =	ssyncset.done $0x0  }
0xa1: {  	s21 =	simm.s32 $0x1B8E;
	s20 =	sld [smem:$0x3FFE];
	[sflag:s19] =	ssyncadd.s32 $0xFFFFFFFF  }
0xa2: {  	s22 =	simm.s32 $execute0_lowered;
	[smem:$0x3FD2] =	sst s21  }
0xa3: {  	s3 =	sshll.u32 s22, $0x1;
	_ =	strace $0x8000004F;
	[dreg:$0x1] =	wrdreg $0xFFFFFFFF  }
0xa4: {  	s23 =	simm.s32 $_size_execute0_lowered;
	s3 =	sadd.s32 s1, s3;
	[dreg:$0x0] =	wrdreg $0x0  }
0xa5: {  	s4 =	sshll.u32 s23, $0x1;
	[dreg:$0x2] =	wrdreg s3  }
0xa6: {  	[dreg:$0x3] =	wrdreg s4  }
0xa7: {  	[dreg:$0x4] =	wrdreg $0xC0  }
0xa8: {  	s24 =	simm.s32 $execute1_lowered;
	_ =	task [dreg:s18], $0x5FFFF  }
0xa9: {  	s3 =	sshll.u32 s24, $0x1;
	[dreg:$0x1] =	wrdreg $0xFFFFFFFF  }
0xaa: {  	s1 =	sadd.s32 s1, s3;
	[dreg:$0x0] =	wrdreg $0x60  }
0xab: {  	[dreg:$0x2] =	wrdreg s1  }
0xac: {  	[dreg:$0x3] =	wrdreg s20  }
0xad: {  	[dreg:$0x4] =	wrdreg $0x11  }
0xae: {  	_ =	task.clear_ibuf [dreg:s18], $0x5FFFF;
	_ =	strace $0x9000004F  }
0xaf: {  	s25 =	simm.s32 $0x11;
	_ =	strace $0x80000051  }
0xb0: {  	_ =	swait.ge [sflag:s25], $0x1  }
0xb1: {  	[sflag:s25] =	ssyncadd.s32 $0xFFFFFFFF  }
0xb2: {  	_ =	strace $0x90000051  }
0xb3: {  	_ =	strace $0x80000052;
	[dreg:$0x1] =	wrdreg $0xFFFFFFFF  }
0xb4: {  	[dreg:$0x0] =	wrdreg $0x2030  }
0xb5: {  	[dreg:$0x2] =	wrdreg s20  }
0xb6: {  	[dreg:$0x3] =	wrdreg $0x12  }
0xb7: {  	_ =	task.clear_ibuf [dreg:s18], $0x4FFFF;
	_ =	strace $0x90000052  }
0xb8: {  	s26 =	simm.s32 $0x12;
	_ =	strace $0x80000054  }
0xb9: {  	_ =	swait.ge [sflag:s26], $0x1  }
0xba: {  	[sflag:s26] =	ssyncadd.s32 $0xFFFFFFFF  }
0xbb: {  	_ =	strace $0x90000054  }
0xbc: {  	_ =	sfence  }
0xbd: {  	s28 =	sld [smem:$0x0];
	_ =	sdelay $0x1  }
0xbe: {  	s29 =	srdreg.scid  }
0xbf: {  	s30 =	sshll.u32 s29, $0xD;
	s31 =	sshrl.u32 s29, $0x2  }
0xc0: {  	s2 =	sand.u32 $0x1, s29;
	s3 =	sand.u32 $0x4000, s30;
	s1 =	sadd.s32 s31, s28  }
0xc1: {  	s2 =	sor.u32 s3, s2;
	s1 =	sshll.u32 s1, $0x11  }
0xc2: {  	s1 =	sor.u32 s1, s2  }
0xc3: {  	s1 =	sadd.s32 $0x8F2B, s1  }
0xc4: {  	[sflag:s1] =	ssyncadd.remote.s32 $0x1  }
0xc5: {  	_ =	sfence.sel $0xFFFF  }
0xc6: {  	[dreg:$0x0] =	wrdreg $0xFFFFFFFF;
	(pc) =	sbr.abs _section_cstart, $3  }
0xc7: {  	[dreg:$0x1] =	wrdreg $0xFFFFFFFF  }
0xc8: {  	_ =	task.clear_ibuf [dreg:s18], $0x2FFFF;
	_ =	strace $0x9FFFFFFF  }
0xc9: {  	(tm) =	ssettm $0x7FFFFFFF  }
tec
execute0_lowered:
.L_overlay_start_1:
0x0: {  	(tag) =	ssettag $0x1  }
0x1: {  	s3 =	rddreg [dreg:$0x0];
	s4 =	stileid.u32  }
0x2: {  	s5 =	rddreg [dreg:$0x1];
	s2 =	smul.u32 $0x1B00, s4  }
0x3: {  	s0 =	rddreg [dreg:$0x2];
	[bflag:$0x3] =	sbarrier.arrive $0xFFFF;
	s1 =	simm.s32 $_size_execute1_lowered  }
0x4: {  	s1 =	sshll.u32 s1, $0x1;
	p0 =	sne.s32 s4, $0x0;
	s6 =	ssub.s32 $0x36000, s2  }
0x5: {  	s4 =	simm.s32 @!p0 $0x1C3F;
	s7 =	simm.s32 @!p0 $0x4060;
	s8 =	smulhi.u32 $0x25ED1, s6  }
0x6: {  	[timem:s7], [sflag:s4] =	dma.local @!p0 [hbm:s3], s1  }
0x7: {  	s30 =	sshrl.u32 s8, $0x2  }
0x8: {  	s31 =	simm.s32 $0x2;
	s8 =	smul.u32 $0x1B000, s30  }
.Ltmp0:
0x9: {  	s10 =	simm.s32 $0x0;
	s9 =	simm.s32 $0x0;
	(pc) =	sbr.rel .LBB2_1-.Ltmp0, $4  }
0xa: {  	s3 =	sadd.s32 $0x9C400, s5;
	p1 =	sne.s32 s6, s8;
	s6 =	simm.s32 $0x1  }
0xb: {  	s4 =	simm.s32 $0x1;
	_ =	strace $0x80000050;
	s6 =	simm.s32 @!p1 $0x0  }
0xc: {  	s5 =	sadd.s32 $0x8400, s5;
	[sflag:s4] =	ssyncpa.u1 $0x0;
	s6 =	sadd.s32 s6, s30  }
0xd: {  	[sflag:s31] =	ssyncpa.u1 $0x0;
	s8 =	smov.u32 s2;
	s7 =	sadd.s32 $0x1, s6  }
.LBB2_4:
0xe: {  	[tilespmem:s11+$0x30] =	vst v0  }
0xf: {  	[tilespmem:s11+$0x40] =	vst v1  }
0x10: {  	[tilespmem:s11+$0x50] =	vst v2  }
0x11: {  	[tilespmem:s11+$0x60] =	vst v3;
	s13 =	sshrl.u32 s10, $0x3  }
0x12: {  	[tilespmem:s11+$0xFFFFFF80] =	vst v4;
	s31 =	sand.u32 $0x7, s10;
	s30 =	sadd.s32 s5, s13  }
0x13: {  	[hbm4b:s30+s31] =	stream.linear.scatter [tilespmem:s12], [sflag:$0x2], $0x1B00, $0x38;
	[tilespmem:$0x6C00] =	vst v63  }
.LBB2_5:
0x14: {  	s12 =	sadd.s32 $0x1B000, s8  }
0x15: {  	p2 =	sgt.s32 s12, $0x35FFF  }
0x16: {  	s12 =	smov.u32 @p2 s2;
	p2 =	sne.s32 s9, s7  }
.Ltmp1:
0x17: {  	p1 =	slt.u32 s9, $0x2;
	(pc) =	sbr.rel @!p2 .LBB2_6-.Ltmp1, $4  }
0x18: {  	s11 =	simm.s32 @!p1 $0x2  }
0x19: {  	_ =	swait.ge @!p1 [sflag:s11], $0x1B00  }
0x1a: {  	s13 =	sadd.s32 $0x1, s9;
	s10 =	smov.u32 s8;
	[sflag:s11] =	ssyncset.done @!p1 $0x0  }
0x1b: {  	s9 =	smov.u32 s13;
	s8 =	smov.u32 s12;
	[sflag:s11] =	ssyncadd.s32 @!p1 $0xFFFFE500  }
.LBB2_1:
0x1c: {  	p1 =	sge.u32 s9, s6  }
0x1d: {  	s11 =	sxor.u32 @!p1 $0xFFFFFFFF, s9  }
0x1e: {  	s11 =	sand.u32 @!p1 $0x1, s11  }
0x1f: {  	s11 =	smul.u32 @!p1 $0x6C00, s11  }
0x20: {  	s31 =	sadd.s32 $0xFFFFFFFF, s9;
	s12 =	sshrl.u32 @!p1 s8, $0x3  }
0x21: {  	s13 =	sand.u32 @!p1 $0x7, s8;
	s12 =	sadd.s32 @!p1 s3, s12;
	s11 =	sshrl.u32 @!p1 s11, $0x2  }
0x22: {  	[tilespmem:s11], [sflag:$0x1] =	stream.linear.gather @!p1 [hbm4b:s12+s13], $0x1B00, $0x38;
	[tilespmem:$0x6C00] =	vst v63  }
0x23: {  	p1 =	sge.u32 s31, s6  }
.Ltmp2:
0x24: {  	_ = 	snop;
	(pc) =	sbr.rel @p1 .LBB2_5-.Ltmp2, $1  }
0x25: {  	_ =	sdelay $0x3  }
0x26: {  	s11 =	sand.u32 $0x1, s9  }
0x27: {  	_ =	swait.ge [sflag:s4], $0x1B00;
	s12 =	simm.s32 $0x1B00;
	p1 =	seq.s32 s11, $0x1  }
0x28: {  	[sflag:s4] =	ssyncset.done $0x0;
	s12 =	simm.s32 @!p1 $0x0  }
0x29: {  	[sflag:s4] =	ssyncadd.s32 $0xFFFFE500;
	s14 =	sor.u32 $0x80, s12  }
0x2a: {  	v0 =	vld [tilespmem:s14+$0x70]  }
0x2b: {  	v1 =	vld [tilespmem:s14+$0xFFFFFF90]  }
0x2c: {  	v2 =	vld [tilespmem:s14+$0xFFFFFFA0]  }
0x2d: {  	v3 =	vld [tilespmem:s14+$0xFFFFFFB0]  }
0x2e: {  	s11 =	sadd.s32 $0x3680, s12;
	v4 =	vld [tilespmem:s14+$0xFFFFFFC0]  }
0x2f: {  	v5 =	vld [tilespmem:s14+$0xFFFFFFD0];
	[tilespmem:s11+$0x70] =	vst v0  }
0x30: {  	[tilespmem:s11+$0xFFFFFF90] =	vst v1;
	v0 =	vld [tilespmem:s14+$0xFFFFFFE0]  }
0x31: {  	[tilespmem:s11+$0xFFFFFFA0] =	vst v2;
	v1 =	vld [tilespmem:s14+$0xFFFFFFF0]  }
0x32: {  	[tilespmem:s11+$0xFFFFFFB0] =	vst v3;
	v2 =	vld [tilespmem:s14+$0x0]  }
0x33: {  	[tilespmem:s11+$0xFFFFFFC0] =	vst v4;
	v3 =	vld [tilespmem:s14+$0x10]  }
0x34: {  	[tilespmem:s11+$0xFFFFFFD0] =	vst v5;
	v5 =	vld [tilespmem:s14+$0x20]  }
0x35: {  	[tilespmem:s11+$0xFFFFFFE0] =	vst v0;
	v0 =	vld [tilespmem:s14+$0x30]  }
0x36: {  	[tilespmem:s11+$0xFFFFFFF0] =	vst v1;
	v1 =	vld [tilespmem:s14+$0x40]  }
0x37: {  	[tilespmem:s11+$0x0] =	vst v2;
	v2 =	vld [tilespmem:s14+$0x50]  }
0x38: {  	[tilespmem:s11+$0x10] =	vst v3;
	v3 =	vld [tilespmem:s14+$0x60]  }
0x39: {  	s13 =	simm.s32 $0x0;
	s12 =	sadd.s32 $0x3600, s12;
	v4 =	vld [tilespmem:s14+$0xFFFFFF80];
	[tilespmem:s11+$0x20] =	vst v5;
	s14 =	sadd.s32 $0x100, s14  }
.LBB2_3:
0x3a: {  	v5 =	vld [tilespmem:s14+$0x70];
	s13 =	sadd.s32 $0x100, s13;
	[tilespmem:s11+$0x30] =	vst v0  }
0x3b: {  	v0 =	vld [tilespmem:s14+$0xFFFFFF90];
	p1 =	slt.u32 s13, $0x1A00;
	[tilespmem:s11+$0x40] =	vst v1  }
0x3c: {  	v1 =	vld [tilespmem:s14+$0xFFFFFFA0];
	[tilespmem:s11+$0x50] =	vst v2  }
0x3d: {  	v2 =	vld [tilespmem:s14+$0xFFFFFFB0];
	[tilespmem:s11+$0x60] =	vst v3  }
0x3e: {  	v3 =	vld [tilespmem:s14+$0xFFFFFFC0];
	[tilespmem:s11+$0xFFFFFF80] =	vst v4;
	s11 =	sadd.s32 $0x100, s11  }
0x3f: {  	v4 =	vld [tilespmem:s14+$0xFFFFFFD0];
	[tilespmem:s11+$0x70] =	vst v5  }
0x40: {  	[tilespmem:s11+$0xFFFFFF90] =	vst v0;
	v0 =	vld [tilespmem:s14+$0xFFFFFFE0]  }
0x41: {  	[tilespmem:s11+$0xFFFFFFA0] =	vst v1;
	v1 =	vld [tilespmem:s14+$0xFFFFFFF0]  }
0x42: {  	[tilespmem:s11+$0xFFFFFFB0] =	vst v2;
	v2 =	vld [tilespmem:s14+$0x0]  }
0x43: {  	[tilespmem:s11+$0xFFFFFFC0] =	vst v3;
	v3 =	vld [tilespmem:s14+$0x10]  }
0x44: {  	[tilespmem:s11+$0xFFFFFFD0] =	vst v4;
	v5 =	vld [tilespmem:s14+$0x20]  }
.Ltmp3:
0x45: {  	[tilespmem:s11+$0xFFFFFFE0] =	vst v0;
	v0 =	vld [tilespmem:s14+$0x30];
	(pc) =	sbr.rel @p1 .LBB2_3-.Ltmp3, $4  }
0x46: {  	[tilespmem:s11+$0xFFFFFFF0] =	vst v1;
	v1 =	vld [tilespmem:s14+$0x40]  }
0x47: {  	[tilespmem:s11+$0x0] =	vst v2;
	v2 =	vld [tilespmem:s14+$0x50]  }
0x48: {  	[tilespmem:s11+$0x10] =	vst v3;
	v3 =	vld [tilespmem:s14+$0x60]  }
0x49: {  	v4 =	vld [tilespmem:s14+$0xFFFFFF80];
	[tilespmem:s11+$0x20] =	vst v5;
	s14 =	sadd.s32 $0x100, s14  }
.Ltmp4:
0x4a: {  	_ = 	snop;
	(pc) =	sbr.rel .LBB2_4-.Ltmp4, $1  }
0x4b: {  	_ =	sdelay $0x3  }
.LBB2_6:
0x4c: {  	_ =	sfence.sel $0x180000  }
0x4d: {  	s2 =	simm.s32 $0x1;
	[bflag:$0x0] =	sbarrier.arrive $0xFFFF  }
0x4e: {  	s31 =	simm.s32 $0x2;
	[sflag:s2] =	ssyncpa.u1 $0x1  }
0x4f: {  	[sflag:s31] =	ssyncpa.u1 $0x1  }
0x50: {  	_ =	strace $0x90000050  }
0x51: {  	s0 =	sadd.s32 @!p0 $0x100000, s0;
	[bflag:$0x2] =	sbarrier.arrive $0xFFFF  }
0x52: {  	[sflag:s0] =	ssyncadd.tile.s32 @!p0 $0x1;
	s0 =	simm.s32 @!p0 $0x3F  }
0x53: {  	_ =	swait.ge @!p0 [sflag:s0], s1  }
0x54: {  	s1 =	ssub.s32 @!p0 $0x0, s1;
	[sflag:s0] =	ssyncset.done @!p0 $0x0  }
0x55: {  	[sflag:s0] =	ssyncadd.s32 @!p0 s1  }
0x56: {  	[bflag:$0x3] =	sbarrier.arrive $0xFFFF  }
0x57: {  	_ =	shalt  }
.Lfunc_end2:
execute1_lowered:
.L_overlay_start_2:
0x58: {  	(tag) =	ssettag $0x2  }
0x59: {  	s0 =	rddreg [dreg:$0x0];
	_ =	strace $0x80000053;
	s2 =	simm.s32 $0x1  }
0x5a: {  	v1 =	vimm.s32 $0xFFFFFFFF;
	[sflag:s2] =	ssyncpa.u1 $0x0  }
0x5b: {  	[tilespmem:$0x10] =	vst v1  }
0x5c: {  	v0 =	vimm.f32 $0.0e+00;
	[tilespmem:$0x20] =	vst v1  }
0x5d: {  	[tilespmem:$0x30] =	vst v0  }
0x5e: {  	[tilespmem:$0x40] =	vst v0  }
0x5f: {  	s30 =	simm.s32 $0x2;
	s3 =	stileid.u32;
	s6 =	simm.s32 $0x7;
	[tilespmem:$0x50] =	vst v0  }
0x60: {  	s8 =	simm.s32 $0x8;
	s31 =	simm.s32 $0x9;
	s14 =	simm.s32 $0x0;
	[tilespmem:$0x60] =	vst v1  }
0x61: {  	s15 =	simm.s32 $0xFFFFE000;
	s16 =	simm.s32 $0xFF;
	p0 =	por $0x0, $0x0;
	[tilespmem:$0x70] =	vst v1  }
0x62: {  	s17 =	simm.s32 $0xFFFFC100;
	s18 =	simm.s32 $0xFFFFFFFE;
	s19 =	simm.s32 $0xF;
	[tilespmem:$0x80] =	vst v1  }
0x63: {  	s20 =	simm.s32 $0x30;
	s23 =	simm.s32 $0x0;
	s21 =	simm.s32 $0x0;
	v1 =	vimm.s32 $0x0;
	[tilespmem:$0xB0] =	vst v0  }
.Ltmp5:
0x64: {  	s1 =	sadd.s32 $0x8400, s0;
	s4 =	sadd.s32 $0x58400, s0;
	[tilespmem:$0x90] =	vst v1;
	(pc) =	sbr.rel .LBB3_1-.Ltmp5, $4  }
0x65: {  	s5 =	sadd.s32 $0xA9C00, s0;
	s7 =	sshll.u32 s3, $0x10;
	[tilespmem:$0xA0] =	vst v1;
	[sflag:s30] =	ssyncpa.u1 $0x0  }
0x66: {  	s9 =	sshll.u32 s3, $0x1;
	s12 =	sshllo.u32 s3, $0x1;
	[sflag:s6] =	ssyncpa.u1 $0x0  }
0x67: {  	vm0 =	vmmov $0xffff;
	v2 =	vlaneseq.u32;
	s10 =	sadd.s32 $0x10000, s7;
	s11 =	sor.u32 $0x81, s9;
	[sflag:s8] =	ssyncpa.u1 $0x0  }
0x68: {  	vm1 =	vmxor vm1, vm1;
	vm2 =	vmmov $0x1;
	vm3 =	vcmask $0x3F3C;
	s13 =	sor.u32 $0x80, s9;
	s22 =	smov.u32 s7;
	[sflag:s31] =	ssyncpa.u1 $0x0  }
.LBB3_10:
0x69: {  	p1 =	slt.u32 s21, $0x3  }
0x6a: {  	s0 =	simm.s32 @!p1 $0x2  }
0x6b: {  	_ =	swait.ge @!p1 [sflag:s0], $0x2000  }
0x6c: {  	[sflag:s0] =	ssyncset.done @!p1 $0x0  }
0x6d: {  	[sflag:s0] =	ssyncadd.s32 @!p1 $0xFFFFE000;
	s0 =	simm.s32 @!p1 $0x9  }
0x6e: {  	_ =	swait.ge @!p1 [sflag:s0], $0x10  }
0x6f: {  	s21 =	sadd.s32 $0x1, s21;
	[sflag:s0] =	ssyncset.done @!p1 $0x0  }
0x70: {  	[sflag:s0] =	ssyncadd.s32 @!p1 $0xFFFFFFF0;
	p1 =	sne.s32 s21, $0xB  }
.Ltmp6:
0x71: {  	_ = 	snop;
	(pc) =	sbr.rel @!p1 .LBB3_11-.Ltmp6, $4  }
0x72: {  	s23 =	sadd.s32 $0x2000, s22;
	s24 =	smov.u32 s7  }
0x73: {  	s15 =	sadd.s32 $0x2000, s15;
	s16 =	sadd.s32 $0x1, s16;
	p2 =	slt.s32 s23, s10  }
0x74: {  	p0 =	por !p0, !p0;
	s17 =	sadd.s32 $0x2000, s17;
	s24 =	smov.u32 @p2 s23  }
0x75: {  	s18 =	sadd.s32 $0x1, s18;
	s23 =	smov.u32 s22;
	s22 =	smov.u32 s24  }
.LBB3_1:
0x76: {  	p1 =	sgt.u32 s21, $0x7  }
0x77: {  	s0 =	smul.u32 @!p1 $0xAB, s21;
	_ =	sdelay $0x1  }
0x78: {  	s0 =	sshrl.u32 @!p1 s0, $0x9  }
0x79: {  	s0 =	sand.u32 @!p1 $0x7F, s0  }
0x7a: {  	s0 =	smul.u32 @!p1 $0x3, s0;
	_ =	sdelay $0x1  }
0x7b: {  	s0 =	ssub.s32 @!p1 s21, s0  }
0x7c: {  	s0 =	sand.u32 @!p1 $0xFF, s0  }
0x7d: {  	s24 =	sshrl.u32 @!p1 s22, $0x3;
	s0 =	sshll.u32 @!p1 s0, $0xD  }
0x7e: {  	s25 =	sand.u32 @!p1 $0x7, s22;
	s24 =	sadd.s32 @!p1 s4, s24;
	s0 =	sor.u32 @!p1 $0x100, s0  }
0x7f: {  	[tilespmem:s0], [sflag:$0x7] =	stream.linear.gather @!p1 [hbm4b:s24+s25], $0x2000, $0x38;
	[tilespmem:$0x12120] =	vst v63  }
0x80: {  	s0 =	sadd.s32 $0xFFFFFFFF, s21  }
0x81: {  	p1 =	sgt.u32 s0, $0x7  }
.Ltmp7:
0x82: {  	_ = 	snop;
	(pc) =	sbr.rel @p1 .LBB3_5-.Ltmp7, $1  }
0x83: {  	_ =	sdelay $0x3  }
0x84: {  	s24 =	smul.u32 $0xAB, s0;
	_ =	sdelay $0x1  }
0x85: {  	s24 =	sshrl.u32 s24, $0x9  }
0x86: {  	s24 =	sand.u32 $0x7F, s24  }
0x87: {  	s24 =	smul.u32 $0x3, s24;
	_ =	sdelay $0x1  }
0x88: {  	s24 =	ssub.s32 s0, s24  }
0x89: {  	s24 =	sand.u32 $0xFF, s24  }
0x8a: {  	_ =	swait.ge [sflag:s6], $0x2000;
	s24 =	sshll.u32 s24, $0xD  }
0x8b: {  	[sflag:s6] =	ssyncset.done $0x0;
	s24 =	sor.u32 $0x100, s24  }
0x8c: {  	[sflag:s6] =	ssyncadd.s32 $0xFFFFE000;
	(ifvalue) =	ssetifvalue $0xFFFFFFFF;
	v3 =	vld.msk [tilespmem:s24+$0x0 ss:$0x1], $0xffff;
	_ =	sdelay $0x1  }
0x8d: {  	s28 =	sand.u32 $0xFF, s16  }
0x8e: {  	p1 =	sne.s32 s21, $0x1;
	s25 =	smulhi.u32 $0x55555556, s28  }
0x8f: {  	v4 =	vimm.s32 @!p1 $0x0  }
0x90: {  	s25 =	smul.u32 $0x18000, s25;
	v4 =	vperm.xlane @!p1 v3, v4  }
0x91: {  	s26 =	sshll.u32 s21, $0x4;
	s24 =	sshll.u32 s28, $0xF;
	vm4 =	vlt.u32 v3, $0x36000  }
0x92: {  	s29 =	sand.u32 $0x10, s26;
	s24 =	ssub.s32 s24, s25;
	v3 =	vnsel vm4, $0xFFFFFFFE, v3;
	vm4 =	vlt.u32 @!p1 v4, $0x36000  }
0x93: {  	s24 =	sshra.s32 s24, $0x2;
	[tilespmem:s29+$0x60] =	vst v3;
	v3 =	vnsel @!p1 vm4, $0xFFFFFFFE, v4  }
0x94: {  	s28 =	sadd.s32 $0x20F0, s24;
	[tilespmem:$0x80] =	vst @!p1 v3  }
0x95: {  	v3 =	vld.msk [tilespmem:s28+$0x0 ss:$0x1], $0xffff;
	_ =	sdelay $0x4  }
0x96: {  	(xrf1) =	vunique.msk.u32 $0xffff, v3;
	_ =	sdelay $0xd  }
0x97: {  	v4 =	vimm.s32 $0xFFFFFFFF;
	v5, _, _ =	vpop (xrf1)  }
0x98: {  	vm5 =	vne.s32 v3, v4;
	vm4 =	veq.s32 v5, v2  }
0x99: {  	vm6 =	vlt.u32 v3, $0x36000;
	vm4 =	vmand vm5, vm4  }
0x9a: {  	vm4 =	vmand vm6, vm4  }
0x9b: {  	v4 =	vnsel vm4, $0xFFFFFFFF, v3;
	_ =	sdelay $0x2  }
0x9c: {  	s30 =	sand.u32 $0x2000, s15  }
0x9d: {  	s31 =	sshll.u32 s0, $0xD;
	s24 =	sor.u32 $0x80F0, s30;
	(ifvalue) =	ssetifvalue $0xFFFFFFFF  }
0x9e: {  	v3 =	vperm.xlane v3, v1;
	[tilespmem:s24], [sflag:$0x8] =	stream.indirect_vreg.gather [hbm4b:s1+s14], $0x1, v4, vm0, $0x4038;
	v4 =	vnsel vm6, $0xFFFFFFFE, v4;
	[tilespmem:$0x12120] =	vst v63  }
0x9f: {  	s26 =	simm.s32 $0x0;
	s25 =	sand.u32 $0x2000, s31;
	s0 =	sadd.s32 $0xFFFFFFF0, s28;
	[tilespmem:s28+$0x0] =	vst v4  }
.LBB3_3:
0xa0: {  	v4 =	vld.msk [tilespmem:s0+$0x0 ss:$0x1], $0xffff;
	s26 =	sadd.s32 $0x10, s26;
	v5 =	vmov v3;
	s28 =	smov.u32 s0  }
0xa1: {  	p1 =	slt.u32 s26, $0x1FF0;
	_ =	sdelay $0x4  }
0xa2: {  	v3 =	vperm.xlane v4, v1;
	(xrf1) =	vunique.msk.u32 $0xffff, v4;
	_ =	sdelay $0xd  }
0xa3: {  	v6, _, _ =	vpop (xrf1)  }
0xa4: {  	vm5 =	vne.s32 v4, v5;
	vm4 =	veq.s32 v6, v2  }
0xa5: {  	vm6 =	vlt.u32 v4, $0x36000;
	vm4 =	vmand vm5, vm4  }
0xa6: {  	vm4 =	vmand vm6, vm4  }
0xa7: {  	v4 =	vnsel vm4, $0xFFFFFFFF, v4  }
.Ltmp8:
0xa8: {  	v5 =	vnsel vm6, $0xFFFFFFFE, v4;
	(pc) =	sbr.rel @p1 .LBB3_3-.Ltmp8, $3  }
0xa9: {  	_ =	sdelay $0x1  }
0xaa: {  	s0 =	sadd.s32 $0xFFFFFFF0, s0;
	s24 =	sadd.s32 $0xFFFFFFF0, s24;
	(ifvalue) =	ssetifvalue $0xFFFFFFFF  }
0xab: {  	[tilespmem:s24], [sflag:$0x8] =	stream.indirect_vreg.gather [hbm4b:s1+s14], $0x1, v4, vm0, $0x4038;
	[tilespmem:s28+$0x0] =	vst v5  }
0xac: {  	s0 =	sshrl.u32 s23, $0x3  }
0xad: {  	s31 =	sadd.s32 $0xA100, s25;
	s0 =	sadd.s32 s5, s0  }
0xae: {  	[tilespmem:s31], [sflag:$0x8] =	stream.linear.gather [hbm:s0], $0x2000, $0x38;
	[tilespmem:$0x12120] =	vst v63  }
.LBB3_5:
0xaf: {  	p1 =	sgt.u32 s21, $0xA  }
.Ltmp9:
0xb0: {  	_ = 	snop;
	(pc) =	sbr.rel @p1 .LBB3_7-.Ltmp9, $1  }
0xb1: {  	_ =	sdelay $0x3  }
0xb2: {  	s0 =	sshll.u32 s2, s21  }
0xb3: {  	s0 =	sand.u32 $0x403, s0  }
0xb4: {  	p1 =	sne.s32 s0, $0x0  }
.Ltmp10:
0xb5: {  	_ = 	snop;
	(pc) =	sbr.rel @p1 .LBB3_10-.Ltmp10, $1  }
0xb6: {  	_ =	sdelay $0x3  }
.LBB3_7:
0xb7: {  	s0 =	sadd.s32 $0xFFFFFFFE, s21  }
0xb8: {  	s23 =	smulhi.u32 $0xAAAAAAAB, s0;
	_ =	sdelay $0x1  }
0xb9: {  	s23 =	sshrl.u32 s23, $0x1  }
0xba: {  	s23 =	smul.u32 $0x3, s23;
	_ =	sdelay $0x1  }
0xbb: {  	_ =	swait.ge [sflag:s8], $0x4000;
	s0 =	ssub.s32 s0, s23  }
0xbc: {  	p1 =	sne.s32 s21, $0x9;
	[sflag:s8] =	ssyncset.done $0x0;
	s0 =	sshll.u32 s0, $0xD  }
0xbd: {  	[sflag:s8] =	ssyncadd.s32 $0xFFFFC000;
	s23 =	sadd.s32 @!p1 $0x20FF, s0  }
0xbe: {  	[spmem:s11] =	stream.linear.scatter @!p1 [tilespmem:s23], [sflag:$0x1], $0x1, $0x38;
	[tilespmem:$0x12120] =	vst v63  }
0xbf: {  	s23 =	simm.s32 @!p1 $0x1  }
0xc0: {  	_ =	swait.ge @!p1 [sflag:s23], $0x1  }
0xc1: {  	s24 =	sshll.u32 s21, $0x4;
	[sflag:s23] =	ssyncset.done @!p1 $0x0  }
0xc2: {  	[sflag:s23] =	ssyncadd.s32 @!p1 $0xFFFFFFFF;
	s23 =	sand.u32 $0x10, s24  }
0xc3: {  	v4 =	vld [tilespmem:s23+$0x10];
	s29 =	sxor.u32 $0x10, s23  }
0xc4: {  	v5 =	vld [tilespmem:s29+$0x60]  }
0xc5: {  	v3 =	vld [tilespmem:$0x80];
	_ =	sdelay $0x2  }
0xc6: {  	(v2sf) =	vpush v4, $0x0  }
0xc7: {  	(v2sf) =	vpush v5, $0x0  }
0xc8: {  	(v2sf) =	vpush v3, $0x0;
	_ =	sdelay $0xc  }
0xc9: {  	s24 =	spop (v2sf)  }
0xca: {  	s26 =	spop (v2sf)  }
0xcb: {  	s25 =	spop (v2sf)  }
0xcc: {  	p2 =	seq.s32 s24, s26;
	p3 =	seq.s32 s25, s24  }
0xcd: {  	p3 =	por p2, p3  }
0xce: {  	v4 =	vpsel p3, $0xFFFFFFFF, v4  }
0xcf: {  	s24 =	sand.u32 $0x1, s21;
	[tilespmem:s23+$0x10] =	vst.msk $0x1, v4  }
0xd0: {  	s26 =	sshll.u32 s24, $0xD;
	v4 =	vld [tilespmem:$0x30]  }
0xd1: {  	v5 =	vld [tilespmem:s26+$0xA100]  }
0xd2: {  	v6 =	vld [tilespmem:s23+$0x40];
	_ =	sdelay $0x3  }
0xd3: {  	vm4 =	vmmov vm1;
	v5 =	vadd.f32 v5, v4  }
0xd4: {  	vm5 =	vmmov vm2;
	vm4 =	vmmov @p2 vm2;
	s24 =	sshll.u32 s24, $0x4;
	v4 =	vadd.f32 v6, v4  }
0xd5: {  	vm5 =	vmmov @p3 vm1;
	s24 =	sor.u32 $0x12100, s24;
	[tilespmem:s26+$0xA100] =	vst.msk vm4, v5  }
0xd6: {  	[tilespmem:s24+$0x0] =	vst.msk vm5, v4  }
0xd7: {  	v4 =	vld [tilespmem:s26+$0x80F0];
	_ =	sdelay $0x3  }
0xd8: {  	v5 =	vimm.f32 $0.0e+00  }
0xd9: {  	v4 =	vshift.insert v4, v5, s19  }
0xda: {  	s28 =	sor.u32 $0x40, s29  }
0xdb: {  	[tilespmem:s28+$0x0] =	vst.msk $0x1, v4  }
0xdc: {  	[tilespmem:s26+$0x80FF] =	vst.msk $0x1, v5  }
0xdd: {  	v4 =	vld [tilespmem:s0+$0x20F0];
	_ =	sdelay $0x1  }
0xde: {  	s0 =	smulhi.u32 $0xAAAAAAAB, s18;
	_ =	sdelay $0x1  }
0xdf: {  	s28 =	simm.s32 $0x1;
	s0 =	sshrl.u32 s0, $0x1  }
0xe0: {  	s28 =	simm.s32 @!p0 $0x0;
	s0 =	smul.u32 $0xFFFE8000, s0;
	v4 =	vshift.insert v4, v1, s19  }
0xe1: {  	s30 =	sshll.u32 s28, $0xD  }
0xe2: {  	s28 =	sadd.s32 $0xA100, s30;
	s0 =	sshra.s32 s0, $0x2;
	[tilespmem:s29+$0x10] =	vst.msk $0x1, v4  }
0xe3: {  	s0 =	sadd.s32 s0, s17;
	v6 =	vld [tilespmem:s28+$0x0]  }
0xe4: {  	v7 =	vld [tilespmem:s0+$0x0];
	_ =	sdelay $0x3  }
0xe5: {  	v5 =	vadd.f32 v6, v5  }
0xe6: {  	vm4 =	vne.s32 v7, $0xFFFFFFFF  }
0xe7: {  	(xrf2) =	vadd.seg.scan.f32 vm4, v5;
	_ =	sdelay $0x3  }
0xe8: {  	s29 =	sadd.s32 $0x6100, s30;
	v5 =	vperm.xlane v4, v1  }
0xe9: {  	v6 =	vld [tilespmem:s29+$0x0]  }
0xea: {  	vm5 =	veq.s32 v7, v3;
	vm6 =	veq.s32 v7, v5  }
0xeb: {  	vm7 =	vgt.u32 v7, $0xFFFFFFFD;
	vm6 =	vmor vm6, vm5  }
0xec: {  	vm6 =	vmor vm6, vm7  }
0xed: {  	v9 =	vld [tilespmem:$0xA0];
	v7 =	vsel vm6, $0xFFFFFFFF, v7  }
0xee: {  	v10 =	vld [tilespmem:$0x90];
	v6 =	vsel vm5, $0x0, v6;
	v8, _, _ =	vpop (xrf2)  }
0xef: {  	v6 =	vadd.f32 v8, v6  }
0xf0: {  	s30 =	sadd.s32 $0xE100, s30  }
0xf1: {  	vm4 =	vmand vm4, vm3;
	[tilespmem:s30+$0x0] =	vst v6;
	(ifvalue) =	ssetifvalue $0xFFFFFFFF  }
0xf2: {  	vm6 =	veq.s32 v9, $0x1;
	[hbm4b:s1+s14] =	stream.indirect_vreg.scatter [tilespmem:s30], [sflag:$0x2], $0x1, v7, vm0, $0x4038;
	v7 =	vsel vm4, $0x0, v8;
	[tilespmem:$0x12120] =	vst v63  }
0xf3: {  	s31 =	simm.s32 $0x0;
	s0 =	sadd.s32 $0x10, s0;
	vm4 =	vmor vm6, vm5;
	v6 =	vsel vm5, v8, v10;
	v7 =	vshift.insert v7, v0, s19  }
.LBB3_8:
0xf4: {  	v8 =	vld [tilespmem:s0+$0x0];
	s28 =	sadd.s32 $0x10, s28  }
0xf5: {  	s29 =	sadd.s32 $0x10, s29;
	v9 =	vld [tilespmem:s28+$0x0]  }
0xf6: {  	s31 =	sadd.s32 $0x10, s31;
	v10 =	vld [tilespmem:s29+$0x0]  }
0xf7: {  	p2 =	slt.u32 s31, $0x1FF0;
	_ =	sdelay $0x2  }
0xf8: {  	v7 =	vadd.f32 v9, v7  }
0xf9: {  	vm5 =	vne.s32 v8, $0xFFFFFFFF  }
0xfa: {  	vm6 =	vmand vm5, vm3;
	(xrf2) =	vadd.seg.scan.f32 vm5, v7;
	_ =	sdelay $0x5  }
0xfb: {  	vm7 =	veq.s32 v8, v5;
	vm5 =	veq.s32 v8, v3  }
0xfc: {  	vm8 =	vgt.u32 v8, $0xFFFFFFFD;
	vm4 =	vmor vm4, vm5;
	vm7 =	vmor vm7, vm5  }
0xfd: {  	vm7 =	vmor vm7, vm8  }
0xfe: {  	v8 =	vsel vm7, $0xFFFFFFFF, v8  }
.Ltmp11:
0xff: {  	v7 =	vsel vm5, $0x0, v10;
	v9, _, _ =	vpop (xrf2);
	(pc) =	sbr.rel @p2 .LBB3_8-.Ltmp11, $4  }
0x100: {  	v6 =	vsel vm5, v9, v6;
	v10 =	vadd.f32 v9, v7;
	v7 =	vsel vm6, $0x0, v9  }
0x101: {  	s30 =	sadd.s32 $0x10, s30;
	v7 =	vshift.insert v7, v0, s19  }
0x102: {  	s0 =	sadd.s32 $0x10, s0;
	[tilespmem:s30+$0x0] =	vst v10;
	(ifvalue) =	ssetifvalue $0xFFFFFFFF  }
0x103: {  	[hbm4b:s1+s14] =	stream.indirect_vreg.scatter [tilespmem:s30], [sflag:$0x2], $0x1, v8, vm0, $0x4038;
	[tilespmem:$0x12120] =	vst v63  }
0x104: {  	v3 =	vld [tilespmem:s26+$0x100F0];
	_ =	sdelay $0x4  }
0x105: {  	v3 =	vshift.insert v3, v0, s19;
	_ =	sdelay $0x1  }
0x106: {  	[tilespmem:s20+$0x0] =	vst.msk $0x1, v3  }
0x107: {  	v3 =	vsel vm4, $0x1, v1;
	[tilespmem:$0x90] =	vst v6  }
0x108: {  	s0 =	sadd.s32 @!p1 $0x100FF, s26;
	[tilespmem:$0xA0] =	vst v3  }
0x109: {  	[spmem:s12] =	stream.linear.scatter @!p1 [tilespmem:s0], [sflag:$0x1], $0x1, $0x38;
	[tilespmem:$0x12120] =	vst v63  }
0x10a: {  	s0 =	simm.s32 @!p1 $0x1  }
0x10b: {  	v3 =	vmctz.xlane @!p1 vm4;
	_ =	swait.ge @!p1 [sflag:s0], $0x1  }
0x10c: {  	(v2sf) =	vpush @!p1 v4, $0x0  }
0x10d: {  	(v2sf) =	vpush @!p1 v3, $0x0;
	_ =	sdelay $0xd  }
0x10e: {  	s26 =	spop @!p1 (v2sf)  }
0x10f: {  	s28 =	spop @!p1 (v2sf)  }
0x110: {  	p2 =	sne.s32 @!p1 s25, s26;
	p3 =	slt.s32 @!p1 s28, $0xF  }
0x111: {  	[sflag:s0] =	ssyncset.done @!p1 $0x0;
	p2 =	por p2, p1;
	p3 =	por !p3, p1  }
0x112: {  	[sflag:s0] =	ssyncadd.s32 @!p1 $0xFFFFFFFF;
	v3 =	vimm.s32 @!p2 $0xFFFFFFFF;
	s28 =	simm.s32 @p3 $0xF  }
0x113: {  	[tilespmem:$0x80] =	vst @!p2 v3;
	s25 =	sadd.s32 @!p1 $0x90, s28  }
0x114: {  	[spmem:s9] =	stream.linear.scatter @!p1 [tilespmem:s25], [sflag:$0x1], $0x1, $0x38;
	[tilespmem:$0x12120] =	vst v63  }
0x115: {  	_ =	swait.ge @!p1 [sflag:s0], $0x1  }
0x116: {  	[sflag:s0] =	ssyncset.done @!p1 $0x0  }
0x117: {  	s25 =	simm.s32 @!p1 $0x80;
	[sflag:s0] =	ssyncadd.s32 @!p1 $0xFFFFFFFF  }
0x118: {  	[spmem:s13] =	stream.linear.scatter @!p1 [tilespmem:s25], [sflag:$0x1], $0x1, $0x38;
	[tilespmem:$0x12120] =	vst v63  }
0x119: {  	_ =	swait.ge @!p1 [sflag:s0], $0x1  }
0x11a: {  	[sflag:s0] =	ssyncset.done @!p1 $0x0  }
0x11b: {  	[sflag:s0] =	ssyncadd.s32 @!p1 $0xFFFFFFFF;
	(ifvalue) =	ssetifvalue $0xFFFFFFFF;
	v3 =	vld [tilespmem:s23+$0x10];
	_ =	sdelay $0x3  }
.Ltmp12:
0x11c: {  	_ = 	snop;
	(pc) =	sbr.rel .LBB3_10-.Ltmp12, $3  }
0x11d: {  	_ =	sdelay $0x1  }
0x11e: {  	(ifvalue) =	ssetifvalue $0xFFFFFFFF  }
0x11f: {  	[hbm4b:s1+s14] =	stream.indirect_vreg.scatter [tilespmem:s24], [sflag:$0x9], $0x1, v3, vm0, $0x4038;
	[tilespmem:$0x12120] =	vst v63  }
.LBB3_11:
0x120: {  	_ =	sfence.sel $0x180000  }
0x121: {  	s0 =	simm.s32 $0x7;
	[bflag:$0x0] =	sbarrier.arrive $0xFFFF  }
0x122: {  	s26 =	simm.s32 $0x8;
	[sflag:s0] =	ssyncpa.u1 $0x1  }
0x123: {  	s28 =	simm.s32 $0x9;
	[sflag:s26] =	ssyncpa.u1 $0x1  }
0x124: {  	[sflag:s28] =	ssyncpa.u1 $0x1  }
0x125: {  	_ =	sfence.stream.spmem  }
0x126: {  	s29 =	simm.s32 $0x3;
	[bflag:$0x0] =	sbarrier.arrive $0xFFFF  }
0x127: {  	s30 =	simm.s32 $0x4;
	[sflag:s29] =	ssyncpa.u1 $0x1  }
0x128: {  	s31 =	simm.s32 $0x3C;
	[sflag:s30] =	ssyncpa.u1 $0x1  }
0x129: {  	p0 =	sne.s32 s3, $0x0;
	[sflag:s31] =	ssyncpa.u1 $0x1  }
0x12a: {  	s0 =	simm.s32 @p0 $0x1;
	_ =	sfence @p0  }
0x12b: {  	[sflag:s0] =	ssyncpa.u1 @p0 $0x1;
	s0 =	simm.s32 @p0 $0x2  }
0x12c: {  	[sflag:s0] =	ssyncpa.u1 @p0 $0x1  }
0x12d: {  	_ =	strace @p0 $0x90000053  }
0x12e: {  	[bflag:$0x2] =	sbarrier.arrive @p0 $0xFFFF  }
0x12f: {  	_ =	shalt @p0  }
.LBB3_12:
0x130: {  	_ =	sfence.stream.spmem;
	s0 =	simm.s32 $0x5  }
0x131: {  	s2 =	simm.s32 $0x80;
	s3 =	simm.s32 $0xC0;
	[sflag:s0] =	ssyncpa.u1 $0x0  }
0x132: {  	[tilespmem:s3], [sflag:$0x5] =	stream.linear.gather [spmem:s2], $0x20, $0x38;
	[tilespmem:$0x12120] =	vst v63  }
0x133: {  	s2 =	simm.s32 $0x0;
	s3 =	simm.s32 $0xE0  }
0x134: {  	[tilespmem:s3], [sflag:$0x5] =	stream.linear.gather [spmem:s2], $0x20, $0x38;
	[tilespmem:$0x12120] =	vst v63  }
.Ltmp13:
0x135: {  	_ = 	snop;
	(pc) =	sbr.rel .LBB3_13-.Ltmp13, $4  }
0x136: {  	_ =	swait.ge [sflag:s0], $0x40  }
0x137: {  	[sflag:s0] =	ssyncset.done $0x0  }
0x138: {  	s31 =	simm.s32 $0x6;
	[sflag:s0] =	ssyncadd.s32 $0xFFFFFFC0  }
0x139: {  	s4 =	simm.s32 $0x0;
	[sflag:s31] =	ssyncpa.u1 $0x0  }
.LBB3_18:
0x13a: {  	p0 =	sgt.u32 s5, $0x35FFF  }
0x13b: {  	s0 =	sshrl.u32 @!p0 s5, $0x3  }
0x13c: {  	s5 =	sand.u32 @!p0 $0x7, s5;
	s6 =	simm.s32 @!p0 $0xB0;
	s0 =	sadd.s32 @!p0 s1, s0  }
0x13d: {  	[tilespmem:s6], [sflag:$0x6] =	stream.linear.gather @!p0 [hbm4b:s0+s5], $0x1, $0x38;
	[tilespmem:$0x12120] =	vst v63  }
0x13e: {  	s0 =	simm.s32 @!p0 $0x6  }
0x13f: {  	_ =	swait.ge @!p0 [sflag:s0], $0x1  }
0x140: {  	[sflag:s0] =	ssyncset.done @!p0 $0x0  }
0x141: {  	[sflag:s0] =	ssyncadd.s32 @!p0 $0xFFFFFFFF  }
0x142: {  	v2 =	vmov @!p0 s4;
	v1 =	vld.msk @!p0 [tilespmem:$0xB0], $0x1;
	_ =	sdelay $0x3  }
0x143: {  	s0 =	simm.s32 @!p0 $0xE0  }
0x144: {  	[tilespmem:v2+s0+$0x0], v1 =	vst.idx.ret.add.f32.msk @!p0 $0x1, v1  }
0x145: {  	[tilespmem:s2+$0xC0] =	vst.msk $0x1, v0  }
0x146: {  	v0 =	vld.msk [tilespmem:s4+$0xE0], $0x1;
	_ =	sdelay $0x4  }
0x147: {  	[tilespmem:s2+$0xE0] =	vst.msk $0x1, v0;
	s2 =	sadd.s32 $0x1, s2  }
.LBB3_20:
0x148: {  	s4 =	sadd.s32 $0x1, s4  }
0x149: {  	p0 =	sne.s32 s4, $0x20  }
.Ltmp14:
0x14a: {  	_ = 	snop;
	(pc) =	sbr.rel @!p0 .LBB3_21-.Ltmp14, $1  }
0x14b: {  	_ =	sdelay $0x3  }
.LBB3_13:
0x14c: {  	v0 =	vld.msk [tilespmem:s4+$0xC0], $0x1;
	_ =	sdelay $0x4  }
0x14d: {  	(v2sf) =	vpush v0, $0x0;
	_ =	sdelay $0xe  }
0x14e: {  	s5 =	spop (v2sf)  }
0x14f: {  	p0 =	seq.s32 s5, $0xFFFFFFFF  }
.Ltmp15:
0x150: {  	_ = 	snop;
	(pc) =	sbr.rel @p0 .LBB3_20-.Ltmp15, $1  }
0x151: {  	_ =	sdelay $0x3  }
0x152: {  	p0 =	slt.s32 s2, $0x1  }
.Ltmp16:
0x153: {  	_ = 	snop;
	(pc) =	sbr.rel @p0 .LBB3_18-.Ltmp16, $1  }
0x154: {  	_ =	sdelay $0x3  }
0x155: {  	s6 =	simm.s32 $0xC0;
	p0 =	por $0x0, $0x0  }
0x156: {  	v1 =	vld.msk @!p0 [tilespmem:s6+$0x0], $0x1;
	_ =	sdelay $0x4  }
0x157: {  	(v2sf) =	vpush @!p0 v1, $0x0;
	_ =	sdelay $0xd  }
0x158: {  	p2 =	sne.s32 s2, $0x1  }
.Ltmp17:
0x159: {  	s0 =	spop @!p0 (v2sf);
	(pc) =	sbr.rel @!p2 .LBB3_17-.Ltmp17, $4  }
0x15a: {  	p1 =	seq.s32 @!p0 s5, s0  }
0x15b: {  	s0 =	simm.s32 $0x0;
	p1 =	por !p1, p0  }
0x15c: {  	s8 =	simm.s32 $0xFFFFFFFF;
	s0 =	simm.s32 @p1 $0xFFFFFFFF  }
0x15d: {  	s7 =	simm.s32 $0x1;
	s0 =	smov.u32 @p0 s8  }
.LBB3_16:
0x15e: {  	s8 =	smov.u32 s0;
	p0 =	sne.s32 s0, $0xFFFFFFFF  }
0x15f: {  	s6 =	sadd.s32 $0x1, s6;
	s0 =	smov.u32 s7;
	s7 =	sadd.s32 $0x1, s7  }
0x160: {  	p1 =	sne.s32 s2, s7;
	v1 =	vld.msk @!p0 [tilespmem:s6+$0x0], $0x1;
	_ =	sdelay $0x4  }
0x161: {  	(v2sf) =	vpush @!p0 v1, $0x0;
	_ =	sdelay $0xe  }
.Ltmp18:
0x162: {  	s9 =	spop @!p0 (v2sf);
	(pc) =	sbr.rel @p1 .LBB3_16-.Ltmp18, $4  }
0x163: {  	p2 =	seq.s32 @!p0 s5, s9  }
0x164: {  	p2 =	por !p2, p0  }
0x165: {  	s0 =	simm.s32 @p2 $0xFFFFFFFF  }
0x166: {  	s0 =	smov.u32 @p0 s8  }
.LBB3_17:
0x167: {  	p0 =	sne.s32 s0, $0xFFFFFFFF  }
.Ltmp19:
0x168: {  	_ = 	snop;
	(pc) =	sbr.rel @!p0 .LBB3_18-.Ltmp19, $1  }
0x169: {  	_ =	sdelay $0x3  }
0x16a: {  	v0 =	vld.msk [tilespmem:s4+$0xE0], $0x1;
	v1 =	vmov s0  }
.Ltmp20:
0x16b: {  	_ = 	snop;
	(pc) =	sbr.rel .LBB3_20-.Ltmp20, $2  }
0x16c: {  	_ =	sdelay $0x2  }
0x16d: {  	[tilespmem:v1+s3+$0x0], v0 =	vst.idx.ret.add.f32.msk $0x1, v0  }
.LBB3_21:
0x16e: {  	p0 =	slt.s32 s2, $0x1  }
.Ltmp21:
0x16f: {  	_ = 	snop;
	(pc) =	sbr.rel @p0 .LBB3_25-.Ltmp21, $3  }
0x170: {  	_ =	sdelay $0x1  }
0x171: {  	s0 =	simm.s32 $0x6  }
0x172: {  	s3 =	simm.s32 $0x0;
	[sflag:s0] =	ssyncpa.u1 $0x1  }
0x173: {  	s0 =	simm.s32 $0xC0  }
0x174: {  	v0 =	vld.msk [tilespmem:s0+$0x0], $0x1;
	_ =	sdelay $0x4  }
0x175: {  	(v2sf) =	vpush v0, $0x0;
	_ =	sdelay $0xe  }
0x176: {  	s2 =	sadd.s32 $0xFFFFFFFF, s2;
	s4 =	spop (v2sf)  }
0x177: {  	p1 =	sne.s32 s2, $0x0;
	p0 =	sgt.u32 s4, $0x35FFF  }
.Ltmp22:
0x178: {  	s5 =	sshrl.u32 @!p0 s4, $0x3;
	(pc) =	sbr.rel @!p1 .LBB3_24-.Ltmp22, $4  }
0x179: {  	s0 =	simm.s32 $0xE0;
	s4 =	sand.u32 @!p0 $0x7, s4;
	s5 =	sadd.s32 @!p0 s1, s5  }
0x17a: {  	[hbm4b:s5+s4] =	stream.linear.scatter @!p0 [tilespmem:s0], [sflag:$0x5], $0x1, $0x38;
	[tilespmem:$0x12120] =	vst v63  }
0x17b: {  	s5 =	simm.s32 $0x0  }
0x17c: {  	s4 =	simm.s32 $0xC1;
	s5 =	simm.s32 @!p0 $0x4  }
.LBB3_23:
0x17d: {  	v0 =	vld.msk [tilespmem:s4+$0x0], $0x1;
	s2 =	sadd.s32 $0xFFFFFFFF, s2;
	s3 =	sadd.s32 s3, s5  }
0x17e: {  	p0 =	sne.s32 s2, $0x0;
	_ =	sdelay $0x3  }
0x17f: {  	(v2sf) =	vpush v0, $0x0;
	_ =	sdelay $0xe  }
.Ltmp23:
0x180: {  	s6 =	spop (v2sf);
	(pc) =	sbr.rel @p0 .LBB3_23-.Ltmp23, $4  }
0x181: {  	s5 =	simm.s32 $0x0;
	p1 =	sgt.u32 s6, $0x35FFF  }
0x182: {  	s0 =	sadd.s32 $0x1, s0;
	s5 =	simm.s32 @!p1 $0x4;
	s7 =	sshrl.u32 @!p1 s6, $0x3  }
0x183: {  	s4 =	sadd.s32 $0x1, s4;
	s6 =	sand.u32 @!p1 $0x7, s6;
	s7 =	sadd.s32 @!p1 s1, s7  }
0x184: {  	[hbm4b:s7+s6] =	stream.linear.scatter @!p1 [tilespmem:s0], [sflag:$0x5], $0x1, $0x38;
	[tilespmem:$0x12120] =	vst v63  }
.LBB3_24:
0x185: {  	s0 =	sadd.s32 s3, s5  }
0x186: {  	s3 =	sshrl.u32 s0, $0x2  }
.LBB3_25:
0x187: {  	s0 =	simm.s32 $0x5  }
0x188: {  	_ =	swait.ge [sflag:s0], s3  }
0x189: {  	s1 =	ssub.s32 $0x0, s3;
	[sflag:s0] =	ssyncset.done $0x0  }
0x18a: {  	[sflag:s0] =	ssyncadd.s32 s1  }
0x18b: {  	[sflag:s0] =	ssyncpa.u1 $0x1  }
0x18c: {  	s29 =	simm.s32 $0x1;
	_ =	sfence  }
0x18d: {  	s30 =	simm.s32 $0x2;
	[sflag:s29] =	ssyncpa.u1 $0x1  }
0x18e: {  	[sflag:s30] =	ssyncpa.u1 $0x1  }
0x18f: {  	_ =	strace $0x90000053  }
0x190: {  	[bflag:$0x2] =	sbarrier.arrive $0xFFFF  }
0x191: {  	s31 =	rddreg [dreg:$0x1]  }
0x192: {  	s0 =	sadd.s32 $0x100000, s31  }
0x193: {  	[sflag:s0] =	ssyncadd.tile.s32 $0x1;
	_ =	shalt  }
.Lfunc_end3:
_tile_overlayer_lowered:
.L_overlay_start_3:
0x194: {  	(tag) =	ssettag $0x3  }
0x195: {  	s0 =	rddreg [dreg:$0x0];
	s2 =	stileid.u32  }
0x196: {  	s1 =	rddreg [dreg:$0x1];
	p0 =	sne.s32 s2, $0x0  }
0x197: {  	s3 =	rddreg [dreg:$0x2];
	[bflag:$0x3] =	sbarrier.arrive $0xFFFF;
	s2 =	simm.s32 @!p0 $0x1C01  }
0x198: {  	[timem:s3], [sflag:s2] =	dma.local @!p0 [hbm:s0], s1  }
0x199: {  	s0 =	simm.s32 @!p0 $0x1  }
0x19a: {  	_ =	swait.ge @!p0 [sflag:s0], s1  }
0x19b: {  	s1 =	ssub.s32 @!p0 $0x0, s1;
	[sflag:s0] =	ssyncset.done @!p0 $0x0  }
0x19c: {  	[sflag:s0] =	ssyncadd.s32 @!p0 s1  }
0x19d: {  	[bflag:$0x3] =	sbarrier.arrive $0xFFFF  }
0x19e: {  	_ =	shalt  }

// kernel: scatter_offload_async_start
scs
__scs_entry_jumppad:
0x0: {  	(pc) =	sbr.rel $0x88, $3  }
0x1: {  	(tag) =	ssettag $0x0;
	lr =	simm.s32 $0x1  }
0x2: {  	[smem:$0x3F8F] =	sst lr;
	_ =	strace $0xD0000000  }
0x3: {  	_ = 	snop  }
0x4: {  	_ = 	snop  }
0x5: {  	_ = 	snop  }
0x6: {  	_ = 	snop  }
0x7: {  	_ = 	snop  }
__scs_overlays_trampoline_lowered:
0x8: {  	[smem:$0x3F9E] =	sst s0  }
0x9: {  	[smem:$0x3F9F] =	sst s1  }
0xa: {  	[smem:$0x3FA0] =	sst s2  }
0xb: {  	[smem:$0x3FA1] =	sst s3  }
0xc: {  	[smem:$0x3FA2] =	sst s4  }
0xd: {  	[smem:$0x3FA3] =	sst s5  }
0xe: {  	[smem:$0x3FA4] =	sst s6  }
0xf: {  	[smem:$0x3FA5] =	sst s7  }
0x10: {  	[smem:$0x3FA6] =	sst s8  }
0x11: {  	[smem:$0x3FA7] =	sst s9;
	s0 =	simm.s32 @!p0 $0x0  }
0x12: {  	s1 =	sld [smem:$0x3F8D];
	s0 =	simm.s32 @p0 $0x1  }
0x13: {  	[smem:$0x3FA8] =	sst s0;
	s0 =	simm.s32 @!p1 $0x0  }
0x14: {  	s2 =	sld [smem:$0x3F8C];
	s0 =	simm.s32 @p1 $0x1  }
0x15: {  	[smem:$0x3FA9] =	sst s0;
	s0 =	simm.s32 @!p2 $0x0  }
0x16: {  	s3 =	sld [smem:$0x3FDB];
	s0 =	simm.s32 @p2 $0x1  }
0x17: {  	s4 =	simm.s32 $0x1BF5;
	[smem:$0x3FAB] =	sst s0  }
0x18: {  	s0 =	sld [smem:$0x3F8E];
	_ =	swait.ge [sflag:s4], $0x0  }
0x19: {  	s7 =	sld [smem:$0x3F8F]  }
0x1a: {  	s8 =	sadd.s32 $0xFFFFE003, lr  }
0x1b: {  	s9 =	sadd.s32 $0xFFFFFEF7, lr;
	s5 =	simm.s32 $0xFFFFFFFF;
	p2 =	slt.u32 s8, $0xFFFFF086  }
0x1c: {  	p1 =	slt.u32 s9, $0xF7A;
	s5 =	simm.s32 @!p2 $0x0  }
0x1d: {  	s5 =	simm.s32 @p1 $0x1;
	p0 =	seq.s32 s7, s2  }
0x1e: {  	s7 =	smul.u32 @!p0 $0xF7A, s2;
	p2 =	seq.s32 @!p0 s5, $0x0  }
0x1f: {  	s9 =	smul.u32 $0xF7A, s1;
	s8 =	simm.s32 @!p0 $0x1BF5;
	p2 =	por !p2, p0  }
0x20: {  	[sflag:s8] =	ssyncset.s32 @!p0 $0xFFFFF086;
	s6 =	sadd.s32 @!p0 s3, s7;
	s7 =	simm.s32 @!p0 $0x108  }
0x21: {  	s3 =	sadd.s32 s3, s9;
	s6 =	sadd.s32 @!p0 $0x88, s6;
	s7 =	simm.s32 @p2 $0x1082  }
0x22: {  	[simem:s7], [sflag:s8] =	dma.local @!p0 [hbm:s6], $0xF7A  }
0x23: {  	s9 =	sor.u32 $0xD0000000, s2;
	s6 =	simm.s32 $0x108;
	_ =	swait.ge @!p0 [sflag:s8], $0x0  }
0x24: {  	s3 =	sadd.s32 $0x88, s3;
	s6 =	simm.s32 @!p1 $0x1082;
	[sflag:s4] =	ssyncset.s32 $0xFFFFF086  }
0x25: {  	[simem:s6], [sflag:s4] =	dma.local [hbm:s3], $0xF7A  }
0x26: {  	[smem:$0x3F8F] =	sst s1;
	(tag) =	ssettag s2;
	_ =	strace s9  }
0x27: {  	s1 =	sld [smem:$0x3F9F]  }
0x28: {  	s2 =	sld [smem:$0x3FA0]  }
0x29: {  	s4 =	sld [smem:$0x3FA2]  }
0x2a: {  	p0 =	seq.s32 s5, $0x0;
	s5 =	sld [smem:$0x3FA3]  }
0x2b: {  	s6 =	sld [smem:$0x3FA4]  }
0x2c: {  	s7 =	sld [smem:$0x3FA5]  }
0x2d: {  	s3 =	simm.s32 $0x108;
	s8 =	sld [smem:$0x3FA6]  }
0x2e: {  	s3 =	simm.s32 @!p0 $0x1082;
	s9 =	sld [smem:$0x3FA7]  }
0x2f: {  	lr =	sadd.s32 s0, s3;
	s0 =	sld [smem:$0x3F9E]  }
0x30: {  	s3 =	sld [smem:$0x3FA1]  }
0x31: {  	[smem:$0x3FAA] =	sst s10  }
0x32: {  	s10 =	sld [smem:$0x3FA8];
	_ =	sdelay $0x3  }
0x33: {  	p0 =	seq.s32 s10, $0x1;
	s10 =	sld [smem:$0x3FAA];
	_ =	sdelay $0x3  }
0x34: {  	[smem:$0x3FAA] =	sst s10  }
0x35: {  	s10 =	sld [smem:$0x3FA9];
	_ =	sdelay $0x3  }
0x36: {  	p1 =	seq.s32 s10, $0x1;
	s10 =	sld [smem:$0x3FAA];
	_ =	sdelay $0x3  }
0x37: {  	[smem:$0x3FAA] =	sst s10  }
0x38: {  	s10 =	sld [smem:$0x3FAB]  }
0x39: {  	_ = 	snop;
	(pc) =	sbr.ind lr, $3  }
0x3a: {  	_ = 	snop  }
0x3b: {  	_ = 	snop  }
0x3c: {  	p2 =	seq.s32 s10, $0x1;
	s10 =	sld [smem:$0x3FAA]  }
0x3d: {  	_ =	shalt  }
0x3e: {  	_ =	shalt  }
0x3f: {  	_ =	shalt  }
0x40: {  	_ =	shalt  }
0x41: {  	_ =	shalt  }
0x42: {  	_ =	shalt  }
0x43: {  	_ =	shalt  }
0x44: {  	_ =	shalt  }
0x45: {  	_ =	shalt  }
0x46: {  	_ =	shalt  }
0x47: {  	_ =	shalt  }
0x48: {  	_ =	shalt  }
0x49: {  	_ =	shalt  }
0x4a: {  	_ =	shalt  }
0x4b: {  	_ =	shalt  }
0x4c: {  	_ =	shalt  }
0x4d: {  	_ =	shalt  }
0x4e: {  	_ =	shalt  }
0x4f: {  	_ =	shalt  }
0x50: {  	_ =	shalt  }
0x51: {  	_ =	shalt  }
0x52: {  	_ =	shalt  }
0x53: {  	_ =	shalt  }
0x54: {  	_ =	shalt  }
0x55: {  	_ =	shalt  }
0x56: {  	_ =	shalt  }
0x57: {  	_ =	shalt  }
0x58: {  	_ =	shalt  }
0x59: {  	_ =	shalt  }
0x5a: {  	_ =	shalt  }
0x5b: {  	_ =	shalt  }
0x5c: {  	_ =	shalt  }
0x5d: {  	_ =	shalt  }
0x5e: {  	_ =	shalt  }
0x5f: {  	_ =	shalt  }
0x60: {  	_ =	shalt  }
0x61: {  	_ =	shalt  }
0x62: {  	_ =	shalt  }
0x63: {  	_ =	shalt  }
0x64: {  	_ =	shalt  }
0x65: {  	_ =	shalt  }
0x66: {  	_ =	shalt  }
0x67: {  	_ =	shalt  }
0x68: {  	_ =	shalt  }
0x69: {  	_ =	shalt  }
0x6a: {  	_ =	shalt  }
0x6b: {  	_ =	shalt  }
0x6c: {  	_ =	shalt  }
0x6d: {  	_ =	shalt  }
0x6e: {  	_ =	shalt  }
0x6f: {  	_ =	shalt  }
0x70: {  	_ =	shalt  }
0x71: {  	_ =	shalt  }
0x72: {  	_ =	shalt  }
0x73: {  	_ =	shalt  }
0x74: {  	_ =	shalt  }
0x75: {  	_ =	shalt  }
0x76: {  	_ =	shalt  }
0x77: {  	_ =	shalt  }
0x78: {  	_ =	shalt  }
0x79: {  	_ =	shalt  }
0x7a: {  	_ =	shalt  }
0x7b: {  	_ =	shalt  }
0x7c: {  	_ =	shalt  }
0x7d: {  	_ =	shalt  }
0x7e: {  	_ =	shalt  }
0x7f: {  	_ =	shalt  }
0x80: {  	_ =	shalt  }
0x81: {  	_ =	shalt  }
0x82: {  	_ =	shalt  }
0x83: {  	_ =	shalt  }
0x84: {  	_ =	shalt  }
0x85: {  	_ =	shalt  }
0x86: {  	_ =	shalt  }
0x87: {  	_ =	shalt  }
.Lfunc_end0:
.L_simem_size_0:
called_computation_lowered:
.L_overlay_start_0:
0x88: {  	s0 =	sld [smem:$0x3FD9]  }
0x89: {  	s1 =	sld [smem:$0x3FFE];
	_ =	sdelay $0x3  }
0x8a: {  	s0 =	sadd.s32 s1, s0  }
0x8b: {  	[smem:$0x3FB6] =	sst s0  }
0x8c: {  	_ = 	snop  }
0x8d: {  	(tm) =	ssettm $0x1  }
0x8e: {  	s14 =	sld [smem:$0x3FFB];
	_ =	sdelay $0x3  }
0x8f: {  	_ =	strace s14  }
0x90: {  	s0 =	sld [smem:$0x3FFC];
	_ =	sdelay $0x3  }
0x91: {  	_ =	strace s0  }
0x92: {  	s0 =	sld [smem:$0x3FFD];
	_ =	sdelay $0x3  }
0x93: {  	_ =	strace s0  }
0x94: {  	_ =	strace $0x8FFFFFFF  }
0x95: {  	s15 =	sld [smem:$0x3FDB];
	_ =	sdelay $0x1  }
0x96: {  	s16 =	simm.s32 $_scs_section_size  }
0x97: {  	s2 =	simm.s32 $_size__tile_overlayer_lowered;
	s3 =	simm.s32 $_tile_overlayer_lowered  }
0x98: {  	s4 =	simm.s32 $0x1BFF;
	s17 =	sshll.u32 s3, $0x1;
	s1 =	sadd.s32 s16, s15  }
0x99: {  	s18 =	simm.s32 $0x0;
	s2 =	sshll.u32 s2, $0x1;
	s3 =	sadd.s32 s17, s1  }
0x9a: {  	[timem:s18], [sflag:s4] =	dma.local [hbm:s3], s2  }
0x9b: {  	_ =	swait.ge [sflag:s4], s2  }
0x9c: {  	s2 =	ssub.s32 $0x0, s2;
	[sflag:s4] =	ssyncset.done $0x0  }
0x9d: {  	[sflag:s4] =	ssyncadd.s32 s2;
	_ =	sdelay $0x1  }
0x9e: {  	s19 =	simm.s32 $0x1B8B  }
0x9f: {  	_ =	swait.ge [sflag:s19], $0x1  }
0xa0: {  	[sflag:s19] =	ssyncset.done $0x0  }
0xa1: {  	s21 =	simm.s32 $0x1B8E;
	s20 =	sld [smem:$0x3FFE];
	[sflag:s19] =	ssyncadd.s32 $0xFFFFFFFF  }
0xa2: {  	s22 =	simm.s32 $execute0_lowered;
	[smem:$0x3FD2] =	sst s21  }
0xa3: {  	s3 =	sshll.u32 s22, $0x1;
	_ =	strace $0x80000055;
	[dreg:$0x1] =	wrdreg $0xFFFFFFFF  }
0xa4: {  	s23 =	simm.s32 $_size_execute0_lowered;
	s3 =	sadd.s32 s1, s3;
	[dreg:$0x0] =	wrdreg $0x0  }
0xa5: {  	s4 =	sshll.u32 s23, $0x1;
	[dreg:$0x2] =	wrdreg s3  }
0xa6: {  	[dreg:$0x3] =	wrdreg s4  }
0xa7: {  	[dreg:$0x4] =	wrdreg $0xC0  }
0xa8: {  	s24 =	simm.s32 $execute1_lowered;
	_ =	task [dreg:s18], $0x5FFFF  }
0xa9: {  	s3 =	sshll.u32 s24, $0x1;
	[dreg:$0x1] =	wrdreg $0xFFFFFFFF  }
0xaa: {  	s1 =	sadd.s32 s1, s3;
	[dreg:$0x0] =	wrdreg $0x60  }
0xab: {  	[dreg:$0x2] =	wrdreg s1  }
0xac: {  	[dreg:$0x3] =	wrdreg s20  }
0xad: {  	[dreg:$0x4] =	wrdreg $0x9  }
0xae: {  	_ =	task.clear_ibuf [dreg:s18], $0x5FFFF;
	_ =	strace $0x90000055  }
0xaf: {  	s25 =	simm.s32 $0x9;
	_ =	strace $0x80000057  }
0xb0: {  	_ =	swait.ge [sflag:s25], $0x1  }
0xb1: {  	[sflag:s25] =	ssyncadd.s32 $0xFFFFFFFF  }
0xb2: {  	_ =	strace $0x90000057  }
0xb3: {  	_ =	strace $0x80000058;
	[dreg:$0x1] =	wrdreg $0xFFFFFFFF  }
0xb4: {  	[dreg:$0x0] =	wrdreg $0x2030  }
0xb5: {  	[dreg:$0x2] =	wrdreg s20  }
0xb6: {  	[dreg:$0x3] =	wrdreg $0xA  }
0xb7: {  	_ =	task.clear_ibuf [dreg:s18], $0x4FFFF;
	_ =	strace $0x90000058  }
0xb8: {  	s26 =	simm.s32 $0xA;
	_ =	strace $0x8000005A  }
0xb9: {  	_ =	swait.ge [sflag:s26], $0x1  }
0xba: {  	[sflag:s26] =	ssyncadd.s32 $0xFFFFFFFF  }
0xbb: {  	_ =	strace $0x9000005A  }
0xbc: {  	_ =	sfence  }
0xbd: {  	s28 =	sld [smem:$0x0];
	_ =	sdelay $0x1  }
0xbe: {  	s29 =	srdreg.scid  }
0xbf: {  	s30 =	sshll.u32 s29, $0xD;
	s31 =	sshrl.u32 s29, $0x2  }
0xc0: {  	s2 =	sand.u32 $0x1, s29;
	s3 =	sand.u32 $0x4000, s30;
	s1 =	sadd.s32 s31, s28  }
0xc1: {  	s2 =	sor.u32 s3, s2;
	s1 =	sshll.u32 s1, $0x11  }
0xc2: {  	s1 =	sor.u32 s1, s2  }
0xc3: {  	s1 =	sadd.s32 $0x8F2B, s1  }
0xc4: {  	[sflag:s1] =	ssyncadd.remote.s32 $0x1  }
0xc5: {  	_ =	sfence.sel $0xFFFF  }
0xc6: {  	[dreg:$0x0] =	wrdreg $0xFFFFFFFF;
	(pc) =	sbr.abs _section_cstart, $3  }
0xc7: {  	[dreg:$0x1] =	wrdreg $0xFFFFFFFF  }
0xc8: {  	_ =	task.clear_ibuf [dreg:s18], $0x2FFFF;
	_ =	strace $0x9FFFFFFF  }
0xc9: {  	(tm) =	ssettm $0x7FFFFFFF  }
tec
execute0_lowered:
.L_overlay_start_1:
0x0: {  	(tag) =	ssettag $0x1  }
0x1: {  	s3 =	rddreg [dreg:$0x0];
	s4 =	stileid.u32  }
0x2: {  	s5 =	rddreg [dreg:$0x1];
	s2 =	smul.u32 $0x1B00, s4  }
0x3: {  	s0 =	rddreg [dreg:$0x2];
	[bflag:$0x3] =	sbarrier.arrive $0xFFFF;
	s1 =	simm.s32 $_size_execute1_lowered  }
0x4: {  	s1 =	sshll.u32 s1, $0x1;
	p0 =	sne.s32 s4, $0x0;
	s6 =	ssub.s32 $0x36000, s2  }
0x5: {  	s4 =	simm.s32 @!p0 $0x1C3F;
	s7 =	simm.s32 @!p0 $0x4060;
	s8 =	smulhi.u32 $0x25ED1, s6  }
0x6: {  	[timem:s7], [sflag:s4] =	dma.local @!p0 [hbm:s3], s1  }
0x7: {  	s30 =	sshrl.u32 s8, $0x2  }
0x8: {  	s31 =	simm.s32 $0x2;
	s8 =	smul.u32 $0x1B000, s30  }
.Ltmp0:
0x9: {  	s10 =	simm.s32 $0x0;
	s9 =	simm.s32 $0x0;
	(pc) =	sbr.rel .LBB2_1-.Ltmp0, $4  }
0xa: {  	s3 =	sadd.s32 $0x9C400, s5;
	p1 =	sne.s32 s6, s8;
	s6 =	simm.s32 $0x1  }
0xb: {  	s4 =	simm.s32 $0x1;
	_ =	strace $0x80000056;
	s6 =	simm.s32 @!p1 $0x0  }
0xc: {  	s5 =	sadd.s32 $0xE9C00, s5;
	[sflag:s4] =	ssyncpa.u1 $0x0;
	s6 =	sadd.s32 s6, s30  }
0xd: {  	[sflag:s31] =	ssyncpa.u1 $0x0;
	s8 =	smov.u32 s2;
	s7 =	sadd.s32 $0x1, s6  }
.LBB2_4:
0xe: {  	[tilespmem:s11+$0x30] =	vst v0  }
0xf: {  	[tilespmem:s11+$0x40] =	vst v1  }
0x10: {  	[tilespmem:s11+$0x50] =	vst v2  }
0x11: {  	[tilespmem:s11+$0x60] =	vst v3;
	s13 =	sshrl.u32 s10, $0x3  }
0x12: {  	[tilespmem:s11+$0xFFFFFF80] =	vst v4;
	s31 =	sand.u32 $0x7, s10;
	s30 =	sadd.s32 s5, s13  }
0x13: {  	[hbm4b:s30+s31] =	stream.linear.scatter [tilespmem:s12], [sflag:$0x2], $0x1B00, $0x38;
	[tilespmem:$0x6C00] =	vst v63  }
.LBB2_5:
0x14: {  	s12 =	sadd.s32 $0x1B000, s8  }
0x15: {  	p2 =	sgt.s32 s12, $0x35FFF  }
0x16: {  	s12 =	smov.u32 @p2 s2;
	p2 =	sne.s32 s9, s7  }
.Ltmp1:
0x17: {  	p1 =	slt.u32 s9, $0x2;
	(pc) =	sbr.rel @!p2 .LBB2_6-.Ltmp1, $4  }
0x18: {  	s11 =	simm.s32 @!p1 $0x2  }
0x19: {  	_ =	swait.ge @!p1 [sflag:s11], $0x1B00  }
0x1a: {  	s13 =	sadd.s32 $0x1, s9;
	s10 =	smov.u32 s8;
	[sflag:s11] =	ssyncset.done @!p1 $0x0  }
0x1b: {  	s9 =	smov.u32 s13;
	s8 =	smov.u32 s12;
	[sflag:s11] =	ssyncadd.s32 @!p1 $0xFFFFE500  }
.LBB2_1:
0x1c: {  	p1 =	sge.u32 s9, s6  }
0x1d: {  	s11 =	sxor.u32 @!p1 $0xFFFFFFFF, s9  }
0x1e: {  	s11 =	sand.u32 @!p1 $0x1, s11  }
0x1f: {  	s11 =	smul.u32 @!p1 $0x6C00, s11  }
0x20: {  	s31 =	sadd.s32 $0xFFFFFFFF, s9;
	s12 =	sshrl.u32 @!p1 s8, $0x3  }
0x21: {  	s13 =	sand.u32 @!p1 $0x7, s8;
	s12 =	sadd.s32 @!p1 s3, s12;
	s11 =	sshrl.u32 @!p1 s11, $0x2  }
0x22: {  	[tilespmem:s11], [sflag:$0x1] =	stream.linear.gather @!p1 [hbm4b:s12+s13], $0x1B00, $0x38;
	[tilespmem:$0x6C00] =	vst v63  }
0x23: {  	p1 =	sge.u32 s31, s6  }
.Ltmp2:
0x24: {  	_ = 	snop;
	(pc) =	sbr.rel @p1 .LBB2_5-.Ltmp2, $1  }
0x25: {  	_ =	sdelay $0x3  }
0x26: {  	s11 =	sand.u32 $0x1, s9  }
0x27: {  	_ =	swait.ge [sflag:s4], $0x1B00;
	s12 =	simm.s32 $0x1B00;
	p1 =	seq.s32 s11, $0x1  }
0x28: {  	[sflag:s4] =	ssyncset.done $0x0;
	s12 =	simm.s32 @!p1 $0x0  }
0x29: {  	[sflag:s4] =	ssyncadd.s32 $0xFFFFE500;
	s14 =	sor.u32 $0x80, s12  }
0x2a: {  	v0 =	vld [tilespmem:s14+$0x70]  }
0x2b: {  	v1 =	vld [tilespmem:s14+$0xFFFFFF90]  }
0x2c: {  	v2 =	vld [tilespmem:s14+$0xFFFFFFA0]  }
0x2d: {  	v3 =	vld [tilespmem:s14+$0xFFFFFFB0]  }
0x2e: {  	s11 =	sadd.s32 $0x3680, s12;
	v4 =	vld [tilespmem:s14+$0xFFFFFFC0]  }
0x2f: {  	v5 =	vld [tilespmem:s14+$0xFFFFFFD0];
	[tilespmem:s11+$0x70] =	vst v0  }
0x30: {  	[tilespmem:s11+$0xFFFFFF90] =	vst v1;
	v0 =	vld [tilespmem:s14+$0xFFFFFFE0]  }
0x31: {  	[tilespmem:s11+$0xFFFFFFA0] =	vst v2;
	v1 =	vld [tilespmem:s14+$0xFFFFFFF0]  }
0x32: {  	[tilespmem:s11+$0xFFFFFFB0] =	vst v3;
	v2 =	vld [tilespmem:s14+$0x0]  }
0x33: {  	[tilespmem:s11+$0xFFFFFFC0] =	vst v4;
	v3 =	vld [tilespmem:s14+$0x10]  }
0x34: {  	[tilespmem:s11+$0xFFFFFFD0] =	vst v5;
	v5 =	vld [tilespmem:s14+$0x20]  }
0x35: {  	[tilespmem:s11+$0xFFFFFFE0] =	vst v0;
	v0 =	vld [tilespmem:s14+$0x30]  }
0x36: {  	[tilespmem:s11+$0xFFFFFFF0] =	vst v1;
	v1 =	vld [tilespmem:s14+$0x40]  }
0x37: {  	[tilespmem:s11+$0x0] =	vst v2;
	v2 =	vld [tilespmem:s14+$0x50]  }
0x38: {  	[tilespmem:s11+$0x10] =	vst v3;
	v3 =	vld [tilespmem:s14+$0x60]  }
0x39: {  	s13 =	simm.s32 $0x0;
	s12 =	sadd.s32 $0x3600, s12;
	v4 =	vld [tilespmem:s14+$0xFFFFFF80];
	[tilespmem:s11+$0x20] =	vst v5;
	s14 =	sadd.s32 $0x100, s14  }
.LBB2_3:
0x3a: {  	v5 =	vld [tilespmem:s14+$0x70];
	s13 =	sadd.s32 $0x100, s13;
	[tilespmem:s11+$0x30] =	vst v0  }
0x3b: {  	v0 =	vld [tilespmem:s14+$0xFFFFFF90];
	p1 =	slt.u32 s13, $0x1A00;
	[tilespmem:s11+$0x40] =	vst v1  }
0x3c: {  	v1 =	vld [tilespmem:s14+$0xFFFFFFA0];
	[tilespmem:s11+$0x50] =	vst v2  }
0x3d: {  	v2 =	vld [tilespmem:s14+$0xFFFFFFB0];
	[tilespmem:s11+$0x60] =	vst v3  }
0x3e: {  	v3 =	vld [tilespmem:s14+$0xFFFFFFC0];
	[tilespmem:s11+$0xFFFFFF80] =	vst v4;
	s11 =	sadd.s32 $0x100, s11  }
0x3f: {  	v4 =	vld [tilespmem:s14+$0xFFFFFFD0];
	[tilespmem:s11+$0x70] =	vst v5  }
0x40: {  	[tilespmem:s11+$0xFFFFFF90] =	vst v0;
	v0 =	vld [tilespmem:s14+$0xFFFFFFE0]  }
0x41: {  	[tilespmem:s11+$0xFFFFFFA0] =	vst v1;
	v1 =	vld [tilespmem:s14+$0xFFFFFFF0]  }
0x42: {  	[tilespmem:s11+$0xFFFFFFB0] =	vst v2;
	v2 =	vld [tilespmem:s14+$0x0]  }
0x43: {  	[tilespmem:s11+$0xFFFFFFC0] =	vst v3;
	v3 =	vld [tilespmem:s14+$0x10]  }
0x44: {  	[tilespmem:s11+$0xFFFFFFD0] =	vst v4;
	v5 =	vld [tilespmem:s14+$0x20]  }
.Ltmp3:
0x45: {  	[tilespmem:s11+$0xFFFFFFE0] =	vst v0;
	v0 =	vld [tilespmem:s14+$0x30];
	(pc) =	sbr.rel @p1 .LBB2_3-.Ltmp3, $4  }
0x46: {  	[tilespmem:s11+$0xFFFFFFF0] =	vst v1;
	v1 =	vld [tilespmem:s14+$0x40]  }
0x47: {  	[tilespmem:s11+$0x0] =	vst v2;
	v2 =	vld [tilespmem:s14+$0x50]  }
0x48: {  	[tilespmem:s11+$0x10] =	vst v3;
	v3 =	vld [tilespmem:s14+$0x60]  }
0x49: {  	v4 =	vld [tilespmem:s14+$0xFFFFFF80];
	[tilespmem:s11+$0x20] =	vst v5;
	s14 =	sadd.s32 $0x100, s14  }
.Ltmp4:
0x4a: {  	_ = 	snop;
	(pc) =	sbr.rel .LBB2_4-.Ltmp4, $1  }
0x4b: {  	_ =	sdelay $0x3  }
.LBB2_6:
0x4c: {  	_ =	sfence.sel $0x180000  }
0x4d: {  	s2 =	simm.s32 $0x1;
	[bflag:$0x0] =	sbarrier.arrive $0xFFFF  }
0x4e: {  	s31 =	simm.s32 $0x2;
	[sflag:s2] =	ssyncpa.u1 $0x1  }
0x4f: {  	[sflag:s31] =	ssyncpa.u1 $0x1  }
0x50: {  	_ =	strace $0x90000056  }
0x51: {  	s0 =	sadd.s32 @!p0 $0x100000, s0;
	[bflag:$0x2] =	sbarrier.arrive $0xFFFF  }
0x52: {  	[sflag:s0] =	ssyncadd.tile.s32 @!p0 $0x1;
	s0 =	simm.s32 @!p0 $0x3F  }
0x53: {  	_ =	swait.ge @!p0 [sflag:s0], s1  }
0x54: {  	s1 =	ssub.s32 @!p0 $0x0, s1;
	[sflag:s0] =	ssyncset.done @!p0 $0x0  }
0x55: {  	[sflag:s0] =	ssyncadd.s32 @!p0 s1  }
0x56: {  	[bflag:$0x3] =	sbarrier.arrive $0xFFFF  }
0x57: {  	_ =	shalt  }
.Lfunc_end2:
execute1_lowered:
.L_overlay_start_2:
0x58: {  	(tag) =	ssettag $0x2  }
0x59: {  	s0 =	rddreg [dreg:$0x0];
	_ =	strace $0x80000059;
	s2 =	simm.s32 $0x1  }
0x5a: {  	v1 =	vimm.s32 $0xFFFFFFFF;
	[sflag:s2] =	ssyncpa.u1 $0x0  }
0x5b: {  	[tilespmem:$0x10] =	vst v1  }
0x5c: {  	v0 =	vimm.f32 $0.0e+00;
	[tilespmem:$0x20] =	vst v1  }
0x5d: {  	[tilespmem:$0x30] =	vst v0  }
0x5e: {  	[tilespmem:$0x40] =	vst v0  }
0x5f: {  	s30 =	simm.s32 $0x2;
	s3 =	stileid.u32;
	s6 =	simm.s32 $0x7;
	[tilespmem:$0x50] =	vst v0  }
0x60: {  	s8 =	simm.s32 $0x8;
	s31 =	simm.s32 $0x9;
	s14 =	simm.s32 $0x0;
	[tilespmem:$0x60] =	vst v1  }
0x61: {  	s15 =	simm.s32 $0xFFFFE000;
	s16 =	simm.s32 $0xFF;
	p0 =	por $0x0, $0x0;
	[tilespmem:$0x70] =	vst v1  }
0x62: {  	s17 =	simm.s32 $0xFFFFC100;
	s18 =	simm.s32 $0xFFFFFFFE;
	s19 =	simm.s32 $0xF;
	[tilespmem:$0x80] =	vst v1  }
0x63: {  	s20 =	simm.s32 $0x30;
	s23 =	simm.s32 $0x0;
	s21 =	simm.s32 $0x0;
	v1 =	vimm.s32 $0x0;
	[tilespmem:$0xB0] =	vst v0  }
.Ltmp5:
0x64: {  	s1 =	sadd.s32 $0xE9C00, s0;
	s4 =	sadd.s32 $0x1460400, s0;
	[tilespmem:$0x90] =	vst v1;
	(pc) =	sbr.rel .LBB3_1-.Ltmp5, $4  }
0x65: {  	s5 =	sadd.s32 $0xC9C00, s0;
	s7 =	sshll.u32 s3, $0x10;
	[tilespmem:$0xA0] =	vst v1;
	[sflag:s30] =	ssyncpa.u1 $0x0  }
0x66: {  	s9 =	sshll.u32 s3, $0x1;
	s12 =	sshllo.u32 s3, $0x1;
	[sflag:s6] =	ssyncpa.u1 $0x0  }
0x67: {  	vm0 =	vmmov $0xffff;
	v2 =	vlaneseq.u32;
	s10 =	sadd.s32 $0x10000, s7;
	s11 =	sor.u32 $0x81, s9;
	[sflag:s8] =	ssyncpa.u1 $0x0  }
0x68: {  	vm1 =	vmxor vm1, vm1;
	vm2 =	vmmov $0x1;
	vm3 =	vcmask $0x3F3C;
	s13 =	sor.u32 $0x80, s9;
	s22 =	smov.u32 s7;
	[sflag:s31] =	ssyncpa.u1 $0x0  }
.LBB3_10:
0x69: {  	p1 =	slt.u32 s21, $0x3  }
0x6a: {  	s0 =	simm.s32 @!p1 $0x2  }
0x6b: {  	_ =	swait.ge @!p1 [sflag:s0], $0x2000  }
0x6c: {  	[sflag:s0] =	ssyncset.done @!p1 $0x0  }
0x6d: {  	[sflag:s0] =	ssyncadd.s32 @!p1 $0xFFFFE000;
	s0 =	simm.s32 @!p1 $0x9  }
0x6e: {  	_ =	swait.ge @!p1 [sflag:s0], $0x10  }
0x6f: {  	s21 =	sadd.s32 $0x1, s21;
	[sflag:s0] =	ssyncset.done @!p1 $0x0  }
0x70: {  	[sflag:s0] =	ssyncadd.s32 @!p1 $0xFFFFFFF0;
	p1 =	sne.s32 s21, $0xB  }
.Ltmp6:
0x71: {  	_ = 	snop;
	(pc) =	sbr.rel @!p1 .LBB3_11-.Ltmp6, $4  }
0x72: {  	s23 =	sadd.s32 $0x2000, s22;
	s24 =	smov.u32 s7  }
0x73: {  	s15 =	sadd.s32 $0x2000, s15;
	s16 =	sadd.s32 $0x1, s16;
	p2 =	slt.s32 s23, s10  }
0x74: {  	p0 =	por !p0, !p0;
	s17 =	sadd.s32 $0x2000, s17;
	s24 =	smov.u32 @p2 s23  }
0x75: {  	s18 =	sadd.s32 $0x1, s18;
	s23 =	smov.u32 s22;
	s22 =	smov.u32 s24  }
.LBB3_1:
0x76: {  	p1 =	sgt.u32 s21, $0x7  }
0x77: {  	s0 =	smul.u32 @!p1 $0xAB, s21;
	_ =	sdelay $0x1  }
0x78: {  	s0 =	sshrl.u32 @!p1 s0, $0x9  }
0x79: {  	s0 =	sand.u32 @!p1 $0x7F, s0  }
0x7a: {  	s0 =	smul.u32 @!p1 $0x3, s0;
	_ =	sdelay $0x1  }
0x7b: {  	s0 =	ssub.s32 @!p1 s21, s0  }
0x7c: {  	s0 =	sand.u32 @!p1 $0xFF, s0  }
0x7d: {  	s24 =	sshrl.u32 @!p1 s22, $0x3;
	s0 =	sshll.u32 @!p1 s0, $0xD  }
0x7e: {  	s25 =	sand.u32 @!p1 $0x7, s22;
	s24 =	sadd.s32 @!p1 s4, s24;
	s0 =	sor.u32 @!p1 $0x100, s0  }
0x7f: {  	[tilespmem:s0], [sflag:$0x7] =	stream.linear.gather @!p1 [hbm4b:s24+s25], $0x2000, $0x38;
	[tilespmem:$0x12120] =	vst v63  }
0x80: {  	s0 =	sadd.s32 $0xFFFFFFFF, s21  }
0x81: {  	p1 =	sgt.u32 s0, $0x7  }
.Ltmp7:
0x82: {  	_ = 	snop;
	(pc) =	sbr.rel @p1 .LBB3_5-.Ltmp7, $1  }
0x83: {  	_ =	sdelay $0x3  }
0x84: {  	s24 =	smul.u32 $0xAB, s0;
	_ =	sdelay $0x1  }
0x85: {  	s24 =	sshrl.u32 s24, $0x9  }
0x86: {  	s24 =	sand.u32 $0x7F, s24  }
0x87: {  	s24 =	smul.u32 $0x3, s24;
	_ =	sdelay $0x1  }
0x88: {  	s24 =	ssub.s32 s0, s24  }
0x89: {  	s24 =	sand.u32 $0xFF, s24  }
0x8a: {  	_ =	swait.ge [sflag:s6], $0x2000;
	s24 =	sshll.u32 s24, $0xD  }
0x8b: {  	[sflag:s6] =	ssyncset.done $0x0;
	s24 =	sor.u32 $0x100, s24  }
0x8c: {  	[sflag:s6] =	ssyncadd.s32 $0xFFFFE000;
	(ifvalue) =	ssetifvalue $0xFFFFFFFF;
	v3 =	vld.msk [tilespmem:s24+$0x0 ss:$0x1], $0xffff;
	_ =	sdelay $0x1  }
0x8d: {  	s28 =	sand.u32 $0xFF, s16  }
0x8e: {  	p1 =	sne.s32 s21, $0x1;
	s25 =	smulhi.u32 $0x55555556, s28  }
0x8f: {  	v4 =	vimm.s32 @!p1 $0x0  }
0x90: {  	s25 =	smul.u32 $0x18000, s25;
	v4 =	vperm.xlane @!p1 v3, v4  }
0x91: {  	s26 =	sshll.u32 s21, $0x4;
	s24 =	sshll.u32 s28, $0xF;
	vm4 =	vlt.u32 v3, $0x36000  }
0x92: {  	s29 =	sand.u32 $0x10, s26;
	s24 =	ssub.s32 s24, s25;
	v3 =	vnsel vm4, $0xFFFFFFFE, v3;
	vm4 =	vlt.u32 @!p1 v4, $0x36000  }
0x93: {  	s24 =	sshra.s32 s24, $0x2;
	[tilespmem:s29+$0x60] =	vst v3;
	v3 =	vnsel @!p1 vm4, $0xFFFFFFFE, v4  }
0x94: {  	s28 =	sadd.s32 $0x20F0, s24;
	[tilespmem:$0x80] =	vst @!p1 v3  }
0x95: {  	v3 =	vld.msk [tilespmem:s28+$0x0 ss:$0x1], $0xffff;
	_ =	sdelay $0x4  }
0x96: {  	(xrf1) =	vunique.msk.u32 $0xffff, v3;
	_ =	sdelay $0xd  }
0x97: {  	v4 =	vimm.s32 $0xFFFFFFFF;
	v5, _, _ =	vpop (xrf1)  }
0x98: {  	vm5 =	vne.s32 v3, v4;
	vm4 =	veq.s32 v5, v2  }
0x99: {  	vm6 =	vlt.u32 v3, $0x36000;
	vm4 =	vmand vm5, vm4  }
0x9a: {  	vm4 =	vmand vm6, vm4  }
0x9b: {  	v4 =	vnsel vm4, $0xFFFFFFFF, v3;
	_ =	sdelay $0x2  }
0x9c: {  	s30 =	sand.u32 $0x2000, s15  }
0x9d: {  	s31 =	sshll.u32 s0, $0xD;
	s24 =	sor.u32 $0x80F0, s30;
	(ifvalue) =	ssetifvalue $0xFFFFFFFF  }
0x9e: {  	v3 =	vperm.xlane v3, v1;
	[tilespmem:s24], [sflag:$0x8] =	stream.indirect_vreg.gather [hbm4b:s1+s14], $0x1, v4, vm0, $0x4038;
	v4 =	vnsel vm6, $0xFFFFFFFE, v4;
	[tilespmem:$0x12120] =	vst v63  }
0x9f: {  	s26 =	simm.s32 $0x0;
	s25 =	sand.u32 $0x2000, s31;
	s0 =	sadd.s32 $0xFFFFFFF0, s28;
	[tilespmem:s28+$0x0] =	vst v4  }
.LBB3_3:
0xa0: {  	v4 =	vld.msk [tilespmem:s0+$0x0 ss:$0x1], $0xffff;
	s26 =	sadd.s32 $0x10, s26;
	v5 =	vmov v3;
	s28 =	smov.u32 s0  }
0xa1: {  	p1 =	slt.u32 s26, $0x1FF0;
	_ =	sdelay $0x4  }
0xa2: {  	v3 =	vperm.xlane v4, v1;
	(xrf1) =	vunique.msk.u32 $0xffff, v4;
	_ =	sdelay $0xd  }
0xa3: {  	v6, _, _ =	vpop (xrf1)  }
0xa4: {  	vm5 =	vne.s32 v4, v5;
	vm4 =	veq.s32 v6, v2  }
0xa5: {  	vm6 =	vlt.u32 v4, $0x36000;
	vm4 =	vmand vm5, vm4  }
0xa6: {  	vm4 =	vmand vm6, vm4  }
0xa7: {  	v4 =	vnsel vm4, $0xFFFFFFFF, v4  }
.Ltmp8:
0xa8: {  	v5 =	vnsel vm6, $0xFFFFFFFE, v4;
	(pc) =	sbr.rel @p1 .LBB3_3-.Ltmp8, $3  }
0xa9: {  	_ =	sdelay $0x1  }
0xaa: {  	s0 =	sadd.s32 $0xFFFFFFF0, s0;
	s24 =	sadd.s32 $0xFFFFFFF0, s24;
	(ifvalue) =	ssetifvalue $0xFFFFFFFF  }
0xab: {  	[tilespmem:s24], [sflag:$0x8] =	stream.indirect_vreg.gather [hbm4b:s1+s14], $0x1, v4, vm0, $0x4038;
	[tilespmem:s28+$0x0] =	vst v5  }
0xac: {  	s0 =	sshrl.u32 s23, $0x3  }
0xad: {  	s31 =	sadd.s32 $0xA100, s25;
	s0 =	sadd.s32 s5, s0  }
0xae: {  	[tilespmem:s31], [sflag:$0x8] =	stream.linear.gather [hbm:s0], $0x2000, $0x38;
	[tilespmem:$0x12120] =	vst v63  }
.LBB3_5:
0xaf: {  	p1 =	sgt.u32 s21, $0xA  }
.Ltmp9:
0xb0: {  	_ = 	snop;
	(pc) =	sbr.rel @p1 .LBB3_7-.Ltmp9, $1  }
0xb1: {  	_ =	sdelay $0x3  }
0xb2: {  	s0 =	sshll.u32 s2, s21  }
0xb3: {  	s0 =	sand.u32 $0x403, s0  }
0xb4: {  	p1 =	sne.s32 s0, $0x0  }
.Ltmp10:
0xb5: {  	_ = 	snop;
	(pc) =	sbr.rel @p1 .LBB3_10-.Ltmp10, $1  }
0xb6: {  	_ =	sdelay $0x3  }
.LBB3_7:
0xb7: {  	s0 =	sadd.s32 $0xFFFFFFFE, s21  }
0xb8: {  	s23 =	smulhi.u32 $0xAAAAAAAB, s0;
	_ =	sdelay $0x1  }
0xb9: {  	s23 =	sshrl.u32 s23, $0x1  }
0xba: {  	s23 =	smul.u32 $0x3, s23;
	_ =	sdelay $0x1  }
0xbb: {  	_ =	swait.ge [sflag:s8], $0x4000;
	s0 =	ssub.s32 s0, s23  }
0xbc: {  	p1 =	sne.s32 s21, $0x9;
	[sflag:s8] =	ssyncset.done $0x0;
	s0 =	sshll.u32 s0, $0xD  }
0xbd: {  	[sflag:s8] =	ssyncadd.s32 $0xFFFFC000;
	s23 =	sadd.s32 @!p1 $0x20FF, s0  }
0xbe: {  	[spmem:s11] =	stream.linear.scatter @!p1 [tilespmem:s23], [sflag:$0x1], $0x1, $0x38;
	[tilespmem:$0x12120] =	vst v63  }
0xbf: {  	s23 =	simm.s32 @!p1 $0x1  }
0xc0: {  	_ =	swait.ge @!p1 [sflag:s23], $0x1  }
0xc1: {  	s24 =	sshll.u32 s21, $0x4;
	[sflag:s23] =	ssyncset.done @!p1 $0x0  }
0xc2: {  	[sflag:s23] =	ssyncadd.s32 @!p1 $0xFFFFFFFF;
	s23 =	sand.u32 $0x10, s24  }
0xc3: {  	v4 =	vld [tilespmem:s23+$0x10];
	s29 =	sxor.u32 $0x10, s23  }
0xc4: {  	v5 =	vld [tilespmem:s29+$0x60]  }
0xc5: {  	v3 =	vld [tilespmem:$0x80];
	_ =	sdelay $0x2  }
0xc6: {  	(v2sf) =	vpush v4, $0x0  }
0xc7: {  	(v2sf) =	vpush v5, $0x0  }
0xc8: {  	(v2sf) =	vpush v3, $0x0;
	_ =	sdelay $0xc  }
0xc9: {  	s24 =	spop (v2sf)  }
0xca: {  	s26 =	spop (v2sf)  }
0xcb: {  	s25 =	spop (v2sf)  }
0xcc: {  	p2 =	seq.s32 s24, s26;
	p3 =	seq.s32 s25, s24  }
0xcd: {  	p3 =	por p2, p3  }
0xce: {  	v4 =	vpsel p3, $0xFFFFFFFF, v4  }
0xcf: {  	s24 =	sand.u32 $0x1, s21;
	[tilespmem:s23+$0x10] =	vst.msk $0x1, v4  }
0xd0: {  	s26 =	sshll.u32 s24, $0xD;
	v4 =	vld [tilespmem:$0x30]  }
0xd1: {  	v5 =	vld [tilespmem:s26+$0xA100]  }
0xd2: {  	v6 =	vld [tilespmem:s23+$0x40];
	_ =	sdelay $0x3  }
0xd3: {  	vm4 =	vmmov vm1;
	v5 =	vadd.f32 v5, v4  }
0xd4: {  	vm5 =	vmmov vm2;
	vm4 =	vmmov @p2 vm2;
	s24 =	sshll.u32 s24, $0x4;
	v4 =	vadd.f32 v6, v4  }
0xd5: {  	vm5 =	vmmov @p3 vm1;
	s24 =	sor.u32 $0x12100, s24;
	[tilespmem:s26+$0xA100] =	vst.msk vm4, v5  }
0xd6: {  	[tilespmem:s24+$0x0] =	vst.msk vm5, v4  }
0xd7: {  	v4 =	vld [tilespmem:s26+$0x80F0];
	_ =	sdelay $0x3  }
0xd8: {  	v5 =	vimm.f32 $0.0e+00  }
0xd9: {  	v4 =	vshift.insert v4, v5, s19  }
0xda: {  	s28 =	sor.u32 $0x40, s29  }
0xdb: {  	[tilespmem:s28+$0x0] =	vst.msk $0x1, v4  }
0xdc: {  	[tilespmem:s26+$0x80FF] =	vst.msk $0x1, v5  }
0xdd: {  	v4 =	vld [tilespmem:s0+$0x20F0];
	_ =	sdelay $0x1  }
0xde: {  	s0 =	smulhi.u32 $0xAAAAAAAB, s18;
	_ =	sdelay $0x1  }
0xdf: {  	s28 =	simm.s32 $0x1;
	s0 =	sshrl.u32 s0, $0x1  }
0xe0: {  	s28 =	simm.s32 @!p0 $0x0;
	s0 =	smul.u32 $0xFFFE8000, s0;
	v4 =	vshift.insert v4, v1, s19  }
0xe1: {  	s30 =	sshll.u32 s28, $0xD  }
0xe2: {  	s28 =	sadd.s32 $0xA100, s30;
	s0 =	sshra.s32 s0, $0x2;
	[tilespmem:s29+$0x10] =	vst.msk $0x1, v4  }
0xe3: {  	s0 =	sadd.s32 s0, s17;
	v6 =	vld [tilespmem:s28+$0x0]  }
0xe4: {  	v7 =	vld [tilespmem:s0+$0x0];
	_ =	sdelay $0x3  }
0xe5: {  	v5 =	vadd.f32 v6, v5  }
0xe6: {  	vm4 =	vne.s32 v7, $0xFFFFFFFF  }
0xe7: {  	(xrf2) =	vadd.seg.scan.f32 vm4, v5;
	_ =	sdelay $0x3  }
0xe8: {  	s29 =	sadd.s32 $0x6100, s30;
	v5 =	vperm.xlane v4, v1  }
0xe9: {  	v6 =	vld [tilespmem:s29+$0x0]  }
0xea: {  	vm5 =	veq.s32 v7, v3;
	vm6 =	veq.s32 v7, v5  }
0xeb: {  	vm7 =	vgt.u32 v7, $0xFFFFFFFD;
	vm6 =	vmor vm6, vm5  }
0xec: {  	vm6 =	vmor vm6, vm7  }
0xed: {  	v9 =	vld [tilespmem:$0xA0];
	v7 =	vsel vm6, $0xFFFFFFFF, v7  }
0xee: {  	v10 =	vld [tilespmem:$0x90];
	v6 =	vsel vm5, $0x0, v6;
	v8, _, _ =	vpop (xrf2)  }
0xef: {  	v6 =	vadd.f32 v8, v6  }
0xf0: {  	s30 =	sadd.s32 $0xE100, s30  }
0xf1: {  	vm4 =	vmand vm4, vm3;
	[tilespmem:s30+$0x0] =	vst v6;
	(ifvalue) =	ssetifvalue $0xFFFFFFFF  }
0xf2: {  	vm6 =	veq.s32 v9, $0x1;
	[hbm4b:s1+s14] =	stream.indirect_vreg.scatter [tilespmem:s30], [sflag:$0x2], $0x1, v7, vm0, $0x4038;
	v7 =	vsel vm4, $0x0, v8;
	[tilespmem:$0x12120] =	vst v63  }
0xf3: {  	s31 =	simm.s32 $0x0;
	s0 =	sadd.s32 $0x10, s0;
	vm4 =	vmor vm6, vm5;
	v6 =	vsel vm5, v8, v10;
	v7 =	vshift.insert v7, v0, s19  }
.LBB3_8:
0xf4: {  	v8 =	vld [tilespmem:s0+$0x0];
	s28 =	sadd.s32 $0x10, s28  }
0xf5: {  	s29 =	sadd.s32 $0x10, s29;
	v9 =	vld [tilespmem:s28+$0x0]  }
0xf6: {  	s31 =	sadd.s32 $0x10, s31;
	v10 =	vld [tilespmem:s29+$0x0]  }
0xf7: {  	p2 =	slt.u32 s31, $0x1FF0;
	_ =	sdelay $0x2  }
0xf8: {  	v7 =	vadd.f32 v9, v7  }
0xf9: {  	vm5 =	vne.s32 v8, $0xFFFFFFFF  }
0xfa: {  	vm6 =	vmand vm5, vm3;
	(xrf2) =	vadd.seg.scan.f32 vm5, v7;
	_ =	sdelay $0x5  }
0xfb: {  	vm7 =	veq.s32 v8, v5;
	vm5 =	veq.s32 v8, v3  }
0xfc: {  	vm8 =	vgt.u32 v8, $0xFFFFFFFD;
	vm4 =	vmor vm4, vm5;
	vm7 =	vmor vm7, vm5  }
0xfd: {  	vm7 =	vmor vm7, vm8  }
0xfe: {  	v8 =	vsel vm7, $0xFFFFFFFF, v8  }
.Ltmp11:
0xff: {  	v7 =	vsel vm5, $0x0, v10;
	v9, _, _ =	vpop (xrf2);
	(pc) =	sbr.rel @p2 .LBB3_8-.Ltmp11, $4  }
0x100: {  	v6 =	vsel vm5, v9, v6;
	v10 =	vadd.f32 v9, v7;
	v7 =	vsel vm6, $0x0, v9  }
0x101: {  	s30 =	sadd.s32 $0x10, s30;
	v7 =	vshift.insert v7, v0, s19  }
0x102: {  	s0 =	sadd.s32 $0x10, s0;
	[tilespmem:s30+$0x0] =	vst v10;
	(ifvalue) =	ssetifvalue $0xFFFFFFFF  }
0x103: {  	[hbm4b:s1+s14] =	stream.indirect_vreg.scatter [tilespmem:s30], [sflag:$0x2], $0x1, v8, vm0, $0x4038;
	[tilespmem:$0x12120] =	vst v63  }
0x104: {  	v3 =	vld [tilespmem:s26+$0x100F0];
	_ =	sdelay $0x4  }
0x105: {  	v3 =	vshift.insert v3, v0, s19;
	_ =	sdelay $0x1  }
0x106: {  	[tilespmem:s20+$0x0] =	vst.msk $0x1, v3  }
0x107: {  	v3 =	vsel vm4, $0x1, v1;
	[tilespmem:$0x90] =	vst v6  }
0x108: {  	s0 =	sadd.s32 @!p1 $0x100FF, s26;
	[tilespmem:$0xA0] =	vst v3  }
0x109: {  	[spmem:s12] =	stream.linear.scatter @!p1 [tilespmem:s0], [sflag:$0x1], $0x1, $0x38;
	[tilespmem:$0x12120] =	vst v63  }
0x10a: {  	s0 =	simm.s32 @!p1 $0x1  }
0x10b: {  	v3 =	vmctz.xlane @!p1 vm4;
	_ =	swait.ge @!p1 [sflag:s0], $0x1  }
0x10c: {  	(v2sf) =	vpush @!p1 v4, $0x0  }
0x10d: {  	(v2sf) =	vpush @!p1 v3, $0x0;
	_ =	sdelay $0xd  }
0x10e: {  	s26 =	spop @!p1 (v2sf)  }
0x10f: {  	s28 =	spop @!p1 (v2sf)  }
0x110: {  	p2 =	sne.s32 @!p1 s25, s26;
	p3 =	slt.s32 @!p1 s28, $0xF  }
0x111: {  	[sflag:s0] =	ssyncset.done @!p1 $0x0;
	p2 =	por p2, p1;
	p3 =	por !p3, p1  }
0x112: {  	[sflag:s0] =	ssyncadd.s32 @!p1 $0xFFFFFFFF;
	v3 =	vimm.s32 @!p2 $0xFFFFFFFF;
	s28 =	simm.s32 @p3 $0xF  }
0x113: {  	[tilespmem:$0x80] =	vst @!p2 v3;
	s25 =	sadd.s32 @!p1 $0x90, s28  }
0x114: {  	[spmem:s9] =	stream.linear.scatter @!p1 [tilespmem:s25], [sflag:$0x1], $0x1, $0x38;
	[tilespmem:$0x12120] =	vst v63  }
0x115: {  	_ =	swait.ge @!p1 [sflag:s0], $0x1  }
0x116: {  	[sflag:s0] =	ssyncset.done @!p1 $0x0  }
0x117: {  	s25 =	simm.s32 @!p1 $0x80;
	[sflag:s0] =	ssyncadd.s32 @!p1 $0xFFFFFFFF  }
0x118: {  	[spmem:s13] =	stream.linear.scatter @!p1 [tilespmem:s25], [sflag:$0x1], $0x1, $0x38;
	[tilespmem:$0x12120] =	vst v63  }
0x119: {  	_ =	swait.ge @!p1 [sflag:s0], $0x1  }
0x11a: {  	[sflag:s0] =	ssyncset.done @!p1 $0x0  }
0x11b: {  	[sflag:s0] =	ssyncadd.s32 @!p1 $0xFFFFFFFF;
	(ifvalue) =	ssetifvalue $0xFFFFFFFF;
	v3 =	vld [tilespmem:s23+$0x10];
	_ =	sdelay $0x3  }
.Ltmp12:
0x11c: {  	_ = 	snop;
	(pc) =	sbr.rel .LBB3_10-.Ltmp12, $3  }
0x11d: {  	_ =	sdelay $0x1  }
0x11e: {  	(ifvalue) =	ssetifvalue $0xFFFFFFFF  }
0x11f: {  	[hbm4b:s1+s14] =	stream.indirect_vreg.scatter [tilespmem:s24], [sflag:$0x9], $0x1, v3, vm0, $0x4038;
	[tilespmem:$0x12120] =	vst v63  }
.LBB3_11:
0x120: {  	_ =	sfence.sel $0x180000  }
0x121: {  	s0 =	simm.s32 $0x7;
	[bflag:$0x0] =	sbarrier.arrive $0xFFFF  }
0x122: {  	s26 =	simm.s32 $0x8;
	[sflag:s0] =	ssyncpa.u1 $0x1  }
0x123: {  	s28 =	simm.s32 $0x9;
	[sflag:s26] =	ssyncpa.u1 $0x1  }
0x124: {  	[sflag:s28] =	ssyncpa.u1 $0x1  }
0x125: {  	_ =	sfence.stream.spmem  }
0x126: {  	s29 =	simm.s32 $0x3;
	[bflag:$0x0] =	sbarrier.arrive $0xFFFF  }
0x127: {  	s30 =	simm.s32 $0x4;
	[sflag:s29] =	ssyncpa.u1 $0x1  }
0x128: {  	s31 =	simm.s32 $0x3C;
	[sflag:s30] =	ssyncpa.u1 $0x1  }
0x129: {  	p0 =	sne.s32 s3, $0x0;
	[sflag:s31] =	ssyncpa.u1 $0x1  }
0x12a: {  	s0 =	simm.s32 @p0 $0x1;
	_ =	sfence @p0  }
0x12b: {  	[sflag:s0] =	ssyncpa.u1 @p0 $0x1;
	s0 =	simm.s32 @p0 $0x2  }
0x12c: {  	[sflag:s0] =	ssyncpa.u1 @p0 $0x1  }
0x12d: {  	_ =	strace @p0 $0x90000059  }
0x12e: {  	[bflag:$0x2] =	sbarrier.arrive @p0 $0xFFFF  }
0x12f: {  	_ =	shalt @p0  }
.LBB3_12:
0x130: {  	_ =	sfence.stream.spmem;
	s0 =	simm.s32 $0x5  }
0x131: {  	s2 =	simm.s32 $0x80;
	s3 =	simm.s32 $0xC0;
	[sflag:s0] =	ssyncpa.u1 $0x0  }
0x132: {  	[tilespmem:s3], [sflag:$0x5] =	stream.linear.gather [spmem:s2], $0x20, $0x38;
	[tilespmem:$0x12120] =	vst v63  }
0x133: {  	s2 =	simm.s32 $0x0;
	s3 =	simm.s32 $0xE0  }
0x134: {  	[tilespmem:s3], [sflag:$0x5] =	stream.linear.gather [spmem:s2], $0x20, $0x38;
	[tilespmem:$0x12120] =	vst v63  }
.Ltmp13:
0x135: {  	_ = 	snop;
	(pc) =	sbr.rel .LBB3_13-.Ltmp13, $4  }
0x136: {  	_ =	swait.ge [sflag:s0], $0x40  }
0x137: {  	[sflag:s0] =	ssyncset.done $0x0  }
0x138: {  	s31 =	simm.s32 $0x6;
	[sflag:s0] =	ssyncadd.s32 $0xFFFFFFC0  }
0x139: {  	s4 =	simm.s32 $0x0;
	[sflag:s31] =	ssyncpa.u1 $0x0  }
.LBB3_18:
0x13a: {  	p0 =	sgt.u32 s5, $0x35FFF  }
0x13b: {  	s0 =	sshrl.u32 @!p0 s5, $0x3  }
0x13c: {  	s5 =	sand.u32 @!p0 $0x7, s5;
	s6 =	simm.s32 @!p0 $0xB0;
	s0 =	sadd.s32 @!p0 s1, s0  }
0x13d: {  	[tilespmem:s6], [sflag:$0x6] =	stream.linear.gather @!p0 [hbm4b:s0+s5], $0x1, $0x38;
	[tilespmem:$0x12120] =	vst v63  }
0x13e: {  	s0 =	simm.s32 @!p0 $0x6  }
0x13f: {  	_ =	swait.ge @!p0 [sflag:s0], $0x1  }
0x140: {  	[sflag:s0] =	ssyncset.done @!p0 $0x0  }
0x141: {  	[sflag:s0] =	ssyncadd.s32 @!p0 $0xFFFFFFFF  }
0x142: {  	v2 =	vmov @!p0 s4;
	v1 =	vld.msk @!p0 [tilespmem:$0xB0], $0x1;
	_ =	sdelay $0x3  }
0x143: {  	s0 =	simm.s32 @!p0 $0xE0  }
0x144: {  	[tilespmem:v2+s0+$0x0], v1 =	vst.idx.ret.add.f32.msk @!p0 $0x1, v1  }
0x145: {  	[tilespmem:s2+$0xC0] =	vst.msk $0x1, v0  }
0x146: {  	v0 =	vld.msk [tilespmem:s4+$0xE0], $0x1;
	_ =	sdelay $0x4  }
0x147: {  	[tilespmem:s2+$0xE0] =	vst.msk $0x1, v0;
	s2 =	sadd.s32 $0x1, s2  }
.LBB3_20:
0x148: {  	s4 =	sadd.s32 $0x1, s4  }
0x149: {  	p0 =	sne.s32 s4, $0x20  }
.Ltmp14:
0x14a: {  	_ = 	snop;
	(pc) =	sbr.rel @!p0 .LBB3_21-.Ltmp14, $1  }
0x14b: {  	_ =	sdelay $0x3  }
.LBB3_13:
0x14c: {  	v0 =	vld.msk [tilespmem:s4+$0xC0], $0x1;
	_ =	sdelay $0x4  }
0x14d: {  	(v2sf) =	vpush v0, $0x0;
	_ =	sdelay $0xe  }
0x14e: {  	s5 =	spop (v2sf)  }
0x14f: {  	p0 =	seq.s32 s5, $0xFFFFFFFF  }
.Ltmp15:
0x150: {  	_ = 	snop;
	(pc) =	sbr.rel @p0 .LBB3_20-.Ltmp15, $1  }
0x151: {  	_ =	sdelay $0x3  }
0x152: {  	p0 =	slt.s32 s2, $0x1  }
.Ltmp16:
0x153: {  	_ = 	snop;
	(pc) =	sbr.rel @p0 .LBB3_18-.Ltmp16, $1  }
0x154: {  	_ =	sdelay $0x3  }
0x155: {  	s6 =	simm.s32 $0xC0;
	p0 =	por $0x0, $0x0  }
0x156: {  	v1 =	vld.msk @!p0 [tilespmem:s6+$0x0], $0x1;
	_ =	sdelay $0x4  }
0x157: {  	(v2sf) =	vpush @!p0 v1, $0x0;
	_ =	sdelay $0xd  }
0x158: {  	p2 =	sne.s32 s2, $0x1  }
.Ltmp17:
0x159: {  	s0 =	spop @!p0 (v2sf);
	(pc) =	sbr.rel @!p2 .LBB3_17-.Ltmp17, $4  }
0x15a: {  	p1 =	seq.s32 @!p0 s5, s0  }
0x15b: {  	s0 =	simm.s32 $0x0;
	p1 =	por !p1, p0  }
0x15c: {  	s8 =	simm.s32 $0xFFFFFFFF;
	s0 =	simm.s32 @p1 $0xFFFFFFFF  }
0x15d: {  	s7 =	simm.s32 $0x1;
	s0 =	smov.u32 @p0 s8  }
.LBB3_16:
0x15e: {  	s8 =	smov.u32 s0;
	p0 =	sne.s32 s0, $0xFFFFFFFF  }
0x15f: {  	s6 =	sadd.s32 $0x1, s6;
	s0 =	smov.u32 s7;
	s7 =	sadd.s32 $0x1, s7  }
0x160: {  	p1 =	sne.s32 s2, s7;
	v1 =	vld.msk @!p0 [tilespmem:s6+$0x0], $0x1;
	_ =	sdelay $0x4  }
0x161: {  	(v2sf) =	vpush @!p0 v1, $0x0;
	_ =	sdelay $0xe  }
.Ltmp18:
0x162: {  	s9 =	spop @!p0 (v2sf);
	(pc) =	sbr.rel @p1 .LBB3_16-.Ltmp18, $4  }
0x163: {  	p2 =	seq.s32 @!p0 s5, s9  }
0x164: {  	p2 =	por !p2, p0  }
0x165: {  	s0 =	simm.s32 @p2 $0xFFFFFFFF  }
0x166: {  	s0 =	smov.u32 @p0 s8  }
.LBB3_17:
0x167: {  	p0 =	sne.s32 s0, $0xFFFFFFFF  }
.Ltmp19:
0x168: {  	_ = 	snop;
	(pc) =	sbr.rel @!p0 .LBB3_18-.Ltmp19, $1  }
0x169: {  	_ =	sdelay $0x3  }
0x16a: {  	v0 =	vld.msk [tilespmem:s4+$0xE0], $0x1;
	v1 =	vmov s0  }
.Ltmp20:
0x16b: {  	_ = 	snop;
	(pc) =	sbr.rel .LBB3_20-.Ltmp20, $2  }
0x16c: {  	_ =	sdelay $0x2  }
0x16d: {  	[tilespmem:v1+s3+$0x0], v0 =	vst.idx.ret.add.f32.msk $0x1, v0  }
.LBB3_21:
0x16e: {  	p0 =	slt.s32 s2, $0x1  }
.Ltmp21:
0x16f: {  	_ = 	snop;
	(pc) =	sbr.rel @p0 .LBB3_25-.Ltmp21, $3  }
0x170: {  	_ =	sdelay $0x1  }
0x171: {  	s0 =	simm.s32 $0x6  }
0x172: {  	s3 =	simm.s32 $0x0;
	[sflag:s0] =	ssyncpa.u1 $0x1  }
0x173: {  	s0 =	simm.s32 $0xC0  }
0x174: {  	v0 =	vld.msk [tilespmem:s0+$0x0], $0x1;
	_ =	sdelay $0x4  }
0x175: {  	(v2sf) =	vpush v0, $0x0;
	_ =	sdelay $0xe  }
0x176: {  	s2 =	sadd.s32 $0xFFFFFFFF, s2;
	s4 =	spop (v2sf)  }
0x177: {  	p1 =	sne.s32 s2, $0x0;
	p0 =	sgt.u32 s4, $0x35FFF  }
.Ltmp22:
0x178: {  	s5 =	sshrl.u32 @!p0 s4, $0x3;
	(pc) =	sbr.rel @!p1 .LBB3_24-.Ltmp22, $4  }
0x179: {  	s0 =	simm.s32 $0xE0;
	s4 =	sand.u32 @!p0 $0x7, s4;
	s5 =	sadd.s32 @!p0 s1, s5  }
0x17a: {  	[hbm4b:s5+s4] =	stream.linear.scatter @!p0 [tilespmem:s0], [sflag:$0x5], $0x1, $0x38;
	[tilespmem:$0x12120] =	vst v63  }
0x17b: {  	s5 =	simm.s32 $0x0  }
0x17c: {  	s4 =	simm.s32 $0xC1;
	s5 =	simm.s32 @!p0 $0x4  }
.LBB3_23:
0x17d: {  	v0 =	vld.msk [tilespmem:s4+$0x0], $0x1;
	s2 =	sadd.s32 $0xFFFFFFFF, s2;
	s3 =	sadd.s32 s3, s5  }
0x17e: {  	p0 =	sne.s32 s2, $0x0;
	_ =	sdelay $0x3  }
0x17f: {  	(v2sf) =	vpush v0, $0x0;
	_ =	sdelay $0xe  }
.Ltmp23:
0x180: {  	s6 =	spop (v2sf);
	(pc) =	sbr.rel @p0 .LBB3_23-.Ltmp23, $4  }
0x181: {  	s5 =	simm.s32 $0x0;
	p1 =	sgt.u32 s6, $0x35FFF  }
0x182: {  	s0 =	sadd.s32 $0x1, s0;
	s5 =	simm.s32 @!p1 $0x4;
	s7 =	sshrl.u32 @!p1 s6, $0x3  }
0x183: {  	s4 =	sadd.s32 $0x1, s4;
	s6 =	sand.u32 @!p1 $0x7, s6;
	s7 =	sadd.s32 @!p1 s1, s7  }
0x184: {  	[hbm4b:s7+s6] =	stream.linear.scatter @!p1 [tilespmem:s0], [sflag:$0x5], $0x1, $0x38;
	[tilespmem:$0x12120] =	vst v63  }
.LBB3_24:
0x185: {  	s0 =	sadd.s32 s3, s5  }
0x186: {  	s3 =	sshrl.u32 s0, $0x2  }
.LBB3_25:
0x187: {  	s0 =	simm.s32 $0x5  }
0x188: {  	_ =	swait.ge [sflag:s0], s3  }
0x189: {  	s1 =	ssub.s32 $0x0, s3;
	[sflag:s0] =	ssyncset.done $0x0  }
0x18a: {  	[sflag:s0] =	ssyncadd.s32 s1  }
0x18b: {  	[sflag:s0] =	ssyncpa.u1 $0x1  }
0x18c: {  	s29 =	simm.s32 $0x1;
	_ =	sfence  }
0x18d: {  	s30 =	simm.s32 $0x2;
	[sflag:s29] =	ssyncpa.u1 $0x1  }
0x18e: {  	[sflag:s30] =	ssyncpa.u1 $0x1  }
0x18f: {  	_ =	strace $0x90000059  }
0x190: {  	[bflag:$0x2] =	sbarrier.arrive $0xFFFF  }
0x191: {  	s31 =	rddreg [dreg:$0x1]  }
0x192: {  	s0 =	sadd.s32 $0x100000, s31  }
0x193: {  	[sflag:s0] =	ssyncadd.tile.s32 $0x1;
	_ =	shalt  }
.Lfunc_end3:
_tile_overlayer_lowered:
.L_overlay_start_3:
0x194: {  	(tag) =	ssettag $0x3  }
0x195: {  	s0 =	rddreg [dreg:$0x0];
	s2 =	stileid.u32  }
0x196: {  	s1 =	rddreg [dreg:$0x1];
	p0 =	sne.s32 s2, $0x0  }
0x197: {  	s3 =	rddreg [dreg:$0x2];
	[bflag:$0x3] =	sbarrier.arrive $0xFFFF;
	s2 =	simm.s32 @!p0 $0x1C01  }
0x198: {  	[timem:s3], [sflag:s2] =	dma.local @!p0 [hbm:s0], s1  }
0x199: {  	s0 =	simm.s32 @!p0 $0x1  }
0x19a: {  	_ =	swait.ge @!p0 [sflag:s0], s1  }
0x19b: {  	s1 =	ssub.s32 @!p0 $0x0, s1;
	[sflag:s0] =	ssyncset.done @!p0 $0x0  }
0x19c: {  	[sflag:s0] =	ssyncadd.s32 @!p0 s1  }
0x19d: {  	[bflag:$0x3] =	sbarrier.arrive $0xFFFF  }
0x19e: {  	_ =	shalt  }

</sc_bundles>
